<compile_context>
chip_gen: v7x
topology: tpu7x:2x2x1
jax: 0.10.2.dev20260603
libtpu: 0.0.44.dev20260713+nightly
codegen_flags: <defaults>
</compile_context>

<pallas_src>
import functools

import jax
import jax.numpy as jnp
from jax import lax
from jax.experimental import pallas as pl
from jax.experimental.pallas import tpu as pltpu
from jax.experimental.pallas import tpu_sc as plsc

N = 10000
E = 320000
D = 128

NC = 2
NS = 16
NW = NC * NS
CHUNK = 128
NBUF = 2
NCH = 80
NCHS = 160
NCH0 = 120
NCH1 = NCHS - NCH0
NG0 = NCH0 // NBUF
NG1 = NCH1 // NBUF
EPW = NCH * CHUNK
EPAD = NW * EPW

NP = 10240
RPS = NP // NS
PAD_DST = N + 8

DW = 16

_sc_mesh = plsc.VectorSubcoreMesh(
    core_axis_name="c", subcore_axis_name="s", num_cores=NC, num_subcores=NS)


def _worker_id():
    cid = lax.axis_index("c")
    sid = lax.axis_index("s")
    return cid, sid, sid * NC + cid


@functools.partial(
    pl.kernel,
    out_type=[jax.ShapeDtypeStruct((NP, DW), jnp.float32),
              jax.ShapeDtypeStruct((NP, DW), jnp.float32)],
    mesh=_sc_mesh,
    scratch_types=[
        pltpu.VMEM_SHARED((NP, DW), jnp.float32),
        pltpu.VMEM((CHUNK,), jnp.int32),
        pltpu.VMEM((CHUNK,), jnp.int32),
        pltpu.VMEM((CHUNK, DW), jnp.float32),
        pltpu.VMEM((64, DW), jnp.float32),
        pltpu.SemaphoreType.DMA,
        pltpu.SemaphoreType.DMA,
        pltpu.SemaphoreType.DMA,
        pltpu.SemaphoreType.DMA,
    ],
)
def _sc_degree(dstp_hbm, deg0_hbm, deg1_hbm, acc_sh, dst_v0, dst_v1, ones_v,
               zer_v, si0, si1, ss0, ss1):
    dst_v = (dst_v0, dst_v1)
    sem_i = (si0, si1)
    sem_s = (ss0, ss1)
    cid, sid, wid = _worker_id()
    one = jnp.ones((16,), jnp.float32)
    zero = jnp.zeros((16,), jnp.float32)
    for i in range(CHUNK):
        ones_v[i] = one
    for i in range(64):
        zer_v[i] = zero
    for k in range(RPS // 64):
        pltpu.sync_copy(zer_v, acc_sh.at[pl.ds(sid * RPS + k * 64, 64)])
    plsc.subcore_barrier()

    for b in range(2):
        pltpu.async_copy(dstp_hbm.at[wid, b], dst_v[b], sem_i[b])

    def body(g, carry):
        for b in range(2):
            pltpu.make_async_copy(dstp_hbm.at[wid, 0], dst_v[b],
                                  sem_i[b]).wait()
            pltpu.async_copy(ones_v, acc_sh.at[dst_v[b]], sem_s[b], add=True)

        @pl.when(g < NCH // 2 - 1)
        def _():
            for b in range(2):
                pltpu.make_async_copy(ones_v, acc_sh.at[dst_v[b]],
                                      sem_s[b]).wait()
                pltpu.async_copy(dstp_hbm.at[wid, 2 * g + 2 + b], dst_v[b],
                                 sem_i[b])

        return carry

    lax.fori_loop(0, NCH // 2, body, 0)
    for b in range(2):
        pltpu.make_async_copy(ones_v, acc_sh.at[dst_v[b]], sem_s[b]).wait()
    plsc.subcore_barrier()

    @pl.when(cid == 0)
    def _():
        pltpu.sync_copy(acc_sh.at[pl.ds(sid * RPS, RPS)],
                        deg0_hbm.at[pl.ds(sid * RPS, RPS)])

    @pl.when(cid == 1)
    def _():
        pltpu.sync_copy(acc_sh.at[pl.ds(sid * RPS, RPS)],
                        deg1_hbm.at[pl.ds(sid * RPS, RPS)])


@functools.partial(
    pl.kernel,
    out_type=[jax.ShapeDtypeStruct((NP, D), jnp.float32),
              jax.ShapeDtypeStruct((NP, D), jnp.float32)],
    mesh=_sc_mesh,
    scratch_types=[
        pltpu.VMEM_SHARED((NP, D), jnp.float32),
        pltpu.VMEM((NCH0, CHUNK), jnp.int32),
    ] + [pltpu.VMEM((CHUNK, D), jnp.float32)] * NBUF
      + [pltpu.VMEM((CHUNK,), jnp.int32)] * NBUF
      + [pltpu.SemaphoreType.DMA] * (3 * NBUF),
)
def _sc_aggregate(hs_hbm, srcp_hbm, dstp_hbm, p0_hbm, p1_hbm,
                  acc_sh, src_all, *bufs_and_sems):
    rows = bufs_and_sems[:NBUF]
    dst_v = bufs_and_sems[NBUF:2 * NBUF]
    sem_g = bufs_and_sems[2 * NBUF:3 * NBUF]
    sem_i = bufs_and_sems[3 * NBUF:4 * NBUF]
    sem_s = bufs_and_sems[4 * NBUF:]
    cid, sid, wid = _worker_id()
    off = cid * NCH0
    ng = jnp.where(cid == 0, NG0, NG1)

    pltpu.sync_copy(srcp_hbm.at[sid * NC + cid], src_all)
    pltpu.sync_copy(hs_hbm.at[pl.ds(sid * RPS, RPS)],
                    acc_sh.at[pl.ds(sid * RPS, RPS)])
    plsc.subcore_barrier()

    for b in range(NBUF):
        pltpu.async_copy(hs_hbm.at[src_all.at[b]], rows[b], sem_g[b])
        pltpu.async_copy(dstp_hbm.at[sid, off + b], dst_v[b], sem_i[b])

    def body(g, carry):
        for b in range(NBUF):
            pltpu.make_async_copy(hs_hbm.at[src_all.at[0]], rows[b],
                                  sem_g[b]).wait()
            pltpu.make_async_copy(dstp_hbm.at[sid, 0], dst_v[b],
                                  sem_i[b]).wait()
            pltpu.async_copy(rows[b], acc_sh.at[dst_v[b]], sem_s[b],
                             add=True)
            pltpu.make_async_copy(rows[b], acc_sh.at[dst_v[b]],
                                  sem_s[b]).wait()

            @pl.when(g < ng - 1)
            def _():
                pltpu.async_copy(hs_hbm.at[src_all.at[NBUF * g + NBUF + b]],
                                 rows[b], sem_g[b])
                pltpu.async_copy(dstp_hbm.at[sid, off + NBUF * g + NBUF + b],
                                 dst_v[b], sem_i[b])

        return carry

    lax.fori_loop(0, NG1, body, 0)

    @pl.when(cid == 0)
    def _():
        lax.fori_loop(NG1, NG0, body, 0)

    plsc.subcore_barrier()

    @pl.when(cid == 0)
    def _():
        pltpu.sync_copy(acc_sh.at[pl.ds(sid * RPS, RPS)],
                        p0_hbm.at[pl.ds(sid * RPS, RPS)])

    @pl.when(cid == 1)
    def _():
        pltpu.sync_copy(acc_sh.at[pl.ds(sid * RPS, RPS)],
                        p1_hbm.at[pl.ds(sid * RPS, RPS)])


BR = 640


def _tc1_body(x_ref, w_ref, d0_ref, d1_ref, hs_ref, dinv_ref):
    cnt = d0_ref[:, 0:1] + d1_ref[:, 0:1] + 1.0
    dinv = lax.rsqrt(cnt)
    h = jnp.dot(x_ref[...], w_ref[...], preferred_element_type=jnp.float32)
    hs_ref[...] = dinv * h
    dinv_ref[...] = jnp.broadcast_to(dinv, (BR, DW))


def _tc2_body(p0_ref, p1_ref, hs_ref, dinv_ref, w_ref, b_ref, out_ref):
    dinv = dinv_ref[:, 0:1]
    agg = p0_ref[...] + p1_ref[...] - hs_ref[...]
    a = jnp.maximum(dinv * agg + b_ref[...], 0.0)
    out_ref[...] = dinv * jnp.dot(a, w_ref[...],
                                  preferred_element_type=jnp.float32)


def _tc3_body(p0_ref, p1_ref, hs_ref, dinv_ref, b2_ref,
              wf1_ref, bf1_ref, wf2_ref, bf2_ref, out_ref):
    dinv = dinv_ref[:, 0:1]
    agg = p0_ref[...] + p1_ref[...] - hs_ref[...]
    a = jnp.maximum(dinv * agg + b2_ref[...], 0.0)
    f = jnp.maximum(jnp.dot(a, wf1_ref[...],
                            preferred_element_type=jnp.float32) + bf1_ref[...],
                    0.0)
    logits = jnp.dot(f, wf2_ref[...],
                     preferred_element_type=jnp.float32) + bf2_ref[...]
    m = jnp.max(logits, axis=1, keepdims=True)
    e = jnp.exp(logits - m)
    out_ref[...] = e / jnp.sum(e, axis=1, keepdims=True)


def _row_spec(width):
    return pl.BlockSpec((BR, width), lambda i: (i, 0))


def _full_spec(shape):
    return pl.BlockSpec(shape, lambda i: (0,) * len(shape))


def _tc1(x, w1, deg0, deg1):
    return pl.pallas_call(
        _tc1_body,
        grid=(NP // BR,),
        in_specs=[_row_spec(D), _full_spec((D, D)), _row_spec(DW),
                  _row_spec(DW)],
        out_specs=[_row_spec(D), _row_spec(DW)],
        out_shape=[jax.ShapeDtypeStruct((NP, D), jnp.float32),
                   jax.ShapeDtypeStruct((NP, DW), jnp.float32)],
    )(x, w1, deg0, deg1)


def _tc2(p0, p1, hs, dinv, w2, b1):
    return pl.pallas_call(
        _tc2_body,
        grid=(NP // BR,),
        in_specs=[_row_spec(D), _row_spec(D), _row_spec(D), _row_spec(DW),
                  _full_spec((D, D)), _full_spec((1, D))],
        out_specs=_row_spec(D),
        out_shape=jax.ShapeDtypeStruct((NP, D), jnp.float32),
    )(p0, p1, hs, dinv, w2, b1)


def _tc3(p0, p1, hs, dinv, b2, wf1, bf1, wf2, bf2):
    return pl.pallas_call(
        _tc3_body,
        grid=(NP // BR,),
        in_specs=[_row_spec(D), _row_spec(D), _row_spec(D), _row_spec(DW),
                  _full_spec((1, D)), _full_spec((D, D)), _full_spec((1, D)),
                  _full_spec((D, D)), _full_spec((1, D))],
        out_specs=_row_spec(D),
        out_shape=jax.ShapeDtypeStruct((N, D), jnp.float32),
    )(p0, p1, hs, dinv, b2, wf1, bf1, wf2, bf2)


@jax.jit
def kernel(x, edge_index, W1, b1, W2, b2, Wf1, bf1, Wf2, bf2):
    src = edge_index[0]
    dst = edge_index[1]
    npad = EPAD - E
    srcp = jnp.concatenate(
        [src, jnp.zeros((npad,), jnp.int32)]).reshape(NS, NCHS, CHUNK)
    srcp = jnp.stack(
        [srcp[:, :NCH0],
         jnp.pad(srcp[:, NCH0:], ((0, 0), (0, NCH0 - NCH1), (0, 0)))],
        axis=1).reshape(NW, NCH0, CHUNK)
    dstp = jnp.concatenate(
        [dst, jnp.full((npad,), PAD_DST, jnp.int32)]).reshape(NS, NCHS, CHUNK)

    deg0, deg1 = _sc_degree(dstp.reshape(NW, NCH, CHUNK))

    hs1, dinv = _tc1(x, W1, deg0, deg1)
    p0, p1 = _sc_aggregate(hs1, srcp, dstp)
    hs2 = _tc2(p0, p1, hs1, dinv, W2, b1.reshape(1, D))
    q0, q1 = _sc_aggregate(hs2, srcp, dstp)
    out = _tc3(q0, q1, hs2, dinv, b2.reshape(1, D),
               Wf1, bf1.reshape(1, D), Wf2, bf2.reshape(1, D))
    return out

# --- scband reference (transcript-rebuilt; emitter-appended) ---
"""Pipeline reference for scband-gcnmodel-38792144617631 (READ-ONLY COPY).

The authoritative reference and input builder live on the scoring server;
editing this copy changes nothing except your own understanding.
"""

import jax, jax.numpy as jnp
import numpy as np

N = 10000
E = 320000
D_IN = 128
D_H = 128
D_OUT = 128


def setup_inputs(seed: int = 0) -> dict:
    key = jax.random.key(seed)
    ks = jax.random.split(key, 12)
    x = jax.random.normal(ks[0], (N, D_IN), dtype=jnp.float32)
    edge_index = jax.random.randint(ks[1], (2, E), 0, N, dtype=jnp.int32)
    s_in = 1.0 / np.sqrt(D_IN)
    s_h = 1.0 / np.sqrt(D_H)
    W1 = jax.random.uniform(ks[2], (D_IN, D_H), jnp.float32, -s_in, s_in)
    b1 = jax.random.uniform(ks[3], (D_H,), jnp.float32, -s_in, s_in)
    W2 = jax.random.uniform(ks[4], (D_H, D_H), jnp.float32, -s_h, s_h)
    b2 = jax.random.uniform(ks[5], (D_H,), jnp.float32, -s_h, s_h)
    Wf1 = jax.random.uniform(ks[6], (D_H, D_H), jnp.float32, -s_h, s_h)
    bf1 = jax.random.uniform(ks[7], (D_H,), jnp.float32, -s_h, s_h)
    Wf2 = jax.random.uniform(ks[8], (D_H, D_OUT), jnp.float32, -s_h, s_h)
    bf2 = jax.random.uniform(ks[9], (D_OUT,), jnp.float32, -s_h, s_h)
    return {"x": x, "edge_index": edge_index, "W1": W1, "b1": b1, "W2": W2, "b2": b2, "Wf1": Wf1, "bf1": bf1, "Wf2": Wf2, "bf2": bf2}


def gcn_conv(x, edge_index, W, b):
    # PyG GCNConv: add self-loops, symmetric deg normalization, linear transform, scatter-add aggregate, bias
    n = x.shape[0]
    loop = jnp.arange(n, dtype=edge_index.dtype)
    src = jnp.concatenate([edge_index[0], loop])
    dst = jnp.concatenate([edge_index[1], loop])
    deg = jax.ops.segment_sum(jnp.ones_like(src, dtype=x.dtype), dst, num_segments=n)
    dinv = jnp.where(deg > 0, 1.0 / jnp.sqrt(deg), 0.0)
    norm = dinv[src] * dinv[dst]
    h = x @ W
    msg = norm[:, None] * jnp.take(h, src, axis=0)
    out = jax.ops.segment_sum(msg, dst, num_segments=n)
    return out + b


def reference(x, edge_index, W1, b1, W2, b2, Wf1, bf1, Wf2, bf2):
    h = jax.nn.relu(gcn_conv(x, edge_index, W1, b1))
    h = jax.nn.relu(gcn_conv(h, edge_index, W2, b2))
    h = jax.nn.relu(h @ Wf1 + bf1)
    return jax.nn.softmax(h @ Wf2 + bf2, axis=1)

if __name__ == "__main__":
    import jax
    _d = setup_inputs()
    print(jax.jit(kernel)(*tuple(_d.values())))

</pallas_src>

<mosaic_0001>
#map = affine_map<(d0, d1) -> (0, 0, 0)>
#map1 = affine_map<(d0, d1) -> (0, 0)>
module attributes {stable_mosaic.version = 14 : i64} {
  func.func @_sc_degree(%arg0: i32, %arg1: i32, %arg2: memref<32x80x128xi32, #tpu.memory_space<hbm>>, %arg3: memref<10240x16xf32, #tpu.memory_space<hbm>>, %arg4: memref<10240x16xf32, #tpu.memory_space<hbm>>, %arg5: memref<10240x16xf32, #tpu.memory_space<vmem_shared>>, %arg6: memref<128xi32, #tpu.memory_space<vmem>>, %arg7: memref<128xi32, #tpu.memory_space<vmem>>, %arg8: memref<128x16xf32, #tpu.memory_space<vmem>>, %arg9: memref<64x16xf32, #tpu.memory_space<vmem>>, %arg10: memref<!tpu.dma_semaphore, #tpu.memory_space<semaphore_mem>>, %arg11: memref<!tpu.dma_semaphore, #tpu.memory_space<semaphore_mem>>, %arg12: memref<!tpu.dma_semaphore, #tpu.memory_space<semaphore_mem>>, %arg13: memref<!tpu.dma_semaphore, #tpu.memory_space<semaphore_mem>>) attributes {dimension_semantics = [#tpu.dimension_semantics<core_parallel>, #tpu.dimension_semantics<subcore_parallel>], iteration_bounds = array<i64: 2, 16>, scalar_prefetch = 0 : i64, scratch_operands = 9 : i64, tpu.core_type = #tpu.core_type<sc_vector_subcore>, window_params = [{transform_indices = #map}, {transform_indices = #map1}, {transform_indices = #map1}]} {
    %mul3A = arith.constant 2 : i32
    %mul3A_0 = arith.muli %arg1, %mul3A : i32
    %add3A = arith.addi %mul3A_0, %arg0 : i32
    %broadcast_in_dim3A = arith.constant 1.000000e+00 : f32
    %broadcast_in_dim3A_1 = vector.broadcast %broadcast_in_dim3A : f32 to vector<16xf32>
    %broadcast_in_dim3A_2 = arith.constant 0.000000e+00 : f32
    %broadcast_in_dim3A_3 = vector.broadcast %broadcast_in_dim3A_2 : f32 to vector<16xf32>
    %swap3A = arith.constant 0 : i32
    %swap3A_4 = arith.index_cast %swap3A : i32 to index
    %swap3A_5 = arith.constant 0 : index
    %swap3A_6 = tpu.vector_load %arg8[%swap3A_4, %swap3A_5] {strides = array<i32>} : memref<128x16xf32, #tpu.memory_space<vmem>>, vector<1x16xf32>,
    %swap3A_7 = vector.shape_cast %swap3A_6 : vector<1x16xf32> to vector<16xf32>
    %swap3A_8 = vector.shape_cast %broadcast_in_dim3A_1 : vector<16xf32> to vector<1x16xf32>
    tpu.vector_store %arg8[%swap3A_4, %swap3A_5], %swap3A_8 {strides = array<i32>} : memref<128x16xf32, #tpu.memory_space<vmem>>, vector<1x16xf32>,
    %swap3A_9 = arith.constant 1 : i32
    %swap3A_10 = arith.index_cast %swap3A_9 : i32 to index
    %swap3A_11 = arith.constant 0 : index
    %swap3A_12 = tpu.vector_load %arg8[%swap3A_10, %swap3A_11] {strides = array<i32>} : memref<128x16xf32, #tpu.memory_space<vmem>>, vector<1x16xf32>,
    %swap3A_13 = vector.shape_cast %swap3A_12 : vector<1x16xf32> to vector<16xf32>
    %swap3A_14 = vector.shape_cast %broadcast_in_dim3A_1 : vector<16xf32> to vector<1x16xf32>
    tpu.vector_store %arg8[%swap3A_10, %swap3A_11], %swap3A_14 {strides = array<i32>} : memref<128x16xf32, #tpu.memory_space<vmem>>, vector<1x16xf32>,
    %swap3A_15 = arith.constant 2 : i32
    %swap3A_16 = arith.index_cast %swap3A_15 : i32 to index
    %swap3A_17 = arith.constant 0 : index
    %swap3A_18 = tpu.vector_load %arg8[%swap3A_16, %swap3A_17] {strides = array<i32>} : memref<128x16xf32, #tpu.memory_space<vmem>>, vector<1x16xf32>,
    %swap3A_19 = vector.shape_cast %swap3A_18 : vector<1x16xf32> to vector<16xf32>
    %swap3A_20 = vector.shape_cast %broadcast_in_dim3A_1 : vector<16xf32> to vector<1x16xf32>
    tpu.vector_store %arg8[%swap3A_16, %swap3A_17], %swap3A_20 {strides = array<i32>} : memref<128x16xf32, #tpu.memory_space<vmem>>, vector<1x16xf32>,
    %swap3A_21 = arith.constant 3 : i32
    %swap3A_22 = arith.index_cast %swap3A_21 : i32 to index
    %swap3A_23 = arith.constant 0 : index
    %swap3A_24 = tpu.vector_load %arg8[%swap3A_22, %swap3A_23] {strides = array<i32>} : memref<128x16xf32, #tpu.memory_space<vmem>>, vector<1x16xf32>,
    %swap3A_25 = vector.shape_cast %swap3A_24 : vector<1x16xf32> to vector<16xf32>
    %swap3A_26 = vector.shape_cast %broadcast_in_dim3A_1 : vector<16xf32> to vector<1x16xf32>
    tpu.vector_store %arg8[%swap3A_22, %swap3A_23], %swap3A_26 {strides = array<i32>} : memref<128x16xf32, #tpu.memory_space<vmem>>, vector<1x16xf32>,
    %swap3A_27 = arith.constant 4 : i32
    %swap3A_28 = arith.index_cast %swap3A_27 : i32 to index
    %swap3A_29 = arith.constant 0 : index
    %swap3A_30 = tpu.vector_load %arg8[%swap3A_28, %swap3A_29] {strides = array<i32>} : memref<128x16xf32, #tpu.memory_space<vmem>>, vector<1x16xf32>,
    %swap3A_31 = vector.shape_cast %swap3A_30 : vector<1x16xf32> to vector<16xf32>
    %swap3A_32 = vector.shape_cast %broadcast_in_dim3A_1 : vector<16xf32> to vector<1x16xf32>
    tpu.vector_store %arg8[%swap3A_28, %swap3A_29], %swap3A_32 {strides = array<i32>} : memref<128x16xf32, #tpu.memory_space<vmem>>, vector<1x16xf32>,
    %swap3A_33 = arith.constant 5 : i32
    %swap3A_34 = arith.index_cast %swap3A_33 : i32 to index
    %swap3A_35 = arith.constant 0 : index
    %swap3A_36 = tpu.vector_load %arg8[%swap3A_34, %swap3A_35] {strides = array<i32>} : memref<128x16xf32, #tpu.memory_space<vmem>>, vector<1x16xf32>,
    %swap3A_37 = vector.shape_cast %swap3A_36 : vector<1x16xf32> to vector<16xf32>
    %swap3A_38 = vector.shape_cast %broadcast_in_dim3A_1 : vector<16xf32> to vector<1x16xf32>
    tpu.vector_store %arg8[%swap3A_34, %swap3A_35], %swap3A_38 {strides = array<i32>} : memref<128x16xf32, #tpu.memory_space<vmem>>, vector<1x16xf32>,
    %swap3A_39 = arith.constant 6 : i32
    %swap3A_40 = arith.index_cast %swap3A_39 : i32 to index
    %swap3A_41 = arith.constant 0 : index
    %swap3A_42 = tpu.vector_load %arg8[%swap3A_40, %swap3A_41] {strides = array<i32>} : memref<128x16xf32, #tpu.memory_space<vmem>>, vector<1x16xf32>,
    %swap3A_43 = vector.shape_cast %swap3A_42 : vector<1x16xf32> to vector<16xf32>
    %swap3A_44 = vector.shape_cast %broadcast_in_dim3A_1 : vector<16xf32> to vector<1x16xf32>
    tpu.vector_store %arg8[%swap3A_40, %swap3A_41], %swap3A_44 {strides = array<i32>} : memref<128x16xf32, #tpu.memory_space<vmem>>, vector<1x16xf32>,
    %swap3A_45 = arith.constant 7 : i32
    %swap3A_46 = arith.index_cast %swap3A_45 : i32 to index
    %swap3A_47 = arith.constant 0 : index
    %swap3A_48 = tpu.vector_load %arg8[%swap3A_46, %swap3A_47] {strides = array<i32>} : memref<128x16xf32, #tpu.memory_space<vmem>>, vector<1x16xf32>,
    %swap3A_49 = vector.shape_cast %swap3A_48 : vector<1x16xf32> to vector<16xf32>
    %swap3A_50 = vector.shape_cast %broadcast_in_dim3A_1 : vector<16xf32> to vector<1x16xf32>
    tpu.vector_store %arg8[%swap3A_46, %swap3A_47], %swap3A_50 {strides = array<i32>} : memref<128x16xf32, #tpu.memory_space<vmem>>, vector<1x16xf32>,
    %swap3A_51 = arith.constant 8 : i32
    %swap3A_52 = arith.index_cast %swap3A_51 : i32 to index
    %swap3A_53 = arith.constant 0 : index
    %swap3A_54 = tpu.vector_load %arg8[%swap3A_52, %swap3A_53] {strides = array<i32>} : memref<128x16xf32, #tpu.memory_space<vmem>>, vector<1x16xf32>,
    %swap3A_55 = vector.shape_cast %swap3A_54 : vector<1x16xf32> to vector<16xf32>
    %swap3A_56 = vector.shape_cast %broadcast_in_dim3A_1 : vector<16xf32> to vector<1x16xf32>
    tpu.vector_store %arg8[%swap3A_52, %swap3A_53], %swap3A_56 {strides = array<i32>} : memref<128x16xf32, #tpu.memory_space<vmem>>, vector<1x16xf32>,
    %swap3A_57 = arith.constant 9 : i32
    %swap3A_58 = arith.index_cast %swap3A_57 : i32 to index
    %swap3A_59 = arith.constant 0 : index
    %swap3A_60 = tpu.vector_load %arg8[%swap3A_58, %swap3A_59] {strides = array<i32>} : memref<128x16xf32, #tpu.memory_space<vmem>>, vector<1x16xf32>,
    %swap3A_61 = vector.shape_cast %swap3A_60 : vector<1x16xf32> to vector<16xf32>
    %swap3A_62 = vector.shape_cast %broadcast_in_dim3A_1 : vector<16xf32> to vector<1x16xf32>
    tpu.vector_store %arg8[%swap3A_58, %swap3A_59], %swap3A_62 {strides = array<i32>} : memref<128x16xf32, #tpu.memory_space<vmem>>, vector<1x16xf32>,
    %swap3A_63 = arith.constant 10 : i32
    %swap3A_64 = arith.index_cast %swap3A_63 : i32 to index
    %swap3A_65 = arith.constant 0 : index
    %swap3A_66 = tpu.vector_load %arg8[%swap3A_64, %swap3A_65] {strides = array<i32>} : memref<128x16xf32, #tpu.memory_space<vmem>>, vector<1x16xf32>,
    %swap3A_67 = vector.shape_cast %swap3A_66 : vector<1x16xf32> to vector<16xf32>
    %swap3A_68 = vector.shape_cast %broadcast_in_dim3A_1 : vector<16xf32> to vector<1x16xf32>
    tpu.vector_store %arg8[%swap3A_64, %swap3A_65], %swap3A_68 {strides = array<i32>} : memref<128x16xf32, #tpu.memory_space<vmem>>, vector<1x16xf32>,
    %swap3A_69 = arith.constant 11 : i32
    %swap3A_70 = arith.index_cast %swap3A_69 : i32 to index
    %swap3A_71 = arith.constant 0 : index
    %swap3A_72 = tpu.vector_load %arg8[%swap3A_70, %swap3A_71] {strides = array<i32>} : memref<128x16xf32, #tpu.memory_space<vmem>>, vector<1x16xf32>,
    %swap3A_73 = vector.shape_cast %swap3A_72 : vector<1x16xf32> to vector<16xf32>
    %swap3A_74 = vector.shape_cast %broadcast_in_dim3A_1 : vector<16xf32> to vector<1x16xf32>
    tpu.vector_store %arg8[%swap3A_70, %swap3A_71], %swap3A_74 {strides = array<i32>} : memref<128x16xf32, #tpu.memory_space<vmem>>, vector<1x16xf32>,
    %swap3A_75 = arith.constant 12 : i32
    %swap3A_76 = arith.index_cast %swap3A_75 : i32 to index
    %swap3A_77 = arith.constant 0 : index
    %swap3A_78 = tpu.vector_load %arg8[%swap3A_76, %swap3A_77] {strides = array<i32>} : memref<128x16xf32, #tpu.memory_space<vmem>>, vector<1x16xf32>,
    %swap3A_79 = vector.shape_cast %swap3A_78 : vector<1x16xf32> to vector<16xf32>
    %swap3A_80 = vector.shape_cast %broadcast_in_dim3A_1 : vector<16xf32> to vector<1x16xf32>
    tpu.vector_store %arg8[%swap3A_76, %swap3A_77], %swap3A_80 {strides = array<i32>} : memref<128x16xf32, #tpu.memory_space<vmem>>, vector<1x16xf32>,
    %swap3A_81 = arith.constant 13 : i32
    %swap3A_82 = arith.index_cast %swap3A_81 : i32 to index
    %swap3A_83 = arith.constant 0 : index
    %swap3A_84 = tpu.vector_load %arg8[%swap3A_82, %swap3A_83] {strides = array<i32>} : memref<128x16xf32, #tpu.memory_space<vmem>>, vector<1x16xf32>,
    %swap3A_85 = vector.shape_cast %swap3A_84 : vector<1x16xf32> to vector<16xf32>
    %swap3A_86 = vector.shape_cast %broadcast_in_dim3A_1 : vector<16xf32> to vector<1x16xf32>
    tpu.vector_store %arg8[%swap3A_82, %swap3A_83], %swap3A_86 {strides = array<i32>} : memref<128x16xf32, #tpu.memory_space<vmem>>, vector<1x16xf32>,
    %swap3A_87 = arith.constant 14 : i32
    %swap3A_88 = arith.index_cast %swap3A_87 : i32 to index
    %swap3A_89 = arith.constant 0 : index
    %swap3A_90 = tpu.vector_load %arg8[%swap3A_88, %swap3A_89] {strides = array<i32>} : memref<128x16xf32, #tpu.memory_space<vmem>>, vector<1x16xf32>,
    %swap3A_91 = vector.shape_cast %swap3A_90 : vector<1x16xf32> to vector<16xf32>
    %swap3A_92 = vector.shape_cast %broadcast_in_dim3A_1 : vector<16xf32> to vector<1x16xf32>
    tpu.vector_store %arg8[%swap3A_88, %swap3A_89], %swap3A_92 {strides = array<i32>} : memref<128x16xf32, #tpu.memory_space<vmem>>, vector<1x16xf32>,
    %swap3A_93 = arith.constant 15 : i32
    %swap3A_94 = arith.index_cast %swap3A_93 : i32 to index
    %swap3A_95 = arith.constant 0 : index
    %swap3A_96 = tpu.vector_load %arg8[%swap3A_94, %swap3A_95] {strides = array<i32>} : memref<128x16xf32, #tpu.memory_space<vmem>>, vector<1x16xf32>,
    %swap3A_97 = vector.shape_cast %swap3A_96 : vector<1x16xf32> to vector<16xf32>
    %swap3A_98 = vector.shape_cast %broadcast_in_dim3A_1 : vector<16xf32> to vector<1x16xf32>
    tpu.vector_store %arg8[%swap3A_94, %swap3A_95], %swap3A_98 {strides = array<i32>} : memref<128x16xf32, #tpu.memory_space<vmem>>, vector<1x16xf32>,
    %swap3A_99 = arith.constant 16 : i32
    %swap3A_100 = arith.index_cast %swap3A_99 : i32 to index
    %swap3A_101 = arith.constant 0 : index
    %swap3A_102 = tpu.vector_load %arg8[%swap3A_100, %swap3A_101] {strides = array<i32>} : memref<128x16xf32, #tpu.memory_space<vmem>>, vector<1x16xf32>,
    %swap3A_103 = vector.shape_cast %swap3A_102 : vector<1x16xf32> to vector<16xf32>
    %swap3A_104 = vector.shape_cast %broadcast_in_dim3A_1 : vector<16xf32> to vector<1x16xf32>
    tpu.vector_store %arg8[%swap3A_100, %swap3A_101], %swap3A_104 {strides = array<i32>} : memref<128x16xf32, #tpu.memory_space<vmem>>, vector<1x16xf32>,
    %swap3A_105 = arith.constant 17 : i32
    %swap3A_106 = arith.index_cast %swap3A_105 : i32 to index
    %swap3A_107 = arith.constant 0 : index
    %swap3A_108 = tpu.vector_load %arg8[%swap3A_106, %swap3A_107] {strides = array<i32>} : memref<128x16xf32, #tpu.memory_space<vmem>>, vector<1x16xf32>,
    %swap3A_109 = vector.shape_cast %swap3A_108 : vector<1x16xf32> to vector<16xf32>
    %swap3A_110 = vector.shape_cast %broadcast_in_dim3A_1 : vector<16xf32> to vector<1x16xf32>
    tpu.vector_store %arg8[%swap3A_106, %swap3A_107], %swap3A_110 {strides = array<i32>} : memref<128x16xf32, #tpu.memory_space<vmem>>, vector<1x16xf32>,
    %swap3A_111 = arith.constant 18 : i32
    %swap3A_112 = arith.index_cast %swap3A_111 : i32 to index
    %swap3A_113 = arith.constant 0 : index
    %swap3A_114 = tpu.vector_load %arg8[%swap3A_112, %swap3A_113] {strides = array<i32>} : memref<128x16xf32, #tpu.memory_space<vmem>>, vector<1x16xf32>,
    %swap3A_115 = vector.shape_cast %swap3A_114 : vector<1x16xf32> to vector<16xf32>
    %swap3A_116 = vector.shape_cast %broadcast_in_dim3A_1 : vector<16xf32> to vector<1x16xf32>
    tpu.vector_store %arg8[%swap3A_112, %swap3A_113], %swap3A_116 {strides = array<i32>} : memref<128x16xf32, #tpu.memory_space<vmem>>, vector<1x16xf32>,
    %swap3A_117 = arith.constant 19 : i32
    %swap3A_118 = arith.index_cast %swap3A_117 : i32 to index
    %swap3A_119 = arith.constant 0 : index
    %swap3A_120 = tpu.vector_load %arg8[%swap3A_118, %swap3A_119] {strides = array<i32>} : memref<128x16xf32, #tpu.memory_space<vmem>>, vector<1x16xf32>,
    %swap3A_121 = vector.shape_cast %swap3A_120 : vector<1x16xf32> to vector<16xf32>
    %swap3A_122 = vector.shape_cast %broadcast_in_dim3A_1 : vector<16xf32> to vector<1x16xf32>
    tpu.vector_store %arg8[%swap3A_118, %swap3A_119], %swap3A_122 {strides = array<i32>} : memref<128x16xf32, #tpu.memory_space<vmem>>, vector<1x16xf32>,
    %swap3A_123 = arith.constant 20 : i32
    %swap3A_124 = arith.index_cast %swap3A_123 : i32 to index
    %swap3A_125 = arith.constant 0 : index
    %swap3A_126 = tpu.vector_load %arg8[%swap3A_124, %swap3A_125] {strides = array<i32>} : memref<128x16xf32, #tpu.memory_space<vmem>>, vector<1x16xf32>,
    %swap3A_127 = vector.shape_cast %swap3A_126 : vector<1x16xf32> to vector<16xf32>
    %swap3A_128 = vector.shape_cast %broadcast_in_dim3A_1 : vector<16xf32> to vector<1x16xf32>
    tpu.vector_store %arg8[%swap3A_124, %swap3A_125], %swap3A_128 {strides = array<i32>} : memref<128x16xf32, #tpu.memory_space<vmem>>, vector<1x16xf32>,
    %swap3A_129 = arith.constant 21 : i32
    %swap3A_130 = arith.index_cast %swap3A_129 : i32 to index
    %swap3A_131 = arith.constant 0 : index
    %swap3A_132 = tpu.vector_load %arg8[%swap3A_130, %swap3A_131] {strides = array<i32>} : memref<128x16xf32, #tpu.memory_space<vmem>>, vector<1x16xf32>,
    %swap3A_133 = vector.shape_cast %swap3A_132 : vector<1x16xf32> to vector<16xf32>
    %swap3A_134 = vector.shape_cast %broadcast_in_dim3A_1 : vector<16xf32> to vector<1x16xf32>
    tpu.vector_store %arg8[%swap3A_130, %swap3A_131], %swap3A_134 {strides = array<i32>} : memref<128x16xf32, #tpu.memory_space<vmem>>, vector<1x16xf32>,
    %swap3A_135 = arith.constant 22 : i32
    %swap3A_136 = arith.index_cast %swap3A_135 : i32 to index
    %swap3A_137 = arith.constant 0 : index
    %swap3A_138 = tpu.vector_load %arg8[%swap3A_136, %swap3A_137] {strides = array<i32>} : memref<128x16xf32, #tpu.memory_space<vmem>>, vector<1x16xf32>,
    %swap3A_139 = vector.shape_cast %swap3A_138 : vector<1x16xf32> to vector<16xf32>
    %swap3A_140 = vector.shape_cast %broadcast_in_dim3A_1 : vector<16xf32> to vector<1x16xf32>
    tpu.vector_store %arg8[%swap3A_136, %swap3A_137], %swap3A_140 {strides = array<i32>} : memref<128x16xf32, #tpu.memory_space<vmem>>, vector<1x16xf32>,
    %swap3A_141 = arith.constant 23 : i32
    %swap3A_142 = arith.index_cast %swap3A_141 : i32 to index
    %swap3A_143 = arith.constant 0 : index
    %swap3A_144 = tpu.vector_load %arg8[%swap3A_142, %swap3A_143] {strides = array<i32>} : memref<128x16xf32, #tpu.memory_space<vmem>>, vector<1x16xf32>,
    %swap3A_145 = vector.shape_cast %swap3A_144 : vector<1x16xf32> to vector<16xf32>
    %swap3A_146 = vector.shape_cast %broadcast_in_dim3A_1 : vector<16xf32> to vector<1x16xf32>
    tpu.vector_store %arg8[%swap3A_142, %swap3A_143], %swap3A_146 {strides = array<i32>} : memref<128x16xf32, #tpu.memory_space<vmem>>, vector<1x16xf32>,
    %swap3A_147 = arith.constant 24 : i32
    %swap3A_148 = arith.index_cast %swap3A_147 : i32 to index
    %swap3A_149 = arith.constant 0 : index
    %swap3A_150 = tpu.vector_load %arg8[%swap3A_148, %swap3A_149] {strides = array<i32>} : memref<128x16xf32, #tpu.memory_space<vmem>>, vector<1x16xf32>,
    %swap3A_151 = vector.shape_cast %swap3A_150 : vector<1x16xf32> to vector<16xf32>
    %swap3A_152 = vector.shape_cast %broadcast_in_dim3A_1 : vector<16xf32> to vector<1x16xf32>
    tpu.vector_store %arg8[%swap3A_148, %swap3A_149], %swap3A_152 {strides = array<i32>} : memref<128x16xf32, #tpu.memory_space<vmem>>, vector<1x16xf32>,
    %swap3A_153 = arith.constant 25 : i32
    %swap3A_154 = arith.index_cast %swap3A_153 : i32 to index
    %swap3A_155 = arith.constant 0 : index
    %swap3A_156 = tpu.vector_load %arg8[%swap3A_154, %swap3A_155] {strides = array<i32>} : memref<128x16xf32, #tpu.memory_space<vmem>>, vector<1x16xf32>,
    %swap3A_157 = vector.shape_cast %swap3A_156 : vector<1x16xf32> to vector<16xf32>
    %swap3A_158 = vector.shape_cast %broadcast_in_dim3A_1 : vector<16xf32> to vector<1x16xf32>
    tpu.vector_store %arg8[%swap3A_154, %swap3A_155], %swap3A_158 {strides = array<i32>} : memref<128x16xf32, #tpu.memory_space<vmem>>, vector<1x16xf32>,
    %swap3A_159 = arith.constant 26 : i32
    %swap3A_160 = arith.index_cast %swap3A_159 : i32 to index
    %swap3A_161 = arith.constant 0 : index
    %swap3A_162 = tpu.vector_load %arg8[%swap3A_160, %swap3A_161] {strides = array<i32>} : memref<128x16xf32, #tpu.memory_space<vmem>>, vector<1x16xf32>,
    %swap3A_163 = vector.shape_cast %swap3A_162 : vector<1x16xf32> to vector<16xf32>
    %swap3A_164 = vector.shape_cast %broadcast_in_dim3A_1 : vector<16xf32> to vector<1x16xf32>
    tpu.vector_store %arg8[%swap3A_160, %swap3A_161], %swap3A_164 {strides = array<i32>} : memref<128x16xf32, #tpu.memory_space<vmem>>, vector<1x16xf32>,
    %swap3A_165 = arith.constant 27 : i32
    %swap3A_166 = arith.index_cast %swap3A_165 : i32 to index
    %swap3A_167 = arith.constant 0 : index
    %swap3A_168 = tpu.vector_load %arg8[%swap3A_166, %swap3A_167] {strides = array<i32>} : memref<128x16xf32, #tpu.memory_space<vmem>>, vector<1x16xf32>,
    %swap3A_169 = vector.shape_cast %swap3A_168 : vector<1x16xf32> to vector<16xf32>
    %swap3A_170 = vector.shape_cast %broadcast_in_dim3A_1 : vector<16xf32> to vector<1x16xf32>
    tpu.vector_store %arg8[%swap3A_166, %swap3A_167], %swap3A_170 {strides = array<i32>} : memref<128x16xf32, #tpu.memory_space<vmem>>, vector<1x16xf32>,
    %swap3A_171 = arith.constant 28 : i32
    %swap3A_172 = arith.index_cast %swap3A_171 : i32 to index
    %swap3A_173 = arith.constant 0 : index
    %swap3A_174 = tpu.vector_load %arg8[%swap3A_172, %swap3A_173] {strides = array<i32>} : memref<128x16xf32, #tpu.memory_space<vmem>>, vector<1x16xf32>,
    %swap3A_175 = vector.shape_cast %swap3A_174 : vector<1x16xf32> to vector<16xf32>
    %swap3A_176 = vector.shape_cast %broadcast_in_dim3A_1 : vector<16xf32> to vector<1x16xf32>
    tpu.vector_store %arg8[%swap3A_172, %swap3A_173], %swap3A_176 {strides = array<i32>} : memref<128x16xf32, #tpu.memory_space<vmem>>, vector<1x16xf32>,
    %swap3A_177 = arith.constant 29 : i32
    %swap3A_178 = arith.index_cast %swap3A_177 : i32 to index
    %swap3A_179 = arith.constant 0 : index
    %swap3A_180 = tpu.vector_load %arg8[%swap3A_178, %swap3A_179] {strides = array<i32>} : memref<128x16xf32, #tpu.memory_space<vmem>>, vector<1x16xf32>,
    %swap3A_181 = vector.shape_cast %swap3A_180 : vector<1x16xf32> to vector<16xf32>
    %swap3A_182 = vector.shape_cast %broadcast_in_dim3A_1 : vector<16xf32> to vector<1x16xf32>
    tpu.vector_store %arg8[%swap3A_178, %swap3A_179], %swap3A_182 {strides = array<i32>} : memref<128x16xf32, #tpu.memory_space<vmem>>, vector<1x16xf32>,
    %swap3A_183 = arith.constant 30 : i32
    %swap3A_184 = arith.index_cast %swap3A_183 : i32 to index
    %swap3A_185 = arith.constant 0 : index
    %swap3A_186 = tpu.vector_load %arg8[%swap3A_184, %swap3A_185] {strides = array<i32>} : memref<128x16xf32, #tpu.memory_space<vmem>>, vector<1x16xf32>,
    %swap3A_187 = vector.shape_cast %swap3A_186 : vector<1x16xf32> to vector<16xf32>
    %swap3A_188 = vector.shape_cast %broadcast_in_dim3A_1 : vector<16xf32> to vector<1x16xf32>
    tpu.vector_store %arg8[%swap3A_184, %swap3A_185], %swap3A_188 {strides = array<i32>} : memref<128x16xf32, #tpu.memory_space<vmem>>, vector<1x16xf32>,
    %swap3A_189 = arith.constant 31 : i32
    %swap3A_190 = arith.index_cast %swap3A_189 : i32 to index
    %swap3A_191 = arith.constant 0 : index
    %swap3A_192 = tpu.vector_load %arg8[%swap3A_190, %swap3A_191] {strides = array<i32>} : memref<128x16xf32, #tpu.memory_space<vmem>>, vector<1x16xf32>,
    %swap3A_193 = vector.shape_cast %swap3A_192 : vector<1x16xf32> to vector<16xf32>
    %swap3A_194 = vector.shape_cast %broadcast_in_dim3A_1 : vector<16xf32> to vector<1x16xf32>
    tpu.vector_store %arg8[%swap3A_190, %swap3A_191], %swap3A_194 {strides = array<i32>} : memref<128x16xf32, #tpu.memory_space<vmem>>, vector<1x16xf32>,
    %swap3A_195 = arith.constant 32 : i32
    %swap3A_196 = arith.index_cast %swap3A_195 : i32 to index
    %swap3A_197 = arith.constant 0 : index
    %swap3A_198 = tpu.vector_load %arg8[%swap3A_196, %swap3A_197] {strides = array<i32>} : memref<128x16xf32, #tpu.memory_space<vmem>>, vector<1x16xf32>,
    %swap3A_199 = vector.shape_cast %swap3A_198 : vector<1x16xf32> to vector<16xf32>
    %swap3A_200 = vector.shape_cast %broadcast_in_dim3A_1 : vector<16xf32> to vector<1x16xf32>
    tpu.vector_store %arg8[%swap3A_196, %swap3A_197], %swap3A_200 {strides = array<i32>} : memref<128x16xf32, #tpu.memory_space<vmem>>, vector<1x16xf32>,
    %swap3A_201 = arith.constant 33 : i32
    %swap3A_202 = arith.index_cast %swap3A_201 : i32 to index
    %swap3A_203 = arith.constant 0 : index
    %swap3A_204 = tpu.vector_load %arg8[%swap3A_202, %swap3A_203] {strides = array<i32>} : memref<128x16xf32, #tpu.memory_space<vmem>>, vector<1x16xf32>,
    %swap3A_205 = vector.shape_cast %swap3A_204 : vector<1x16xf32> to vector<16xf32>
    %swap3A_206 = vector.shape_cast %broadcast_in_dim3A_1 : vector<16xf32> to vector<1x16xf32>
    tpu.vector_store %arg8[%swap3A_202, %swap3A_203], %swap3A_206 {strides = array<i32>} : memref<128x16xf32, #tpu.memory_space<vmem>>, vector<1x16xf32>,
    %swap3A_207 = arith.constant 34 : i32
    %swap3A_208 = arith.index_cast %swap3A_207 : i32 to index
    %swap3A_209 = arith.constant 0 : index
    %swap3A_210 = tpu.vector_load %arg8[%swap3A_208, %swap3A_209] {strides = array<i32>} : memref<128x16xf32, #tpu.memory_space<vmem>>, vector<1x16xf32>,
    %swap3A_211 = vector.shape_cast %swap3A_210 : vector<1x16xf32> to vector<16xf32>
    %swap3A_212 = vector.shape_cast %broadcast_in_dim3A_1 : vector<16xf32> to vector<1x16xf32>
    tpu.vector_store %arg8[%swap3A_208, %swap3A_209], %swap3A_212 {strides = array<i32>} : memref<128x16xf32, #tpu.memory_space<vmem>>, vector<1x16xf32>,
    %swap3A_213 = arith.constant 35 : i32
    %swap3A_214 = arith.index_cast %swap3A_213 : i32 to index
    %swap3A_215 = arith.constant 0 : index
    %swap3A_216 = tpu.vector_load %arg8[%swap3A_214, %swap3A_215] {strides = array<i32>} : memref<128x16xf32, #tpu.memory_space<vmem>>, vector<1x16xf32>,
    %swap3A_217 = vector.shape_cast %swap3A_216 : vector<1x16xf32> to vector<16xf32>
    %swap3A_218 = vector.shape_cast %broadcast_in_dim3A_1 : vector<16xf32> to vector<1x16xf32>
    tpu.vector_store %arg8[%swap3A_214, %swap3A_215], %swap3A_218 {strides = array<i32>} : memref<128x16xf32, #tpu.memory_space<vmem>>, vector<1x16xf32>,
    %swap3A_219 = arith.constant 36 : i32
    %swap3A_220 = arith.index_cast %swap3A_219 : i32 to index
    %swap3A_221 = arith.constant 0 : index
    %swap3A_222 = tpu.vector_load %arg8[%swap3A_220, %swap3A_221] {strides = array<i32>} : memref<128x16xf32, #tpu.memory_space<vmem>>, vector<1x16xf32>,
    %swap3A_223 = vector.shape_cast %swap3A_222 : vector<1x16xf32> to vector<16xf32>
    %swap3A_224 = vector.shape_cast %broadcast_in_dim3A_1 : vector<16xf32> to vector<1x16xf32>
    tpu.vector_store %arg8[%swap3A_220, %swap3A_221], %swap3A_224 {strides = array<i32>} : memref<128x16xf32, #tpu.memory_space<vmem>>, vector<1x16xf32>,
    %swap3A_225 = arith.constant 37 : i32
    %swap3A_226 = arith.index_cast %swap3A_225 : i32 to index
    %swap3A_227 = arith.constant 0 : index
    %swap3A_228 = tpu.vector_load %arg8[%swap3A_226, %swap3A_227] {strides = array<i32>} : memref<128x16xf32, #tpu.memory_space<vmem>>, vector<1x16xf32>,
    %swap3A_229 = vector.shape_cast %swap3A_228 : vector<1x16xf32> to vector<16xf32>
    %swap3A_230 = vector.shape_cast %broadcast_in_dim3A_1 : vector<16xf32> to vector<1x16xf32>
    tpu.vector_store %arg8[%swap3A_226, %swap3A_227], %swap3A_230 {strides = array<i32>} : memref<128x16xf32, #tpu.memory_space<vmem>>, vector<1x16xf32>,
    %swap3A_231 = arith.constant 38 : i32
    %swap3A_232 = arith.index_cast %swap3A_231 : i32 to index
    %swap3A_233 = arith.constant 0 : index
    %swap3A_234 = tpu.vector_load %arg8[%swap3A_232, %swap3A_233] {strides = array<i32>} : memref<128x16xf32, #tpu.memory_space<vmem>>, vector<1x16xf32>,
    %swap3A_235 = vector.shape_cast %swap3A_234 : vector<1x16xf32> to vector<16xf32>
    %swap3A_236 = vector.shape_cast %broadcast_in_dim3A_1 : vector<16xf32> to vector<1x16xf32>
    tpu.vector_store %arg8[%swap3A_232, %swap3A_233], %swap3A_236 {strides = array<i32>} : memref<128x16xf32, #tpu.memory_space<vmem>>, vector<1x16xf32>,
    %swap3A_237 = arith.constant 39 : i32
    %swap3A_238 = arith.index_cast %swap3A_237 : i32 to index
    %swap3A_239 = arith.constant 0 : index
    %swap3A_240 = tpu.vector_load %arg8[%swap3A_238, %swap3A_239] {strides = array<i32>} : memref<128x16xf32, #tpu.memory_space<vmem>>, vector<1x16xf32>,
    %swap3A_241 = vector.shape_cast %swap3A_240 : vector<1x16xf32> to vector<16xf32>
    %swap3A_242 = vector.shape_cast %broadcast_in_dim3A_1 : vector<16xf32> to vector<1x16xf32>
    tpu.vector_store %arg8[%swap3A_238, %swap3A_239], %swap3A_242 {strides = array<i32>} : memref<128x16xf32, #tpu.memory_space<vmem>>, vector<1x16xf32>,
    %swap3A_243 = arith.constant 40 : i32
    %swap3A_244 = arith.index_cast %swap3A_243 : i32 to index
    %swap3A_245 = arith.constant 0 : index
    %swap3A_246 = tpu.vector_load %arg8[%swap3A_244, %swap3A_245] {strides = array<i32>} : memref<128x16xf32, #tpu.memory_space<vmem>>, vector<1x16xf32>,
    %swap3A_247 = vector.shape_cast %swap3A_246 : vector<1x16xf32> to vector<16xf32>
    %swap3A_248 = vector.shape_cast %broadcast_in_dim3A_1 : vector<16xf32> to vector<1x16xf32>
    tpu.vector_store %arg8[%swap3A_244, %swap3A_245], %swap3A_248 {strides = array<i32>} : memref<128x16xf32, #tpu.memory_space<vmem>>, vector<1x16xf32>,
    %swap3A_249 = arith.constant 41 : i32
    %swap3A_250 = arith.index_cast %swap3A_249 : i32 to index
    %swap3A_251 = arith.constant 0 : index
    %swap3A_252 = tpu.vector_load %arg8[%swap3A_250, %swap3A_251] {strides = array<i32>} : memref<128x16xf32, #tpu.memory_space<vmem>>, vector<1x16xf32>,
    %swap3A_253 = vector.shape_cast %swap3A_252 : vector<1x16xf32> to vector<16xf32>
    %swap3A_254 = vector.shape_cast %broadcast_in_dim3A_1 : vector<16xf32> to vector<1x16xf32>
    tpu.vector_store %arg8[%swap3A_250, %swap3A_251], %swap3A_254 {strides = array<i32>} : memref<128x16xf32, #tpu.memory_space<vmem>>, vector<1x16xf32>,
    %swap3A_255 = arith.constant 42 : i32
    %swap3A_256 = arith.index_cast %swap3A_255 : i32 to index
    %swap3A_257 = arith.constant 0 : index
    %swap3A_258 = tpu.vector_load %arg8[%swap3A_256, %swap3A_257] {strides = array<i32>} : memref<128x16xf32, #tpu.memory_space<vmem>>, vector<1x16xf32>,
    %swap3A_259 = vector.shape_cast %swap3A_258 : vector<1x16xf32> to vector<16xf32>
    %swap3A_260 = vector.shape_cast %broadcast_in_dim3A_1 : vector<16xf32> to vector<1x16xf32>
    tpu.vector_store %arg8[%swap3A_256, %swap3A_257], %swap3A_260 {strides = array<i32>} : memref<128x16xf32, #tpu.memory_space<vmem>>, vector<1x16xf32>,
    %swap3A_261 = arith.constant 43 : i32
    %swap3A_262 = arith.index_cast %swap3A_261 : i32 to index
    %swap3A_263 = arith.constant 0 : index
    %swap3A_264 = tpu.vector_load %arg8[%swap3A_262, %swap3A_263] {strides = array<i32>} : memref<128x16xf32, #tpu.memory_space<vmem>>, vector<1x16xf32>,
    %swap3A_265 = vector.shape_cast %swap3A_264 : vector<1x16xf32> to vector<16xf32>
    %swap3A_266 = vector.shape_cast %broadcast_in_dim3A_1 : vector<16xf32> to vector<1x16xf32>
    tpu.vector_store %arg8[%swap3A_262, %swap3A_263], %swap3A_266 {strides = array<i32>} : memref<128x16xf32, #tpu.memory_space<vmem>>, vector<1x16xf32>,
    %swap3A_267 = arith.constant 44 : i32
    %swap3A_268 = arith.index_cast %swap3A_267 : i32 to index
    %swap3A_269 = arith.constant 0 : index
    %swap3A_270 = tpu.vector_load %arg8[%swap3A_268, %swap3A_269] {strides = array<i32>} : memref<128x16xf32, #tpu.memory_space<vmem>>, vector<1x16xf32>,
    %swap3A_271 = vector.shape_cast %swap3A_270 : vector<1x16xf32> to vector<16xf32>
    %swap3A_272 = vector.shape_cast %broadcast_in_dim3A_1 : vector<16xf32> to vector<1x16xf32>
    tpu.vector_store %arg8[%swap3A_268, %swap3A_269], %swap3A_272 {strides = array<i32>} : memref<128x16xf32, #tpu.memory_space<vmem>>, vector<1x16xf32>,
    %swap3A_273 = arith.constant 45 : i32
    %swap3A_274 = arith.index_cast %swap3A_273 : i32 to index
    %swap3A_275 = arith.constant 0 : index
    %swap3A_276 = tpu.vector_load %arg8[%swap3A_274, %swap3A_275] {strides = array<i32>} : memref<128x16xf32, #tpu.memory_space<vmem>>, vector<1x16xf32>,
    %swap3A_277 = vector.shape_cast %swap3A_276 : vector<1x16xf32> to vector<16xf32>
    %swap3A_278 = vector.shape_cast %broadcast_in_dim3A_1 : vector<16xf32> to vector<1x16xf32>
    tpu.vector_store %arg8[%swap3A_274, %swap3A_275], %swap3A_278 {strides = array<i32>} : memref<128x16xf32, #tpu.memory_space<vmem>>, vector<1x16xf32>,
    %swap3A_279 = arith.constant 46 : i32
    %swap3A_280 = arith.index_cast %swap3A_279 : i32 to index
    %swap3A_281 = arith.constant 0 : index
    %swap3A_282 = tpu.vector_load %arg8[%swap3A_280, %swap3A_281] {strides = array<i32>} : memref<128x16xf32, #tpu.memory_space<vmem>>, vector<1x16xf32>,
    %swap3A_283 = vector.shape_cast %swap3A_282 : vector<1x16xf32> to vector<16xf32>
    %swap3A_284 = vector.shape_cast %broadcast_in_dim3A_1 : vector<16xf32> to vector<1x16xf32>
    tpu.vector_store %arg8[%swap3A_280, %swap3A_281], %swap3A_284 {strides = array<i32>} : memref<128x16xf32, #tpu.memory_space<vmem>>, vector<1x16xf32>,
    %swap3A_285 = arith.constant 47 : i32
    %swap3A_286 = arith.index_cast %swap3A_285 : i32 to index
    %swap3A_287 = arith.constant 0 : index
    %swap3A_288 = tpu.vector_load %arg8[%swap3A_286, %swap3A_287] {strides = array<i32>} : memref<128x16xf32, #tpu.memory_space<vmem>>, vector<1x16xf32>,
    %swap3A_289 = vector.shape_cast %swap3A_288 : vector<1x16xf32> to vector<16xf32>
    %swap3A_290 = vector.shape_cast %broadcast_in_dim3A_1 : vector<16xf32> to vector<1x16xf32>
    tpu.vector_store %arg8[%swap3A_286, %swap3A_287], %swap3A_290 {strides = array<i32>} : memref<128x16xf32, #tpu.memory_space<vmem>>, vector<1x16xf32>,
    %swap3A_291 = arith.constant 48 : i32
    %swap3A_292 = arith.index_cast %swap3A_291 : i32 to index
    %swap3A_293 = arith.constant 0 : index
    %swap3A_294 = tpu.vector_load %arg8[%swap3A_292, %swap3A_293] {strides = array<i32>} : memref<128x16xf32, #tpu.memory_space<vmem>>, vector<1x16xf32>,
    %swap3A_295 = vector.shape_cast %swap3A_294 : vector<1x16xf32> to vector<16xf32>
    %swap3A_296 = vector.shape_cast %broadcast_in_dim3A_1 : vector<16xf32> to vector<1x16xf32>
    tpu.vector_store %arg8[%swap3A_292, %swap3A_293], %swap3A_296 {strides = array<i32>} : memref<128x16xf32, #tpu.memory_space<vmem>>, vector<1x16xf32>,
    %swap3A_297 = arith.constant 49 : i32
    %swap3A_298 = arith.index_cast %swap3A_297 : i32 to index
    %swap3A_299 = arith.constant 0 : index
    %swap3A_300 = tpu.vector_load %arg8[%swap3A_298, %swap3A_299] {strides = array<i32>} : memref<128x16xf32, #tpu.memory_space<vmem>>, vector<1x16xf32>,
    %swap3A_301 = vector.shape_cast %swap3A_300 : vector<1x16xf32> to vector<16xf32>
    %swap3A_302 = vector.shape_cast %broadcast_in_dim3A_1 : vector<16xf32> to vector<1x16xf32>
    tpu.vector_store %arg8[%swap3A_298, %swap3A_299], %swap3A_302 {strides = array<i32>} : memref<128x16xf32, #tpu.memory_space<vmem>>, vector<1x16xf32>,
    %swap3A_303 = arith.constant 50 : i32
    %swap3A_304 = arith.index_cast %swap3A_303 : i32 to index
    %swap3A_305 = arith.constant 0 : index
    %swap3A_306 = tpu.vector_load %arg8[%swap3A_304, %swap3A_305] {strides = array<i32>} : memref<128x16xf32, #tpu.memory_space<vmem>>, vector<1x16xf32>,
    %swap3A_307 = vector.shape_cast %swap3A_306 : vector<1x16xf32> to vector<16xf32>
    %swap3A_308 = vector.shape_cast %broadcast_in_dim3A_1 : vector<16xf32> to vector<1x16xf32>
    tpu.vector_store %arg8[%swap3A_304, %swap3A_305], %swap3A_308 {strides = array<i32>} : memref<128x16xf32, #tpu.memory_space<vmem>>, vector<1x16xf32>,
    %swap3A_309 = arith.constant 51 : i32
    %swap3A_310 = arith.index_cast %swap3A_309 : i32 to index
    %swap3A_311 = arith.constant 0 : index
    %swap3A_312 = tpu.vector_load %arg8[%swap3A_310, %swap3A_311] {strides = array<i32>} : memref<128x16xf32, #tpu.memory_space<vmem>>, vector<1x16xf32>,
    %swap3A_313 = vector.shape_cast %swap3A_312 : vector<1x16xf32> to vector<16xf32>
    %swap3A_314 = vector.shape_cast %broadcast_in_dim3A_1 : vector<16xf32> to vector<1x16xf32>
    tpu.vector_store %arg8[%swap3A_310, %swap3A_311], %swap3A_314 {strides = array<i32>} : memref<128x16xf32, #tpu.memory_space<vmem>>, vector<1x16xf32>,
    %swap3A_315 = arith.constant 52 : i32
    %swap3A_316 = arith.index_cast %swap3A_315 : i32 to index
    %swap3A_317 = arith.constant 0 : index
    %swap3A_318 = tpu.vector_load %arg8[%swap3A_316, %swap3A_317] {strides = array<i32>} : memref<128x16xf32, #tpu.memory_space<vmem>>, vector<1x16xf32>,
    %swap3A_319 = vector.shape_cast %swap3A_318 : vector<1x16xf32> to vector<16xf32>
    %swap3A_320 = vector.shape_cast %broadcast_in_dim3A_1 : vector<16xf32> to vector<1x16xf32>
    tpu.vector_store %arg8[%swap3A_316, %swap3A_317], %swap3A_320 {strides = array<i32>} : memref<128x16xf32, #tpu.memory_space<vmem>>, vector<1x16xf32>,
    %swap3A_321 = arith.constant 53 : i32
    %swap3A_322 = arith.index_cast %swap3A_321 : i32 to index
    %swap3A_323 = arith.constant 0 : index
    %swap3A_324 = tpu.vector_load %arg8[%swap3A_322, %swap3A_323] {strides = array<i32>} : memref<128x16xf32, #tpu.memory_space<vmem>>, vector<1x16xf32>,
    %swap3A_325 = vector.shape_cast %swap3A_324 : vector<1x16xf32> to vector<16xf32>
    %swap3A_326 = vector.shape_cast %broadcast_in_dim3A_1 : vector<16xf32> to vector<1x16xf32>
    tpu.vector_store %arg8[%swap3A_322, %swap3A_323], %swap3A_326 {strides = array<i32>} : memref<128x16xf32, #tpu.memory_space<vmem>>, vector<1x16xf32>,
    %swap3A_327 = arith.constant 54 : i32
    %swap3A_328 = arith.index_cast %swap3A_327 : i32 to index
    %swap3A_329 = arith.constant 0 : index
    %swap3A_330 = tpu.vector_load %arg8[%swap3A_328, %swap3A_329] {strides = array<i32>} : memref<128x16xf32, #tpu.memory_space<vmem>>, vector<1x16xf32>,
    %swap3A_331 = vector.shape_cast %swap3A_330 : vector<1x16xf32> to vector<16xf32>
    %swap3A_332 = vector.shape_cast %broadcast_in_dim3A_1 : vector<16xf32> to vector<1x16xf32>
    tpu.vector_store %arg8[%swap3A_328, %swap3A_329], %swap3A_332 {strides = array<i32>} : memref<128x16xf32, #tpu.memory_space<vmem>>, vector<1x16xf32>,
    %swap3A_333 = arith.constant 55 : i32
    %swap3A_334 = arith.index_cast %swap3A_333 : i32 to index
    %swap3A_335 = arith.constant 0 : index
    %swap3A_336 = tpu.vector_load %arg8[%swap3A_334, %swap3A_335] {strides = array<i32>} : memref<128x16xf32, #tpu.memory_space<vmem>>, vector<1x16xf32>,
    %swap3A_337 = vector.shape_cast %swap3A_336 : vector<1x16xf32> to vector<16xf32>
    %swap3A_338 = vector.shape_cast %broadcast_in_dim3A_1 : vector<16xf32> to vector<1x16xf32>
    tpu.vector_store %arg8[%swap3A_334, %swap3A_335], %swap3A_338 {strides = array<i32>} : memref<128x16xf32, #tpu.memory_space<vmem>>, vector<1x16xf32>,
    %swap3A_339 = arith.constant 56 : i32
    %swap3A_340 = arith.index_cast %swap3A_339 : i32 to index
    %swap3A_341 = arith.constant 0 : index
    %swap3A_342 = tpu.vector_load %arg8[%swap3A_340, %swap3A_341] {strides = array<i32>} : memref<128x16xf32, #tpu.memory_space<vmem>>, vector<1x16xf32>,
    %swap3A_343 = vector.shape_cast %swap3A_342 : vector<1x16xf32> to vector<16xf32>
    %swap3A_344 = vector.shape_cast %broadcast_in_dim3A_1 : vector<16xf32> to vector<1x16xf32>
    tpu.vector_store %arg8[%swap3A_340, %swap3A_341], %swap3A_344 {strides = array<i32>} : memref<128x16xf32, #tpu.memory_space<vmem>>, vector<1x16xf32>,
    %swap3A_345 = arith.constant 57 : i32
    %swap3A_346 = arith.index_cast %swap3A_345 : i32 to index
    %swap3A_347 = arith.constant 0 : index
    %swap3A_348 = tpu.vector_load %arg8[%swap3A_346, %swap3A_347] {strides = array<i32>} : memref<128x16xf32, #tpu.memory_space<vmem>>, vector<1x16xf32>,
    %swap3A_349 = vector.shape_cast %swap3A_348 : vector<1x16xf32> to vector<16xf32>
    %swap3A_350 = vector.shape_cast %broadcast_in_dim3A_1 : vector<16xf32> to vector<1x16xf32>
    tpu.vector_store %arg8[%swap3A_346, %swap3A_347], %swap3A_350 {strides = array<i32>} : memref<128x16xf32, #tpu.memory_space<vmem>>, vector<1x16xf32>,
    %swap3A_351 = arith.constant 58 : i32
    %swap3A_352 = arith.index_cast %swap3A_351 : i32 to index
    %swap3A_353 = arith.constant 0 : index
    %swap3A_354 = tpu.vector_load %arg8[%swap3A_352, %swap3A_353] {strides = array<i32>} : memref<128x16xf32, #tpu.memory_space<vmem>>, vector<1x16xf32>,
    %swap3A_355 = vector.shape_cast %swap3A_354 : vector<1x16xf32> to vector<16xf32>
    %swap3A_356 = vector.shape_cast %broadcast_in_dim3A_1 : vector<16xf32> to vector<1x16xf32>
    tpu.vector_store %arg8[%swap3A_352, %swap3A_353], %swap3A_356 {strides = array<i32>} : memref<128x16xf32, #tpu.memory_space<vmem>>, vector<1x16xf32>,
    %swap3A_357 = arith.constant 59 : i32
    %swap3A_358 = arith.index_cast %swap3A_357 : i32 to index
    %swap3A_359 = arith.constant 0 : index
    %swap3A_360 = tpu.vector_load %arg8[%swap3A_358, %swap3A_359] {strides = array<i32>} : memref<128x16xf32, #tpu.memory_space<vmem>>, vector<1x16xf32>,
    %swap3A_361 = vector.shape_cast %swap3A_360 : vector<1x16xf32> to vector<16xf32>
    %swap3A_362 = vector.shape_cast %broadcast_in_dim3A_1 : vector<16xf32> to vector<1x16xf32>
    tpu.vector_store %arg8[%swap3A_358, %swap3A_359], %swap3A_362 {strides = array<i32>} : memref<128x16xf32, #tpu.memory_space<vmem>>, vector<1x16xf32>,
    %swap3A_363 = arith.constant 60 : i32
    %swap3A_364 = arith.index_cast %swap3A_363 : i32 to index
    %swap3A_365 = arith.constant 0 : index
    %swap3A_366 = tpu.vector_load %arg8[%swap3A_364, %swap3A_365] {strides = array<i32>} : memref<128x16xf32, #tpu.memory_space<vmem>>, vector<1x16xf32>,
    %swap3A_367 = vector.shape_cast %swap3A_366 : vector<1x16xf32> to vector<16xf32>
    %swap3A_368 = vector.shape_cast %broadcast_in_dim3A_1 : vector<16xf32> to vector<1x16xf32>
    tpu.vector_store %arg8[%swap3A_364, %swap3A_365], %swap3A_368 {strides = array<i32>} : memref<128x16xf32, #tpu.memory_space<vmem>>, vector<1x16xf32>,
    %swap3A_369 = arith.constant 61 : i32
    %swap3A_370 = arith.index_cast %swap3A_369 : i32 to index
    %swap3A_371 = arith.constant 0 : index
    %swap3A_372 = tpu.vector_load %arg8[%swap3A_370, %swap3A_371] {strides = array<i32>} : memref<128x16xf32, #tpu.memory_space<vmem>>, vector<1x16xf32>,
    %swap3A_373 = vector.shape_cast %swap3A_372 : vector<1x16xf32> to vector<16xf32>
    %swap3A_374 = vector.shape_cast %broadcast_in_dim3A_1 : vector<16xf32> to vector<1x16xf32>
    tpu.vector_store %arg8[%swap3A_370, %swap3A_371], %swap3A_374 {strides = array<i32>} : memref<128x16xf32, #tpu.memory_space<vmem>>, vector<1x16xf32>,
    %swap3A_375 = arith.constant 62 : i32
    %swap3A_376 = arith.index_cast %swap3A_375 : i32 to index
    %swap3A_377 = arith.constant 0 : index
    %swap3A_378 = tpu.vector_load %arg8[%swap3A_376, %swap3A_377] {strides = array<i32>} : memref<128x16xf32, #tpu.memory_space<vmem>>, vector<1x16xf32>,
    %swap3A_379 = vector.shape_cast %swap3A_378 : vector<1x16xf32> to vector<16xf32>
    %swap3A_380 = vector.shape_cast %broadcast_in_dim3A_1 : vector<16xf32> to vector<1x16xf32>
    tpu.vector_store %arg8[%swap3A_376, %swap3A_377], %swap3A_380 {strides = array<i32>} : memref<128x16xf32, #tpu.memory_space<vmem>>, vector<1x16xf32>,
    %swap3A_381 = arith.constant 63 : i32
    %swap3A_382 = arith.index_cast %swap3A_381 : i32 to index
    %swap3A_383 = arith.constant 0 : index
    %swap3A_384 = tpu.vector_load %arg8[%swap3A_382, %swap3A_383] {strides = array<i32>} : memref<128x16xf32, #tpu.memory_space<vmem>>, vector<1x16xf32>,
    %swap3A_385 = vector.shape_cast %swap3A_384 : vector<1x16xf32> to vector<16xf32>
    %swap3A_386 = vector.shape_cast %broadcast_in_dim3A_1 : vector<16xf32> to vector<1x16xf32>
    tpu.vector_store %arg8[%swap3A_382, %swap3A_383], %swap3A_386 {strides = array<i32>} : memref<128x16xf32, #tpu.memory_space<vmem>>, vector<1x16xf32>,
    %swap3A_387 = arith.constant 64 : i32
    %swap3A_388 = arith.index_cast %swap3A_387 : i32 to index
    %swap3A_389 = arith.constant 0 : index
    %swap3A_390 = tpu.vector_load %arg8[%swap3A_388, %swap3A_389] {strides = array<i32>} : memref<128x16xf32, #tpu.memory_space<vmem>>, vector<1x16xf32>,
    %swap3A_391 = vector.shape_cast %swap3A_390 : vector<1x16xf32> to vector<16xf32>
    %swap3A_392 = vector.shape_cast %broadcast_in_dim3A_1 : vector<16xf32> to vector<1x16xf32>
    tpu.vector_store %arg8[%swap3A_388, %swap3A_389], %swap3A_392 {strides = array<i32>} : memref<128x16xf32, #tpu.memory_space<vmem>>, vector<1x16xf32>,
    %swap3A_393 = arith.constant 65 : i32
    %swap3A_394 = arith.index_cast %swap3A_393 : i32 to index
    %swap3A_395 = arith.constant 0 : index
    %swap3A_396 = tpu.vector_load %arg8[%swap3A_394, %swap3A_395] {strides = array<i32>} : memref<128x16xf32, #tpu.memory_space<vmem>>, vector<1x16xf32>,
    %swap3A_397 = vector.shape_cast %swap3A_396 : vector<1x16xf32> to vector<16xf32>
    %swap3A_398 = vector.shape_cast %broadcast_in_dim3A_1 : vector<16xf32> to vector<1x16xf32>
    tpu.vector_store %arg8[%swap3A_394, %swap3A_395], %swap3A_398 {strides = array<i32>} : memref<128x16xf32, #tpu.memory_space<vmem>>, vector<1x16xf32>,
    %swap3A_399 = arith.constant 66 : i32
    %swap3A_400 = arith.index_cast %swap3A_399 : i32 to index
    %swap3A_401 = arith.constant 0 : index
    %swap3A_402 = tpu.vector_load %arg8[%swap3A_400, %swap3A_401] {strides = array<i32>} : memref<128x16xf32, #tpu.memory_space<vmem>>, vector<1x16xf32>,
    %swap3A_403 = vector.shape_cast %swap3A_402 : vector<1x16xf32> to vector<16xf32>
    %swap3A_404 = vector.shape_cast %broadcast_in_dim3A_1 : vector<16xf32> to vector<1x16xf32>
    tpu.vector_store %arg8[%swap3A_400, %swap3A_401], %swap3A_404 {strides = array<i32>} : memref<128x16xf32, #tpu.memory_space<vmem>>, vector<1x16xf32>,
    %swap3A_405 = arith.constant 67 : i32
    %swap3A_406 = arith.index_cast %swap3A_405 : i32 to index
    %swap3A_407 = arith.constant 0 : index
    %swap3A_408 = tpu.vector_load %arg8[%swap3A_406, %swap3A_407] {strides = array<i32>} : memref<128x16xf32, #tpu.memory_space<vmem>>, vector<1x16xf32>,
    %swap3A_409 = vector.shape_cast %swap3A_408 : vector<1x16xf32> to vector<16xf32>
    %swap3A_410 = vector.shape_cast %broadcast_in_dim3A_1 : vector<16xf32> to vector<1x16xf32>
    tpu.vector_store %arg8[%swap3A_406, %swap3A_407], %swap3A_410 {strides = array<i32>} : memref<128x16xf32, #tpu.memory_space<vmem>>, vector<1x16xf32>,
    %swap3A_411 = arith.constant 68 : i32
    %swap3A_412 = arith.index_cast %swap3A_411 : i32 to index
    %swap3A_413 = arith.constant 0 : index
    %swap3A_414 = tpu.vector_load %arg8[%swap3A_412, %swap3A_413] {strides = array<i32>} : memref<128x16xf32, #tpu.memory_space<vmem>>, vector<1x16xf32>,
    %swap3A_415 = vector.shape_cast %swap3A_414 : vector<1x16xf32> to vector<16xf32>
    %swap3A_416 = vector.shape_cast %broadcast_in_dim3A_1 : vector<16xf32> to vector<1x16xf32>
    tpu.vector_store %arg8[%swap3A_412, %swap3A_413], %swap3A_416 {strides = array<i32>} : memref<128x16xf32, #tpu.memory_space<vmem>>, vector<1x16xf32>,
    %swap3A_417 = arith.constant 69 : i32
    %swap3A_418 = arith.index_cast %swap3A_417 : i32 to index
    %swap3A_419 = arith.constant 0 : index
    %swap3A_420 = tpu.vector_load %arg8[%swap3A_418, %swap3A_419] {strides = array<i32>} : memref<128x16xf32, #tpu.memory_space<vmem>>, vector<1x16xf32>,
    %swap3A_421 = vector.shape_cast %swap3A_420 : vector<1x16xf32> to vector<16xf32>
    %swap3A_422 = vector.shape_cast %broadcast_in_dim3A_1 : vector<16xf32> to vector<1x16xf32>
    tpu.vector_store %arg8[%swap3A_418, %swap3A_419], %swap3A_422 {strides = array<i32>} : memref<128x16xf32, #tpu.memory_space<vmem>>, vector<1x16xf32>,
    %swap3A_423 = arith.constant 70 : i32
    %swap3A_424 = arith.index_cast %swap3A_423 : i32 to index
    %swap3A_425 = arith.constant 0 : index
    %swap3A_426 = tpu.vector_load %arg8[%swap3A_424, %swap3A_425] {strides = array<i32>} : memref<128x16xf32, #tpu.memory_space<vmem>>, vector<1x16xf32>,
    %swap3A_427 = vector.shape_cast %swap3A_426 : vector<1x16xf32> to vector<16xf32>
    %swap3A_428 = vector.shape_cast %broadcast_in_dim3A_1 : vector<16xf32> to vector<1x16xf32>
    tpu.vector_store %arg8[%swap3A_424, %swap3A_425], %swap3A_428 {strides = array<i32>} : memref<128x16xf32, #tpu.memory_space<vmem>>, vector<1x16xf32>,
    %swap3A_429 = arith.constant 71 : i32
    %swap3A_430 = arith.index_cast %swap3A_429 : i32 to index
    %swap3A_431 = arith.constant 0 : index
    %swap3A_432 = tpu.vector_load %arg8[%swap3A_430, %swap3A_431] {strides = array<i32>} : memref<128x16xf32, #tpu.memory_space<vmem>>, vector<1x16xf32>,
    %swap3A_433 = vector.shape_cast %swap3A_432 : vector<1x16xf32> to vector<16xf32>
    %swap3A_434 = vector.shape_cast %broadcast_in_dim3A_1 : vector<16xf32> to vector<1x16xf32>
    tpu.vector_store %arg8[%swap3A_430, %swap3A_431], %swap3A_434 {strides = array<i32>} : memref<128x16xf32, #tpu.memory_space<vmem>>, vector<1x16xf32>,
    %swap3A_435 = arith.constant 72 : i32
    %swap3A_436 = arith.index_cast %swap3A_435 : i32 to index
    %swap3A_437 = arith.constant 0 : index
    %swap3A_438 = tpu.vector_load %arg8[%swap3A_436, %swap3A_437] {strides = array<i32>} : memref<128x16xf32, #tpu.memory_space<vmem>>, vector<1x16xf32>,
    %swap3A_439 = vector.shape_cast %swap3A_438 : vector<1x16xf32> to vector<16xf32>
    %swap3A_440 = vector.shape_cast %broadcast_in_dim3A_1 : vector<16xf32> to vector<1x16xf32>
    tpu.vector_store %arg8[%swap3A_436, %swap3A_437], %swap3A_440 {strides = array<i32>} : memref<128x16xf32, #tpu.memory_space<vmem>>, vector<1x16xf32>,
    %swap3A_441 = arith.constant 73 : i32
    %swap3A_442 = arith.index_cast %swap3A_441 : i32 to index
    %swap3A_443 = arith.constant 0 : index
    %swap3A_444 = tpu.vector_load %arg8[%swap3A_442, %swap3A_443] {strides = array<i32>} : memref<128x16xf32, #tpu.memory_space<vmem>>, vector<1x16xf32>,
    %swap3A_445 = vector.shape_cast %swap3A_444 : vector<1x16xf32> to vector<16xf32>
    %swap3A_446 = vector.shape_cast %broadcast_in_dim3A_1 : vector<16xf32> to vector<1x16xf32>
    tpu.vector_store %arg8[%swap3A_442, %swap3A_443], %swap3A_446 {strides = array<i32>} : memref<128x16xf32, #tpu.memory_space<vmem>>, vector<1x16xf32>,
    %swap3A_447 = arith.constant 74 : i32
    %swap3A_448 = arith.index_cast %swap3A_447 : i32 to index
    %swap3A_449 = arith.constant 0 : index
    %swap3A_450 = tpu.vector_load %arg8[%swap3A_448, %swap3A_449] {strides = array<i32>} : memref<128x16xf32, #tpu.memory_space<vmem>>, vector<1x16xf32>,
    %swap3A_451 = vector.shape_cast %swap3A_450 : vector<1x16xf32> to vector<16xf32>
    %swap3A_452 = vector.shape_cast %broadcast_in_dim3A_1 : vector<16xf32> to vector<1x16xf32>
    tpu.vector_store %arg8[%swap3A_448, %swap3A_449], %swap3A_452 {strides = array<i32>} : memref<128x16xf32, #tpu.memory_space<vmem>>, vector<1x16xf32>,
    %swap3A_453 = arith.constant 75 : i32
    %swap3A_454 = arith.index_cast %swap3A_453 : i32 to index
    %swap3A_455 = arith.constant 0 : index
    %swap3A_456 = tpu.vector_load %arg8[%swap3A_454, %swap3A_455] {strides = array<i32>} : memref<128x16xf32, #tpu.memory_space<vmem>>, vector<1x16xf32>,
    %swap3A_457 = vector.shape_cast %swap3A_456 : vector<1x16xf32> to vector<16xf32>
    %swap3A_458 = vector.shape_cast %broadcast_in_dim3A_1 : vector<16xf32> to vector<1x16xf32>
    tpu.vector_store %arg8[%swap3A_454, %swap3A_455], %swap3A_458 {strides = array<i32>} : memref<128x16xf32, #tpu.memory_space<vmem>>, vector<1x16xf32>,
    %swap3A_459 = arith.constant 76 : i32
    %swap3A_460 = arith.index_cast %swap3A_459 : i32 to index
    %swap3A_461 = arith.constant 0 : index
    %swap3A_462 = tpu.vector_load %arg8[%swap3A_460, %swap3A_461] {strides = array<i32>} : memref<128x16xf32, #tpu.memory_space<vmem>>, vector<1x16xf32>,
    %swap3A_463 = vector.shape_cast %swap3A_462 : vector<1x16xf32> to vector<16xf32>
    %swap3A_464 = vector.shape_cast %broadcast_in_dim3A_1 : vector<16xf32> to vector<1x16xf32>
    tpu.vector_store %arg8[%swap3A_460, %swap3A_461], %swap3A_464 {strides = array<i32>} : memref<128x16xf32, #tpu.memory_space<vmem>>, vector<1x16xf32>,
    %swap3A_465 = arith.constant 77 : i32
    %swap3A_466 = arith.index_cast %swap3A_465 : i32 to index
    %swap3A_467 = arith.constant 0 : index
    %swap3A_468 = tpu.vector_load %arg8[%swap3A_466, %swap3A_467] {strides = array<i32>} : memref<128x16xf32, #tpu.memory_space<vmem>>, vector<1x16xf32>,
    %swap3A_469 = vector.shape_cast %swap3A_468 : vector<1x16xf32> to vector<16xf32>
    %swap3A_470 = vector.shape_cast %broadcast_in_dim3A_1 : vector<16xf32> to vector<1x16xf32>
    tpu.vector_store %arg8[%swap3A_466, %swap3A_467], %swap3A_470 {strides = array<i32>} : memref<128x16xf32, #tpu.memory_space<vmem>>, vector<1x16xf32>,
    %swap3A_471 = arith.constant 78 : i32
    %swap3A_472 = arith.index_cast %swap3A_471 : i32 to index
    %swap3A_473 = arith.constant 0 : index
    %swap3A_474 = tpu.vector_load %arg8[%swap3A_472, %swap3A_473] {strides = array<i32>} : memref<128x16xf32, #tpu.memory_space<vmem>>, vector<1x16xf32>,
    %swap3A_475 = vector.shape_cast %swap3A_474 : vector<1x16xf32> to vector<16xf32>
    %swap3A_476 = vector.shape_cast %broadcast_in_dim3A_1 : vector<16xf32> to vector<1x16xf32>
    tpu.vector_store %arg8[%swap3A_472, %swap3A_473], %swap3A_476 {strides = array<i32>} : memref<128x16xf32, #tpu.memory_space<vmem>>, vector<1x16xf32>,
    %swap3A_477 = arith.constant 79 : i32
    %swap3A_478 = arith.index_cast %swap3A_477 : i32 to index
    %swap3A_479 = arith.constant 0 : index
    %swap3A_480 = tpu.vector_load %arg8[%swap3A_478, %swap3A_479] {strides = array<i32>} : memref<128x16xf32, #tpu.memory_space<vmem>>, vector<1x16xf32>,
    %swap3A_481 = vector.shape_cast %swap3A_480 : vector<1x16xf32> to vector<16xf32>
    %swap3A_482 = vector.shape_cast %broadcast_in_dim3A_1 : vector<16xf32> to vector<1x16xf32>
    tpu.vector_store %arg8[%swap3A_478, %swap3A_479], %swap3A_482 {strides = array<i32>} : memref<128x16xf32, #tpu.memory_space<vmem>>, vector<1x16xf32>,
    %swap3A_483 = arith.constant 80 : i32
    %swap3A_484 = arith.index_cast %swap3A_483 : i32 to index
    %swap3A_485 = arith.constant 0 : index
    %swap3A_486 = tpu.vector_load %arg8[%swap3A_484, %swap3A_485] {strides = array<i32>} : memref<128x16xf32, #tpu.memory_space<vmem>>, vector<1x16xf32>,
    %swap3A_487 = vector.shape_cast %swap3A_486 : vector<1x16xf32> to vector<16xf32>
    %swap3A_488 = vector.shape_cast %broadcast_in_dim3A_1 : vector<16xf32> to vector<1x16xf32>
    tpu.vector_store %arg8[%swap3A_484, %swap3A_485], %swap3A_488 {strides = array<i32>} : memref<128x16xf32, #tpu.memory_space<vmem>>, vector<1x16xf32>,
    %swap3A_489 = arith.constant 81 : i32
    %swap3A_490 = arith.index_cast %swap3A_489 : i32 to index
    %swap3A_491 = arith.constant 0 : index
    %swap3A_492 = tpu.vector_load %arg8[%swap3A_490, %swap3A_491] {strides = array<i32>} : memref<128x16xf32, #tpu.memory_space<vmem>>, vector<1x16xf32>,
    %swap3A_493 = vector.shape_cast %swap3A_492 : vector<1x16xf32> to vector<16xf32>
    %swap3A_494 = vector.shape_cast %broadcast_in_dim3A_1 : vector<16xf32> to vector<1x16xf32>
    tpu.vector_store %arg8[%swap3A_490, %swap3A_491], %swap3A_494 {strides = array<i32>} : memref<128x16xf32, #tpu.memory_space<vmem>>, vector<1x16xf32>,
    %swap3A_495 = arith.constant 82 : i32
    %swap3A_496 = arith.index_cast %swap3A_495 : i32 to index
    %swap3A_497 = arith.constant 0 : index
    %swap3A_498 = tpu.vector_load %arg8[%swap3A_496, %swap3A_497] {strides = array<i32>} : memref<128x16xf32, #tpu.memory_space<vmem>>, vector<1x16xf32>,
    %swap3A_499 = vector.shape_cast %swap3A_498 : vector<1x16xf32> to vector<16xf32>
    %swap3A_500 = vector.shape_cast %broadcast_in_dim3A_1 : vector<16xf32> to vector<1x16xf32>
    tpu.vector_store %arg8[%swap3A_496, %swap3A_497], %swap3A_500 {strides = array<i32>} : memref<128x16xf32, #tpu.memory_space<vmem>>, vector<1x16xf32>,
    %swap3A_501 = arith.constant 83 : i32
    %swap3A_502 = arith.index_cast %swap3A_501 : i32 to index
    %swap3A_503 = arith.constant 0 : index
    %swap3A_504 = tpu.vector_load %arg8[%swap3A_502, %swap3A_503] {strides = array<i32>} : memref<128x16xf32, #tpu.memory_space<vmem>>, vector<1x16xf32>,
    %swap3A_505 = vector.shape_cast %swap3A_504 : vector<1x16xf32> to vector<16xf32>
    %swap3A_506 = vector.shape_cast %broadcast_in_dim3A_1 : vector<16xf32> to vector<1x16xf32>
    tpu.vector_store %arg8[%swap3A_502, %swap3A_503], %swap3A_506 {strides = array<i32>} : memref<128x16xf32, #tpu.memory_space<vmem>>, vector<1x16xf32>,
    %swap3A_507 = arith.constant 84 : i32
    %swap3A_508 = arith.index_cast %swap3A_507 : i32 to index
    %swap3A_509 = arith.constant 0 : index
    %swap3A_510 = tpu.vector_load %arg8[%swap3A_508, %swap3A_509] {strides = array<i32>} : memref<128x16xf32, #tpu.memory_space<vmem>>, vector<1x16xf32>,
    %swap3A_511 = vector.shape_cast %swap3A_510 : vector<1x16xf32> to vector<16xf32>
    %swap3A_512 = vector.shape_cast %broadcast_in_dim3A_1 : vector<16xf32> to vector<1x16xf32>
    tpu.vector_store %arg8[%swap3A_508, %swap3A_509], %swap3A_512 {strides = array<i32>} : memref<128x16xf32, #tpu.memory_space<vmem>>, vector<1x16xf32>,
    %swap3A_513 = arith.constant 85 : i32
    %swap3A_514 = arith.index_cast %swap3A_513 : i32 to index
    %swap3A_515 = arith.constant 0 : index
    %swap3A_516 = tpu.vector_load %arg8[%swap3A_514, %swap3A_515] {strides = array<i32>} : memref<128x16xf32, #tpu.memory_space<vmem>>, vector<1x16xf32>,
    %swap3A_517 = vector.shape_cast %swap3A_516 : vector<1x16xf32> to vector<16xf32>
    %swap3A_518 = vector.shape_cast %broadcast_in_dim3A_1 : vector<16xf32> to vector<1x16xf32>
    tpu.vector_store %arg8[%swap3A_514, %swap3A_515], %swap3A_518 {strides = array<i32>} : memref<128x16xf32, #tpu.memory_space<vmem>>, vector<1x16xf32>,
    %swap3A_519 = arith.constant 86 : i32
    %swap3A_520 = arith.index_cast %swap3A_519 : i32 to index
    %swap3A_521 = arith.constant 0 : index
    %swap3A_522 = tpu.vector_load %arg8[%swap3A_520, %swap3A_521] {strides = array<i32>} : memref<128x16xf32, #tpu.memory_space<vmem>>, vector<1x16xf32>,
    %swap3A_523 = vector.shape_cast %swap3A_522 : vector<1x16xf32> to vector<16xf32>
    %swap3A_524 = vector.shape_cast %broadcast_in_dim3A_1 : vector<16xf32> to vector<1x16xf32>
    tpu.vector_store %arg8[%swap3A_520, %swap3A_521], %swap3A_524 {strides = array<i32>} : memref<128x16xf32, #tpu.memory_space<vmem>>, vector<1x16xf32>,
    %swap3A_525 = arith.constant 87 : i32
    %swap3A_526 = arith.index_cast %swap3A_525 : i32 to index
    %swap3A_527 = arith.constant 0 : index
    %swap3A_528 = tpu.vector_load %arg8[%swap3A_526, %swap3A_527] {strides = array<i32>} : memref<128x16xf32, #tpu.memory_space<vmem>>, vector<1x16xf32>,
    %swap3A_529 = vector.shape_cast %swap3A_528 : vector<1x16xf32> to vector<16xf32>
    %swap3A_530 = vector.shape_cast %broadcast_in_dim3A_1 : vector<16xf32> to vector<1x16xf32>
    tpu.vector_store %arg8[%swap3A_526, %swap3A_527], %swap3A_530 {strides = array<i32>} : memref<128x16xf32, #tpu.memory_space<vmem>>, vector<1x16xf32>,
    %swap3A_531 = arith.constant 88 : i32
    %swap3A_532 = arith.index_cast %swap3A_531 : i32 to index
    %swap3A_533 = arith.constant 0 : index
    %swap3A_534 = tpu.vector_load %arg8[%swap3A_532, %swap3A_533] {strides = array<i32>} : memref<128x16xf32, #tpu.memory_space<vmem>>, vector<1x16xf32>,
    %swap3A_535 = vector.shape_cast %swap3A_534 : vector<1x16xf32> to vector<16xf32>
    %swap3A_536 = vector.shape_cast %broadcast_in_dim3A_1 : vector<16xf32> to vector<1x16xf32>
    tpu.vector_store %arg8[%swap3A_532, %swap3A_533], %swap3A_536 {strides = array<i32>} : memref<128x16xf32, #tpu.memory_space<vmem>>, vector<1x16xf32>,
    %swap3A_537 = arith.constant 89 : i32
    %swap3A_538 = arith.index_cast %swap3A_537 : i32 to index
    %swap3A_539 = arith.constant 0 : index
    %swap3A_540 = tpu.vector_load %arg8[%swap3A_538, %swap3A_539] {strides = array<i32>} : memref<128x16xf32, #tpu.memory_space<vmem>>, vector<1x16xf32>,
    %swap3A_541 = vector.shape_cast %swap3A_540 : vector<1x16xf32> to vector<16xf32>
    %swap3A_542 = vector.shape_cast %broadcast_in_dim3A_1 : vector<16xf32> to vector<1x16xf32>
    tpu.vector_store %arg8[%swap3A_538, %swap3A_539], %swap3A_542 {strides = array<i32>} : memref<128x16xf32, #tpu.memory_space<vmem>>, vector<1x16xf32>,
    %swap3A_543 = arith.constant 90 : i32
    %swap3A_544 = arith.index_cast %swap3A_543 : i32 to index
    %swap3A_545 = arith.constant 0 : index
    %swap3A_546 = tpu.vector_load %arg8[%swap3A_544, %swap3A_545] {strides = array<i32>} : memref<128x16xf32, #tpu.memory_space<vmem>>, vector<1x16xf32>,
    %swap3A_547 = vector.shape_cast %swap3A_546 : vector<1x16xf32> to vector<16xf32>
    %swap3A_548 = vector.shape_cast %broadcast_in_dim3A_1 : vector<16xf32> to vector<1x16xf32>
    tpu.vector_store %arg8[%swap3A_544, %swap3A_545], %swap3A_548 {strides = array<i32>} : memref<128x16xf32, #tpu.memory_space<vmem>>, vector<1x16xf32>,
    %swap3A_549 = arith.constant 91 : i32
    %swap3A_550 = arith.index_cast %swap3A_549 : i32 to index
    %swap3A_551 = arith.constant 0 : index
    %swap3A_552 = tpu.vector_load %arg8[%swap3A_550, %swap3A_551] {strides = array<i32>} : memref<128x16xf32, #tpu.memory_space<vmem>>, vector<1x16xf32>,
    %swap3A_553 = vector.shape_cast %swap3A_552 : vector<1x16xf32> to vector<16xf32>
    %swap3A_554 = vector.shape_cast %broadcast_in_dim3A_1 : vector<16xf32> to vector<1x16xf32>
    tpu.vector_store %arg8[%swap3A_550, %swap3A_551], %swap3A_554 {strides = array<i32>} : memref<128x16xf32, #tpu.memory_space<vmem>>, vector<1x16xf32>,
    %swap3A_555 = arith.constant 92 : i32
    %swap3A_556 = arith.index_cast %swap3A_555 : i32 to index
    %swap3A_557 = arith.constant 0 : index
    %swap3A_558 = tpu.vector_load %arg8[%swap3A_556, %swap3A_557] {strides = array<i32>} : memref<128x16xf32, #tpu.memory_space<vmem>>, vector<1x16xf32>,
    %swap3A_559 = vector.shape_cast %swap3A_558 : vector<1x16xf32> to vector<16xf32>
    %swap3A_560 = vector.shape_cast %broadcast_in_dim3A_1 : vector<16xf32> to vector<1x16xf32>
    tpu.vector_store %arg8[%swap3A_556, %swap3A_557], %swap3A_560 {strides = array<i32>} : memref<128x16xf32, #tpu.memory_space<vmem>>, vector<1x16xf32>,
    %swap3A_561 = arith.constant 93 : i32
    %swap3A_562 = arith.index_cast %swap3A_561 : i32 to index
    %swap3A_563 = arith.constant 0 : index
    %swap3A_564 = tpu.vector_load %arg8[%swap3A_562, %swap3A_563] {strides = array<i32>} : memref<128x16xf32, #tpu.memory_space<vmem>>, vector<1x16xf32>,
    %swap3A_565 = vector.shape_cast %swap3A_564 : vector<1x16xf32> to vector<16xf32>
    %swap3A_566 = vector.shape_cast %broadcast_in_dim3A_1 : vector<16xf32> to vector<1x16xf32>
    tpu.vector_store %arg8[%swap3A_562, %swap3A_563], %swap3A_566 {strides = array<i32>} : memref<128x16xf32, #tpu.memory_space<vmem>>, vector<1x16xf32>,
    %swap3A_567 = arith.constant 94 : i32
    %swap3A_568 = arith.index_cast %swap3A_567 : i32 to index
    %swap3A_569 = arith.constant 0 : index
    %swap3A_570 = tpu.vector_load %arg8[%swap3A_568, %swap3A_569] {strides = array<i32>} : memref<128x16xf32, #tpu.memory_space<vmem>>, vector<1x16xf32>,
    %swap3A_571 = vector.shape_cast %swap3A_570 : vector<1x16xf32> to vector<16xf32>
    %swap3A_572 = vector.shape_cast %broadcast_in_dim3A_1 : vector<16xf32> to vector<1x16xf32>
    tpu.vector_store %arg8[%swap3A_568, %swap3A_569], %swap3A_572 {strides = array<i32>} : memref<128x16xf32, #tpu.memory_space<vmem>>, vector<1x16xf32>,
    %swap3A_573 = arith.constant 95 : i32
    %swap3A_574 = arith.index_cast %swap3A_573 : i32 to index
    %swap3A_575 = arith.constant 0 : index
    %swap3A_576 = tpu.vector_load %arg8[%swap3A_574, %swap3A_575] {strides = array<i32>} : memref<128x16xf32, #tpu.memory_space<vmem>>, vector<1x16xf32>,
    %swap3A_577 = vector.shape_cast %swap3A_576 : vector<1x16xf32> to vector<16xf32>
    %swap3A_578 = vector.shape_cast %broadcast_in_dim3A_1 : vector<16xf32> to vector<1x16xf32>
    tpu.vector_store %arg8[%swap3A_574, %swap3A_575], %swap3A_578 {strides = array<i32>} : memref<128x16xf32, #tpu.memory_space<vmem>>, vector<1x16xf32>,
    %swap3A_579 = arith.constant 96 : i32
    %swap3A_580 = arith.index_cast %swap3A_579 : i32 to index
    %swap3A_581 = arith.constant 0 : index
    %swap3A_582 = tpu.vector_load %arg8[%swap3A_580, %swap3A_581] {strides = array<i32>} : memref<128x16xf32, #tpu.memory_space<vmem>>, vector<1x16xf32>,
    %swap3A_583 = vector.shape_cast %swap3A_582 : vector<1x16xf32> to vector<16xf32>
    %swap3A_584 = vector.shape_cast %broadcast_in_dim3A_1 : vector<16xf32> to vector<1x16xf32>
    tpu.vector_store %arg8[%swap3A_580, %swap3A_581], %swap3A_584 {strides = array<i32>} : memref<128x16xf32, #tpu.memory_space<vmem>>, vector<1x16xf32>,
    %swap3A_585 = arith.constant 97 : i32
    %swap3A_586 = arith.index_cast %swap3A_585 : i32 to index
    %swap3A_587 = arith.constant 0 : index
    %swap3A_588 = tpu.vector_load %arg8[%swap3A_586, %swap3A_587] {strides = array<i32>} : memref<128x16xf32, #tpu.memory_space<vmem>>, vector<1x16xf32>,
    %swap3A_589 = vector.shape_cast %swap3A_588 : vector<1x16xf32> to vector<16xf32>
    %swap3A_590 = vector.shape_cast %broadcast_in_dim3A_1 : vector<16xf32> to vector<1x16xf32>
    tpu.vector_store %arg8[%swap3A_586, %swap3A_587], %swap3A_590 {strides = array<i32>} : memref<128x16xf32, #tpu.memory_space<vmem>>, vector<1x16xf32>,
    %swap3A_591 = arith.constant 98 : i32
    %swap3A_592 = arith.index_cast %swap3A_591 : i32 to index
    %swap3A_593 = arith.constant 0 : index
    %swap3A_594 = tpu.vector_load %arg8[%swap3A_592, %swap3A_593] {strides = array<i32>} : memref<128x16xf32, #tpu.memory_space<vmem>>, vector<1x16xf32>,
    %swap3A_595 = vector.shape_cast %swap3A_594 : vector<1x16xf32> to vector<16xf32>
    %swap3A_596 = vector.shape_cast %broadcast_in_dim3A_1 : vector<16xf32> to vector<1x16xf32>
    tpu.vector_store %arg8[%swap3A_592, %swap3A_593], %swap3A_596 {strides = array<i32>} : memref<128x16xf32, #tpu.memory_space<vmem>>, vector<1x16xf32>,
    %swap3A_597 = arith.constant 99 : i32
    %swap3A_598 = arith.index_cast %swap3A_597 : i32 to index
    %swap3A_599 = arith.constant 0 : index
    %swap3A_600 = tpu.vector_load %arg8[%swap3A_598, %swap3A_599] {strides = array<i32>} : memref<128x16xf32, #tpu.memory_space<vmem>>, vector<1x16xf32>,
    %swap3A_601 = vector.shape_cast %swap3A_600 : vector<1x16xf32> to vector<16xf32>
    %swap3A_602 = vector.shape_cast %broadcast_in_dim3A_1 : vector<16xf32> to vector<1x16xf32>
    tpu.vector_store %arg8[%swap3A_598, %swap3A_599], %swap3A_602 {strides = array<i32>} : memref<128x16xf32, #tpu.memory_space<vmem>>, vector<1x16xf32>,
    %swap3A_603 = arith.constant 100 : i32
    %swap3A_604 = arith.index_cast %swap3A_603 : i32 to index
    %swap3A_605 = arith.constant 0 : index
    %swap3A_606 = tpu.vector_load %arg8[%swap3A_604, %swap3A_605] {strides = array<i32>} : memref<128x16xf32, #tpu.memory_space<vmem>>, vector<1x16xf32>,
    %swap3A_607 = vector.shape_cast %swap3A_606 : vector<1x16xf32> to vector<16xf32>
    %swap3A_608 = vector.shape_cast %broadcast_in_dim3A_1 : vector<16xf32> to vector<1x16xf32>
    tpu.vector_store %arg8[%swap3A_604, %swap3A_605], %swap3A_608 {strides = array<i32>} : memref<128x16xf32, #tpu.memory_space<vmem>>, vector<1x16xf32>,
    %swap3A_609 = arith.constant 101 : i32
    %swap3A_610 = arith.index_cast %swap3A_609 : i32 to index
    %swap3A_611 = arith.constant 0 : index
    %swap3A_612 = tpu.vector_load %arg8[%swap3A_610, %swap3A_611] {strides = array<i32>} : memref<128x16xf32, #tpu.memory_space<vmem>>, vector<1x16xf32>,
    %swap3A_613 = vector.shape_cast %swap3A_612 : vector<1x16xf32> to vector<16xf32>
    %swap3A_614 = vector.shape_cast %broadcast_in_dim3A_1 : vector<16xf32> to vector<1x16xf32>
    tpu.vector_store %arg8[%swap3A_610, %swap3A_611], %swap3A_614 {strides = array<i32>} : memref<128x16xf32, #tpu.memory_space<vmem>>, vector<1x16xf32>,
    %swap3A_615 = arith.constant 102 : i32
    %swap3A_616 = arith.index_cast %swap3A_615 : i32 to index
    %swap3A_617 = arith.constant 0 : index
    %swap3A_618 = tpu.vector_load %arg8[%swap3A_616, %swap3A_617] {strides = array<i32>} : memref<128x16xf32, #tpu.memory_space<vmem>>, vector<1x16xf32>,
    %swap3A_619 = vector.shape_cast %swap3A_618 : vector<1x16xf32> to vector<16xf32>
    %swap3A_620 = vector.shape_cast %broadcast_in_dim3A_1 : vector<16xf32> to vector<1x16xf32>
    tpu.vector_store %arg8[%swap3A_616, %swap3A_617], %swap3A_620 {strides = array<i32>} : memref<128x16xf32, #tpu.memory_space<vmem>>, vector<1x16xf32>,
    %swap3A_621 = arith.constant 103 : i32
    %swap3A_622 = arith.index_cast %swap3A_621 : i32 to index
    %swap3A_623 = arith.constant 0 : index
    %swap3A_624 = tpu.vector_load %arg8[%swap3A_622, %swap3A_623] {strides = array<i32>} : memref<128x16xf32, #tpu.memory_space<vmem>>, vector<1x16xf32>,
    %swap3A_625 = vector.shape_cast %swap3A_624 : vector<1x16xf32> to vector<16xf32>
    %swap3A_626 = vector.shape_cast %broadcast_in_dim3A_1 : vector<16xf32> to vector<1x16xf32>
    tpu.vector_store %arg8[%swap3A_622, %swap3A_623], %swap3A_626 {strides = array<i32>} : memref<128x16xf32, #tpu.memory_space<vmem>>, vector<1x16xf32>,
    %swap3A_627 = arith.constant 104 : i32
    %swap3A_628 = arith.index_cast %swap3A_627 : i32 to index
    %swap3A_629 = arith.constant 0 : index
    %swap3A_630 = tpu.vector_load %arg8[%swap3A_628, %swap3A_629] {strides = array<i32>} : memref<128x16xf32, #tpu.memory_space<vmem>>, vector<1x16xf32>,
    %swap3A_631 = vector.shape_cast %swap3A_630 : vector<1x16xf32> to vector<16xf32>
    %swap3A_632 = vector.shape_cast %broadcast_in_dim3A_1 : vector<16xf32> to vector<1x16xf32>
    tpu.vector_store %arg8[%swap3A_628, %swap3A_629], %swap3A_632 {strides = array<i32>} : memref<128x16xf32, #tpu.memory_space<vmem>>, vector<1x16xf32>,
    %swap3A_633 = arith.constant 105 : i32
    %swap3A_634 = arith.index_cast %swap3A_633 : i32 to index
    %swap3A_635 = arith.constant 0 : index
    %swap3A_636 = tpu.vector_load %arg8[%swap3A_634, %swap3A_635] {strides = array<i32>} : memref<128x16xf32, #tpu.memory_space<vmem>>, vector<1x16xf32>,
    %swap3A_637 = vector.shape_cast %swap3A_636 : vector<1x16xf32> to vector<16xf32>
    %swap3A_638 = vector.shape_cast %broadcast_in_dim3A_1 : vector<16xf32> to vector<1x16xf32>
    tpu.vector_store %arg8[%swap3A_634, %swap3A_635], %swap3A_638 {strides = array<i32>} : memref<128x16xf32, #tpu.memory_space<vmem>>, vector<1x16xf32>,
    %swap3A_639 = arith.constant 106 : i32
    %swap3A_640 = arith.index_cast %swap3A_639 : i32 to index
    %swap3A_641 = arith.constant 0 : index
    %swap3A_642 = tpu.vector_load %arg8[%swap3A_640, %swap3A_641] {strides = array<i32>} : memref<128x16xf32, #tpu.memory_space<vmem>>, vector<1x16xf32>,
    %swap3A_643 = vector.shape_cast %swap3A_642 : vector<1x16xf32> to vector<16xf32>
    %swap3A_644 = vector.shape_cast %broadcast_in_dim3A_1 : vector<16xf32> to vector<1x16xf32>
    tpu.vector_store %arg8[%swap3A_640, %swap3A_641], %swap3A_644 {strides = array<i32>} : memref<128x16xf32, #tpu.memory_space<vmem>>, vector<1x16xf32>,
    %swap3A_645 = arith.constant 107 : i32
    %swap3A_646 = arith.index_cast %swap3A_645 : i32 to index
    %swap3A_647 = arith.constant 0 : index
    %swap3A_648 = tpu.vector_load %arg8[%swap3A_646, %swap3A_647] {strides = array<i32>} : memref<128x16xf32, #tpu.memory_space<vmem>>, vector<1x16xf32>,
    %swap3A_649 = vector.shape_cast %swap3A_648 : vector<1x16xf32> to vector<16xf32>
    %swap3A_650 = vector.shape_cast %broadcast_in_dim3A_1 : vector<16xf32> to vector<1x16xf32>
    tpu.vector_store %arg8[%swap3A_646, %swap3A_647], %swap3A_650 {strides = array<i32>} : memref<128x16xf32, #tpu.memory_space<vmem>>, vector<1x16xf32>,
    %swap3A_651 = arith.constant 108 : i32
    %swap3A_652 = arith.index_cast %swap3A_651 : i32 to index
    %swap3A_653 = arith.constant 0 : index
    %swap3A_654 = tpu.vector_load %arg8[%swap3A_652, %swap3A_653] {strides = array<i32>} : memref<128x16xf32, #tpu.memory_space<vmem>>, vector<1x16xf32>,
    %swap3A_655 = vector.shape_cast %swap3A_654 : vector<1x16xf32> to vector<16xf32>
    %swap3A_656 = vector.shape_cast %broadcast_in_dim3A_1 : vector<16xf32> to vector<1x16xf32>
    tpu.vector_store %arg8[%swap3A_652, %swap3A_653], %swap3A_656 {strides = array<i32>} : memref<128x16xf32, #tpu.memory_space<vmem>>, vector<1x16xf32>,
    %swap3A_657 = arith.constant 109 : i32
    %swap3A_658 = arith.index_cast %swap3A_657 : i32 to index
    %swap3A_659 = arith.constant 0 : index
    %swap3A_660 = tpu.vector_load %arg8[%swap3A_658, %swap3A_659] {strides = array<i32>} : memref<128x16xf32, #tpu.memory_space<vmem>>, vector<1x16xf32>,
    %swap3A_661 = vector.shape_cast %swap3A_660 : vector<1x16xf32> to vector<16xf32>
    %swap3A_662 = vector.shape_cast %broadcast_in_dim3A_1 : vector<16xf32> to vector<1x16xf32>
    tpu.vector_store %arg8[%swap3A_658, %swap3A_659], %swap3A_662 {strides = array<i32>} : memref<128x16xf32, #tpu.memory_space<vmem>>, vector<1x16xf32>,
    %swap3A_663 = arith.constant 110 : i32
    %swap3A_664 = arith.index_cast %swap3A_663 : i32 to index
    %swap3A_665 = arith.constant 0 : index
    %swap3A_666 = tpu.vector_load %arg8[%swap3A_664, %swap3A_665] {strides = array<i32>} : memref<128x16xf32, #tpu.memory_space<vmem>>, vector<1x16xf32>,
    %swap3A_667 = vector.shape_cast %swap3A_666 : vector<1x16xf32> to vector<16xf32>
    %swap3A_668 = vector.shape_cast %broadcast_in_dim3A_1 : vector<16xf32> to vector<1x16xf32>
    tpu.vector_store %arg8[%swap3A_664, %swap3A_665], %swap3A_668 {strides = array<i32>} : memref<128x16xf32, #tpu.memory_space<vmem>>, vector<1x16xf32>,
    %swap3A_669 = arith.constant 111 : i32
    %swap3A_670 = arith.index_cast %swap3A_669 : i32 to index
    %swap3A_671 = arith.constant 0 : index
    %swap3A_672 = tpu.vector_load %arg8[%swap3A_670, %swap3A_671] {strides = array<i32>} : memref<128x16xf32, #tpu.memory_space<vmem>>, vector<1x16xf32>,
    %swap3A_673 = vector.shape_cast %swap3A_672 : vector<1x16xf32> to vector<16xf32>
    %swap3A_674 = vector.shape_cast %broadcast_in_dim3A_1 : vector<16xf32> to vector<1x16xf32>
    tpu.vector_store %arg8[%swap3A_670, %swap3A_671], %swap3A_674 {strides = array<i32>} : memref<128x16xf32, #tpu.memory_space<vmem>>, vector<1x16xf32>,
    %swap3A_675 = arith.constant 112 : i32
    %swap3A_676 = arith.index_cast %swap3A_675 : i32 to index
    %swap3A_677 = arith.constant 0 : index
    %swap3A_678 = tpu.vector_load %arg8[%swap3A_676, %swap3A_677] {strides = array<i32>} : memref<128x16xf32, #tpu.memory_space<vmem>>, vector<1x16xf32>,
    %swap3A_679 = vector.shape_cast %swap3A_678 : vector<1x16xf32> to vector<16xf32>
    %swap3A_680 = vector.shape_cast %broadcast_in_dim3A_1 : vector<16xf32> to vector<1x16xf32>
    tpu.vector_store %arg8[%swap3A_676, %swap3A_677], %swap3A_680 {strides = array<i32>} : memref<128x16xf32, #tpu.memory_space<vmem>>, vector<1x16xf32>,
    %swap3A_681 = arith.constant 113 : i32
    %swap3A_682 = arith.index_cast %swap3A_681 : i32 to index
    %swap3A_683 = arith.constant 0 : index
    %swap3A_684 = tpu.vector_load %arg8[%swap3A_682, %swap3A_683] {strides = array<i32>} : memref<128x16xf32, #tpu.memory_space<vmem>>, vector<1x16xf32>,
    %swap3A_685 = vector.shape_cast %swap3A_684 : vector<1x16xf32> to vector<16xf32>
    %swap3A_686 = vector.shape_cast %broadcast_in_dim3A_1 : vector<16xf32> to vector<1x16xf32>
    tpu.vector_store %arg8[%swap3A_682, %swap3A_683], %swap3A_686 {strides = array<i32>} : memref<128x16xf32, #tpu.memory_space<vmem>>, vector<1x16xf32>,
    %swap3A_687 = arith.constant 114 : i32
    %swap3A_688 = arith.index_cast %swap3A_687 : i32 to index
    %swap3A_689 = arith.constant 0 : index
    %swap3A_690 = tpu.vector_load %arg8[%swap3A_688, %swap3A_689] {strides = array<i32>} : memref<128x16xf32, #tpu.memory_space<vmem>>, vector<1x16xf32>,
    %swap3A_691 = vector.shape_cast %swap3A_690 : vector<1x16xf32> to vector<16xf32>
    %swap3A_692 = vector.shape_cast %broadcast_in_dim3A_1 : vector<16xf32> to vector<1x16xf32>
    tpu.vector_store %arg8[%swap3A_688, %swap3A_689], %swap3A_692 {strides = array<i32>} : memref<128x16xf32, #tpu.memory_space<vmem>>, vector<1x16xf32>,
    %swap3A_693 = arith.constant 115 : i32
    %swap3A_694 = arith.index_cast %swap3A_693 : i32 to index
    %swap3A_695 = arith.constant 0 : index
    %swap3A_696 = tpu.vector_load %arg8[%swap3A_694, %swap3A_695] {strides = array<i32>} : memref<128x16xf32, #tpu.memory_space<vmem>>, vector<1x16xf32>,
    %swap3A_697 = vector.shape_cast %swap3A_696 : vector<1x16xf32> to vector<16xf32>
    %swap3A_698 = vector.shape_cast %broadcast_in_dim3A_1 : vector<16xf32> to vector<1x16xf32>
    tpu.vector_store %arg8[%swap3A_694, %swap3A_695], %swap3A_698 {strides = array<i32>} : memref<128x16xf32, #tpu.memory_space<vmem>>, vector<1x16xf32>,
    %swap3A_699 = arith.constant 116 : i32
    %swap3A_700 = arith.index_cast %swap3A_699 : i32 to index
    %swap3A_701 = arith.constant 0 : index
    %swap3A_702 = tpu.vector_load %arg8[%swap3A_700, %swap3A_701] {strides = array<i32>} : memref<128x16xf32, #tpu.memory_space<vmem>>, vector<1x16xf32>,
    %swap3A_703 = vector.shape_cast %swap3A_702 : vector<1x16xf32> to vector<16xf32>
    %swap3A_704 = vector.shape_cast %broadcast_in_dim3A_1 : vector<16xf32> to vector<1x16xf32>
    tpu.vector_store %arg8[%swap3A_700, %swap3A_701], %swap3A_704 {strides = array<i32>} : memref<128x16xf32, #tpu.memory_space<vmem>>, vector<1x16xf32>,
    %swap3A_705 = arith.constant 117 : i32
    %swap3A_706 = arith.index_cast %swap3A_705 : i32 to index
    %swap3A_707 = arith.constant 0 : index
    %swap3A_708 = tpu.vector_load %arg8[%swap3A_706, %swap3A_707] {strides = array<i32>} : memref<128x16xf32, #tpu.memory_space<vmem>>, vector<1x16xf32>,
    %swap3A_709 = vector.shape_cast %swap3A_708 : vector<1x16xf32> to vector<16xf32>
    %swap3A_710 = vector.shape_cast %broadcast_in_dim3A_1 : vector<16xf32> to vector<1x16xf32>
    tpu.vector_store %arg8[%swap3A_706, %swap3A_707], %swap3A_710 {strides = array<i32>} : memref<128x16xf32, #tpu.memory_space<vmem>>, vector<1x16xf32>,
    %swap3A_711 = arith.constant 118 : i32
    %swap3A_712 = arith.index_cast %swap3A_711 : i32 to index
    %swap3A_713 = arith.constant 0 : index
    %swap3A_714 = tpu.vector_load %arg8[%swap3A_712, %swap3A_713] {strides = array<i32>} : memref<128x16xf32, #tpu.memory_space<vmem>>, vector<1x16xf32>,
    %swap3A_715 = vector.shape_cast %swap3A_714 : vector<1x16xf32> to vector<16xf32>
    %swap3A_716 = vector.shape_cast %broadcast_in_dim3A_1 : vector<16xf32> to vector<1x16xf32>
    tpu.vector_store %arg8[%swap3A_712, %swap3A_713], %swap3A_716 {strides = array<i32>} : memref<128x16xf32, #tpu.memory_space<vmem>>, vector<1x16xf32>,
    %swap3A_717 = arith.constant 119 : i32
    %swap3A_718 = arith.index_cast %swap3A_717 : i32 to index
    %swap3A_719 = arith.constant 0 : index
    %swap3A_720 = tpu.vector_load %arg8[%swap3A_718, %swap3A_719] {strides = array<i32>} : memref<128x16xf32, #tpu.memory_space<vmem>>, vector<1x16xf32>,
    %swap3A_721 = vector.shape_cast %swap3A_720 : vector<1x16xf32> to vector<16xf32>
    %swap3A_722 = vector.shape_cast %broadcast_in_dim3A_1 : vector<16xf32> to vector<1x16xf32>
    tpu.vector_store %arg8[%swap3A_718, %swap3A_719], %swap3A_722 {strides = array<i32>} : memref<128x16xf32, #tpu.memory_space<vmem>>, vector<1x16xf32>,
    %swap3A_723 = arith.constant 120 : i32
    %swap3A_724 = arith.index_cast %swap3A_723 : i32 to index
    %swap3A_725 = arith.constant 0 : index
    %swap3A_726 = tpu.vector_load %arg8[%swap3A_724, %swap3A_725] {strides = array<i32>} : memref<128x16xf32, #tpu.memory_space<vmem>>, vector<1x16xf32>,
    %swap3A_727 = vector.shape_cast %swap3A_726 : vector<1x16xf32> to vector<16xf32>
    %swap3A_728 = vector.shape_cast %broadcast_in_dim3A_1 : vector<16xf32> to vector<1x16xf32>
    tpu.vector_store %arg8[%swap3A_724, %swap3A_725], %swap3A_728 {strides = array<i32>} : memref<128x16xf32, #tpu.memory_space<vmem>>, vector<1x16xf32>,
    %swap3A_729 = arith.constant 121 : i32
    %swap3A_730 = arith.index_cast %swap3A_729 : i32 to index
    %swap3A_731 = arith.constant 0 : index
    %swap3A_732 = tpu.vector_load %arg8[%swap3A_730, %swap3A_731] {strides = array<i32>} : memref<128x16xf32, #tpu.memory_space<vmem>>, vector<1x16xf32>,
    %swap3A_733 = vector.shape_cast %swap3A_732 : vector<1x16xf32> to vector<16xf32>
    %swap3A_734 = vector.shape_cast %broadcast_in_dim3A_1 : vector<16xf32> to vector<1x16xf32>
    tpu.vector_store %arg8[%swap3A_730, %swap3A_731], %swap3A_734 {strides = array<i32>} : memref<128x16xf32, #tpu.memory_space<vmem>>, vector<1x16xf32>,
    %swap3A_735 = arith.constant 122 : i32
    %swap3A_736 = arith.index_cast %swap3A_735 : i32 to index
    %swap3A_737 = arith.constant 0 : index
    %swap3A_738 = tpu.vector_load %arg8[%swap3A_736, %swap3A_737] {strides = array<i32>} : memref<128x16xf32, #tpu.memory_space<vmem>>, vector<1x16xf32>,
    %swap3A_739 = vector.shape_cast %swap3A_738 : vector<1x16xf32> to vector<16xf32>
    %swap3A_740 = vector.shape_cast %broadcast_in_dim3A_1 : vector<16xf32> to vector<1x16xf32>
    tpu.vector_store %arg8[%swap3A_736, %swap3A_737], %swap3A_740 {strides = array<i32>} : memref<128x16xf32, #tpu.memory_space<vmem>>, vector<1x16xf32>,
    %swap3A_741 = arith.constant 123 : i32
    %swap3A_742 = arith.index_cast %swap3A_741 : i32 to index
    %swap3A_743 = arith.constant 0 : index
    %swap3A_744 = tpu.vector_load %arg8[%swap3A_742, %swap3A_743] {strides = array<i32>} : memref<128x16xf32, #tpu.memory_space<vmem>>, vector<1x16xf32>,
    %swap3A_745 = vector.shape_cast %swap3A_744 : vector<1x16xf32> to vector<16xf32>
    %swap3A_746 = vector.shape_cast %broadcast_in_dim3A_1 : vector<16xf32> to vector<1x16xf32>
    tpu.vector_store %arg8[%swap3A_742, %swap3A_743], %swap3A_746 {strides = array<i32>} : memref<128x16xf32, #tpu.memory_space<vmem>>, vector<1x16xf32>,
    %swap3A_747 = arith.constant 124 : i32
    %swap3A_748 = arith.index_cast %swap3A_747 : i32 to index
    %swap3A_749 = arith.constant 0 : index
    %swap3A_750 = tpu.vector_load %arg8[%swap3A_748, %swap3A_749] {strides = array<i32>} : memref<128x16xf32, #tpu.memory_space<vmem>>, vector<1x16xf32>,
    %swap3A_751 = vector.shape_cast %swap3A_750 : vector<1x16xf32> to vector<16xf32>
    %swap3A_752 = vector.shape_cast %broadcast_in_dim3A_1 : vector<16xf32> to vector<1x16xf32>
    tpu.vector_store %arg8[%swap3A_748, %swap3A_749], %swap3A_752 {strides = array<i32>} : memref<128x16xf32, #tpu.memory_space<vmem>>, vector<1x16xf32>,
    %swap3A_753 = arith.constant 125 : i32
    %swap3A_754 = arith.index_cast %swap3A_753 : i32 to index
    %swap3A_755 = arith.constant 0 : index
    %swap3A_756 = tpu.vector_load %arg8[%swap3A_754, %swap3A_755] {strides = array<i32>} : memref<128x16xf32, #tpu.memory_space<vmem>>, vector<1x16xf32>,
    %swap3A_757 = vector.shape_cast %swap3A_756 : vector<1x16xf32> to vector<16xf32>
    %swap3A_758 = vector.shape_cast %broadcast_in_dim3A_1 : vector<16xf32> to vector<1x16xf32>
    tpu.vector_store %arg8[%swap3A_754, %swap3A_755], %swap3A_758 {strides = array<i32>} : memref<128x16xf32, #tpu.memory_space<vmem>>, vector<1x16xf32>,
    %swap3A_759 = arith.constant 126 : i32
    %swap3A_760 = arith.index_cast %swap3A_759 : i32 to index
    %swap3A_761 = arith.constant 0 : index
    %swap3A_762 = tpu.vector_load %arg8[%swap3A_760, %swap3A_761] {strides = array<i32>} : memref<128x16xf32, #tpu.memory_space<vmem>>, vector<1x16xf32>,
    %swap3A_763 = vector.shape_cast %swap3A_762 : vector<1x16xf32> to vector<16xf32>
    %swap3A_764 = vector.shape_cast %broadcast_in_dim3A_1 : vector<16xf32> to vector<1x16xf32>
    tpu.vector_store %arg8[%swap3A_760, %swap3A_761], %swap3A_764 {strides = array<i32>} : memref<128x16xf32, #tpu.memory_space<vmem>>, vector<1x16xf32>,
    %swap3A_765 = arith.constant 127 : i32
    %swap3A_766 = arith.index_cast %swap3A_765 : i32 to index
    %swap3A_767 = arith.constant 0 : index
    %swap3A_768 = tpu.vector_load %arg8[%swap3A_766, %swap3A_767] {strides = array<i32>} : memref<128x16xf32, #tpu.memory_space<vmem>>, vector<1x16xf32>,
    %swap3A_769 = vector.shape_cast %swap3A_768 : vector<1x16xf32> to vector<16xf32>
    %swap3A_770 = vector.shape_cast %broadcast_in_dim3A_1 : vector<16xf32> to vector<1x16xf32>
    tpu.vector_store %arg8[%swap3A_766, %swap3A_767], %swap3A_770 {strides = array<i32>} : memref<128x16xf32, #tpu.memory_space<vmem>>, vector<1x16xf32>,
    %swap3A_771 = arith.constant 0 : i32
    %swap3A_772 = arith.index_cast %swap3A_771 : i32 to index
    %swap3A_773 = arith.constant 0 : index
    %swap3A_774 = tpu.vector_load %arg9[%swap3A_772, %swap3A_773] {strides = array<i32>} : memref<64x16xf32, #tpu.memory_space<vmem>>, vector<1x16xf32>,
    %swap3A_775 = vector.shape_cast %swap3A_774 : vector<1x16xf32> to vector<16xf32>
    %swap3A_776 = vector.shape_cast %broadcast_in_dim3A_3 : vector<16xf32> to vector<1x16xf32>
    tpu.vector_store %arg9[%swap3A_772, %swap3A_773], %swap3A_776 {strides = array<i32>} : memref<64x16xf32, #tpu.memory_space<vmem>>, vector<1x16xf32>,
    %swap3A_777 = arith.constant 1 : i32
    %swap3A_778 = arith.index_cast %swap3A_777 : i32 to index
    %swap3A_779 = arith.constant 0 : index
    %swap3A_780 = tpu.vector_load %arg9[%swap3A_778, %swap3A_779] {strides = array<i32>} : memref<64x16xf32, #tpu.memory_space<vmem>>, vector<1x16xf32>,
    %swap3A_781 = vector.shape_cast %swap3A_780 : vector<1x16xf32> to vector<16xf32>
    %swap3A_782 = vector.shape_cast %broadcast_in_dim3A_3 : vector<16xf32> to vector<1x16xf32>
    tpu.vector_store %arg9[%swap3A_778, %swap3A_779], %swap3A_782 {strides = array<i32>} : memref<64x16xf32, #tpu.memory_space<vmem>>, vector<1x16xf32>,
    %swap3A_783 = arith.constant 2 : i32
    %swap3A_784 = arith.index_cast %swap3A_783 : i32 to index
    %swap3A_785 = arith.constant 0 : index
    %swap3A_786 = tpu.vector_load %arg9[%swap3A_784, %swap3A_785] {strides = array<i32>} : memref<64x16xf32, #tpu.memory_space<vmem>>, vector<1x16xf32>,
    %swap3A_787 = vector.shape_cast %swap3A_786 : vector<1x16xf32> to vector<16xf32>
    %swap3A_788 = vector.shape_cast %broadcast_in_dim3A_3 : vector<16xf32> to vector<1x16xf32>
    tpu.vector_store %arg9[%swap3A_784, %swap3A_785], %swap3A_788 {strides = array<i32>} : memref<64x16xf32, #tpu.memory_space<vmem>>, vector<1x16xf32>,
    %swap3A_789 = arith.constant 3 : i32
    %swap3A_790 = arith.index_cast %swap3A_789 : i32 to index
    %swap3A_791 = arith.constant 0 : index
    %swap3A_792 = tpu.vector_load %arg9[%swap3A_790, %swap3A_791] {strides = array<i32>} : memref<64x16xf32, #tpu.memory_space<vmem>>, vector<1x16xf32>,
    %swap3A_793 = vector.shape_cast %swap3A_792 : vector<1x16xf32> to vector<16xf32>
    %swap3A_794 = vector.shape_cast %broadcast_in_dim3A_3 : vector<16xf32> to vector<1x16xf32>
    tpu.vector_store %arg9[%swap3A_790, %swap3A_791], %swap3A_794 {strides = array<i32>} : memref<64x16xf32, #tpu.memory_space<vmem>>, vector<1x16xf32>,
    %swap3A_795 = arith.constant 4 : i32
    %swap3A_796 = arith.index_cast %swap3A_795 : i32 to index
    %swap3A_797 = arith.constant 0 : index
    %swap3A_798 = tpu.vector_load %arg9[%swap3A_796, %swap3A_797] {strides = array<i32>} : memref<64x16xf32, #tpu.memory_space<vmem>>, vector<1x16xf32>,
    %swap3A_799 = vector.shape_cast %swap3A_798 : vector<1x16xf32> to vector<16xf32>
    %swap3A_800 = vector.shape_cast %broadcast_in_dim3A_3 : vector<16xf32> to vector<1x16xf32>
    tpu.vector_store %arg9[%swap3A_796, %swap3A_797], %swap3A_800 {strides = array<i32>} : memref<64x16xf32, #tpu.memory_space<vmem>>, vector<1x16xf32>,
    %swap3A_801 = arith.constant 5 : i32
    %swap3A_802 = arith.index_cast %swap3A_801 : i32 to index
    %swap3A_803 = arith.constant 0 : index
    %swap3A_804 = tpu.vector_load %arg9[%swap3A_802, %swap3A_803] {strides = array<i32>} : memref<64x16xf32, #tpu.memory_space<vmem>>, vector<1x16xf32>,
    %swap3A_805 = vector.shape_cast %swap3A_804 : vector<1x16xf32> to vector<16xf32>
    %swap3A_806 = vector.shape_cast %broadcast_in_dim3A_3 : vector<16xf32> to vector<1x16xf32>
    tpu.vector_store %arg9[%swap3A_802, %swap3A_803], %swap3A_806 {strides = array<i32>} : memref<64x16xf32, #tpu.memory_space<vmem>>, vector<1x16xf32>,
    %swap3A_807 = arith.constant 6 : i32
    %swap3A_808 = arith.index_cast %swap3A_807 : i32 to index
    %swap3A_809 = arith.constant 0 : index
    %swap3A_810 = tpu.vector_load %arg9[%swap3A_808, %swap3A_809] {strides = array<i32>} : memref<64x16xf32, #tpu.memory_space<vmem>>, vector<1x16xf32>,
    %swap3A_811 = vector.shape_cast %swap3A_810 : vector<1x16xf32> to vector<16xf32>
    %swap3A_812 = vector.shape_cast %broadcast_in_dim3A_3 : vector<16xf32> to vector<1x16xf32>
    tpu.vector_store %arg9[%swap3A_808, %swap3A_809], %swap3A_812 {strides = array<i32>} : memref<64x16xf32, #tpu.memory_space<vmem>>, vector<1x16xf32>,
    %swap3A_813 = arith.constant 7 : i32
    %swap3A_814 = arith.index_cast %swap3A_813 : i32 to index
    %swap3A_815 = arith.constant 0 : index
    %swap3A_816 = tpu.vector_load %arg9[%swap3A_814, %swap3A_815] {strides = array<i32>} : memref<64x16xf32, #tpu.memory_space<vmem>>, vector<1x16xf32>,
    %swap3A_817 = vector.shape_cast %swap3A_816 : vector<1x16xf32> to vector<16xf32>
    %swap3A_818 = vector.shape_cast %broadcast_in_dim3A_3 : vector<16xf32> to vector<1x16xf32>
    tpu.vector_store %arg9[%swap3A_814, %swap3A_815], %swap3A_818 {strides = array<i32>} : memref<64x16xf32, #tpu.memory_space<vmem>>, vector<1x16xf32>,
    %swap3A_819 = arith.constant 8 : i32
    %swap3A_820 = arith.index_cast %swap3A_819 : i32 to index
    %swap3A_821 = arith.constant 0 : index
    %swap3A_822 = tpu.vector_load %arg9[%swap3A_820, %swap3A_821] {strides = array<i32>} : memref<64x16xf32, #tpu.memory_space<vmem>>, vector<1x16xf32>,
    %swap3A_823 = vector.shape_cast %swap3A_822 : vector<1x16xf32> to vector<16xf32>
    %swap3A_824 = vector.shape_cast %broadcast_in_dim3A_3 : vector<16xf32> to vector<1x16xf32>
    tpu.vector_store %arg9[%swap3A_820, %swap3A_821], %swap3A_824 {strides = array<i32>} : memref<64x16xf32, #tpu.memory_space<vmem>>, vector<1x16xf32>,
    %swap3A_825 = arith.constant 9 : i32
    %swap3A_826 = arith.index_cast %swap3A_825 : i32 to index
    %swap3A_827 = arith.constant 0 : index
    %swap3A_828 = tpu.vector_load %arg9[%swap3A_826, %swap3A_827] {strides = array<i32>} : memref<64x16xf32, #tpu.memory_space<vmem>>, vector<1x16xf32>,
    %swap3A_829 = vector.shape_cast %swap3A_828 : vector<1x16xf32> to vector<16xf32>
    %swap3A_830 = vector.shape_cast %broadcast_in_dim3A_3 : vector<16xf32> to vector<1x16xf32>
    tpu.vector_store %arg9[%swap3A_826, %swap3A_827], %swap3A_830 {strides = array<i32>} : memref<64x16xf32, #tpu.memory_space<vmem>>, vector<1x16xf32>,
    %swap3A_831 = arith.constant 10 : i32
    %swap3A_832 = arith.index_cast %swap3A_831 : i32 to index
    %swap3A_833 = arith.constant 0 : index
    %swap3A_834 = tpu.vector_load %arg9[%swap3A_832, %swap3A_833] {strides = array<i32>} : memref<64x16xf32, #tpu.memory_space<vmem>>, vector<1x16xf32>,
    %swap3A_835 = vector.shape_cast %swap3A_834 : vector<1x16xf32> to vector<16xf32>
    %swap3A_836 = vector.shape_cast %broadcast_in_dim3A_3 : vector<16xf32> to vector<1x16xf32>
    tpu.vector_store %arg9[%swap3A_832, %swap3A_833], %swap3A_836 {strides = array<i32>} : memref<64x16xf32, #tpu.memory_space<vmem>>, vector<1x16xf32>,
    %swap3A_837 = arith.constant 11 : i32
    %swap3A_838 = arith.index_cast %swap3A_837 : i32 to index
    %swap3A_839 = arith.constant 0 : index
    %swap3A_840 = tpu.vector_load %arg9[%swap3A_838, %swap3A_839] {strides = array<i32>} : memref<64x16xf32, #tpu.memory_space<vmem>>, vector<1x16xf32>,
    %swap3A_841 = vector.shape_cast %swap3A_840 : vector<1x16xf32> to vector<16xf32>
    %swap3A_842 = vector.shape_cast %broadcast_in_dim3A_3 : vector<16xf32> to vector<1x16xf32>
    tpu.vector_store %arg9[%swap3A_838, %swap3A_839], %swap3A_842 {strides = array<i32>} : memref<64x16xf32, #tpu.memory_space<vmem>>, vector<1x16xf32>,
    %swap3A_843 = arith.constant 12 : i32
    %swap3A_844 = arith.index_cast %swap3A_843 : i32 to index
    %swap3A_845 = arith.constant 0 : index
    %swap3A_846 = tpu.vector_load %arg9[%swap3A_844, %swap3A_845] {strides = array<i32>} : memref<64x16xf32, #tpu.memory_space<vmem>>, vector<1x16xf32>,
    %swap3A_847 = vector.shape_cast %swap3A_846 : vector<1x16xf32> to vector<16xf32>
    %swap3A_848 = vector.shape_cast %broadcast_in_dim3A_3 : vector<16xf32> to vector<1x16xf32>
    tpu.vector_store %arg9[%swap3A_844, %swap3A_845], %swap3A_848 {strides = array<i32>} : memref<64x16xf32, #tpu.memory_space<vmem>>, vector<1x16xf32>,
    %swap3A_849 = arith.constant 13 : i32
    %swap3A_850 = arith.index_cast %swap3A_849 : i32 to index
    %swap3A_851 = arith.constant 0 : index
    %swap3A_852 = tpu.vector_load %arg9[%swap3A_850, %swap3A_851] {strides = array<i32>} : memref<64x16xf32, #tpu.memory_space<vmem>>, vector<1x16xf32>,
    %swap3A_853 = vector.shape_cast %swap3A_852 : vector<1x16xf32> to vector<16xf32>
    %swap3A_854 = vector.shape_cast %broadcast_in_dim3A_3 : vector<16xf32> to vector<1x16xf32>
    tpu.vector_store %arg9[%swap3A_850, %swap3A_851], %swap3A_854 {strides = array<i32>} : memref<64x16xf32, #tpu.memory_space<vmem>>, vector<1x16xf32>,
    %swap3A_855 = arith.constant 14 : i32
    %swap3A_856 = arith.index_cast %swap3A_855 : i32 to index
    %swap3A_857 = arith.constant 0 : index
    %swap3A_858 = tpu.vector_load %arg9[%swap3A_856, %swap3A_857] {strides = array<i32>} : memref<64x16xf32, #tpu.memory_space<vmem>>, vector<1x16xf32>,
    %swap3A_859 = vector.shape_cast %swap3A_858 : vector<1x16xf32> to vector<16xf32>
    %swap3A_860 = vector.shape_cast %broadcast_in_dim3A_3 : vector<16xf32> to vector<1x16xf32>
    tpu.vector_store %arg9[%swap3A_856, %swap3A_857], %swap3A_860 {strides = array<i32>} : memref<64x16xf32, #tpu.memory_space<vmem>>, vector<1x16xf32>,
    %swap3A_861 = arith.constant 15 : i32
    %swap3A_862 = arith.index_cast %swap3A_861 : i32 to index
    %swap3A_863 = arith.constant 0 : index
    %swap3A_864 = tpu.vector_load %arg9[%swap3A_862, %swap3A_863] {strides = array<i32>} : memref<64x16xf32, #tpu.memory_space<vmem>>, vector<1x16xf32>,
    %swap3A_865 = vector.shape_cast %swap3A_864 : vector<1x16xf32> to vector<16xf32>
    %swap3A_866 = vector.shape_cast %broadcast_in_dim3A_3 : vector<16xf32> to vector<1x16xf32>
    tpu.vector_store %arg9[%swap3A_862, %swap3A_863], %swap3A_866 {strides = array<i32>} : memref<64x16xf32, #tpu.memory_space<vmem>>, vector<1x16xf32>,
    %swap3A_867 = arith.constant 16 : i32
    %swap3A_868 = arith.index_cast %swap3A_867 : i32 to index
    %swap3A_869 = arith.constant 0 : index
    %swap3A_870 = tpu.vector_load %arg9[%swap3A_868, %swap3A_869] {strides = array<i32>} : memref<64x16xf32, #tpu.memory_space<vmem>>, vector<1x16xf32>,
    %swap3A_871 = vector.shape_cast %swap3A_870 : vector<1x16xf32> to vector<16xf32>
    %swap3A_872 = vector.shape_cast %broadcast_in_dim3A_3 : vector<16xf32> to vector<1x16xf32>
    tpu.vector_store %arg9[%swap3A_868, %swap3A_869], %swap3A_872 {strides = array<i32>} : memref<64x16xf32, #tpu.memory_space<vmem>>, vector<1x16xf32>,
    %swap3A_873 = arith.constant 17 : i32
    %swap3A_874 = arith.index_cast %swap3A_873 : i32 to index
    %swap3A_875 = arith.constant 0 : index
    %swap3A_876 = tpu.vector_load %arg9[%swap3A_874, %swap3A_875] {strides = array<i32>} : memref<64x16xf32, #tpu.memory_space<vmem>>, vector<1x16xf32>,
    %swap3A_877 = vector.shape_cast %swap3A_876 : vector<1x16xf32> to vector<16xf32>
    %swap3A_878 = vector.shape_cast %broadcast_in_dim3A_3 : vector<16xf32> to vector<1x16xf32>
    tpu.vector_store %arg9[%swap3A_874, %swap3A_875], %swap3A_878 {strides = array<i32>} : memref<64x16xf32, #tpu.memory_space<vmem>>, vector<1x16xf32>,
    %swap3A_879 = arith.constant 18 : i32
    %swap3A_880 = arith.index_cast %swap3A_879 : i32 to index
    %swap3A_881 = arith.constant 0 : index
    %swap3A_882 = tpu.vector_load %arg9[%swap3A_880, %swap3A_881] {strides = array<i32>} : memref<64x16xf32, #tpu.memory_space<vmem>>, vector<1x16xf32>,
    %swap3A_883 = vector.shape_cast %swap3A_882 : vector<1x16xf32> to vector<16xf32>
    %swap3A_884 = vector.shape_cast %broadcast_in_dim3A_3 : vector<16xf32> to vector<1x16xf32>
    tpu.vector_store %arg9[%swap3A_880, %swap3A_881], %swap3A_884 {strides = array<i32>} : memref<64x16xf32, #tpu.memory_space<vmem>>, vector<1x16xf32>,
    %swap3A_885 = arith.constant 19 : i32
    %swap3A_886 = arith.index_cast %swap3A_885 : i32 to index
    %swap3A_887 = arith.constant 0 : index
    %swap3A_888 = tpu.vector_load %arg9[%swap3A_886, %swap3A_887] {strides = array<i32>} : memref<64x16xf32, #tpu.memory_space<vmem>>, vector<1x16xf32>,
    %swap3A_889 = vector.shape_cast %swap3A_888 : vector<1x16xf32> to vector<16xf32>
    %swap3A_890 = vector.shape_cast %broadcast_in_dim3A_3 : vector<16xf32> to vector<1x16xf32>
    tpu.vector_store %arg9[%swap3A_886, %swap3A_887], %swap3A_890 {strides = array<i32>} : memref<64x16xf32, #tpu.memory_space<vmem>>, vector<1x16xf32>,
    %swap3A_891 = arith.constant 20 : i32
    %swap3A_892 = arith.index_cast %swap3A_891 : i32 to index
    %swap3A_893 = arith.constant 0 : index
    %swap3A_894 = tpu.vector_load %arg9[%swap3A_892, %swap3A_893] {strides = array<i32>} : memref<64x16xf32, #tpu.memory_space<vmem>>, vector<1x16xf32>,
    %swap3A_895 = vector.shape_cast %swap3A_894 : vector<1x16xf32> to vector<16xf32>
    %swap3A_896 = vector.shape_cast %broadcast_in_dim3A_3 : vector<16xf32> to vector<1x16xf32>
    tpu.vector_store %arg9[%swap3A_892, %swap3A_893], %swap3A_896 {strides = array<i32>} : memref<64x16xf32, #tpu.memory_space<vmem>>, vector<1x16xf32>,
    %swap3A_897 = arith.constant 21 : i32
    %swap3A_898 = arith.index_cast %swap3A_897 : i32 to index
    %swap3A_899 = arith.constant 0 : index
    %swap3A_900 = tpu.vector_load %arg9[%swap3A_898, %swap3A_899] {strides = array<i32>} : memref<64x16xf32, #tpu.memory_space<vmem>>, vector<1x16xf32>,
    %swap3A_901 = vector.shape_cast %swap3A_900 : vector<1x16xf32> to vector<16xf32>
    %swap3A_902 = vector.shape_cast %broadcast_in_dim3A_3 : vector<16xf32> to vector<1x16xf32>
    tpu.vector_store %arg9[%swap3A_898, %swap3A_899], %swap3A_902 {strides = array<i32>} : memref<64x16xf32, #tpu.memory_space<vmem>>, vector<1x16xf32>,
    %swap3A_903 = arith.constant 22 : i32
    %swap3A_904 = arith.index_cast %swap3A_903 : i32 to index
    %swap3A_905 = arith.constant 0 : index
    %swap3A_906 = tpu.vector_load %arg9[%swap3A_904, %swap3A_905] {strides = array<i32>} : memref<64x16xf32, #tpu.memory_space<vmem>>, vector<1x16xf32>,
    %swap3A_907 = vector.shape_cast %swap3A_906 : vector<1x16xf32> to vector<16xf32>
    %swap3A_908 = vector.shape_cast %broadcast_in_dim3A_3 : vector<16xf32> to vector<1x16xf32>
    tpu.vector_store %arg9[%swap3A_904, %swap3A_905], %swap3A_908 {strides = array<i32>} : memref<64x16xf32, #tpu.memory_space<vmem>>, vector<1x16xf32>,
    %swap3A_909 = arith.constant 23 : i32
    %swap3A_910 = arith.index_cast %swap3A_909 : i32 to index
    %swap3A_911 = arith.constant 0 : index
    %swap3A_912 = tpu.vector_load %arg9[%swap3A_910, %swap3A_911] {strides = array<i32>} : memref<64x16xf32, #tpu.memory_space<vmem>>, vector<1x16xf32>,
    %swap3A_913 = vector.shape_cast %swap3A_912 : vector<1x16xf32> to vector<16xf32>
    %swap3A_914 = vector.shape_cast %broadcast_in_dim3A_3 : vector<16xf32> to vector<1x16xf32>
    tpu.vector_store %arg9[%swap3A_910, %swap3A_911], %swap3A_914 {strides = array<i32>} : memref<64x16xf32, #tpu.memory_space<vmem>>, vector<1x16xf32>,
    %swap3A_915 = arith.constant 24 : i32
    %swap3A_916 = arith.index_cast %swap3A_915 : i32 to index
    %swap3A_917 = arith.constant 0 : index
    %swap3A_918 = tpu.vector_load %arg9[%swap3A_916, %swap3A_917] {strides = array<i32>} : memref<64x16xf32, #tpu.memory_space<vmem>>, vector<1x16xf32>,
    %swap3A_919 = vector.shape_cast %swap3A_918 : vector<1x16xf32> to vector<16xf32>
    %swap3A_920 = vector.shape_cast %broadcast_in_dim3A_3 : vector<16xf32> to vector<1x16xf32>
    tpu.vector_store %arg9[%swap3A_916, %swap3A_917], %swap3A_920 {strides = array<i32>} : memref<64x16xf32, #tpu.memory_space<vmem>>, vector<1x16xf32>,
    %swap3A_921 = arith.constant 25 : i32
    %swap3A_922 = arith.index_cast %swap3A_921 : i32 to index
    %swap3A_923 = arith.constant 0 : index
    %swap3A_924 = tpu.vector_load %arg9[%swap3A_922, %swap3A_923] {strides = array<i32>} : memref<64x16xf32, #tpu.memory_space<vmem>>, vector<1x16xf32>,
    %swap3A_925 = vector.shape_cast %swap3A_924 : vector<1x16xf32> to vector<16xf32>
    %swap3A_926 = vector.shape_cast %broadcast_in_dim3A_3 : vector<16xf32> to vector<1x16xf32>
    tpu.vector_store %arg9[%swap3A_922, %swap3A_923], %swap3A_926 {strides = array<i32>} : memref<64x16xf32, #tpu.memory_space<vmem>>, vector<1x16xf32>,
    %swap3A_927 = arith.constant 26 : i32
    %swap3A_928 = arith.index_cast %swap3A_927 : i32 to index
    %swap3A_929 = arith.constant 0 : index
    %swap3A_930 = tpu.vector_load %arg9[%swap3A_928, %swap3A_929] {strides = array<i32>} : memref<64x16xf32, #tpu.memory_space<vmem>>, vector<1x16xf32>,
    %swap3A_931 = vector.shape_cast %swap3A_930 : vector<1x16xf32> to vector<16xf32>
    %swap3A_932 = vector.shape_cast %broadcast_in_dim3A_3 : vector<16xf32> to vector<1x16xf32>
    tpu.vector_store %arg9[%swap3A_928, %swap3A_929], %swap3A_932 {strides = array<i32>} : memref<64x16xf32, #tpu.memory_space<vmem>>, vector<1x16xf32>,
    %swap3A_933 = arith.constant 27 : i32
    %swap3A_934 = arith.index_cast %swap3A_933 : i32 to index
    %swap3A_935 = arith.constant 0 : index
    %swap3A_936 = tpu.vector_load %arg9[%swap3A_934, %swap3A_935] {strides = array<i32>} : memref<64x16xf32, #tpu.memory_space<vmem>>, vector<1x16xf32>,
    %swap3A_937 = vector.shape_cast %swap3A_936 : vector<1x16xf32> to vector<16xf32>
    %swap3A_938 = vector.shape_cast %broadcast_in_dim3A_3 : vector<16xf32> to vector<1x16xf32>
    tpu.vector_store %arg9[%swap3A_934, %swap3A_935], %swap3A_938 {strides = array<i32>} : memref<64x16xf32, #tpu.memory_space<vmem>>, vector<1x16xf32>,
    %swap3A_939 = arith.constant 28 : i32
    %swap3A_940 = arith.index_cast %swap3A_939 : i32 to index
    %swap3A_941 = arith.constant 0 : index
    %swap3A_942 = tpu.vector_load %arg9[%swap3A_940, %swap3A_941] {strides = array<i32>} : memref<64x16xf32, #tpu.memory_space<vmem>>, vector<1x16xf32>,
    %swap3A_943 = vector.shape_cast %swap3A_942 : vector<1x16xf32> to vector<16xf32>
    %swap3A_944 = vector.shape_cast %broadcast_in_dim3A_3 : vector<16xf32> to vector<1x16xf32>
    tpu.vector_store %arg9[%swap3A_940, %swap3A_941], %swap3A_944 {strides = array<i32>} : memref<64x16xf32, #tpu.memory_space<vmem>>, vector<1x16xf32>,
    %swap3A_945 = arith.constant 29 : i32
    %swap3A_946 = arith.index_cast %swap3A_945 : i32 to index
    %swap3A_947 = arith.constant 0 : index
    %swap3A_948 = tpu.vector_load %arg9[%swap3A_946, %swap3A_947] {strides = array<i32>} : memref<64x16xf32, #tpu.memory_space<vmem>>, vector<1x16xf32>,
    %swap3A_949 = vector.shape_cast %swap3A_948 : vector<1x16xf32> to vector<16xf32>
    %swap3A_950 = vector.shape_cast %broadcast_in_dim3A_3 : vector<16xf32> to vector<1x16xf32>
    tpu.vector_store %arg9[%swap3A_946, %swap3A_947], %swap3A_950 {strides = array<i32>} : memref<64x16xf32, #tpu.memory_space<vmem>>, vector<1x16xf32>,
    %swap3A_951 = arith.constant 30 : i32
    %swap3A_952 = arith.index_cast %swap3A_951 : i32 to index
    %swap3A_953 = arith.constant 0 : index
    %swap3A_954 = tpu.vector_load %arg9[%swap3A_952, %swap3A_953] {strides = array<i32>} : memref<64x16xf32, #tpu.memory_space<vmem>>, vector<1x16xf32>,
    %swap3A_955 = vector.shape_cast %swap3A_954 : vector<1x16xf32> to vector<16xf32>
    %swap3A_956 = vector.shape_cast %broadcast_in_dim3A_3 : vector<16xf32> to vector<1x16xf32>
    tpu.vector_store %arg9[%swap3A_952, %swap3A_953], %swap3A_956 {strides = array<i32>} : memref<64x16xf32, #tpu.memory_space<vmem>>, vector<1x16xf32>,
    %swap3A_957 = arith.constant 31 : i32
    %swap3A_958 = arith.index_cast %swap3A_957 : i32 to index
    %swap3A_959 = arith.constant 0 : index
    %swap3A_960 = tpu.vector_load %arg9[%swap3A_958, %swap3A_959] {strides = array<i32>} : memref<64x16xf32, #tpu.memory_space<vmem>>, vector<1x16xf32>,
    %swap3A_961 = vector.shape_cast %swap3A_960 : vector<1x16xf32> to vector<16xf32>
    %swap3A_962 = vector.shape_cast %broadcast_in_dim3A_3 : vector<16xf32> to vector<1x16xf32>
    tpu.vector_store %arg9[%swap3A_958, %swap3A_959], %swap3A_962 {strides = array<i32>} : memref<64x16xf32, #tpu.memory_space<vmem>>, vector<1x16xf32>,
    %swap3A_963 = arith.constant 32 : i32
    %swap3A_964 = arith.index_cast %swap3A_963 : i32 to index
    %swap3A_965 = arith.constant 0 : index
    %swap3A_966 = tpu.vector_load %arg9[%swap3A_964, %swap3A_965] {strides = array<i32>} : memref<64x16xf32, #tpu.memory_space<vmem>>, vector<1x16xf32>,
    %swap3A_967 = vector.shape_cast %swap3A_966 : vector<1x16xf32> to vector<16xf32>
    %swap3A_968 = vector.shape_cast %broadcast_in_dim3A_3 : vector<16xf32> to vector<1x16xf32>
    tpu.vector_store %arg9[%swap3A_964, %swap3A_965], %swap3A_968 {strides = array<i32>} : memref<64x16xf32, #tpu.memory_space<vmem>>, vector<1x16xf32>,
    %swap3A_969 = arith.constant 33 : i32
    %swap3A_970 = arith.index_cast %swap3A_969 : i32 to index
    %swap3A_971 = arith.constant 0 : index
    %swap3A_972 = tpu.vector_load %arg9[%swap3A_970, %swap3A_971] {strides = array<i32>} : memref<64x16xf32, #tpu.memory_space<vmem>>, vector<1x16xf32>,
    %swap3A_973 = vector.shape_cast %swap3A_972 : vector<1x16xf32> to vector<16xf32>
    %swap3A_974 = vector.shape_cast %broadcast_in_dim3A_3 : vector<16xf32> to vector<1x16xf32>
    tpu.vector_store %arg9[%swap3A_970, %swap3A_971], %swap3A_974 {strides = array<i32>} : memref<64x16xf32, #tpu.memory_space<vmem>>, vector<1x16xf32>,
    %swap3A_975 = arith.constant 34 : i32
    %swap3A_976 = arith.index_cast %swap3A_975 : i32 to index
    %swap3A_977 = arith.constant 0 : index
    %swap3A_978 = tpu.vector_load %arg9[%swap3A_976, %swap3A_977] {strides = array<i32>} : memref<64x16xf32, #tpu.memory_space<vmem>>, vector<1x16xf32>,
    %swap3A_979 = vector.shape_cast %swap3A_978 : vector<1x16xf32> to vector<16xf32>
    %swap3A_980 = vector.shape_cast %broadcast_in_dim3A_3 : vector<16xf32> to vector<1x16xf32>
    tpu.vector_store %arg9[%swap3A_976, %swap3A_977], %swap3A_980 {strides = array<i32>} : memref<64x16xf32, #tpu.memory_space<vmem>>, vector<1x16xf32>,
    %swap3A_981 = arith.constant 35 : i32
    %swap3A_982 = arith.index_cast %swap3A_981 : i32 to index
    %swap3A_983 = arith.constant 0 : index
    %swap3A_984 = tpu.vector_load %arg9[%swap3A_982, %swap3A_983] {strides = array<i32>} : memref<64x16xf32, #tpu.memory_space<vmem>>, vector<1x16xf32>,
    %swap3A_985 = vector.shape_cast %swap3A_984 : vector<1x16xf32> to vector<16xf32>
    %swap3A_986 = vector.shape_cast %broadcast_in_dim3A_3 : vector<16xf32> to vector<1x16xf32>
    tpu.vector_store %arg9[%swap3A_982, %swap3A_983], %swap3A_986 {strides = array<i32>} : memref<64x16xf32, #tpu.memory_space<vmem>>, vector<1x16xf32>,
    %swap3A_987 = arith.constant 36 : i32
    %swap3A_988 = arith.index_cast %swap3A_987 : i32 to index
    %swap3A_989 = arith.constant 0 : index
    %swap3A_990 = tpu.vector_load %arg9[%swap3A_988, %swap3A_989] {strides = array<i32>} : memref<64x16xf32, #tpu.memory_space<vmem>>, vector<1x16xf32>,
    %swap3A_991 = vector.shape_cast %swap3A_990 : vector<1x16xf32> to vector<16xf32>
    %swap3A_992 = vector.shape_cast %broadcast_in_dim3A_3 : vector<16xf32> to vector<1x16xf32>
    tpu.vector_store %arg9[%swap3A_988, %swap3A_989], %swap3A_992 {strides = array<i32>} : memref<64x16xf32, #tpu.memory_space<vmem>>, vector<1x16xf32>,
    %swap3A_993 = arith.constant 37 : i32
    %swap3A_994 = arith.index_cast %swap3A_993 : i32 to index
    %swap3A_995 = arith.constant 0 : index
    %swap3A_996 = tpu.vector_load %arg9[%swap3A_994, %swap3A_995] {strides = array<i32>} : memref<64x16xf32, #tpu.memory_space<vmem>>, vector<1x16xf32>,
    %swap3A_997 = vector.shape_cast %swap3A_996 : vector<1x16xf32> to vector<16xf32>
    %swap3A_998 = vector.shape_cast %broadcast_in_dim3A_3 : vector<16xf32> to vector<1x16xf32>
    tpu.vector_store %arg9[%swap3A_994, %swap3A_995], %swap3A_998 {strides = array<i32>} : memref<64x16xf32, #tpu.memory_space<vmem>>, vector<1x16xf32>,
    %swap3A_999 = arith.constant 38 : i32
    %swap3A_1000 = arith.index_cast %swap3A_999 : i32 to index
    %swap3A_1001 = arith.constant 0 : index
    %swap3A_1002 = tpu.vector_load %arg9[%swap3A_1000, %swap3A_1001] {strides = array<i32>} : memref<64x16xf32, #tpu.memory_space<vmem>>, vector<1x16xf32>,
    %swap3A_1003 = vector.shape_cast %swap3A_1002 : vector<1x16xf32> to vector<16xf32>
    %swap3A_1004 = vector.shape_cast %broadcast_in_dim3A_3 : vector<16xf32> to vector<1x16xf32>
    tpu.vector_store %arg9[%swap3A_1000, %swap3A_1001], %swap3A_1004 {strides = array<i32>} : memref<64x16xf32, #tpu.memory_space<vmem>>, vector<1x16xf32>,
    %swap3A_1005 = arith.constant 39 : i32
    %swap3A_1006 = arith.index_cast %swap3A_1005 : i32 to index
    %swap3A_1007 = arith.constant 0 : index
    %swap3A_1008 = tpu.vector_load %arg9[%swap3A_1006, %swap3A_1007] {strides = array<i32>} : memref<64x16xf32, #tpu.memory_space<vmem>>, vector<1x16xf32>,
    %swap3A_1009 = vector.shape_cast %swap3A_1008 : vector<1x16xf32> to vector<16xf32>
    %swap3A_1010 = vector.shape_cast %broadcast_in_dim3A_3 : vector<16xf32> to vector<1x16xf32>
    tpu.vector_store %arg9[%swap3A_1006, %swap3A_1007], %swap3A_1010 {strides = array<i32>} : memref<64x16xf32, #tpu.memory_space<vmem>>, vector<1x16xf32>,
    %swap3A_1011 = arith.constant 40 : i32
    %swap3A_1012 = arith.index_cast %swap3A_1011 : i32 to index
    %swap3A_1013 = arith.constant 0 : index
    %swap3A_1014 = tpu.vector_load %arg9[%swap3A_1012, %swap3A_1013] {strides = array<i32>} : memref<64x16xf32, #tpu.memory_space<vmem>>, vector<1x16xf32>,
    %swap3A_1015 = vector.shape_cast %swap3A_1014 : vector<1x16xf32> to vector<16xf32>
    %swap3A_1016 = vector.shape_cast %broadcast_in_dim3A_3 : vector<16xf32> to vector<1x16xf32>
    tpu.vector_store %arg9[%swap3A_1012, %swap3A_1013], %swap3A_1016 {strides = array<i32>} : memref<64x16xf32, #tpu.memory_space<vmem>>, vector<1x16xf32>,
    %swap3A_1017 = arith.constant 41 : i32
    %swap3A_1018 = arith.index_cast %swap3A_1017 : i32 to index
    %swap3A_1019 = arith.constant 0 : index
    %swap3A_1020 = tpu.vector_load %arg9[%swap3A_1018, %swap3A_1019] {strides = array<i32>} : memref<64x16xf32, #tpu.memory_space<vmem>>, vector<1x16xf32>,
    %swap3A_1021 = vector.shape_cast %swap3A_1020 : vector<1x16xf32> to vector<16xf32>
    %swap3A_1022 = vector.shape_cast %broadcast_in_dim3A_3 : vector<16xf32> to vector<1x16xf32>
    tpu.vector_store %arg9[%swap3A_1018, %swap3A_1019], %swap3A_1022 {strides = array<i32>} : memref<64x16xf32, #tpu.memory_space<vmem>>, vector<1x16xf32>,
    %swap3A_1023 = arith.constant 42 : i32
    %swap3A_1024 = arith.index_cast %swap3A_1023 : i32 to index
    %swap3A_1025 = arith.constant 0 : index
    %swap3A_1026 = tpu.vector_load %arg9[%swap3A_1024, %swap3A_1025] {strides = array<i32>} : memref<64x16xf32, #tpu.memory_space<vmem>>, vector<1x16xf32>,
    %swap3A_1027 = vector.shape_cast %swap3A_1026 : vector<1x16xf32> to vector<16xf32>
    %swap3A_1028 = vector.shape_cast %broadcast_in_dim3A_3 : vector<16xf32> to vector<1x16xf32>
    tpu.vector_store %arg9[%swap3A_1024, %swap3A_1025], %swap3A_1028 {strides = array<i32>} : memref<64x16xf32, #tpu.memory_space<vmem>>, vector<1x16xf32>,
    %swap3A_1029 = arith.constant 43 : i32
    %swap3A_1030 = arith.index_cast %swap3A_1029 : i32 to index
    %swap3A_1031 = arith.constant 0 : index
    %swap3A_1032 = tpu.vector_load %arg9[%swap3A_1030, %swap3A_1031] {strides = array<i32>} : memref<64x16xf32, #tpu.memory_space<vmem>>, vector<1x16xf32>,
    %swap3A_1033 = vector.shape_cast %swap3A_1032 : vector<1x16xf32> to vector<16xf32>
    %swap3A_1034 = vector.shape_cast %broadcast_in_dim3A_3 : vector<16xf32> to vector<1x16xf32>
    tpu.vector_store %arg9[%swap3A_1030, %swap3A_1031], %swap3A_1034 {strides = array<i32>} : memref<64x16xf32, #tpu.memory_space<vmem>>, vector<1x16xf32>,
    %swap3A_1035 = arith.constant 44 : i32
    %swap3A_1036 = arith.index_cast %swap3A_1035 : i32 to index
    %swap3A_1037 = arith.constant 0 : index
    %swap3A_1038 = tpu.vector_load %arg9[%swap3A_1036, %swap3A_1037] {strides = array<i32>} : memref<64x16xf32, #tpu.memory_space<vmem>>, vector<1x16xf32>,
    %swap3A_1039 = vector.shape_cast %swap3A_1038 : vector<1x16xf32> to vector<16xf32>
    %swap3A_1040 = vector.shape_cast %broadcast_in_dim3A_3 : vector<16xf32> to vector<1x16xf32>
    tpu.vector_store %arg9[%swap3A_1036, %swap3A_1037], %swap3A_1040 {strides = array<i32>} : memref<64x16xf32, #tpu.memory_space<vmem>>, vector<1x16xf32>,
    %swap3A_1041 = arith.constant 45 : i32
    %swap3A_1042 = arith.index_cast %swap3A_1041 : i32 to index
    %swap3A_1043 = arith.constant 0 : index
    %swap3A_1044 = tpu.vector_load %arg9[%swap3A_1042, %swap3A_1043] {strides = array<i32>} : memref<64x16xf32, #tpu.memory_space<vmem>>, vector<1x16xf32>,
    %swap3A_1045 = vector.shape_cast %swap3A_1044 : vector<1x16xf32> to vector<16xf32>
    %swap3A_1046 = vector.shape_cast %broadcast_in_dim3A_3 : vector<16xf32> to vector<1x16xf32>
    tpu.vector_store %arg9[%swap3A_1042, %swap3A_1043], %swap3A_1046 {strides = array<i32>} : memref<64x16xf32, #tpu.memory_space<vmem>>, vector<1x16xf32>,
    %swap3A_1047 = arith.constant 46 : i32
    %swap3A_1048 = arith.index_cast %swap3A_1047 : i32 to index
    %swap3A_1049 = arith.constant 0 : index
    %swap3A_1050 = tpu.vector_load %arg9[%swap3A_1048, %swap3A_1049] {strides = array<i32>} : memref<64x16xf32, #tpu.memory_space<vmem>>, vector<1x16xf32>,
    %swap3A_1051 = vector.shape_cast %swap3A_1050 : vector<1x16xf32> to vector<16xf32>
    %swap3A_1052 = vector.shape_cast %broadcast_in_dim3A_3 : vector<16xf32> to vector<1x16xf32>
    tpu.vector_store %arg9[%swap3A_1048, %swap3A_1049], %swap3A_1052 {strides = array<i32>} : memref<64x16xf32, #tpu.memory_space<vmem>>, vector<1x16xf32>,
    %swap3A_1053 = arith.constant 47 : i32
    %swap3A_1054 = arith.index_cast %swap3A_1053 : i32 to index
    %swap3A_1055 = arith.constant 0 : index
    %swap3A_1056 = tpu.vector_load %arg9[%swap3A_1054, %swap3A_1055] {strides = array<i32>} : memref<64x16xf32, #tpu.memory_space<vmem>>, vector<1x16xf32>,
    %swap3A_1057 = vector.shape_cast %swap3A_1056 : vector<1x16xf32> to vector<16xf32>
    %swap3A_1058 = vector.shape_cast %broadcast_in_dim3A_3 : vector<16xf32> to vector<1x16xf32>
    tpu.vector_store %arg9[%swap3A_1054, %swap3A_1055], %swap3A_1058 {strides = array<i32>} : memref<64x16xf32, #tpu.memory_space<vmem>>, vector<1x16xf32>,
    %swap3A_1059 = arith.constant 48 : i32
    %swap3A_1060 = arith.index_cast %swap3A_1059 : i32 to index
    %swap3A_1061 = arith.constant 0 : index
    %swap3A_1062 = tpu.vector_load %arg9[%swap3A_1060, %swap3A_1061] {strides = array<i32>} : memref<64x16xf32, #tpu.memory_space<vmem>>, vector<1x16xf32>,
    %swap3A_1063 = vector.shape_cast %swap3A_1062 : vector<1x16xf32> to vector<16xf32>
    %swap3A_1064 = vector.shape_cast %broadcast_in_dim3A_3 : vector<16xf32> to vector<1x16xf32>
    tpu.vector_store %arg9[%swap3A_1060, %swap3A_1061], %swap3A_1064 {strides = array<i32>} : memref<64x16xf32, #tpu.memory_space<vmem>>, vector<1x16xf32>,
    %swap3A_1065 = arith.constant 49 : i32
    %swap3A_1066 = arith.index_cast %swap3A_1065 : i32 to index
    %swap3A_1067 = arith.constant 0 : index
    %swap3A_1068 = tpu.vector_load %arg9[%swap3A_1066, %swap3A_1067] {strides = array<i32>} : memref<64x16xf32, #tpu.memory_space<vmem>>, vector<1x16xf32>,
    %swap3A_1069 = vector.shape_cast %swap3A_1068 : vector<1x16xf32> to vector<16xf32>
    %swap3A_1070 = vector.shape_cast %broadcast_in_dim3A_3 : vector<16xf32> to vector<1x16xf32>
    tpu.vector_store %arg9[%swap3A_1066, %swap3A_1067], %swap3A_1070 {strides = array<i32>} : memref<64x16xf32, #tpu.memory_space<vmem>>, vector<1x16xf32>,
    %swap3A_1071 = arith.constant 50 : i32
    %swap3A_1072 = arith.index_cast %swap3A_1071 : i32 to index
    %swap3A_1073 = arith.constant 0 : index
    %swap3A_1074 = tpu.vector_load %arg9[%swap3A_1072, %swap3A_1073] {strides = array<i32>} : memref<64x16xf32, #tpu.memory_space<vmem>>, vector<1x16xf32>,
    %swap3A_1075 = vector.shape_cast %swap3A_1074 : vector<1x16xf32> to vector<16xf32>
    %swap3A_1076 = vector.shape_cast %broadcast_in_dim3A_3 : vector<16xf32> to vector<1x16xf32>
    tpu.vector_store %arg9[%swap3A_1072, %swap3A_1073], %swap3A_1076 {strides = array<i32>} : memref<64x16xf32, #tpu.memory_space<vmem>>, vector<1x16xf32>,
    %swap3A_1077 = arith.constant 51 : i32
    %swap3A_1078 = arith.index_cast %swap3A_1077 : i32 to index
    %swap3A_1079 = arith.constant 0 : index
    %swap3A_1080 = tpu.vector_load %arg9[%swap3A_1078, %swap3A_1079] {strides = array<i32>} : memref<64x16xf32, #tpu.memory_space<vmem>>, vector<1x16xf32>,
    %swap3A_1081 = vector.shape_cast %swap3A_1080 : vector<1x16xf32> to vector<16xf32>
    %swap3A_1082 = vector.shape_cast %broadcast_in_dim3A_3 : vector<16xf32> to vector<1x16xf32>
    tpu.vector_store %arg9[%swap3A_1078, %swap3A_1079], %swap3A_1082 {strides = array<i32>} : memref<64x16xf32, #tpu.memory_space<vmem>>, vector<1x16xf32>,
    %swap3A_1083 = arith.constant 52 : i32
    %swap3A_1084 = arith.index_cast %swap3A_1083 : i32 to index
    %swap3A_1085 = arith.constant 0 : index
    %swap3A_1086 = tpu.vector_load %arg9[%swap3A_1084, %swap3A_1085] {strides = array<i32>} : memref<64x16xf32, #tpu.memory_space<vmem>>, vector<1x16xf32>,
    %swap3A_1087 = vector.shape_cast %swap3A_1086 : vector<1x16xf32> to vector<16xf32>
    %swap3A_1088 = vector.shape_cast %broadcast_in_dim3A_3 : vector<16xf32> to vector<1x16xf32>
    tpu.vector_store %arg9[%swap3A_1084, %swap3A_1085], %swap3A_1088 {strides = array<i32>} : memref<64x16xf32, #tpu.memory_space<vmem>>, vector<1x16xf32>,
    %swap3A_1089 = arith.constant 53 : i32
    %swap3A_1090 = arith.index_cast %swap3A_1089 : i32 to index
    %swap3A_1091 = arith.constant 0 : index
    %swap3A_1092 = tpu.vector_load %arg9[%swap3A_1090, %swap3A_1091] {strides = array<i32>} : memref<64x16xf32, #tpu.memory_space<vmem>>, vector<1x16xf32>,
    %swap3A_1093 = vector.shape_cast %swap3A_1092 : vector<1x16xf32> to vector<16xf32>
    %swap3A_1094 = vector.shape_cast %broadcast_in_dim3A_3 : vector<16xf32> to vector<1x16xf32>
    tpu.vector_store %arg9[%swap3A_1090, %swap3A_1091], %swap3A_1094 {strides = array<i32>} : memref<64x16xf32, #tpu.memory_space<vmem>>, vector<1x16xf32>,
    %swap3A_1095 = arith.constant 54 : i32
    %swap3A_1096 = arith.index_cast %swap3A_1095 : i32 to index
    %swap3A_1097 = arith.constant 0 : index
    %swap3A_1098 = tpu.vector_load %arg9[%swap3A_1096, %swap3A_1097] {strides = array<i32>} : memref<64x16xf32, #tpu.memory_space<vmem>>, vector<1x16xf32>,
    %swap3A_1099 = vector.shape_cast %swap3A_1098 : vector<1x16xf32> to vector<16xf32>
    %swap3A_1100 = vector.shape_cast %broadcast_in_dim3A_3 : vector<16xf32> to vector<1x16xf32>
    tpu.vector_store %arg9[%swap3A_1096, %swap3A_1097], %swap3A_1100 {strides = array<i32>} : memref<64x16xf32, #tpu.memory_space<vmem>>, vector<1x16xf32>,
    %swap3A_1101 = arith.constant 55 : i32
    %swap3A_1102 = arith.index_cast %swap3A_1101 : i32 to index
    %swap3A_1103 = arith.constant 0 : index
    %swap3A_1104 = tpu.vector_load %arg9[%swap3A_1102, %swap3A_1103] {strides = array<i32>} : memref<64x16xf32, #tpu.memory_space<vmem>>, vector<1x16xf32>,
    %swap3A_1105 = vector.shape_cast %swap3A_1104 : vector<1x16xf32> to vector<16xf32>
    %swap3A_1106 = vector.shape_cast %broadcast_in_dim3A_3 : vector<16xf32> to vector<1x16xf32>
    tpu.vector_store %arg9[%swap3A_1102, %swap3A_1103], %swap3A_1106 {strides = array<i32>} : memref<64x16xf32, #tpu.memory_space<vmem>>, vector<1x16xf32>,
    %swap3A_1107 = arith.constant 56 : i32
    %swap3A_1108 = arith.index_cast %swap3A_1107 : i32 to index
    %swap3A_1109 = arith.constant 0 : index
    %swap3A_1110 = tpu.vector_load %arg9[%swap3A_1108, %swap3A_1109] {strides = array<i32>} : memref<64x16xf32, #tpu.memory_space<vmem>>, vector<1x16xf32>,
    %swap3A_1111 = vector.shape_cast %swap3A_1110 : vector<1x16xf32> to vector<16xf32>
    %swap3A_1112 = vector.shape_cast %broadcast_in_dim3A_3 : vector<16xf32> to vector<1x16xf32>
    tpu.vector_store %arg9[%swap3A_1108, %swap3A_1109], %swap3A_1112 {strides = array<i32>} : memref<64x16xf32, #tpu.memory_space<vmem>>, vector<1x16xf32>,
    %swap3A_1113 = arith.constant 57 : i32
    %swap3A_1114 = arith.index_cast %swap3A_1113 : i32 to index
    %swap3A_1115 = arith.constant 0 : index
    %swap3A_1116 = tpu.vector_load %arg9[%swap3A_1114, %swap3A_1115] {strides = array<i32>} : memref<64x16xf32, #tpu.memory_space<vmem>>, vector<1x16xf32>,
    %swap3A_1117 = vector.shape_cast %swap3A_1116 : vector<1x16xf32> to vector<16xf32>
    %swap3A_1118 = vector.shape_cast %broadcast_in_dim3A_3 : vector<16xf32> to vector<1x16xf32>
    tpu.vector_store %arg9[%swap3A_1114, %swap3A_1115], %swap3A_1118 {strides = array<i32>} : memref<64x16xf32, #tpu.memory_space<vmem>>, vector<1x16xf32>,
    %swap3A_1119 = arith.constant 58 : i32
    %swap3A_1120 = arith.index_cast %swap3A_1119 : i32 to index
    %swap3A_1121 = arith.constant 0 : index
    %swap3A_1122 = tpu.vector_load %arg9[%swap3A_1120, %swap3A_1121] {strides = array<i32>} : memref<64x16xf32, #tpu.memory_space<vmem>>, vector<1x16xf32>,
    %swap3A_1123 = vector.shape_cast %swap3A_1122 : vector<1x16xf32> to vector<16xf32>
    %swap3A_1124 = vector.shape_cast %broadcast_in_dim3A_3 : vector<16xf32> to vector<1x16xf32>
    tpu.vector_store %arg9[%swap3A_1120, %swap3A_1121], %swap3A_1124 {strides = array<i32>} : memref<64x16xf32, #tpu.memory_space<vmem>>, vector<1x16xf32>,
    %swap3A_1125 = arith.constant 59 : i32
    %swap3A_1126 = arith.index_cast %swap3A_1125 : i32 to index
    %swap3A_1127 = arith.constant 0 : index
    %swap3A_1128 = tpu.vector_load %arg9[%swap3A_1126, %swap3A_1127] {strides = array<i32>} : memref<64x16xf32, #tpu.memory_space<vmem>>, vector<1x16xf32>,
    %swap3A_1129 = vector.shape_cast %swap3A_1128 : vector<1x16xf32> to vector<16xf32>
    %swap3A_1130 = vector.shape_cast %broadcast_in_dim3A_3 : vector<16xf32> to vector<1x16xf32>
    tpu.vector_store %arg9[%swap3A_1126, %swap3A_1127], %swap3A_1130 {strides = array<i32>} : memref<64x16xf32, #tpu.memory_space<vmem>>, vector<1x16xf32>,
    %swap3A_1131 = arith.constant 60 : i32
    %swap3A_1132 = arith.index_cast %swap3A_1131 : i32 to index
    %swap3A_1133 = arith.constant 0 : index
    %swap3A_1134 = tpu.vector_load %arg9[%swap3A_1132, %swap3A_1133] {strides = array<i32>} : memref<64x16xf32, #tpu.memory_space<vmem>>, vector<1x16xf32>,
    %swap3A_1135 = vector.shape_cast %swap3A_1134 : vector<1x16xf32> to vector<16xf32>
    %swap3A_1136 = vector.shape_cast %broadcast_in_dim3A_3 : vector<16xf32> to vector<1x16xf32>
    tpu.vector_store %arg9[%swap3A_1132, %swap3A_1133], %swap3A_1136 {strides = array<i32>} : memref<64x16xf32, #tpu.memory_space<vmem>>, vector<1x16xf32>,
    %swap3A_1137 = arith.constant 61 : i32
    %swap3A_1138 = arith.index_cast %swap3A_1137 : i32 to index
    %swap3A_1139 = arith.constant 0 : index
    %swap3A_1140 = tpu.vector_load %arg9[%swap3A_1138, %swap3A_1139] {strides = array<i32>} : memref<64x16xf32, #tpu.memory_space<vmem>>, vector<1x16xf32>,
    %swap3A_1141 = vector.shape_cast %swap3A_1140 : vector<1x16xf32> to vector<16xf32>
    %swap3A_1142 = vector.shape_cast %broadcast_in_dim3A_3 : vector<16xf32> to vector<1x16xf32>
    tpu.vector_store %arg9[%swap3A_1138, %swap3A_1139], %swap3A_1142 {strides = array<i32>} : memref<64x16xf32, #tpu.memory_space<vmem>>, vector<1x16xf32>,
    %swap3A_1143 = arith.constant 62 : i32
    %swap3A_1144 = arith.index_cast %swap3A_1143 : i32 to index
    %swap3A_1145 = arith.constant 0 : index
    %swap3A_1146 = tpu.vector_load %arg9[%swap3A_1144, %swap3A_1145] {strides = array<i32>} : memref<64x16xf32, #tpu.memory_space<vmem>>, vector<1x16xf32>,
    %swap3A_1147 = vector.shape_cast %swap3A_1146 : vector<1x16xf32> to vector<16xf32>
    %swap3A_1148 = vector.shape_cast %broadcast_in_dim3A_3 : vector<16xf32> to vector<1x16xf32>
    tpu.vector_store %arg9[%swap3A_1144, %swap3A_1145], %swap3A_1148 {strides = array<i32>} : memref<64x16xf32, #tpu.memory_space<vmem>>, vector<1x16xf32>,
    %swap3A_1149 = arith.constant 63 : i32
    %swap3A_1150 = arith.index_cast %swap3A_1149 : i32 to index
    %swap3A_1151 = arith.constant 0 : index
    %swap3A_1152 = tpu.vector_load %arg9[%swap3A_1150, %swap3A_1151] {strides = array<i32>} : memref<64x16xf32, #tpu.memory_space<vmem>>, vector<1x16xf32>,
    %swap3A_1153 = vector.shape_cast %swap3A_1152 : vector<1x16xf32> to vector<16xf32>
    %swap3A_1154 = vector.shape_cast %broadcast_in_dim3A_3 : vector<16xf32> to vector<1x16xf32>
    tpu.vector_store %arg9[%swap3A_1150, %swap3A_1151], %swap3A_1154 {strides = array<i32>} : memref<64x16xf32, #tpu.memory_space<vmem>>, vector<1x16xf32>,
    %mul3A_1155 = arith.constant 640 : i32
    %mul3A_1156 = arith.muli %arg1, %mul3A_1155 : i32
    %add3A_1157 = arith.constant 0 : i32
    %add3A_1158 = arith.addi %mul3A_1156, %add3A_1157 : i32
    "tpu.region"() ({
      %run_scoped3A = tpu.sem_alloc : memref<!tpu.dma_semaphore, #tpu.memory_space<semaphore_mem>>
      %dma_start3A_1226 = arith.constant 0 : i32
      %dma_start3A_1227 = tpu.memref_slice %arg5[%add3A_1158, %dma_start3A_1226] : memref<10240x16xf32, #tpu.memory_space<vmem_shared>> -> memref<64x16xf32, #tpu.memory_space<vmem_shared>>
      %dma_start3A_1228 = arith.constant 0 : i32
      %dma_start3A_1229 = tpu.memref_slice %arg5[%add3A_1158, %dma_start3A_1228] : memref<10240x16xf32, #tpu.memory_space<vmem_shared>> -> memref<64x16xf32, #tpu.memory_space<vmem_shared>>
      tpu.enqueue_dma source(%arg9 : memref<64x16xf32, #tpu.memory_space<vmem>>) target(%dma_start3A_1229 : memref<64x16xf32, #tpu.memory_space<vmem_shared>>) target_semaphore(%run_scoped3A : memref<!tpu.dma_semaphore, #tpu.memory_space<semaphore_mem>>)
      %dma_wait3A_1230 = arith.constant 0 : i32
      %dma_wait3A_1231 = tpu.memref_slice %arg5[%add3A_1158, %dma_wait3A_1230] : memref<10240x16xf32, #tpu.memory_space<vmem_shared>> -> memref<64x16xf32, #tpu.memory_space<vmem_shared>>
      %dma_wait3A_1232 = arith.constant 0 : i32
      %dma_wait3A_1233 = tpu.memref_slice %arg5[%add3A_1158, %dma_wait3A_1232] : memref<10240x16xf32, #tpu.memory_space<vmem_shared>> -> memref<64x16xf32, #tpu.memory_space<vmem_shared>>
      tpu.wait_dma2 semaphore(%run_scoped3A : memref<!tpu.dma_semaphore, #tpu.memory_space<semaphore_mem>>) src(%arg9 : memref<64x16xf32, #tpu.memory_space<vmem>>) dst(%dma_wait3A_1233 : memref<64x16xf32, #tpu.memory_space<vmem_shared>>)
      tpu.yield
    }) : () -> ()
    %mul3A_1159 = arith.constant 640 : i32
    %mul3A_1160 = arith.muli %arg1, %mul3A_1159 : i32
    %add3A_1161 = arith.constant 64 : i32
    %add3A_1162 = arith.addi %mul3A_1160, %add3A_1161 : i32
    "tpu.region"() ({
      %run_scoped3A = tpu.sem_alloc : memref<!tpu.dma_semaphore, #tpu.memory_space<semaphore_mem>>
      %dma_start3A_1226 = arith.constant 0 : i32
      %dma_start3A_1227 = tpu.memref_slice %arg5[%add3A_1162, %dma_start3A_1226] : memref<10240x16xf32, #tpu.memory_space<vmem_shared>> -> memref<64x16xf32, #tpu.memory_space<vmem_shared>>
      %dma_start3A_1228 = arith.constant 0 : i32
      %dma_start3A_1229 = tpu.memref_slice %arg5[%add3A_1162, %dma_start3A_1228] : memref<10240x16xf32, #tpu.memory_space<vmem_shared>> -> memref<64x16xf32, #tpu.memory_space<vmem_shared>>
      tpu.enqueue_dma source(%arg9 : memref<64x16xf32, #tpu.memory_space<vmem>>) target(%dma_start3A_1229 : memref<64x16xf32, #tpu.memory_space<vmem_shared>>) target_semaphore(%run_scoped3A : memref<!tpu.dma_semaphore, #tpu.memory_space<semaphore_mem>>)
      %dma_wait3A_1230 = arith.constant 0 : i32
      %dma_wait3A_1231 = tpu.memref_slice %arg5[%add3A_1162, %dma_wait3A_1230] : memref<10240x16xf32, #tpu.memory_space<vmem_shared>> -> memref<64x16xf32, #tpu.memory_space<vmem_shared>>
      %dma_wait3A_1232 = arith.constant 0 : i32
      %dma_wait3A_1233 = tpu.memref_slice %arg5[%add3A_1162, %dma_wait3A_1232] : memref<10240x16xf32, #tpu.memory_space<vmem_shared>> -> memref<64x16xf32, #tpu.memory_space<vmem_shared>>
      tpu.wait_dma2 semaphore(%run_scoped3A : memref<!tpu.dma_semaphore, #tpu.memory_space<semaphore_mem>>) src(%arg9 : memref<64x16xf32, #tpu.memory_space<vmem>>) dst(%dma_wait3A_1233 : memref<64x16xf32, #tpu.memory_space<vmem_shared>>)
      tpu.yield
    }) : () -> ()
    %mul3A_1163 = arith.constant 640 : i32
    %mul3A_1164 = arith.muli %arg1, %mul3A_1163 : i32
    %add3A_1165 = arith.constant 128 : i32
    %add3A_1166 = arith.addi %mul3A_1164, %add3A_1165 : i32
    "tpu.region"() ({
      %run_scoped3A = tpu.sem_alloc : memref<!tpu.dma_semaphore, #tpu.memory_space<semaphore_mem>>
      %dma_start3A_1226 = arith.constant 0 : i32
      %dma_start3A_1227 = tpu.memref_slice %arg5[%add3A_1166, %dma_start3A_1226] : memref<10240x16xf32, #tpu.memory_space<vmem_shared>> -> memref<64x16xf32, #tpu.memory_space<vmem_shared>>
      %dma_start3A_1228 = arith.constant 0 : i32
      %dma_start3A_1229 = tpu.memref_slice %arg5[%add3A_1166, %dma_start3A_1228] : memref<10240x16xf32, #tpu.memory_space<vmem_shared>> -> memref<64x16xf32, #tpu.memory_space<vmem_shared>>
      tpu.enqueue_dma source(%arg9 : memref<64x16xf32, #tpu.memory_space<vmem>>) target(%dma_start3A_1229 : memref<64x16xf32, #tpu.memory_space<vmem_shared>>) target_semaphore(%run_scoped3A : memref<!tpu.dma_semaphore, #tpu.memory_space<semaphore_mem>>)
      %dma_wait3A_1230 = arith.constant 0 : i32
      %dma_wait3A_1231 = tpu.memref_slice %arg5[%add3A_1166, %dma_wait3A_1230] : memref<10240x16xf32, #tpu.memory_space<vmem_shared>> -> memref<64x16xf32, #tpu.memory_space<vmem_shared>>
      %dma_wait3A_1232 = arith.constant 0 : i32
      %dma_wait3A_1233 = tpu.memref_slice %arg5[%add3A_1166, %dma_wait3A_1232] : memref<10240x16xf32, #tpu.memory_space<vmem_shared>> -> memref<64x16xf32, #tpu.memory_space<vmem_shared>>
      tpu.wait_dma2 semaphore(%run_scoped3A : memref<!tpu.dma_semaphore, #tpu.memory_space<semaphore_mem>>) src(%arg9 : memref<64x16xf32, #tpu.memory_space<vmem>>) dst(%dma_wait3A_1233 : memref<64x16xf32, #tpu.memory_space<vmem_shared>>)
      tpu.yield
    }) : () -> ()
    %mul3A_1167 = arith.constant 640 : i32
    %mul3A_1168 = arith.muli %arg1, %mul3A_1167 : i32
    %add3A_1169 = arith.constant 192 : i32
    %add3A_1170 = arith.addi %mul3A_1168, %add3A_1169 : i32
    "tpu.region"() ({
      %run_scoped3A = tpu.sem_alloc : memref<!tpu.dma_semaphore, #tpu.memory_space<semaphore_mem>>
      %dma_start3A_1226 = arith.constant 0 : i32
      %dma_start3A_1227 = tpu.memref_slice %arg5[%add3A_1170, %dma_start3A_1226] : memref<10240x16xf32, #tpu.memory_space<vmem_shared>> -> memref<64x16xf32, #tpu.memory_space<vmem_shared>>
      %dma_start3A_1228 = arith.constant 0 : i32
      %dma_start3A_1229 = tpu.memref_slice %arg5[%add3A_1170, %dma_start3A_1228] : memref<10240x16xf32, #tpu.memory_space<vmem_shared>> -> memref<64x16xf32, #tpu.memory_space<vmem_shared>>
      tpu.enqueue_dma source(%arg9 : memref<64x16xf32, #tpu.memory_space<vmem>>) target(%dma_start3A_1229 : memref<64x16xf32, #tpu.memory_space<vmem_shared>>) target_semaphore(%run_scoped3A : memref<!tpu.dma_semaphore, #tpu.memory_space<semaphore_mem>>)
      %dma_wait3A_1230 = arith.constant 0 : i32
      %dma_wait3A_1231 = tpu.memref_slice %arg5[%add3A_1170, %dma_wait3A_1230] : memref<10240x16xf32, #tpu.memory_space<vmem_shared>> -> memref<64x16xf32, #tpu.memory_space<vmem_shared>>
      %dma_wait3A_1232 = arith.constant 0 : i32
      %dma_wait3A_1233 = tpu.memref_slice %arg5[%add3A_1170, %dma_wait3A_1232] : memref<10240x16xf32, #tpu.memory_space<vmem_shared>> -> memref<64x16xf32, #tpu.memory_space<vmem_shared>>
      tpu.wait_dma2 semaphore(%run_scoped3A : memref<!tpu.dma_semaphore, #tpu.memory_space<semaphore_mem>>) src(%arg9 : memref<64x16xf32, #tpu.memory_space<vmem>>) dst(%dma_wait3A_1233 : memref<64x16xf32, #tpu.memory_space<vmem_shared>>)
      tpu.yield
    }) : () -> ()
    %mul3A_1171 = arith.constant 640 : i32
    %mul3A_1172 = arith.muli %arg1, %mul3A_1171 : i32
    %add3A_1173 = arith.constant 256 : i32
    %add3A_1174 = arith.addi %mul3A_1172, %add3A_1173 : i32
    "tpu.region"() ({
      %run_scoped3A = tpu.sem_alloc : memref<!tpu.dma_semaphore, #tpu.memory_space<semaphore_mem>>
      %dma_start3A_1226 = arith.constant 0 : i32
      %dma_start3A_1227 = tpu.memref_slice %arg5[%add3A_1174, %dma_start3A_1226] : memref<10240x16xf32, #tpu.memory_space<vmem_shared>> -> memref<64x16xf32, #tpu.memory_space<vmem_shared>>
      %dma_start3A_1228 = arith.constant 0 : i32
      %dma_start3A_1229 = tpu.memref_slice %arg5[%add3A_1174, %dma_start3A_1228] : memref<10240x16xf32, #tpu.memory_space<vmem_shared>> -> memref<64x16xf32, #tpu.memory_space<vmem_shared>>
      tpu.enqueue_dma source(%arg9 : memref<64x16xf32, #tpu.memory_space<vmem>>) target(%dma_start3A_1229 : memref<64x16xf32, #tpu.memory_space<vmem_shared>>) target_semaphore(%run_scoped3A : memref<!tpu.dma_semaphore, #tpu.memory_space<semaphore_mem>>)
      %dma_wait3A_1230 = arith.constant 0 : i32
      %dma_wait3A_1231 = tpu.memref_slice %arg5[%add3A_1174, %dma_wait3A_1230] : memref<10240x16xf32, #tpu.memory_space<vmem_shared>> -> memref<64x16xf32, #tpu.memory_space<vmem_shared>>
      %dma_wait3A_1232 = arith.constant 0 : i32
      %dma_wait3A_1233 = tpu.memref_slice %arg5[%add3A_1174, %dma_wait3A_1232] : memref<10240x16xf32, #tpu.memory_space<vmem_shared>> -> memref<64x16xf32, #tpu.memory_space<vmem_shared>>
      tpu.wait_dma2 semaphore(%run_scoped3A : memref<!tpu.dma_semaphore, #tpu.memory_space<semaphore_mem>>) src(%arg9 : memref<64x16xf32, #tpu.memory_space<vmem>>) dst(%dma_wait3A_1233 : memref<64x16xf32, #tpu.memory_space<vmem_shared>>)
      tpu.yield
    }) : () -> ()
    %mul3A_1175 = arith.constant 640 : i32
    %mul3A_1176 = arith.muli %arg1, %mul3A_1175 : i32
    %add3A_1177 = arith.constant 320 : i32
    %add3A_1178 = arith.addi %mul3A_1176, %add3A_1177 : i32
    "tpu.region"() ({
      %run_scoped3A = tpu.sem_alloc : memref<!tpu.dma_semaphore, #tpu.memory_space<semaphore_mem>>
      %dma_start3A_1226 = arith.constant 0 : i32
      %dma_start3A_1227 = tpu.memref_slice %arg5[%add3A_1178, %dma_start3A_1226] : memref<10240x16xf32, #tpu.memory_space<vmem_shared>> -> memref<64x16xf32, #tpu.memory_space<vmem_shared>>
      %dma_start3A_1228 = arith.constant 0 : i32
      %dma_start3A_1229 = tpu.memref_slice %arg5[%add3A_1178, %dma_start3A_1228] : memref<10240x16xf32, #tpu.memory_space<vmem_shared>> -> memref<64x16xf32, #tpu.memory_space<vmem_shared>>
      tpu.enqueue_dma source(%arg9 : memref<64x16xf32, #tpu.memory_space<vmem>>) target(%dma_start3A_1229 : memref<64x16xf32, #tpu.memory_space<vmem_shared>>) target_semaphore(%run_scoped3A : memref<!tpu.dma_semaphore, #tpu.memory_space<semaphore_mem>>)
      %dma_wait3A_1230 = arith.constant 0 : i32
      %dma_wait3A_1231 = tpu.memref_slice %arg5[%add3A_1178, %dma_wait3A_1230] : memref<10240x16xf32, #tpu.memory_space<vmem_shared>> -> memref<64x16xf32, #tpu.memory_space<vmem_shared>>
      %dma_wait3A_1232 = arith.constant 0 : i32
      %dma_wait3A_1233 = tpu.memref_slice %arg5[%add3A_1178, %dma_wait3A_1232] : memref<10240x16xf32, #tpu.memory_space<vmem_shared>> -> memref<64x16xf32, #tpu.memory_space<vmem_shared>>
      tpu.wait_dma2 semaphore(%run_scoped3A : memref<!tpu.dma_semaphore, #tpu.memory_space<semaphore_mem>>) src(%arg9 : memref<64x16xf32, #tpu.memory_space<vmem>>) dst(%dma_wait3A_1233 : memref<64x16xf32, #tpu.memory_space<vmem_shared>>)
      tpu.yield
    }) : () -> ()
    %mul3A_1179 = arith.constant 640 : i32
    %mul3A_1180 = arith.muli %arg1, %mul3A_1179 : i32
    %add3A_1181 = arith.constant 384 : i32
    %add3A_1182 = arith.addi %mul3A_1180, %add3A_1181 : i32
    "tpu.region"() ({
      %run_scoped3A = tpu.sem_alloc : memref<!tpu.dma_semaphore, #tpu.memory_space<semaphore_mem>>
      %dma_start3A_1226 = arith.constant 0 : i32
      %dma_start3A_1227 = tpu.memref_slice %arg5[%add3A_1182, %dma_start3A_1226] : memref<10240x16xf32, #tpu.memory_space<vmem_shared>> -> memref<64x16xf32, #tpu.memory_space<vmem_shared>>
      %dma_start3A_1228 = arith.constant 0 : i32
      %dma_start3A_1229 = tpu.memref_slice %arg5[%add3A_1182, %dma_start3A_1228] : memref<10240x16xf32, #tpu.memory_space<vmem_shared>> -> memref<64x16xf32, #tpu.memory_space<vmem_shared>>
      tpu.enqueue_dma source(%arg9 : memref<64x16xf32, #tpu.memory_space<vmem>>) target(%dma_start3A_1229 : memref<64x16xf32, #tpu.memory_space<vmem_shared>>) target_semaphore(%run_scoped3A : memref<!tpu.dma_semaphore, #tpu.memory_space<semaphore_mem>>)
      %dma_wait3A_1230 = arith.constant 0 : i32
      %dma_wait3A_1231 = tpu.memref_slice %arg5[%add3A_1182, %dma_wait3A_1230] : memref<10240x16xf32, #tpu.memory_space<vmem_shared>> -> memref<64x16xf32, #tpu.memory_space<vmem_shared>>
      %dma_wait3A_1232 = arith.constant 0 : i32
      %dma_wait3A_1233 = tpu.memref_slice %arg5[%add3A_1182, %dma_wait3A_1232] : memref<10240x16xf32, #tpu.memory_space<vmem_shared>> -> memref<64x16xf32, #tpu.memory_space<vmem_shared>>
      tpu.wait_dma2 semaphore(%run_scoped3A : memref<!tpu.dma_semaphore, #tpu.memory_space<semaphore_mem>>) src(%arg9 : memref<64x16xf32, #tpu.memory_space<vmem>>) dst(%dma_wait3A_1233 : memref<64x16xf32, #tpu.memory_space<vmem_shared>>)
      tpu.yield
    }) : () -> ()
    %mul3A_1183 = arith.constant 640 : i32
    %mul3A_1184 = arith.muli %arg1, %mul3A_1183 : i32
    %add3A_1185 = arith.constant 448 : i32
    %add3A_1186 = arith.addi %mul3A_1184, %add3A_1185 : i32
    "tpu.region"() ({
      %run_scoped3A = tpu.sem_alloc : memref<!tpu.dma_semaphore, #tpu.memory_space<semaphore_mem>>
      %dma_start3A_1226 = arith.constant 0 : i32
      %dma_start3A_1227 = tpu.memref_slice %arg5[%add3A_1186, %dma_start3A_1226] : memref<10240x16xf32, #tpu.memory_space<vmem_shared>> -> memref<64x16xf32, #tpu.memory_space<vmem_shared>>
      %dma_start3A_1228 = arith.constant 0 : i32
      %dma_start3A_1229 = tpu.memref_slice %arg5[%add3A_1186, %dma_start3A_1228] : memref<10240x16xf32, #tpu.memory_space<vmem_shared>> -> memref<64x16xf32, #tpu.memory_space<vmem_shared>>
      tpu.enqueue_dma source(%arg9 : memref<64x16xf32, #tpu.memory_space<vmem>>) target(%dma_start3A_1229 : memref<64x16xf32, #tpu.memory_space<vmem_shared>>) target_semaphore(%run_scoped3A : memref<!tpu.dma_semaphore, #tpu.memory_space<semaphore_mem>>)
      %dma_wait3A_1230 = arith.constant 0 : i32
      %dma_wait3A_1231 = tpu.memref_slice %arg5[%add3A_1186, %dma_wait3A_1230] : memref<10240x16xf32, #tpu.memory_space<vmem_shared>> -> memref<64x16xf32, #tpu.memory_space<vmem_shared>>
      %dma_wait3A_1232 = arith.constant 0 : i32
      %dma_wait3A_1233 = tpu.memref_slice %arg5[%add3A_1186, %dma_wait3A_1232] : memref<10240x16xf32, #tpu.memory_space<vmem_shared>> -> memref<64x16xf32, #tpu.memory_space<vmem_shared>>
      tpu.wait_dma2 semaphore(%run_scoped3A : memref<!tpu.dma_semaphore, #tpu.memory_space<semaphore_mem>>) src(%arg9 : memref<64x16xf32, #tpu.memory_space<vmem>>) dst(%dma_wait3A_1233 : memref<64x16xf32, #tpu.memory_space<vmem_shared>>)
      tpu.yield
    }) : () -> ()
    %mul3A_1187 = arith.constant 640 : i32
    %mul3A_1188 = arith.muli %arg1, %mul3A_1187 : i32
    %add3A_1189 = arith.constant 512 : i32
    %add3A_1190 = arith.addi %mul3A_1188, %add3A_1189 : i32
    "tpu.region"() ({
      %run_scoped3A = tpu.sem_alloc : memref<!tpu.dma_semaphore, #tpu.memory_space<semaphore_mem>>
      %dma_start3A_1226 = arith.constant 0 : i32
      %dma_start3A_1227 = tpu.memref_slice %arg5[%add3A_1190, %dma_start3A_1226] : memref<10240x16xf32, #tpu.memory_space<vmem_shared>> -> memref<64x16xf32, #tpu.memory_space<vmem_shared>>
      %dma_start3A_1228 = arith.constant 0 : i32
      %dma_start3A_1229 = tpu.memref_slice %arg5[%add3A_1190, %dma_start3A_1228] : memref<10240x16xf32, #tpu.memory_space<vmem_shared>> -> memref<64x16xf32, #tpu.memory_space<vmem_shared>>
      tpu.enqueue_dma source(%arg9 : memref<64x16xf32, #tpu.memory_space<vmem>>) target(%dma_start3A_1229 : memref<64x16xf32, #tpu.memory_space<vmem_shared>>) target_semaphore(%run_scoped3A : memref<!tpu.dma_semaphore, #tpu.memory_space<semaphore_mem>>)
      %dma_wait3A_1230 = arith.constant 0 : i32
      %dma_wait3A_1231 = tpu.memref_slice %arg5[%add3A_1190, %dma_wait3A_1230] : memref<10240x16xf32, #tpu.memory_space<vmem_shared>> -> memref<64x16xf32, #tpu.memory_space<vmem_shared>>
      %dma_wait3A_1232 = arith.constant 0 : i32
      %dma_wait3A_1233 = tpu.memref_slice %arg5[%add3A_1190, %dma_wait3A_1232] : memref<10240x16xf32, #tpu.memory_space<vmem_shared>> -> memref<64x16xf32, #tpu.memory_space<vmem_shared>>
      tpu.wait_dma2 semaphore(%run_scoped3A : memref<!tpu.dma_semaphore, #tpu.memory_space<semaphore_mem>>) src(%arg9 : memref<64x16xf32, #tpu.memory_space<vmem>>) dst(%dma_wait3A_1233 : memref<64x16xf32, #tpu.memory_space<vmem_shared>>)
      tpu.yield
    }) : () -> ()
    %mul3A_1191 = arith.constant 640 : i32
    %mul3A_1192 = arith.muli %arg1, %mul3A_1191 : i32
    %add3A_1193 = arith.constant 576 : i32
    %add3A_1194 = arith.addi %mul3A_1192, %add3A_1193 : i32
    "tpu.region"() ({
      %run_scoped3A = tpu.sem_alloc : memref<!tpu.dma_semaphore, #tpu.memory_space<semaphore_mem>>
      %dma_start3A_1226 = arith.constant 0 : i32
      %dma_start3A_1227 = tpu.memref_slice %arg5[%add3A_1194, %dma_start3A_1226] : memref<10240x16xf32, #tpu.memory_space<vmem_shared>> -> memref<64x16xf32, #tpu.memory_space<vmem_shared>>
      %dma_start3A_1228 = arith.constant 0 : i32
      %dma_start3A_1229 = tpu.memref_slice %arg5[%add3A_1194, %dma_start3A_1228] : memref<10240x16xf32, #tpu.memory_space<vmem_shared>> -> memref<64x16xf32, #tpu.memory_space<vmem_shared>>
      tpu.enqueue_dma source(%arg9 : memref<64x16xf32, #tpu.memory_space<vmem>>) target(%dma_start3A_1229 : memref<64x16xf32, #tpu.memory_space<vmem_shared>>) target_semaphore(%run_scoped3A : memref<!tpu.dma_semaphore, #tpu.memory_space<semaphore_mem>>)
      %dma_wait3A_1230 = arith.constant 0 : i32
      %dma_wait3A_1231 = tpu.memref_slice %arg5[%add3A_1194, %dma_wait3A_1230] : memref<10240x16xf32, #tpu.memory_space<vmem_shared>> -> memref<64x16xf32, #tpu.memory_space<vmem_shared>>
      %dma_wait3A_1232 = arith.constant 0 : i32
      %dma_wait3A_1233 = tpu.memref_slice %arg5[%add3A_1194, %dma_wait3A_1232] : memref<10240x16xf32, #tpu.memory_space<vmem_shared>> -> memref<64x16xf32, #tpu.memory_space<vmem_shared>>
      tpu.wait_dma2 semaphore(%run_scoped3A : memref<!tpu.dma_semaphore, #tpu.memory_space<semaphore_mem>>) src(%arg9 : memref<64x16xf32, #tpu.memory_space<vmem>>) dst(%dma_wait3A_1233 : memref<64x16xf32, #tpu.memory_space<vmem_shared>>)
      tpu.yield
    }) : () -> ()
    %barrier3A = arith.constant 0 : index
    tpu.barrier barrier_id(%barrier3A)
    %dma_start3A = arith.constant 0 : i32
    %dma_start3A_1195 = arith.constant 0 : i32
    %dma_start3A_1196 = tpu.memref_slice %arg2[%add3A, %dma_start3A, %dma_start3A_1195] : memref<32x80x128xi32, #tpu.memory_space<hbm>> -> memref<1x1x128xi32, #tpu.memory_space<hbm>>
    %dma_start3A_1197 = tpu.memref_squeeze %dma_start3A_1196 : memref<1x1x128xi32, #tpu.memory_space<hbm>> -> memref<128xi32, #tpu.memory_space<hbm>>
    %dma_start3A_1198 = arith.constant 0 : i32
    %dma_start3A_1199 = tpu.memref_slice %arg2[%add3A, %dma_start3A, %dma_start3A_1198] : memref<32x80x128xi32, #tpu.memory_space<hbm>> -> memref<1x1x128xi32, #tpu.memory_space<hbm>>
    %dma_start3A_1200 = tpu.memref_squeeze %dma_start3A_1199 : memref<1x1x128xi32, #tpu.memory_space<hbm>> -> memref<128xi32, #tpu.memory_space<hbm>>
    tpu.enqueue_dma source(%dma_start3A_1200 : memref<128xi32, #tpu.memory_space<hbm>>) target(%arg6 : memref<128xi32, #tpu.memory_space<vmem>>) target_semaphore(%arg10 : memref<!tpu.dma_semaphore, #tpu.memory_space<semaphore_mem>>)
    %dma_start3A_1201 = arith.constant 1 : i32
    %dma_start3A_1202 = arith.constant 0 : i32
    %dma_start3A_1203 = tpu.memref_slice %arg2[%add3A, %dma_start3A_1201, %dma_start3A_1202] : memref<32x80x128xi32, #tpu.memory_space<hbm>> -> memref<1x1x128xi32, #tpu.memory_space<hbm>>
    %dma_start3A_1204 = tpu.memref_squeeze %dma_start3A_1203 : memref<1x1x128xi32, #tpu.memory_space<hbm>> -> memref<128xi32, #tpu.memory_space<hbm>>
    %dma_start3A_1205 = arith.constant 0 : i32
    %dma_start3A_1206 = tpu.memref_slice %arg2[%add3A, %dma_start3A_1201, %dma_start3A_1205] : memref<32x80x128xi32, #tpu.memory_space<hbm>> -> memref<1x1x128xi32, #tpu.memory_space<hbm>>
    %dma_start3A_1207 = tpu.memref_squeeze %dma_start3A_1206 : memref<1x1x128xi32, #tpu.memory_space<hbm>> -> memref<128xi32, #tpu.memory_space<hbm>>
    tpu.enqueue_dma source(%dma_start3A_1207 : memref<128xi32, #tpu.memory_space<hbm>>) target(%arg7 : memref<128xi32, #tpu.memory_space<vmem>>) target_semaphore(%arg11 : memref<!tpu.dma_semaphore, #tpu.memory_space<semaphore_mem>>)
    %scan3A = arith.constant 0 : i32
    %scan3A_1208 = arith.constant 0 : i32
    %scan3A_1209 = arith.constant 40 : i32
    %scan3A_1210 = arith.addi %scan3A_1208, %scan3A_1209 : i32
    %scan3A_1211 = arith.constant 1 : i32
    scf.for %scan3A_1226 = %scan3A_1208 to %scan3A_1210 step %scan3A_1211  : i32 {
      %dma_wait3A_1227 = arith.constant 0 : i32
      %dma_wait3A_1228 = arith.constant 0 : i32
      %dma_wait3A_1229 = tpu.memref_slice %arg2[%add3A, %dma_wait3A_1227, %dma_wait3A_1228] : memref<32x80x128xi32, #tpu.memory_space<hbm>> -> memref<1x1x128xi32, #tpu.memory_space<hbm>>
      %dma_wait3A_1230 = tpu.memref_squeeze %dma_wait3A_1229 : memref<1x1x128xi32, #tpu.memory_space<hbm>> -> memref<128xi32, #tpu.memory_space<hbm>>
      %dma_wait3A_1231 = arith.constant 0 : i32
      %dma_wait3A_1232 = tpu.memref_slice %arg2[%add3A, %dma_wait3A_1227, %dma_wait3A_1231] : memref<32x80x128xi32, #tpu.memory_space<hbm>> -> memref<1x1x128xi32, #tpu.memory_space<hbm>>
      %dma_wait3A_1233 = tpu.memref_squeeze %dma_wait3A_1232 : memref<1x1x128xi32, #tpu.memory_space<hbm>> -> memref<128xi32, #tpu.memory_space<hbm>>
      tpu.wait_dma2 semaphore(%arg10 : memref<!tpu.dma_semaphore, #tpu.memory_space<semaphore_mem>>) src(%dma_wait3A_1233 : memref<128xi32, #tpu.memory_space<hbm>>) dst(%arg6 : memref<128xi32, #tpu.memory_space<vmem>>)
      %dma_start3A_1234 = arith.constant 0 : i32
      %dma_start3A_1235 = arith.constant 0 : i32
      %dma_start3A_1236 = tpu.memref_slice %arg5[%dma_start3A_1234, %dma_start3A_1235] : memref<10240x16xf32, #tpu.memory_space<vmem_shared>> -> memref<10240x16xf32, #tpu.memory_space<vmem_shared>>
      tpu.enqueue_indirect_dma source(%arg8 : memref<128x16xf32, #tpu.memory_space<vmem>>) target(%dma_start3A_1236 : memref<10240x16xf32, #tpu.memory_space<vmem_shared>>) offsets(%arg6 : memref<128xi32, #tpu.memory_space<vmem>>) semaphore(%arg12 : memref<!tpu.dma_semaphore, #tpu.memory_space<semaphore_mem>>) {add = true}
      %dma_wait3A_1237 = arith.constant 0 : i32
      %dma_wait3A_1238 = arith.constant 0 : i32
      %dma_wait3A_1239 = tpu.memref_slice %arg2[%add3A, %dma_wait3A_1237, %dma_wait3A_1238] : memref<32x80x128xi32, #tpu.memory_space<hbm>> -> memref<1x1x128xi32, #tpu.memory_space<hbm>>
      %dma_wait3A_1240 = tpu.memref_squeeze %dma_wait3A_1239 : memref<1x1x128xi32, #tpu.memory_space<hbm>> -> memref<128xi32, #tpu.memory_space<hbm>>
      %dma_wait3A_1241 = arith.constant 0 : i32
      %dma_wait3A_1242 = tpu.memref_slice %arg2[%add3A, %dma_wait3A_1237, %dma_wait3A_1241] : memref<32x80x128xi32, #tpu.memory_space<hbm>> -> memref<1x1x128xi32, #tpu.memory_space<hbm>>
      %dma_wait3A_1243 = tpu.memref_squeeze %dma_wait3A_1242 : memref<1x1x128xi32, #tpu.memory_space<hbm>> -> memref<128xi32, #tpu.memory_space<hbm>>
      tpu.wait_dma2 semaphore(%arg11 : memref<!tpu.dma_semaphore, #tpu.memory_space<semaphore_mem>>) src(%dma_wait3A_1243 : memref<128xi32, #tpu.memory_space<hbm>>) dst(%arg7 : memref<128xi32, #tpu.memory_space<vmem>>)
      %dma_start3A_1244 = arith.constant 0 : i32
      %dma_start3A_1245 = arith.constant 0 : i32
      %dma_start3A_1246 = tpu.memref_slice %arg5[%dma_start3A_1244, %dma_start3A_1245] : memref<10240x16xf32, #tpu.memory_space<vmem_shared>> -> memref<10240x16xf32, #tpu.memory_space<vmem_shared>>
      tpu.enqueue_indirect_dma source(%arg8 : memref<128x16xf32, #tpu.memory_space<vmem>>) target(%dma_start3A_1246 : memref<10240x16xf32, #tpu.memory_space<vmem_shared>>) offsets(%arg7 : memref<128xi32, #tpu.memory_space<vmem>>) semaphore(%arg13 : memref<!tpu.dma_semaphore, #tpu.memory_space<semaphore_mem>>) {add = true}
      %lt3A = arith.constant 39 : i32
      %lt3A_1247 = arith.cmpi slt, %scan3A_1226, %lt3A : i32
      %convert_element_type3A_1248 = arith.extui %lt3A_1247 : i1 to i32
      %cond3A_1249 = arith.constant 0 : i32
      %cond3A_1250 = arith.cmpi ne, %convert_element_type3A_1248, %cond3A_1249 : i32
      scf.if %cond3A_1250 {
        %dma_wait3A_1251 = arith.constant 0 : i32
        %dma_wait3A_1252 = arith.constant 0 : i32
        %dma_wait3A_1253 = tpu.memref_slice %arg5[%dma_wait3A_1251, %dma_wait3A_1252] : memref<10240x16xf32, #tpu.memory_space<vmem_shared>> -> memref<10240x16xf32, #tpu.memory_space<vmem_shared>>
        tpu.wait_indirect_dma semaphore(%arg12 : memref<!tpu.dma_semaphore, #tpu.memory_space<semaphore_mem>>) src(%arg8 : memref<128x16xf32, #tpu.memory_space<vmem>>) dst(%dma_wait3A_1253 : memref<10240x16xf32, #tpu.memory_space<vmem_shared>>)
        %mul3A_1254 = arith.constant 2 : i32
        %mul3A_1255 = arith.muli %mul3A_1254, %scan3A_1226 : i32
        %add3A_1256 = arith.constant 2 : i32
        %add3A_1257 = arith.addi %mul3A_1255, %add3A_1256 : i32
        %add3A_1258 = arith.constant 0 : i32
        %add3A_1259 = arith.addi %add3A_1257, %add3A_1258 : i32
        %dma_start3A_1260 = arith.constant 0 : i32
        %dma_start3A_1261 = tpu.memref_slice %arg2[%add3A, %add3A_1259, %dma_start3A_1260] : memref<32x80x128xi32, #tpu.memory_space<hbm>> -> memref<1x1x128xi32, #tpu.memory_space<hbm>>
        %dma_start3A_1262 = tpu.memref_squeeze %dma_start3A_1261 : memref<1x1x128xi32, #tpu.memory_space<hbm>> -> memref<128xi32, #tpu.memory_space<hbm>>
        %dma_start3A_1263 = arith.constant 0 : i32
        %dma_start3A_1264 = tpu.memref_slice %arg2[%add3A, %add3A_1259, %dma_start3A_1263] : memref<32x80x128xi32, #tpu.memory_space<hbm>> -> memref<1x1x128xi32, #tpu.memory_space<hbm>>
        %dma_start3A_1265 = tpu.memref_squeeze %dma_start3A_1264 : memref<1x1x128xi32, #tpu.memory_space<hbm>> -> memref<128xi32, #tpu.memory_space<hbm>>
        tpu.enqueue_dma source(%dma_start3A_1265 : memref<128xi32, #tpu.memory_space<hbm>>) target(%arg6 : memref<128xi32, #tpu.memory_space<vmem>>) target_semaphore(%arg10 : memref<!tpu.dma_semaphore, #tpu.memory_space<semaphore_mem>>)
        %dma_wait3A_1266 = arith.constant 0 : i32
        %dma_wait3A_1267 = arith.constant 0 : i32
        %dma_wait3A_1268 = tpu.memref_slice %arg5[%dma_wait3A_1266, %dma_wait3A_1267] : memref<10240x16xf32, #tpu.memory_space<vmem_shared>> -> memref<10240x16xf32, #tpu.memory_space<vmem_shared>>
        tpu.wait_indirect_dma semaphore(%arg13 : memref<!tpu.dma_semaphore, #tpu.memory_space<semaphore_mem>>) src(%arg8 : memref<128x16xf32, #tpu.memory_space<vmem>>) dst(%dma_wait3A_1268 : memref<10240x16xf32, #tpu.memory_space<vmem_shared>>)
        %mul3A_1269 = arith.constant 2 : i32
        %mul3A_1270 = arith.muli %mul3A_1269, %scan3A_1226 : i32
        %add3A_1271 = arith.constant 2 : i32
        %add3A_1272 = arith.addi %mul3A_1270, %add3A_1271 : i32
        %add3A_1273 = arith.constant 1 : i32
        %add3A_1274 = arith.addi %add3A_1272, %add3A_1273 : i32
        %dma_start3A_1275 = arith.constant 0 : i32
        %dma_start3A_1276 = tpu.memref_slice %arg2[%add3A, %add3A_1274, %dma_start3A_1275] : memref<32x80x128xi32, #tpu.memory_space<hbm>> -> memref<1x1x128xi32, #tpu.memory_space<hbm>>
        %dma_start3A_1277 = tpu.memref_squeeze %dma_start3A_1276 : memref<1x1x128xi32, #tpu.memory_space<hbm>> -> memref<128xi32, #tpu.memory_space<hbm>>
        %dma_start3A_1278 = arith.constant 0 : i32
        %dma_start3A_1279 = tpu.memref_slice %arg2[%add3A, %add3A_1274, %dma_start3A_1278] : memref<32x80x128xi32, #tpu.memory_space<hbm>> -> memref<1x1x128xi32, #tpu.memory_space<hbm>>
        %dma_start3A_1280 = tpu.memref_squeeze %dma_start3A_1279 : memref<1x1x128xi32, #tpu.memory_space<hbm>> -> memref<128xi32, #tpu.memory_space<hbm>>
        tpu.enqueue_dma source(%dma_start3A_1280 : memref<128xi32, #tpu.memory_space<hbm>>) target(%arg7 : memref<128xi32, #tpu.memory_space<vmem>>) target_semaphore(%arg11 : memref<!tpu.dma_semaphore, #tpu.memory_space<semaphore_mem>>)
      } else {
      }
    }
    %scan3A_1212 = arith.constant 40 : i32
    %dma_wait3A = arith.constant 0 : i32
    %dma_wait3A_1213 = arith.constant 0 : i32
    %dma_wait3A_1214 = tpu.memref_slice %arg5[%dma_wait3A, %dma_wait3A_1213] : memref<10240x16xf32, #tpu.memory_space<vmem_shared>> -> memref<10240x16xf32, #tpu.memory_space<vmem_shared>>
    tpu.wait_indirect_dma semaphore(%arg12 : memref<!tpu.dma_semaphore, #tpu.memory_space<semaphore_mem>>) src(%arg8 : memref<128x16xf32, #tpu.memory_space<vmem>>) dst(%dma_wait3A_1214 : memref<10240x16xf32, #tpu.memory_space<vmem_shared>>)
    %dma_wait3A_1215 = arith.constant 0 : i32
    %dma_wait3A_1216 = arith.constant 0 : i32
    %dma_wait3A_1217 = tpu.memref_slice %arg5[%dma_wait3A_1215, %dma_wait3A_1216] : memref<10240x16xf32, #tpu.memory_space<vmem_shared>> -> memref<10240x16xf32, #tpu.memory_space<vmem_shared>>
    tpu.wait_indirect_dma semaphore(%arg13 : memref<!tpu.dma_semaphore, #tpu.memory_space<semaphore_mem>>) src(%arg8 : memref<128x16xf32, #tpu.memory_space<vmem>>) dst(%dma_wait3A_1217 : memref<10240x16xf32, #tpu.memory_space<vmem_shared>>)
    %barrier3A_1218 = arith.constant 0 : index
    tpu.barrier barrier_id(%barrier3A_1218)
    %eq3A = arith.constant 0 : i32
    %eq3A_1219 = arith.cmpi eq, %arg0, %eq3A : i32
    %convert_element_type3A = arith.extui %eq3A_1219 : i1 to i32
    %cond3A = arith.constant 0 : i32
    %cond3A_1220 = arith.cmpi ne, %convert_element_type3A, %cond3A : i32
    scf.if %cond3A_1220 {
      %mul3A_1226 = arith.constant 640 : i32
      %mul3A_1227 = arith.muli %arg1, %mul3A_1226 : i32
      %mul3A_1228 = arith.constant 640 : i32
      %mul3A_1229 = arith.muli %arg1, %mul3A_1228 : i32
      "tpu.region"() ({
        %run_scoped3A = tpu.sem_alloc : memref<!tpu.dma_semaphore, #tpu.memory_space<semaphore_mem>>
        %dma_start3A_1230 = arith.constant 0 : i32
        %dma_start3A_1231 = tpu.memref_slice %arg3[%mul3A_1229, %dma_start3A_1230] : memref<10240x16xf32, #tpu.memory_space<hbm>> -> memref<640x16xf32, #tpu.memory_space<hbm>>
        %dma_start3A_1232 = arith.constant 0 : i32
        %dma_start3A_1233 = tpu.memref_slice %arg5[%mul3A_1227, %dma_start3A_1232] : memref<10240x16xf32, #tpu.memory_space<vmem_shared>> -> memref<640x16xf32, #tpu.memory_space<vmem_shared>>
        tpu.enqueue_dma source(%dma_start3A_1233 : memref<640x16xf32, #tpu.memory_space<vmem_shared>>) target(%dma_start3A_1231 : memref<640x16xf32, #tpu.memory_space<hbm>>) target_semaphore(%run_scoped3A : memref<!tpu.dma_semaphore, #tpu.memory_space<semaphore_mem>>)
        %dma_wait3A_1234 = arith.constant 0 : i32
        %dma_wait3A_1235 = tpu.memref_slice %arg3[%mul3A_1229, %dma_wait3A_1234] : memref<10240x16xf32, #tpu.memory_space<hbm>> -> memref<640x16xf32, #tpu.memory_space<hbm>>
        %dma_wait3A_1236 = arith.constant 0 : i32
        %dma_wait3A_1237 = tpu.memref_slice %arg5[%mul3A_1227, %dma_wait3A_1236] : memref<10240x16xf32, #tpu.memory_space<vmem_shared>> -> memref<640x16xf32, #tpu.memory_space<vmem_shared>>
        tpu.wait_dma2 semaphore(%run_scoped3A : memref<!tpu.dma_semaphore, #tpu.memory_space<semaphore_mem>>) src(%dma_wait3A_1237 : memref<640x16xf32, #tpu.memory_space<vmem_shared>>) dst(%dma_wait3A_1235 : memref<640x16xf32, #tpu.memory_space<hbm>>)
        tpu.yield
      }) : () -> ()
    } else {
    }
    %eq3A_1221 = arith.constant 1 : i32
    %eq3A_1222 = arith.cmpi eq, %arg0, %eq3A_1221 : i32
    %convert_element_type3A_1223 = arith.extui %eq3A_1222 : i1 to i32
    %cond3A_1224 = arith.constant 0 : i32
    %cond3A_1225 = arith.cmpi ne, %convert_element_type3A_1223, %cond3A_1224 : i32
    scf.if %cond3A_1225 {
      %mul3A_1226 = arith.constant 640 : i32
      %mul3A_1227 = arith.muli %arg1, %mul3A_1226 : i32
      %mul3A_1228 = arith.constant 640 : i32
      %mul3A_1229 = arith.muli %arg1, %mul3A_1228 : i32
      "tpu.region"() ({
        %run_scoped3A = tpu.sem_alloc : memref<!tpu.dma_semaphore, #tpu.memory_space<semaphore_mem>>
        %dma_start3A_1230 = arith.constant 0 : i32
        %dma_start3A_1231 = tpu.memref_slice %arg4[%mul3A_1229, %dma_start3A_1230] : memref<10240x16xf32, #tpu.memory_space<hbm>> -> memref<640x16xf32, #tpu.memory_space<hbm>>
        %dma_start3A_1232 = arith.constant 0 : i32
        %dma_start3A_1233 = tpu.memref_slice %arg5[%mul3A_1227, %dma_start3A_1232] : memref<10240x16xf32, #tpu.memory_space<vmem_shared>> -> memref<640x16xf32, #tpu.memory_space<vmem_shared>>
        tpu.enqueue_dma source(%dma_start3A_1233 : memref<640x16xf32, #tpu.memory_space<vmem_shared>>) target(%dma_start3A_1231 : memref<640x16xf32, #tpu.memory_space<hbm>>) target_semaphore(%run_scoped3A : memref<!tpu.dma_semaphore, #tpu.memory_space<semaphore_mem>>)
        %dma_wait3A_1234 = arith.constant 0 : i32
        %dma_wait3A_1235 = tpu.memref_slice %arg4[%mul3A_1229, %dma_wait3A_1234] : memref<10240x16xf32, #tpu.memory_space<hbm>> -> memref<640x16xf32, #tpu.memory_space<hbm>>
        %dma_wait3A_1236 = arith.constant 0 : i32
        %dma_wait3A_1237 = tpu.memref_slice %arg5[%mul3A_1227, %dma_wait3A_1236] : memref<10240x16xf32, #tpu.memory_space<vmem_shared>> -> memref<640x16xf32, #tpu.memory_space<vmem_shared>>
        tpu.wait_dma2 semaphore(%run_scoped3A : memref<!tpu.dma_semaphore, #tpu.memory_space<semaphore_mem>>) src(%dma_wait3A_1237 : memref<640x16xf32, #tpu.memory_space<vmem_shared>>) dst(%dma_wait3A_1235 : memref<640x16xf32, #tpu.memory_space<hbm>>)
        tpu.yield
      }) : () -> ()
    } else {
    }
    return
  }
}

#map = affine_map<(d0, d1) -> (0, 0)>
#map1 = affine_map<(d0, d1) -> (0, 0, 0)>
module attributes {stable_mosaic.version = 14 : i64} {
  func.func @_sc_aggregate(%arg0: i32, %arg1: i32, %arg2: memref<10240x128xf32, #tpu.memory_space<hbm>>, %arg3: memref<32x120x128xi32, #tpu.memory_space<hbm>>, %arg4: memref<16x160x128xi32, #tpu.memory_space<hbm>>, %arg5: memref<10240x128xf32, #tpu.memory_space<hbm>>, %arg6: memref<10240x128xf32, #tpu.memory_space<hbm>>, %arg7: memref<10240x128xf32, #tpu.memory_space<vmem_shared>>, %arg8: memref<120x128xi32, #tpu.memory_space<vmem>>, %arg9: memref<128x128xf32, #tpu.memory_space<vmem>>, %arg10: memref<128x128xf32, #tpu.memory_space<vmem>>, %arg11: memref<128xi32, #tpu.memory_space<vmem>>, %arg12: memref<128xi32, #tpu.memory_space<vmem>>, %arg13: memref<!tpu.dma_semaphore, #tpu.memory_space<semaphore_mem>>, %arg14: memref<!tpu.dma_semaphore, #tpu.memory_space<semaphore_mem>>, %arg15: memref<!tpu.dma_semaphore, #tpu.memory_space<semaphore_mem>>, %arg16: memref<!tpu.dma_semaphore, #tpu.memory_space<semaphore_mem>>, %arg17: memref<!tpu.dma_semaphore, #tpu.memory_space<semaphore_mem>>, %arg18: memref<!tpu.dma_semaphore, #tpu.memory_space<semaphore_mem>>) attributes {dimension_semantics = [#tpu.dimension_semantics<core_parallel>, #tpu.dimension_semantics<subcore_parallel>], iteration_bounds = array<i64: 2, 16>, scalar_prefetch = 0 : i64, scratch_operands = 12 : i64, tpu.core_type = #tpu.core_type<sc_vector_subcore>, window_params = [{transform_indices = #map}, {transform_indices = #map1}, {transform_indices = #map1}, {transform_indices = #map}, {transform_indices = #map}]} {
    %mul3A = arith.constant 2 : i32
    %mul3A_0 = arith.muli %arg1, %mul3A : i32
    %add3A = arith.addi %mul3A_0, %arg0 : i32
    %mul3A_1 = arith.constant 120 : i32
    %mul3A_2 = arith.muli %arg0, %mul3A_1 : i32
    %eq3A = arith.constant 0 : i32
    %eq3A_3 = arith.cmpi eq, %arg0, %eq3A : i32
    %jit3A = arith.constant 60 : i32
    %jit3A_4 = arith.constant 20 : i32
    %select_n3A = arith.select %eq3A_3, %jit3A, %jit3A_4 : i32
    %mul3A_5 = arith.constant 2 : i32
    %mul3A_6 = arith.muli %arg1, %mul3A_5 : i32
    %add3A_7 = arith.addi %mul3A_6, %arg0 : i32
    "tpu.region"() ({
      %run_scoped3A = tpu.sem_alloc : memref<!tpu.dma_semaphore, #tpu.memory_space<semaphore_mem>>
      %dma_start3A_60 = arith.constant 0 : i32
      %dma_start3A_61 = arith.constant 0 : i32
      %dma_start3A_62 = tpu.memref_slice %arg3[%add3A_7, %dma_start3A_60, %dma_start3A_61] : memref<32x120x128xi32, #tpu.memory_space<hbm>> -> memref<1x120x128xi32, #tpu.memory_space<hbm>>
      %dma_start3A_63 = tpu.memref_squeeze %dma_start3A_62 : memref<1x120x128xi32, #tpu.memory_space<hbm>> -> memref<120x128xi32, #tpu.memory_space<hbm>>
      %dma_start3A_64 = arith.constant 0 : i32
      %dma_start3A_65 = arith.constant 0 : i32
      %dma_start3A_66 = tpu.memref_slice %arg3[%add3A_7, %dma_start3A_64, %dma_start3A_65] : memref<32x120x128xi32, #tpu.memory_space<hbm>> -> memref<1x120x128xi32, #tpu.memory_space<hbm>>
      %dma_start3A_67 = tpu.memref_squeeze %dma_start3A_66 : memref<1x120x128xi32, #tpu.memory_space<hbm>> -> memref<120x128xi32, #tpu.memory_space<hbm>>
      tpu.enqueue_dma source(%dma_start3A_67 : memref<120x128xi32, #tpu.memory_space<hbm>>) target(%arg8 : memref<120x128xi32, #tpu.memory_space<vmem>>) target_semaphore(%run_scoped3A : memref<!tpu.dma_semaphore, #tpu.memory_space<semaphore_mem>>)
      %dma_wait3A = arith.constant 0 : i32
      %dma_wait3A_68 = arith.constant 0 : i32
      %dma_wait3A_69 = tpu.memref_slice %arg3[%add3A_7, %dma_wait3A, %dma_wait3A_68] : memref<32x120x128xi32, #tpu.memory_space<hbm>> -> memref<1x120x128xi32, #tpu.memory_space<hbm>>
      %dma_wait3A_70 = tpu.memref_squeeze %dma_wait3A_69 : memref<1x120x128xi32, #tpu.memory_space<hbm>> -> memref<120x128xi32, #tpu.memory_space<hbm>>
      %dma_wait3A_71 = arith.constant 0 : i32
      %dma_wait3A_72 = arith.constant 0 : i32
      %dma_wait3A_73 = tpu.memref_slice %arg3[%add3A_7, %dma_wait3A_71, %dma_wait3A_72] : memref<32x120x128xi32, #tpu.memory_space<hbm>> -> memref<1x120x128xi32, #tpu.memory_space<hbm>>
      %dma_wait3A_74 = tpu.memref_squeeze %dma_wait3A_73 : memref<1x120x128xi32, #tpu.memory_space<hbm>> -> memref<120x128xi32, #tpu.memory_space<hbm>>
      tpu.wait_dma2 semaphore(%run_scoped3A : memref<!tpu.dma_semaphore, #tpu.memory_space<semaphore_mem>>) src(%dma_wait3A_74 : memref<120x128xi32, #tpu.memory_space<hbm>>) dst(%arg8 : memref<120x128xi32, #tpu.memory_space<vmem>>)
      tpu.yield
    }) : () -> ()
    %mul3A_8 = arith.constant 640 : i32
    %mul3A_9 = arith.muli %arg1, %mul3A_8 : i32
    %mul3A_10 = arith.constant 640 : i32
    %mul3A_11 = arith.muli %arg1, %mul3A_10 : i32
    "tpu.region"() ({
      %run_scoped3A = tpu.sem_alloc : memref<!tpu.dma_semaphore, #tpu.memory_space<semaphore_mem>>
      %dma_start3A_60 = arith.constant 0 : i32
      %dma_start3A_61 = tpu.memref_slice %arg7[%mul3A_11, %dma_start3A_60] : memref<10240x128xf32, #tpu.memory_space<vmem_shared>> -> memref<640x128xf32, #tpu.memory_space<vmem_shared>>
      %dma_start3A_62 = arith.constant 0 : i32
      %dma_start3A_63 = tpu.memref_slice %arg2[%mul3A_9, %dma_start3A_62] : memref<10240x128xf32, #tpu.memory_space<hbm>> -> memref<640x128xf32, #tpu.memory_space<hbm>>
      tpu.enqueue_dma source(%dma_start3A_63 : memref<640x128xf32, #tpu.memory_space<hbm>>) target(%dma_start3A_61 : memref<640x128xf32, #tpu.memory_space<vmem_shared>>) target_semaphore(%run_scoped3A : memref<!tpu.dma_semaphore, #tpu.memory_space<semaphore_mem>>)
      %dma_wait3A = arith.constant 0 : i32
      %dma_wait3A_64 = tpu.memref_slice %arg7[%mul3A_11, %dma_wait3A] : memref<10240x128xf32, #tpu.memory_space<vmem_shared>> -> memref<640x128xf32, #tpu.memory_space<vmem_shared>>
      %dma_wait3A_65 = arith.constant 0 : i32
      %dma_wait3A_66 = tpu.memref_slice %arg2[%mul3A_9, %dma_wait3A_65] : memref<10240x128xf32, #tpu.memory_space<hbm>> -> memref<640x128xf32, #tpu.memory_space<hbm>>
      tpu.wait_dma2 semaphore(%run_scoped3A : memref<!tpu.dma_semaphore, #tpu.memory_space<semaphore_mem>>) src(%dma_wait3A_66 : memref<640x128xf32, #tpu.memory_space<hbm>>) dst(%dma_wait3A_64 : memref<640x128xf32, #tpu.memory_space<vmem_shared>>)
      tpu.yield
    }) : () -> ()
    %barrier3A = arith.constant 0 : index
    tpu.barrier barrier_id(%barrier3A)
    %dma_start3A = arith.constant 0 : i32
    %dma_start3A_12 = arith.constant 0 : i32
    %dma_start3A_13 = tpu.memref_slice %arg8[%dma_start3A, %dma_start3A_12] : memref<120x128xi32, #tpu.memory_space<vmem>> -> memref<1x128xi32, #tpu.memory_space<vmem>>
    %dma_start3A_14 = tpu.memref_squeeze %dma_start3A_13 : memref<1x128xi32, #tpu.memory_space<vmem>> -> memref<128xi32, #tpu.memory_space<vmem>>
    %dma_start3A_15 = arith.constant 0 : i32
    %dma_start3A_16 = arith.constant 0 : i32
    %dma_start3A_17 = tpu.memref_slice %arg2[%dma_start3A_15, %dma_start3A_16] : memref<10240x128xf32, #tpu.memory_space<hbm>> -> memref<10240x128xf32, #tpu.memory_space<hbm>>
    tpu.enqueue_indirect_dma source(%dma_start3A_17 : memref<10240x128xf32, #tpu.memory_space<hbm>>) target(%arg9 : memref<128x128xf32, #tpu.memory_space<vmem>>) offsets(%dma_start3A_14 : memref<128xi32, #tpu.memory_space<vmem>>) semaphore(%arg13 : memref<!tpu.dma_semaphore, #tpu.memory_space<semaphore_mem>>)
    %add3A_18 = arith.constant 0 : i32
    %add3A_19 = arith.addi %mul3A_2, %add3A_18 : i32
    %dma_start3A_20 = arith.constant 0 : i32
    %dma_start3A_21 = tpu.memref_slice %arg4[%arg1, %add3A_19, %dma_start3A_20] : memref<16x160x128xi32, #tpu.memory_space<hbm>> -> memref<1x1x128xi32, #tpu.memory_space<hbm>>
    %dma_start3A_22 = tpu.memref_squeeze %dma_start3A_21 : memref<1x1x128xi32, #tpu.memory_space<hbm>> -> memref<128xi32, #tpu.memory_space<hbm>>
    %dma_start3A_23 = arith.constant 0 : i32
    %dma_start3A_24 = tpu.memref_slice %arg4[%arg1, %add3A_19, %dma_start3A_23] : memref<16x160x128xi32, #tpu.memory_space<hbm>> -> memref<1x1x128xi32, #tpu.memory_space<hbm>>
    %dma_start3A_25 = tpu.memref_squeeze %dma_start3A_24 : memref<1x1x128xi32, #tpu.memory_space<hbm>> -> memref<128xi32, #tpu.memory_space<hbm>>
    tpu.enqueue_dma source(%dma_start3A_25 : memref<128xi32, #tpu.memory_space<hbm>>) target(%arg11 : memref<128xi32, #tpu.memory_space<vmem>>) target_semaphore(%arg15 : memref<!tpu.dma_semaphore, #tpu.memory_space<semaphore_mem>>)
    %dma_start3A_26 = arith.constant 1 : i32
    %dma_start3A_27 = arith.constant 0 : i32
    %dma_start3A_28 = tpu.memref_slice %arg8[%dma_start3A_26, %dma_start3A_27] : memref<120x128xi32, #tpu.memory_space<vmem>> -> memref<1x128xi32, #tpu.memory_space<vmem>>
    %dma_start3A_29 = tpu.memref_squeeze %dma_start3A_28 : memref<1x128xi32, #tpu.memory_space<vmem>> -> memref<128xi32, #tpu.memory_space<vmem>>
    %dma_start3A_30 = arith.constant 0 : i32
    %dma_start3A_31 = arith.constant 0 : i32
    %dma_start3A_32 = tpu.memref_slice %arg2[%dma_start3A_30, %dma_start3A_31] : memref<10240x128xf32, #tpu.memory_space<hbm>> -> memref<10240x128xf32, #tpu.memory_space<hbm>>
    tpu.enqueue_indirect_dma source(%dma_start3A_32 : memref<10240x128xf32, #tpu.memory_space<hbm>>) target(%arg10 : memref<128x128xf32, #tpu.memory_space<vmem>>) offsets(%dma_start3A_29 : memref<128xi32, #tpu.memory_space<vmem>>) semaphore(%arg14 : memref<!tpu.dma_semaphore, #tpu.memory_space<semaphore_mem>>)
    %add3A_33 = arith.constant 1 : i32
    %add3A_34 = arith.addi %mul3A_2, %add3A_33 : i32
    %dma_start3A_35 = arith.constant 0 : i32
    %dma_start3A_36 = tpu.memref_slice %arg4[%arg1, %add3A_34, %dma_start3A_35] : memref<16x160x128xi32, #tpu.memory_space<hbm>> -> memref<1x1x128xi32, #tpu.memory_space<hbm>>
    %dma_start3A_37 = tpu.memref_squeeze %dma_start3A_36 : memref<1x1x128xi32, #tpu.memory_space<hbm>> -> memref<128xi32, #tpu.memory_space<hbm>>
    %dma_start3A_38 = arith.constant 0 : i32
    %dma_start3A_39 = tpu.memref_slice %arg4[%arg1, %add3A_34, %dma_start3A_38] : memref<16x160x128xi32, #tpu.memory_space<hbm>> -> memref<1x1x128xi32, #tpu.memory_space<hbm>>
    %dma_start3A_40 = tpu.memref_squeeze %dma_start3A_39 : memref<1x1x128xi32, #tpu.memory_space<hbm>> -> memref<128xi32, #tpu.memory_space<hbm>>
    tpu.enqueue_dma source(%dma_start3A_40 : memref<128xi32, #tpu.memory_space<hbm>>) target(%arg12 : memref<128xi32, #tpu.memory_space<vmem>>) target_semaphore(%arg16 : memref<!tpu.dma_semaphore, #tpu.memory_space<semaphore_mem>>)
    %scan3A = arith.constant 0 : i32
    %scan3A_41 = arith.constant 0 : i32
    %scan3A_42 = arith.constant 20 : i32
    %scan3A_43 = arith.addi %scan3A_41, %scan3A_42 : i32
    %scan3A_44 = arith.constant 1 : i32
    scf.for %scan3A_60 = %scan3A_41 to %scan3A_43 step %scan3A_44  : i32 {
      %dma_wait3A = arith.constant 0 : i32
      %dma_wait3A_61 = arith.constant 0 : i32
      %dma_wait3A_62 = tpu.memref_slice %arg8[%dma_wait3A, %dma_wait3A_61] : memref<120x128xi32, #tpu.memory_space<vmem>> -> memref<1x128xi32, #tpu.memory_space<vmem>>
      %dma_wait3A_63 = tpu.memref_squeeze %dma_wait3A_62 : memref<1x128xi32, #tpu.memory_space<vmem>> -> memref<128xi32, #tpu.memory_space<vmem>>
      %dma_wait3A_64 = arith.constant 0 : i32
      %dma_wait3A_65 = arith.constant 0 : i32
      %dma_wait3A_66 = tpu.memref_slice %arg2[%dma_wait3A_64, %dma_wait3A_65] : memref<10240x128xf32, #tpu.memory_space<hbm>> -> memref<10240x128xf32, #tpu.memory_space<hbm>>
      tpu.wait_indirect_dma semaphore(%arg13 : memref<!tpu.dma_semaphore, #tpu.memory_space<semaphore_mem>>) src(%dma_wait3A_66 : memref<10240x128xf32, #tpu.memory_space<hbm>>) dst(%arg9 : memref<128x128xf32, #tpu.memory_space<vmem>>)
      %dma_wait3A_67 = arith.constant 0 : i32
      %dma_wait3A_68 = arith.constant 0 : i32
      %dma_wait3A_69 = tpu.memref_slice %arg4[%arg1, %dma_wait3A_67, %dma_wait3A_68] : memref<16x160x128xi32, #tpu.memory_space<hbm>> -> memref<1x1x128xi32, #tpu.memory_space<hbm>>
      %dma_wait3A_70 = tpu.memref_squeeze %dma_wait3A_69 : memref<1x1x128xi32, #tpu.memory_space<hbm>> -> memref<128xi32, #tpu.memory_space<hbm>>
      %dma_wait3A_71 = arith.constant 0 : i32
      %dma_wait3A_72 = tpu.memref_slice %arg4[%arg1, %dma_wait3A_67, %dma_wait3A_71] : memref<16x160x128xi32, #tpu.memory_space<hbm>> -> memref<1x1x128xi32, #tpu.memory_space<hbm>>
      %dma_wait3A_73 = tpu.memref_squeeze %dma_wait3A_72 : memref<1x1x128xi32, #tpu.memory_space<hbm>> -> memref<128xi32, #tpu.memory_space<hbm>>
      tpu.wait_dma2 semaphore(%arg15 : memref<!tpu.dma_semaphore, #tpu.memory_space<semaphore_mem>>) src(%dma_wait3A_73 : memref<128xi32, #tpu.memory_space<hbm>>) dst(%arg11 : memref<128xi32, #tpu.memory_space<vmem>>)
      %dma_start3A_74 = arith.constant 0 : i32
      %dma_start3A_75 = arith.constant 0 : i32
      %dma_start3A_76 = tpu.memref_slice %arg7[%dma_start3A_74, %dma_start3A_75] : memref<10240x128xf32, #tpu.memory_space<vmem_shared>> -> memref<10240x128xf32, #tpu.memory_space<vmem_shared>>
      tpu.enqueue_indirect_dma source(%arg9 : memref<128x128xf32, #tpu.memory_space<vmem>>) target(%dma_start3A_76 : memref<10240x128xf32, #tpu.memory_space<vmem_shared>>) offsets(%arg11 : memref<128xi32, #tpu.memory_space<vmem>>) semaphore(%arg17 : memref<!tpu.dma_semaphore, #tpu.memory_space<semaphore_mem>>) {add = true}
      %dma_wait3A_77 = arith.constant 0 : i32
      %dma_wait3A_78 = arith.constant 0 : i32
      %dma_wait3A_79 = tpu.memref_slice %arg7[%dma_wait3A_77, %dma_wait3A_78] : memref<10240x128xf32, #tpu.memory_space<vmem_shared>> -> memref<10240x128xf32, #tpu.memory_space<vmem_shared>>
      tpu.wait_indirect_dma semaphore(%arg17 : memref<!tpu.dma_semaphore, #tpu.memory_space<semaphore_mem>>) src(%arg9 : memref<128x128xf32, #tpu.memory_space<vmem>>) dst(%dma_wait3A_79 : memref<10240x128xf32, #tpu.memory_space<vmem_shared>>)
      %sub3A = arith.constant 1 : i32
      %sub3A_80 = arith.subi %select_n3A, %sub3A : i32
      %lt3A = arith.cmpi slt, %scan3A_60, %sub3A_80 : i32
      %convert_element_type3A_81 = arith.extui %lt3A : i1 to i32
      %cond3A_82 = arith.constant 0 : i32
      %cond3A_83 = arith.cmpi ne, %convert_element_type3A_81, %cond3A_82 : i32
      scf.if %cond3A_83 {
        %mul3A_110 = arith.constant 2 : i32
        %mul3A_111 = arith.muli %mul3A_110, %scan3A_60 : i32
        %add3A_112 = arith.constant 2 : i32
        %add3A_113 = arith.addi %mul3A_111, %add3A_112 : i32
        %add3A_114 = arith.constant 0 : i32
        %add3A_115 = arith.addi %add3A_113, %add3A_114 : i32
        %dma_start3A_116 = arith.constant 0 : i32
        %dma_start3A_117 = tpu.memref_slice %arg8[%add3A_115, %dma_start3A_116] : memref<120x128xi32, #tpu.memory_space<vmem>> -> memref<1x128xi32, #tpu.memory_space<vmem>>
        %dma_start3A_118 = tpu.memref_squeeze %dma_start3A_117 : memref<1x128xi32, #tpu.memory_space<vmem>> -> memref<128xi32, #tpu.memory_space<vmem>>
        %dma_start3A_119 = arith.constant 0 : i32
        %dma_start3A_120 = arith.constant 0 : i32
        %dma_start3A_121 = tpu.memref_slice %arg2[%dma_start3A_119, %dma_start3A_120] : memref<10240x128xf32, #tpu.memory_space<hbm>> -> memref<10240x128xf32, #tpu.memory_space<hbm>>
        tpu.enqueue_indirect_dma source(%dma_start3A_121 : memref<10240x128xf32, #tpu.memory_space<hbm>>) target(%arg9 : memref<128x128xf32, #tpu.memory_space<vmem>>) offsets(%dma_start3A_118 : memref<128xi32, #tpu.memory_space<vmem>>) semaphore(%arg13 : memref<!tpu.dma_semaphore, #tpu.memory_space<semaphore_mem>>)
        %mul3A_122 = arith.constant 2 : i32
        %mul3A_123 = arith.muli %mul3A_122, %scan3A_60 : i32
        %add3A_124 = arith.addi %mul3A_2, %mul3A_123 : i32
        %add3A_125 = arith.constant 2 : i32
        %add3A_126 = arith.addi %add3A_124, %add3A_125 : i32
        %add3A_127 = arith.constant 0 : i32
        %add3A_128 = arith.addi %add3A_126, %add3A_127 : i32
        %dma_start3A_129 = arith.constant 0 : i32
        %dma_start3A_130 = tpu.memref_slice %arg4[%arg1, %add3A_128, %dma_start3A_129] : memref<16x160x128xi32, #tpu.memory_space<hbm>> -> memref<1x1x128xi32, #tpu.memory_space<hbm>>
        %dma_start3A_131 = tpu.memref_squeeze %dma_start3A_130 : memref<1x1x128xi32, #tpu.memory_space<hbm>> -> memref<128xi32, #tpu.memory_space<hbm>>
        %dma_start3A_132 = arith.constant 0 : i32
        %dma_start3A_133 = tpu.memref_slice %arg4[%arg1, %add3A_128, %dma_start3A_132] : memref<16x160x128xi32, #tpu.memory_space<hbm>> -> memref<1x1x128xi32, #tpu.memory_space<hbm>>
        %dma_start3A_134 = tpu.memref_squeeze %dma_start3A_133 : memref<1x1x128xi32, #tpu.memory_space<hbm>> -> memref<128xi32, #tpu.memory_space<hbm>>
        tpu.enqueue_dma source(%dma_start3A_134 : memref<128xi32, #tpu.memory_space<hbm>>) target(%arg11 : memref<128xi32, #tpu.memory_space<vmem>>) target_semaphore(%arg15 : memref<!tpu.dma_semaphore, #tpu.memory_space<semaphore_mem>>)
      } else {
      }
      %dma_wait3A_84 = arith.constant 0 : i32
      %dma_wait3A_85 = arith.constant 0 : i32
      %dma_wait3A_86 = tpu.memref_slice %arg8[%dma_wait3A_84, %dma_wait3A_85] : memref<120x128xi32, #tpu.memory_space<vmem>> -> memref<1x128xi32, #tpu.memory_space<vmem>>
      %dma_wait3A_87 = tpu.memref_squeeze %dma_wait3A_86 : memref<1x128xi32, #tpu.memory_space<vmem>> -> memref<128xi32, #tpu.memory_space<vmem>>
      %dma_wait3A_88 = arith.constant 0 : i32
      %dma_wait3A_89 = arith.constant 0 : i32
      %dma_wait3A_90 = tpu.memref_slice %arg2[%dma_wait3A_88, %dma_wait3A_89] : memref<10240x128xf32, #tpu.memory_space<hbm>> -> memref<10240x128xf32, #tpu.memory_space<hbm>>
      tpu.wait_indirect_dma semaphore(%arg14 : memref<!tpu.dma_semaphore, #tpu.memory_space<semaphore_mem>>) src(%dma_wait3A_90 : memref<10240x128xf32, #tpu.memory_space<hbm>>) dst(%arg10 : memref<128x128xf32, #tpu.memory_space<vmem>>)
      %dma_wait3A_91 = arith.constant 0 : i32
      %dma_wait3A_92 = arith.constant 0 : i32
      %dma_wait3A_93 = tpu.memref_slice %arg4[%arg1, %dma_wait3A_91, %dma_wait3A_92] : memref<16x160x128xi32, #tpu.memory_space<hbm>> -> memref<1x1x128xi32, #tpu.memory_space<hbm>>
      %dma_wait3A_94 = tpu.memref_squeeze %dma_wait3A_93 : memref<1x1x128xi32, #tpu.memory_space<hbm>> -> memref<128xi32, #tpu.memory_space<hbm>>
      %dma_wait3A_95 = arith.constant 0 : i32
      %dma_wait3A_96 = tpu.memref_slice %arg4[%arg1, %dma_wait3A_91, %dma_wait3A_95] : memref<16x160x128xi32, #tpu.memory_space<hbm>> -> memref<1x1x128xi32, #tpu.memory_space<hbm>>
      %dma_wait3A_97 = tpu.memref_squeeze %dma_wait3A_96 : memref<1x1x128xi32, #tpu.memory_space<hbm>> -> memref<128xi32, #tpu.memory_space<hbm>>
      tpu.wait_dma2 semaphore(%arg16 : memref<!tpu.dma_semaphore, #tpu.memory_space<semaphore_mem>>) src(%dma_wait3A_97 : memref<128xi32, #tpu.memory_space<hbm>>) dst(%arg12 : memref<128xi32, #tpu.memory_space<vmem>>)
      %dma_start3A_98 = arith.constant 0 : i32
      %dma_start3A_99 = arith.constant 0 : i32
      %dma_start3A_100 = tpu.memref_slice %arg7[%dma_start3A_98, %dma_start3A_99] : memref<10240x128xf32, #tpu.memory_space<vmem_shared>> -> memref<10240x128xf32, #tpu.memory_space<vmem_shared>>
      tpu.enqueue_indirect_dma source(%arg10 : memref<128x128xf32, #tpu.memory_space<vmem>>) target(%dma_start3A_100 : memref<10240x128xf32, #tpu.memory_space<vmem_shared>>) offsets(%arg12 : memref<128xi32, #tpu.memory_space<vmem>>) semaphore(%arg18 : memref<!tpu.dma_semaphore, #tpu.memory_space<semaphore_mem>>) {add = true}
      %dma_wait3A_101 = arith.constant 0 : i32
      %dma_wait3A_102 = arith.constant 0 : i32
      %dma_wait3A_103 = tpu.memref_slice %arg7[%dma_wait3A_101, %dma_wait3A_102] : memref<10240x128xf32, #tpu.memory_space<vmem_shared>> -> memref<10240x128xf32, #tpu.memory_space<vmem_shared>>
      tpu.wait_indirect_dma semaphore(%arg18 : memref<!tpu.dma_semaphore, #tpu.memory_space<semaphore_mem>>) src(%arg10 : memref<128x128xf32, #tpu.memory_space<vmem>>) dst(%dma_wait3A_103 : memref<10240x128xf32, #tpu.memory_space<vmem_shared>>)
      %sub3A_104 = arith.constant 1 : i32
      %sub3A_105 = arith.subi %select_n3A, %sub3A_104 : i32
      %lt3A_106 = arith.cmpi slt, %scan3A_60, %sub3A_105 : i32
      %convert_element_type3A_107 = arith.extui %lt3A_106 : i1 to i32
      %cond3A_108 = arith.constant 0 : i32
      %cond3A_109 = arith.cmpi ne, %convert_element_type3A_107, %cond3A_108 : i32
      scf.if %cond3A_109 {
        %mul3A_110 = arith.constant 2 : i32
        %mul3A_111 = arith.muli %mul3A_110, %scan3A_60 : i32
        %add3A_112 = arith.constant 2 : i32
        %add3A_113 = arith.addi %mul3A_111, %add3A_112 : i32
        %add3A_114 = arith.constant 1 : i32
        %add3A_115 = arith.addi %add3A_113, %add3A_114 : i32
        %dma_start3A_116 = arith.constant 0 : i32
        %dma_start3A_117 = tpu.memref_slice %arg8[%add3A_115, %dma_start3A_116] : memref<120x128xi32, #tpu.memory_space<vmem>> -> memref<1x128xi32, #tpu.memory_space<vmem>>
        %dma_start3A_118 = tpu.memref_squeeze %dma_start3A_117 : memref<1x128xi32, #tpu.memory_space<vmem>> -> memref<128xi32, #tpu.memory_space<vmem>>
        %dma_start3A_119 = arith.constant 0 : i32
        %dma_start3A_120 = arith.constant 0 : i32
        %dma_start3A_121 = tpu.memref_slice %arg2[%dma_start3A_119, %dma_start3A_120] : memref<10240x128xf32, #tpu.memory_space<hbm>> -> memref<10240x128xf32, #tpu.memory_space<hbm>>
        tpu.enqueue_indirect_dma source(%dma_start3A_121 : memref<10240x128xf32, #tpu.memory_space<hbm>>) target(%arg10 : memref<128x128xf32, #tpu.memory_space<vmem>>) offsets(%dma_start3A_118 : memref<128xi32, #tpu.memory_space<vmem>>) semaphore(%arg14 : memref<!tpu.dma_semaphore, #tpu.memory_space<semaphore_mem>>)
        %mul3A_122 = arith.constant 2 : i32
        %mul3A_123 = arith.muli %mul3A_122, %scan3A_60 : i32
        %add3A_124 = arith.addi %mul3A_2, %mul3A_123 : i32
        %add3A_125 = arith.constant 2 : i32
        %add3A_126 = arith.addi %add3A_124, %add3A_125 : i32
        %add3A_127 = arith.constant 1 : i32
        %add3A_128 = arith.addi %add3A_126, %add3A_127 : i32
        %dma_start3A_129 = arith.constant 0 : i32
        %dma_start3A_130 = tpu.memref_slice %arg4[%arg1, %add3A_128, %dma_start3A_129] : memref<16x160x128xi32, #tpu.memory_space<hbm>> -> memref<1x1x128xi32, #tpu.memory_space<hbm>>
        %dma_start3A_131 = tpu.memref_squeeze %dma_start3A_130 : memref<1x1x128xi32, #tpu.memory_space<hbm>> -> memref<128xi32, #tpu.memory_space<hbm>>
        %dma_start3A_132 = arith.constant 0 : i32
        %dma_start3A_133 = tpu.memref_slice %arg4[%arg1, %add3A_128, %dma_start3A_132] : memref<16x160x128xi32, #tpu.memory_space<hbm>> -> memref<1x1x128xi32, #tpu.memory_space<hbm>>
        %dma_start3A_134 = tpu.memref_squeeze %dma_start3A_133 : memref<1x1x128xi32, #tpu.memory_space<hbm>> -> memref<128xi32, #tpu.memory_space<hbm>>
        tpu.enqueue_dma source(%dma_start3A_134 : memref<128xi32, #tpu.memory_space<hbm>>) target(%arg12 : memref<128xi32, #tpu.memory_space<vmem>>) target_semaphore(%arg16 : memref<!tpu.dma_semaphore, #tpu.memory_space<semaphore_mem>>)
      } else {
      }
    }
    %scan3A_45 = arith.constant 20 : i32
    %eq3A_46 = arith.constant 0 : i32
    %eq3A_47 = arith.cmpi eq, %arg0, %eq3A_46 : i32
    %convert_element_type3A = arith.extui %eq3A_47 : i1 to i32
    %cond3A = arith.constant 0 : i32
    %cond3A_48 = arith.cmpi ne, %convert_element_type3A, %cond3A : i32
    scf.if %cond3A_48 {
      %scan3A_60 = arith.constant 0 : i32
      %scan3A_61 = arith.constant 20 : i32
      %scan3A_62 = arith.constant 40 : i32
      %scan3A_63 = arith.addi %scan3A_61, %scan3A_62 : i32
      %scan3A_64 = arith.constant 1 : i32
      scf.for %scan3A_66 = %scan3A_61 to %scan3A_63 step %scan3A_64  : i32 {
        %dma_wait3A = arith.constant 0 : i32
        %dma_wait3A_67 = arith.constant 0 : i32
        %dma_wait3A_68 = tpu.memref_slice %arg8[%dma_wait3A, %dma_wait3A_67] : memref<120x128xi32, #tpu.memory_space<vmem>> -> memref<1x128xi32, #tpu.memory_space<vmem>>
        %dma_wait3A_69 = tpu.memref_squeeze %dma_wait3A_68 : memref<1x128xi32, #tpu.memory_space<vmem>> -> memref<128xi32, #tpu.memory_space<vmem>>
        %dma_wait3A_70 = arith.constant 0 : i32
        %dma_wait3A_71 = arith.constant 0 : i32
        %dma_wait3A_72 = tpu.memref_slice %arg2[%dma_wait3A_70, %dma_wait3A_71] : memref<10240x128xf32, #tpu.memory_space<hbm>> -> memref<10240x128xf32, #tpu.memory_space<hbm>>
        tpu.wait_indirect_dma semaphore(%arg13 : memref<!tpu.dma_semaphore, #tpu.memory_space<semaphore_mem>>) src(%dma_wait3A_72 : memref<10240x128xf32, #tpu.memory_space<hbm>>) dst(%arg9 : memref<128x128xf32, #tpu.memory_space<vmem>>)
        %dma_wait3A_73 = arith.constant 0 : i32
        %dma_wait3A_74 = arith.constant 0 : i32
        %dma_wait3A_75 = tpu.memref_slice %arg4[%arg1, %dma_wait3A_73, %dma_wait3A_74] : memref<16x160x128xi32, #tpu.memory_space<hbm>> -> memref<1x1x128xi32, #tpu.memory_space<hbm>>
        %dma_wait3A_76 = tpu.memref_squeeze %dma_wait3A_75 : memref<1x1x128xi32, #tpu.memory_space<hbm>> -> memref<128xi32, #tpu.memory_space<hbm>>
        %dma_wait3A_77 = arith.constant 0 : i32
        %dma_wait3A_78 = tpu.memref_slice %arg4[%arg1, %dma_wait3A_73, %dma_wait3A_77] : memref<16x160x128xi32, #tpu.memory_space<hbm>> -> memref<1x1x128xi32, #tpu.memory_space<hbm>>
        %dma_wait3A_79 = tpu.memref_squeeze %dma_wait3A_78 : memref<1x1x128xi32, #tpu.memory_space<hbm>> -> memref<128xi32, #tpu.memory_space<hbm>>
        tpu.wait_dma2 semaphore(%arg15 : memref<!tpu.dma_semaphore, #tpu.memory_space<semaphore_mem>>) src(%dma_wait3A_79 : memref<128xi32, #tpu.memory_space<hbm>>) dst(%arg11 : memref<128xi32, #tpu.memory_space<vmem>>)
        %dma_start3A_80 = arith.constant 0 : i32
        %dma_start3A_81 = arith.constant 0 : i32
        %dma_start3A_82 = tpu.memref_slice %arg7[%dma_start3A_80, %dma_start3A_81] : memref<10240x128xf32, #tpu.memory_space<vmem_shared>> -> memref<10240x128xf32, #tpu.memory_space<vmem_shared>>
        tpu.enqueue_indirect_dma source(%arg9 : memref<128x128xf32, #tpu.memory_space<vmem>>) target(%dma_start3A_82 : memref<10240x128xf32, #tpu.memory_space<vmem_shared>>) offsets(%arg11 : memref<128xi32, #tpu.memory_space<vmem>>) semaphore(%arg17 : memref<!tpu.dma_semaphore, #tpu.memory_space<semaphore_mem>>) {add = true}
        %dma_wait3A_83 = arith.constant 0 : i32
        %dma_wait3A_84 = arith.constant 0 : i32
        %dma_wait3A_85 = tpu.memref_slice %arg7[%dma_wait3A_83, %dma_wait3A_84] : memref<10240x128xf32, #tpu.memory_space<vmem_shared>> -> memref<10240x128xf32, #tpu.memory_space<vmem_shared>>
        tpu.wait_indirect_dma semaphore(%arg17 : memref<!tpu.dma_semaphore, #tpu.memory_space<semaphore_mem>>) src(%arg9 : memref<128x128xf32, #tpu.memory_space<vmem>>) dst(%dma_wait3A_85 : memref<10240x128xf32, #tpu.memory_space<vmem_shared>>)
        %sub3A = arith.constant 1 : i32
        %sub3A_86 = arith.subi %select_n3A, %sub3A : i32
        %lt3A = arith.cmpi slt, %scan3A_66, %sub3A_86 : i32
        %convert_element_type3A_87 = arith.extui %lt3A : i1 to i32
        %cond3A_88 = arith.constant 0 : i32
        %cond3A_89 = arith.cmpi ne, %convert_element_type3A_87, %cond3A_88 : i32
        scf.if %cond3A_89 {
          %mul3A_116 = arith.constant 2 : i32
          %mul3A_117 = arith.muli %mul3A_116, %scan3A_66 : i32
          %add3A_118 = arith.constant 2 : i32
          %add3A_119 = arith.addi %mul3A_117, %add3A_118 : i32
          %add3A_120 = arith.constant 0 : i32
          %add3A_121 = arith.addi %add3A_119, %add3A_120 : i32
          %dma_start3A_122 = arith.constant 0 : i32
          %dma_start3A_123 = tpu.memref_slice %arg8[%add3A_121, %dma_start3A_122] : memref<120x128xi32, #tpu.memory_space<vmem>> -> memref<1x128xi32, #tpu.memory_space<vmem>>
          %dma_start3A_124 = tpu.memref_squeeze %dma_start3A_123 : memref<1x128xi32, #tpu.memory_space<vmem>> -> memref<128xi32, #tpu.memory_space<vmem>>
          %dma_start3A_125 = arith.constant 0 : i32
          %dma_start3A_126 = arith.constant 0 : i32
          %dma_start3A_127 = tpu.memref_slice %arg2[%dma_start3A_125, %dma_start3A_126] : memref<10240x128xf32, #tpu.memory_space<hbm>> -> memref<10240x128xf32, #tpu.memory_space<hbm>>
          tpu.enqueue_indirect_dma source(%dma_start3A_127 : memref<10240x128xf32, #tpu.memory_space<hbm>>) target(%arg9 : memref<128x128xf32, #tpu.memory_space<vmem>>) offsets(%dma_start3A_124 : memref<128xi32, #tpu.memory_space<vmem>>) semaphore(%arg13 : memref<!tpu.dma_semaphore, #tpu.memory_space<semaphore_mem>>)
          %mul3A_128 = arith.constant 2 : i32
          %mul3A_129 = arith.muli %mul3A_128, %scan3A_66 : i32
          %add3A_130 = arith.addi %mul3A_2, %mul3A_129 : i32
          %add3A_131 = arith.constant 2 : i32
          %add3A_132 = arith.addi %add3A_130, %add3A_131 : i32
          %add3A_133 = arith.constant 0 : i32
          %add3A_134 = arith.addi %add3A_132, %add3A_133 : i32
          %dma_start3A_135 = arith.constant 0 : i32
          %dma_start3A_136 = tpu.memref_slice %arg4[%arg1, %add3A_134, %dma_start3A_135] : memref<16x160x128xi32, #tpu.memory_space<hbm>> -> memref<1x1x128xi32, #tpu.memory_space<hbm>>
          %dma_start3A_137 = tpu.memref_squeeze %dma_start3A_136 : memref<1x1x128xi32, #tpu.memory_space<hbm>> -> memref<128xi32, #tpu.memory_space<hbm>>
          %dma_start3A_138 = arith.constant 0 : i32
          %dma_start3A_139 = tpu.memref_slice %arg4[%arg1, %add3A_134, %dma_start3A_138] : memref<16x160x128xi32, #tpu.memory_space<hbm>> -> memref<1x1x128xi32, #tpu.memory_space<hbm>>
          %dma_start3A_140 = tpu.memref_squeeze %dma_start3A_139 : memref<1x1x128xi32, #tpu.memory_space<hbm>> -> memref<128xi32, #tpu.memory_space<hbm>>
          tpu.enqueue_dma source(%dma_start3A_140 : memref<128xi32, #tpu.memory_space<hbm>>) target(%arg11 : memref<128xi32, #tpu.memory_space<vmem>>) target_semaphore(%arg15 : memref<!tpu.dma_semaphore, #tpu.memory_space<semaphore_mem>>)
        } else {
        }
        %dma_wait3A_90 = arith.constant 0 : i32
        %dma_wait3A_91 = arith.constant 0 : i32
        %dma_wait3A_92 = tpu.memref_slice %arg8[%dma_wait3A_90, %dma_wait3A_91] : memref<120x128xi32, #tpu.memory_space<vmem>> -> memref<1x128xi32, #tpu.memory_space<vmem>>
        %dma_wait3A_93 = tpu.memref_squeeze %dma_wait3A_92 : memref<1x128xi32, #tpu.memory_space<vmem>> -> memref<128xi32, #tpu.memory_space<vmem>>
        %dma_wait3A_94 = arith.constant 0 : i32
        %dma_wait3A_95 = arith.constant 0 : i32
        %dma_wait3A_96 = tpu.memref_slice %arg2[%dma_wait3A_94, %dma_wait3A_95] : memref<10240x128xf32, #tpu.memory_space<hbm>> -> memref<10240x128xf32, #tpu.memory_space<hbm>>
        tpu.wait_indirect_dma semaphore(%arg14 : memref<!tpu.dma_semaphore, #tpu.memory_space<semaphore_mem>>) src(%dma_wait3A_96 : memref<10240x128xf32, #tpu.memory_space<hbm>>) dst(%arg10 : memref<128x128xf32, #tpu.memory_space<vmem>>)
        %dma_wait3A_97 = arith.constant 0 : i32
        %dma_wait3A_98 = arith.constant 0 : i32
        %dma_wait3A_99 = tpu.memref_slice %arg4[%arg1, %dma_wait3A_97, %dma_wait3A_98] : memref<16x160x128xi32, #tpu.memory_space<hbm>> -> memref<1x1x128xi32, #tpu.memory_space<hbm>>
        %dma_wait3A_100 = tpu.memref_squeeze %dma_wait3A_99 : memref<1x1x128xi32, #tpu.memory_space<hbm>> -> memref<128xi32, #tpu.memory_space<hbm>>
        %dma_wait3A_101 = arith.constant 0 : i32
        %dma_wait3A_102 = tpu.memref_slice %arg4[%arg1, %dma_wait3A_97, %dma_wait3A_101] : memref<16x160x128xi32, #tpu.memory_space<hbm>> -> memref<1x1x128xi32, #tpu.memory_space<hbm>>
        %dma_wait3A_103 = tpu.memref_squeeze %dma_wait3A_102 : memref<1x1x128xi32, #tpu.memory_space<hbm>> -> memref<128xi32, #tpu.memory_space<hbm>>
        tpu.wait_dma2 semaphore(%arg16 : memref<!tpu.dma_semaphore, #tpu.memory_space<semaphore_mem>>) src(%dma_wait3A_103 : memref<128xi32, #tpu.memory_space<hbm>>) dst(%arg12 : memref<128xi32, #tpu.memory_space<vmem>>)
        %dma_start3A_104 = arith.constant 0 : i32
        %dma_start3A_105 = arith.constant 0 : i32
        %dma_start3A_106 = tpu.memref_slice %arg7[%dma_start3A_104, %dma_start3A_105] : memref<10240x128xf32, #tpu.memory_space<vmem_shared>> -> memref<10240x128xf32, #tpu.memory_space<vmem_shared>>
        tpu.enqueue_indirect_dma source(%arg10 : memref<128x128xf32, #tpu.memory_space<vmem>>) target(%dma_start3A_106 : memref<10240x128xf32, #tpu.memory_space<vmem_shared>>) offsets(%arg12 : memref<128xi32, #tpu.memory_space<vmem>>) semaphore(%arg18 : memref<!tpu.dma_semaphore, #tpu.memory_space<semaphore_mem>>) {add = true}
        %dma_wait3A_107 = arith.constant 0 : i32
        %dma_wait3A_108 = arith.constant 0 : i32
        %dma_wait3A_109 = tpu.memref_slice %arg7[%dma_wait3A_107, %dma_wait3A_108] : memref<10240x128xf32, #tpu.memory_space<vmem_shared>> -> memref<10240x128xf32, #tpu.memory_space<vmem_shared>>
        tpu.wait_indirect_dma semaphore(%arg18 : memref<!tpu.dma_semaphore, #tpu.memory_space<semaphore_mem>>) src(%arg10 : memref<128x128xf32, #tpu.memory_space<vmem>>) dst(%dma_wait3A_109 : memref<10240x128xf32, #tpu.memory_space<vmem_shared>>)
        %sub3A_110 = arith.constant 1 : i32
        %sub3A_111 = arith.subi %select_n3A, %sub3A_110 : i32
        %lt3A_112 = arith.cmpi slt, %scan3A_66, %sub3A_111 : i32
        %convert_element_type3A_113 = arith.extui %lt3A_112 : i1 to i32
        %cond3A_114 = arith.constant 0 : i32
        %cond3A_115 = arith.cmpi ne, %convert_element_type3A_113, %cond3A_114 : i32
        scf.if %cond3A_115 {
          %mul3A_116 = arith.constant 2 : i32
          %mul3A_117 = arith.muli %mul3A_116, %scan3A_66 : i32
          %add3A_118 = arith.constant 2 : i32
          %add3A_119 = arith.addi %mul3A_117, %add3A_118 : i32
          %add3A_120 = arith.constant 1 : i32
          %add3A_121 = arith.addi %add3A_119, %add3A_120 : i32
          %dma_start3A_122 = arith.constant 0 : i32
          %dma_start3A_123 = tpu.memref_slice %arg8[%add3A_121, %dma_start3A_122] : memref<120x128xi32, #tpu.memory_space<vmem>> -> memref<1x128xi32, #tpu.memory_space<vmem>>
          %dma_start3A_124 = tpu.memref_squeeze %dma_start3A_123 : memref<1x128xi32, #tpu.memory_space<vmem>> -> memref<128xi32, #tpu.memory_space<vmem>>
          %dma_start3A_125 = arith.constant 0 : i32
          %dma_start3A_126 = arith.constant 0 : i32
          %dma_start3A_127 = tpu.memref_slice %arg2[%dma_start3A_125, %dma_start3A_126] : memref<10240x128xf32, #tpu.memory_space<hbm>> -> memref<10240x128xf32, #tpu.memory_space<hbm>>
          tpu.enqueue_indirect_dma source(%dma_start3A_127 : memref<10240x128xf32, #tpu.memory_space<hbm>>) target(%arg10 : memref<128x128xf32, #tpu.memory_space<vmem>>) offsets(%dma_start3A_124 : memref<128xi32, #tpu.memory_space<vmem>>) semaphore(%arg14 : memref<!tpu.dma_semaphore, #tpu.memory_space<semaphore_mem>>)
          %mul3A_128 = arith.constant 2 : i32
          %mul3A_129 = arith.muli %mul3A_128, %scan3A_66 : i32
          %add3A_130 = arith.addi %mul3A_2, %mul3A_129 : i32
          %add3A_131 = arith.constant 2 : i32
          %add3A_132 = arith.addi %add3A_130, %add3A_131 : i32
          %add3A_133 = arith.constant 1 : i32
          %add3A_134 = arith.addi %add3A_132, %add3A_133 : i32
          %dma_start3A_135 = arith.constant 0 : i32
          %dma_start3A_136 = tpu.memref_slice %arg4[%arg1, %add3A_134, %dma_start3A_135] : memref<16x160x128xi32, #tpu.memory_space<hbm>> -> memref<1x1x128xi32, #tpu.memory_space<hbm>>
          %dma_start3A_137 = tpu.memref_squeeze %dma_start3A_136 : memref<1x1x128xi32, #tpu.memory_space<hbm>> -> memref<128xi32, #tpu.memory_space<hbm>>
          %dma_start3A_138 = arith.constant 0 : i32
          %dma_start3A_139 = tpu.memref_slice %arg4[%arg1, %add3A_134, %dma_start3A_138] : memref<16x160x128xi32, #tpu.memory_space<hbm>> -> memref<1x1x128xi32, #tpu.memory_space<hbm>>
          %dma_start3A_140 = tpu.memref_squeeze %dma_start3A_139 : memref<1x1x128xi32, #tpu.memory_space<hbm>> -> memref<128xi32, #tpu.memory_space<hbm>>
          tpu.enqueue_dma source(%dma_start3A_140 : memref<128xi32, #tpu.memory_space<hbm>>) target(%arg12 : memref<128xi32, #tpu.memory_space<vmem>>) target_semaphore(%arg16 : memref<!tpu.dma_semaphore, #tpu.memory_space<semaphore_mem>>)
        } else {
        }
      }
      %scan3A_65 = arith.constant 40 : i32
    } else {
    }
    %barrier3A_49 = arith.constant 0 : index
    tpu.barrier barrier_id(%barrier3A_49)
    %eq3A_50 = arith.constant 0 : i32
    %eq3A_51 = arith.cmpi eq, %arg0, %eq3A_50 : i32
    %convert_element_type3A_52 = arith.extui %eq3A_51 : i1 to i32
    %cond3A_53 = arith.constant 0 : i32
    %cond3A_54 = arith.cmpi ne, %convert_element_type3A_52, %cond3A_53 : i32
    scf.if %cond3A_54 {
      %mul3A_60 = arith.constant 640 : i32
      %mul3A_61 = arith.muli %arg1, %mul3A_60 : i32
      %mul3A_62 = arith.constant 640 : i32
      %mul3A_63 = arith.muli %arg1, %mul3A_62 : i32
      "tpu.region"() ({
        %run_scoped3A = tpu.sem_alloc : memref<!tpu.dma_semaphore, #tpu.memory_space<semaphore_mem>>
        %dma_start3A_64 = arith.constant 0 : i32
        %dma_start3A_65 = tpu.memref_slice %arg5[%mul3A_63, %dma_start3A_64] : memref<10240x128xf32, #tpu.memory_space<hbm>> -> memref<640x128xf32, #tpu.memory_space<hbm>>
        %dma_start3A_66 = arith.constant 0 : i32
        %dma_start3A_67 = tpu.memref_slice %arg7[%mul3A_61, %dma_start3A_66] : memref<10240x128xf32, #tpu.memory_space<vmem_shared>> -> memref<640x128xf32, #tpu.memory_space<vmem_shared>>
        tpu.enqueue_dma source(%dma_start3A_67 : memref<640x128xf32, #tpu.memory_space<vmem_shared>>) target(%dma_start3A_65 : memref<640x128xf32, #tpu.memory_space<hbm>>) target_semaphore(%run_scoped3A : memref<!tpu.dma_semaphore, #tpu.memory_space<semaphore_mem>>)
        %dma_wait3A = arith.constant 0 : i32
        %dma_wait3A_68 = tpu.memref_slice %arg5[%mul3A_63, %dma_wait3A] : memref<10240x128xf32, #tpu.memory_space<hbm>> -> memref<640x128xf32, #tpu.memory_space<hbm>>
        %dma_wait3A_69 = arith.constant 0 : i32
        %dma_wait3A_70 = tpu.memref_slice %arg7[%mul3A_61, %dma_wait3A_69] : memref<10240x128xf32, #tpu.memory_space<vmem_shared>> -> memref<640x128xf32, #tpu.memory_space<vmem_shared>>
        tpu.wait_dma2 semaphore(%run_scoped3A : memref<!tpu.dma_semaphore, #tpu.memory_space<semaphore_mem>>) src(%dma_wait3A_70 : memref<640x128xf32, #tpu.memory_space<vmem_shared>>) dst(%dma_wait3A_68 : memref<640x128xf32, #tpu.memory_space<hbm>>)
        tpu.yield
      }) : () -> ()
    } else {
    }
    %eq3A_55 = arith.constant 1 : i32
    %eq3A_56 = arith.cmpi eq, %arg0, %eq3A_55 : i32
    %convert_element_type3A_57 = arith.extui %eq3A_56 : i1 to i32
    %cond3A_58 = arith.constant 0 : i32
    %cond3A_59 = arith.cmpi ne, %convert_element_type3A_57, %cond3A_58 : i32
    scf.if %cond3A_59 {
      %mul3A_60 = arith.constant 640 : i32
      %mul3A_61 = arith.muli %arg1, %mul3A_60 : i32
      %mul3A_62 = arith.constant 640 : i32
      %mul3A_63 = arith.muli %arg1, %mul3A_62 : i32
      "tpu.region"() ({
        %run_scoped3A = tpu.sem_alloc : memref<!tpu.dma_semaphore, #tpu.memory_space<semaphore_mem>>
        %dma_start3A_64 = arith.constant 0 : i32
        %dma_start3A_65 = tpu.memref_slice %arg6[%mul3A_63, %dma_start3A_64] : memref<10240x128xf32, #tpu.memory_space<hbm>> -> memref<640x128xf32, #tpu.memory_space<hbm>>
        %dma_start3A_66 = arith.constant 0 : i32
        %dma_start3A_67 = tpu.memref_slice %arg7[%mul3A_61, %dma_start3A_66] : memref<10240x128xf32, #tpu.memory_space<vmem_shared>> -> memref<640x128xf32, #tpu.memory_space<vmem_shared>>
        tpu.enqueue_dma source(%dma_start3A_67 : memref<640x128xf32, #tpu.memory_space<vmem_shared>>) target(%dma_start3A_65 : memref<640x128xf32, #tpu.memory_space<hbm>>) target_semaphore(%run_scoped3A : memref<!tpu.dma_semaphore, #tpu.memory_space<semaphore_mem>>)
        %dma_wait3A = arith.constant 0 : i32
        %dma_wait3A_68 = tpu.memref_slice %arg6[%mul3A_63, %dma_wait3A] : memref<10240x128xf32, #tpu.memory_space<hbm>> -> memref<640x128xf32, #tpu.memory_space<hbm>>
        %dma_wait3A_69 = arith.constant 0 : i32
        %dma_wait3A_70 = tpu.memref_slice %arg7[%mul3A_61, %dma_wait3A_69] : memref<10240x128xf32, #tpu.memory_space<vmem_shared>> -> memref<640x128xf32, #tpu.memory_space<vmem_shared>>
        tpu.wait_dma2 semaphore(%run_scoped3A : memref<!tpu.dma_semaphore, #tpu.memory_space<semaphore_mem>>) src(%dma_wait3A_70 : memref<640x128xf32, #tpu.memory_space<vmem_shared>>) dst(%dma_wait3A_68 : memref<640x128xf32, #tpu.memory_space<hbm>>)
        tpu.yield
      }) : () -> ()
    } else {
    }
    return
  }
}

#map = affine_map<(d0, d1) -> (0, 0)>
#map1 = affine_map<(d0, d1) -> (0, 0, 0)>
module attributes {stable_mosaic.version = 14 : i64} {
  func.func @_sc_aggregate(%arg0: i32, %arg1: i32, %arg2: memref<10240x128xf32, #tpu.memory_space<hbm>>, %arg3: memref<32x120x128xi32, #tpu.memory_space<hbm>>, %arg4: memref<16x160x128xi32, #tpu.memory_space<hbm>>, %arg5: memref<10240x128xf32, #tpu.memory_space<hbm>>, %arg6: memref<10240x128xf32, #tpu.memory_space<hbm>>, %arg7: memref<10240x128xf32, #tpu.memory_space<vmem_shared>>, %arg8: memref<120x128xi32, #tpu.memory_space<vmem>>, %arg9: memref<128x128xf32, #tpu.memory_space<vmem>>, %arg10: memref<128x128xf32, #tpu.memory_space<vmem>>, %arg11: memref<128xi32, #tpu.memory_space<vmem>>, %arg12: memref<128xi32, #tpu.memory_space<vmem>>, %arg13: memref<!tpu.dma_semaphore, #tpu.memory_space<semaphore_mem>>, %arg14: memref<!tpu.dma_semaphore, #tpu.memory_space<semaphore_mem>>, %arg15: memref<!tpu.dma_semaphore, #tpu.memory_space<semaphore_mem>>, %arg16: memref<!tpu.dma_semaphore, #tpu.memory_space<semaphore_mem>>, %arg17: memref<!tpu.dma_semaphore, #tpu.memory_space<semaphore_mem>>, %arg18: memref<!tpu.dma_semaphore, #tpu.memory_space<semaphore_mem>>) attributes {dimension_semantics = [#tpu.dimension_semantics<core_parallel>, #tpu.dimension_semantics<subcore_parallel>], iteration_bounds = array<i64: 2, 16>, scalar_prefetch = 0 : i64, scratch_operands = 12 : i64, tpu.core_type = #tpu.core_type<sc_vector_subcore>, window_params = [{transform_indices = #map}, {transform_indices = #map1}, {transform_indices = #map1}, {transform_indices = #map}, {transform_indices = #map}]} {
    %mul3A = arith.constant 2 : i32
    %mul3A_0 = arith.muli %arg1, %mul3A : i32
    %add3A = arith.addi %mul3A_0, %arg0 : i32
    %mul3A_1 = arith.constant 120 : i32
    %mul3A_2 = arith.muli %arg0, %mul3A_1 : i32
    %eq3A = arith.constant 0 : i32
    %eq3A_3 = arith.cmpi eq, %arg0, %eq3A : i32
    %jit3A = arith.constant 60 : i32
    %jit3A_4 = arith.constant 20 : i32
    %select_n3A = arith.select %eq3A_3, %jit3A, %jit3A_4 : i32
    %mul3A_5 = arith.constant 2 : i32
    %mul3A_6 = arith.muli %arg1, %mul3A_5 : i32
    %add3A_7 = arith.addi %mul3A_6, %arg0 : i32
    "tpu.region"() ({
      %run_scoped3A = tpu.sem_alloc : memref<!tpu.dma_semaphore, #tpu.memory_space<semaphore_mem>>
      %dma_start3A_60 = arith.constant 0 : i32
      %dma_start3A_61 = arith.constant 0 : i32
      %dma_start3A_62 = tpu.memref_slice %arg3[%add3A_7, %dma_start3A_60, %dma_start3A_61] : memref<32x120x128xi32, #tpu.memory_space<hbm>> -> memref<1x120x128xi32, #tpu.memory_space<hbm>>
      %dma_start3A_63 = tpu.memref_squeeze %dma_start3A_62 : memref<1x120x128xi32, #tpu.memory_space<hbm>> -> memref<120x128xi32, #tpu.memory_space<hbm>>
      %dma_start3A_64 = arith.constant 0 : i32
      %dma_start3A_65 = arith.constant 0 : i32
      %dma_start3A_66 = tpu.memref_slice %arg3[%add3A_7, %dma_start3A_64, %dma_start3A_65] : memref<32x120x128xi32, #tpu.memory_space<hbm>> -> memref<1x120x128xi32, #tpu.memory_space<hbm>>
      %dma_start3A_67 = tpu.memref_squeeze %dma_start3A_66 : memref<1x120x128xi32, #tpu.memory_space<hbm>> -> memref<120x128xi32, #tpu.memory_space<hbm>>
      tpu.enqueue_dma source(%dma_start3A_67 : memref<120x128xi32, #tpu.memory_space<hbm>>) target(%arg8 : memref<120x128xi32, #tpu.memory_space<vmem>>) target_semaphore(%run_scoped3A : memref<!tpu.dma_semaphore, #tpu.memory_space<semaphore_mem>>)
      %dma_wait3A = arith.constant 0 : i32
      %dma_wait3A_68 = arith.constant 0 : i32
      %dma_wait3A_69 = tpu.memref_slice %arg3[%add3A_7, %dma_wait3A, %dma_wait3A_68] : memref<32x120x128xi32, #tpu.memory_space<hbm>> -> memref<1x120x128xi32, #tpu.memory_space<hbm>>
      %dma_wait3A_70 = tpu.memref_squeeze %dma_wait3A_69 : memref<1x120x128xi32, #tpu.memory_space<hbm>> -> memref<120x128xi32, #tpu.memory_space<hbm>>
      %dma_wait3A_71 = arith.constant 0 : i32
      %dma_wait3A_72 = arith.constant 0 : i32
      %dma_wait3A_73 = tpu.memref_slice %arg3[%add3A_7, %dma_wait3A_71, %dma_wait3A_72] : memref<32x120x128xi32, #tpu.memory_space<hbm>> -> memref<1x120x128xi32, #tpu.memory_space<hbm>>
      %dma_wait3A_74 = tpu.memref_squeeze %dma_wait3A_73 : memref<1x120x128xi32, #tpu.memory_space<hbm>> -> memref<120x128xi32, #tpu.memory_space<hbm>>
      tpu.wait_dma2 semaphore(%run_scoped3A : memref<!tpu.dma_semaphore, #tpu.memory_space<semaphore_mem>>) src(%dma_wait3A_74 : memref<120x128xi32, #tpu.memory_space<hbm>>) dst(%arg8 : memref<120x128xi32, #tpu.memory_space<vmem>>)
      tpu.yield
    }) : () -> ()
    %mul3A_8 = arith.constant 640 : i32
    %mul3A_9 = arith.muli %arg1, %mul3A_8 : i32
    %mul3A_10 = arith.constant 640 : i32
    %mul3A_11 = arith.muli %arg1, %mul3A_10 : i32
    "tpu.region"() ({
      %run_scoped3A = tpu.sem_alloc : memref<!tpu.dma_semaphore, #tpu.memory_space<semaphore_mem>>
      %dma_start3A_60 = arith.constant 0 : i32
      %dma_start3A_61 = tpu.memref_slice %arg7[%mul3A_11, %dma_start3A_60] : memref<10240x128xf32, #tpu.memory_space<vmem_shared>> -> memref<640x128xf32, #tpu.memory_space<vmem_shared>>
      %dma_start3A_62 = arith.constant 0 : i32
      %dma_start3A_63 = tpu.memref_slice %arg2[%mul3A_9, %dma_start3A_62] : memref<10240x128xf32, #tpu.memory_space<hbm>> -> memref<640x128xf32, #tpu.memory_space<hbm>>
      tpu.enqueue_dma source(%dma_start3A_63 : memref<640x128xf32, #tpu.memory_space<hbm>>) target(%dma_start3A_61 : memref<640x128xf32, #tpu.memory_space<vmem_shared>>) target_semaphore(%run_scoped3A : memref<!tpu.dma_semaphore, #tpu.memory_space<semaphore_mem>>)
      %dma_wait3A = arith.constant 0 : i32
      %dma_wait3A_64 = tpu.memref_slice %arg7[%mul3A_11, %dma_wait3A] : memref<10240x128xf32, #tpu.memory_space<vmem_shared>> -> memref<640x128xf32, #tpu.memory_space<vmem_shared>>
      %dma_wait3A_65 = arith.constant 0 : i32
      %dma_wait3A_66 = tpu.memref_slice %arg2[%mul3A_9, %dma_wait3A_65] : memref<10240x128xf32, #tpu.memory_space<hbm>> -> memref<640x128xf32, #tpu.memory_space<hbm>>
      tpu.wait_dma2 semaphore(%run_scoped3A : memref<!tpu.dma_semaphore, #tpu.memory_space<semaphore_mem>>) src(%dma_wait3A_66 : memref<640x128xf32, #tpu.memory_space<hbm>>) dst(%dma_wait3A_64 : memref<640x128xf32, #tpu.memory_space<vmem_shared>>)
      tpu.yield
    }) : () -> ()
    %barrier3A = arith.constant 0 : index
    tpu.barrier barrier_id(%barrier3A)
    %dma_start3A = arith.constant 0 : i32
    %dma_start3A_12 = arith.constant 0 : i32
    %dma_start3A_13 = tpu.memref_slice %arg8[%dma_start3A, %dma_start3A_12] : memref<120x128xi32, #tpu.memory_space<vmem>> -> memref<1x128xi32, #tpu.memory_space<vmem>>
    %dma_start3A_14 = tpu.memref_squeeze %dma_start3A_13 : memref<1x128xi32, #tpu.memory_space<vmem>> -> memref<128xi32, #tpu.memory_space<vmem>>
    %dma_start3A_15 = arith.constant 0 : i32
    %dma_start3A_16 = arith.constant 0 : i32
    %dma_start3A_17 = tpu.memref_slice %arg2[%dma_start3A_15, %dma_start3A_16] : memref<10240x128xf32, #tpu.memory_space<hbm>> -> memref<10240x128xf32, #tpu.memory_space<hbm>>
    tpu.enqueue_indirect_dma source(%dma_start3A_17 : memref<10240x128xf32, #tpu.memory_space<hbm>>) target(%arg9 : memref<128x128xf32, #tpu.memory_space<vmem>>) offsets(%dma_start3A_14 : memref<128xi32, #tpu.memory_space<vmem>>) semaphore(%arg13 : memref<!tpu.dma_semaphore, #tpu.memory_space<semaphore_mem>>)
    %add3A_18 = arith.constant 0 : i32
    %add3A_19 = arith.addi %mul3A_2, %add3A_18 : i32
    %dma_start3A_20 = arith.constant 0 : i32
    %dma_start3A_21 = tpu.memref_slice %arg4[%arg1, %add3A_19, %dma_start3A_20] : memref<16x160x128xi32, #tpu.memory_space<hbm>> -> memref<1x1x128xi32, #tpu.memory_space<hbm>>
    %dma_start3A_22 = tpu.memref_squeeze %dma_start3A_21 : memref<1x1x128xi32, #tpu.memory_space<hbm>> -> memref<128xi32, #tpu.memory_space<hbm>>
    %dma_start3A_23 = arith.constant 0 : i32
    %dma_start3A_24 = tpu.memref_slice %arg4[%arg1, %add3A_19, %dma_start3A_23] : memref<16x160x128xi32, #tpu.memory_space<hbm>> -> memref<1x1x128xi32, #tpu.memory_space<hbm>>
    %dma_start3A_25 = tpu.memref_squeeze %dma_start3A_24 : memref<1x1x128xi32, #tpu.memory_space<hbm>> -> memref<128xi32, #tpu.memory_space<hbm>>
    tpu.enqueue_dma source(%dma_start3A_25 : memref<128xi32, #tpu.memory_space<hbm>>) target(%arg11 : memref<128xi32, #tpu.memory_space<vmem>>) target_semaphore(%arg15 : memref<!tpu.dma_semaphore, #tpu.memory_space<semaphore_mem>>)
    %dma_start3A_26 = arith.constant 1 : i32
    %dma_start3A_27 = arith.constant 0 : i32
    %dma_start3A_28 = tpu.memref_slice %arg8[%dma_start3A_26, %dma_start3A_27] : memref<120x128xi32, #tpu.memory_space<vmem>> -> memref<1x128xi32, #tpu.memory_space<vmem>>
    %dma_start3A_29 = tpu.memref_squeeze %dma_start3A_28 : memref<1x128xi32, #tpu.memory_space<vmem>> -> memref<128xi32, #tpu.memory_space<vmem>>
    %dma_start3A_30 = arith.constant 0 : i32
    %dma_start3A_31 = arith.constant 0 : i32
    %dma_start3A_32 = tpu.memref_slice %arg2[%dma_start3A_30, %dma_start3A_31] : memref<10240x128xf32, #tpu.memory_space<hbm>> -> memref<10240x128xf32, #tpu.memory_space<hbm>>
    tpu.enqueue_indirect_dma source(%dma_start3A_32 : memref<10240x128xf32, #tpu.memory_space<hbm>>) target(%arg10 : memref<128x128xf32, #tpu.memory_space<vmem>>) offsets(%dma_start3A_29 : memref<128xi32, #tpu.memory_space<vmem>>) semaphore(%arg14 : memref<!tpu.dma_semaphore, #tpu.memory_space<semaphore_mem>>)
    %add3A_33 = arith.constant 1 : i32
    %add3A_34 = arith.addi %mul3A_2, %add3A_33 : i32
    %dma_start3A_35 = arith.constant 0 : i32
    %dma_start3A_36 = tpu.memref_slice %arg4[%arg1, %add3A_34, %dma_start3A_35] : memref<16x160x128xi32, #tpu.memory_space<hbm>> -> memref<1x1x128xi32, #tpu.memory_space<hbm>>
    %dma_start3A_37 = tpu.memref_squeeze %dma_start3A_36 : memref<1x1x128xi32, #tpu.memory_space<hbm>> -> memref<128xi32, #tpu.memory_space<hbm>>
    %dma_start3A_38 = arith.constant 0 : i32
    %dma_start3A_39 = tpu.memref_slice %arg4[%arg1, %add3A_34, %dma_start3A_38] : memref<16x160x128xi32, #tpu.memory_space<hbm>> -> memref<1x1x128xi32, #tpu.memory_space<hbm>>
    %dma_start3A_40 = tpu.memref_squeeze %dma_start3A_39 : memref<1x1x128xi32, #tpu.memory_space<hbm>> -> memref<128xi32, #tpu.memory_space<hbm>>
    tpu.enqueue_dma source(%dma_start3A_40 : memref<128xi32, #tpu.memory_space<hbm>>) target(%arg12 : memref<128xi32, #tpu.memory_space<vmem>>) target_semaphore(%arg16 : memref<!tpu.dma_semaphore, #tpu.memory_space<semaphore_mem>>)
    %scan3A = arith.constant 0 : i32
    %scan3A_41 = arith.constant 0 : i32
    %scan3A_42 = arith.constant 20 : i32
    %scan3A_43 = arith.addi %scan3A_41, %scan3A_42 : i32
    %scan3A_44 = arith.constant 1 : i32
    scf.for %scan3A_60 = %scan3A_41 to %scan3A_43 step %scan3A_44  : i32 {
      %dma_wait3A = arith.constant 0 : i32
      %dma_wait3A_61 = arith.constant 0 : i32
      %dma_wait3A_62 = tpu.memref_slice %arg8[%dma_wait3A, %dma_wait3A_61] : memref<120x128xi32, #tpu.memory_space<vmem>> -> memref<1x128xi32, #tpu.memory_space<vmem>>
      %dma_wait3A_63 = tpu.memref_squeeze %dma_wait3A_62 : memref<1x128xi32, #tpu.memory_space<vmem>> -> memref<128xi32, #tpu.memory_space<vmem>>
      %dma_wait3A_64 = arith.constant 0 : i32
      %dma_wait3A_65 = arith.constant 0 : i32
      %dma_wait3A_66 = tpu.memref_slice %arg2[%dma_wait3A_64, %dma_wait3A_65] : memref<10240x128xf32, #tpu.memory_space<hbm>> -> memref<10240x128xf32, #tpu.memory_space<hbm>>
      tpu.wait_indirect_dma semaphore(%arg13 : memref<!tpu.dma_semaphore, #tpu.memory_space<semaphore_mem>>) src(%dma_wait3A_66 : memref<10240x128xf32, #tpu.memory_space<hbm>>) dst(%arg9 : memref<128x128xf32, #tpu.memory_space<vmem>>)
      %dma_wait3A_67 = arith.constant 0 : i32
      %dma_wait3A_68 = arith.constant 0 : i32
      %dma_wait3A_69 = tpu.memref_slice %arg4[%arg1, %dma_wait3A_67, %dma_wait3A_68] : memref<16x160x128xi32, #tpu.memory_space<hbm>> -> memref<1x1x128xi32, #tpu.memory_space<hbm>>
      %dma_wait3A_70 = tpu.memref_squeeze %dma_wait3A_69 : memref<1x1x128xi32, #tpu.memory_space<hbm>> -> memref<128xi32, #tpu.memory_space<hbm>>
      %dma_wait3A_71 = arith.constant 0 : i32
      %dma_wait3A_72 = tpu.memref_slice %arg4[%arg1, %dma_wait3A_67, %dma_wait3A_71] : memref<16x160x128xi32, #tpu.memory_space<hbm>> -> memref<1x1x128xi32, #tpu.memory_space<hbm>>
      %dma_wait3A_73 = tpu.memref_squeeze %dma_wait3A_72 : memref<1x1x128xi32, #tpu.memory_space<hbm>> -> memref<128xi32, #tpu.memory_space<hbm>>
      tpu.wait_dma2 semaphore(%arg15 : memref<!tpu.dma_semaphore, #tpu.memory_space<semaphore_mem>>) src(%dma_wait3A_73 : memref<128xi32, #tpu.memory_space<hbm>>) dst(%arg11 : memref<128xi32, #tpu.memory_space<vmem>>)
      %dma_start3A_74 = arith.constant 0 : i32
      %dma_start3A_75 = arith.constant 0 : i32
      %dma_start3A_76 = tpu.memref_slice %arg7[%dma_start3A_74, %dma_start3A_75] : memref<10240x128xf32, #tpu.memory_space<vmem_shared>> -> memref<10240x128xf32, #tpu.memory_space<vmem_shared>>
      tpu.enqueue_indirect_dma source(%arg9 : memref<128x128xf32, #tpu.memory_space<vmem>>) target(%dma_start3A_76 : memref<10240x128xf32, #tpu.memory_space<vmem_shared>>) offsets(%arg11 : memref<128xi32, #tpu.memory_space<vmem>>) semaphore(%arg17 : memref<!tpu.dma_semaphore, #tpu.memory_space<semaphore_mem>>) {add = true}
      %dma_wait3A_77 = arith.constant 0 : i32
      %dma_wait3A_78 = arith.constant 0 : i32
      %dma_wait3A_79 = tpu.memref_slice %arg7[%dma_wait3A_77, %dma_wait3A_78] : memref<10240x128xf32, #tpu.memory_space<vmem_shared>> -> memref<10240x128xf32, #tpu.memory_space<vmem_shared>>
      tpu.wait_indirect_dma semaphore(%arg17 : memref<!tpu.dma_semaphore, #tpu.memory_space<semaphore_mem>>) src(%arg9 : memref<128x128xf32, #tpu.memory_space<vmem>>) dst(%dma_wait3A_79 : memref<10240x128xf32, #tpu.memory_space<vmem_shared>>)
      %sub3A = arith.constant 1 : i32
      %sub3A_80 = arith.subi %select_n3A, %sub3A : i32
      %lt3A = arith.cmpi slt, %scan3A_60, %sub3A_80 : i32
      %convert_element_type3A_81 = arith.extui %lt3A : i1 to i32
      %cond3A_82 = arith.constant 0 : i32
      %cond3A_83 = arith.cmpi ne, %convert_element_type3A_81, %cond3A_82 : i32
      scf.if %cond3A_83 {
        %mul3A_110 = arith.constant 2 : i32
        %mul3A_111 = arith.muli %mul3A_110, %scan3A_60 : i32
        %add3A_112 = arith.constant 2 : i32
        %add3A_113 = arith.addi %mul3A_111, %add3A_112 : i32
        %add3A_114 = arith.constant 0 : i32
        %add3A_115 = arith.addi %add3A_113, %add3A_114 : i32
        %dma_start3A_116 = arith.constant 0 : i32
        %dma_start3A_117 = tpu.memref_slice %arg8[%add3A_115, %dma_start3A_116] : memref<120x128xi32, #tpu.memory_space<vmem>> -> memref<1x128xi32, #tpu.memory_space<vmem>>
        %dma_start3A_118 = tpu.memref_squeeze %dma_start3A_117 : memref<1x128xi32, #tpu.memory_space<vmem>> -> memref<128xi32, #tpu.memory_space<vmem>>
        %dma_start3A_119 = arith.constant 0 : i32
        %dma_start3A_120 = arith.constant 0 : i32
        %dma_start3A_121 = tpu.memref_slice %arg2[%dma_start3A_119, %dma_start3A_120] : memref<10240x128xf32, #tpu.memory_space<hbm>> -> memref<10240x128xf32, #tpu.memory_space<hbm>>
        tpu.enqueue_indirect_dma source(%dma_start3A_121 : memref<10240x128xf32, #tpu.memory_space<hbm>>) target(%arg9 : memref<128x128xf32, #tpu.memory_space<vmem>>) offsets(%dma_start3A_118 : memref<128xi32, #tpu.memory_space<vmem>>) semaphore(%arg13 : memref<!tpu.dma_semaphore, #tpu.memory_space<semaphore_mem>>)
        %mul3A_122 = arith.constant 2 : i32
        %mul3A_123 = arith.muli %mul3A_122, %scan3A_60 : i32
        %add3A_124 = arith.addi %mul3A_2, %mul3A_123 : i32
        %add3A_125 = arith.constant 2 : i32
        %add3A_126 = arith.addi %add3A_124, %add3A_125 : i32
        %add3A_127 = arith.constant 0 : i32
        %add3A_128 = arith.addi %add3A_126, %add3A_127 : i32
        %dma_start3A_129 = arith.constant 0 : i32
        %dma_start3A_130 = tpu.memref_slice %arg4[%arg1, %add3A_128, %dma_start3A_129] : memref<16x160x128xi32, #tpu.memory_space<hbm>> -> memref<1x1x128xi32, #tpu.memory_space<hbm>>
        %dma_start3A_131 = tpu.memref_squeeze %dma_start3A_130 : memref<1x1x128xi32, #tpu.memory_space<hbm>> -> memref<128xi32, #tpu.memory_space<hbm>>
        %dma_start3A_132 = arith.constant 0 : i32
        %dma_start3A_133 = tpu.memref_slice %arg4[%arg1, %add3A_128, %dma_start3A_132] : memref<16x160x128xi32, #tpu.memory_space<hbm>> -> memref<1x1x128xi32, #tpu.memory_space<hbm>>
        %dma_start3A_134 = tpu.memref_squeeze %dma_start3A_133 : memref<1x1x128xi32, #tpu.memory_space<hbm>> -> memref<128xi32, #tpu.memory_space<hbm>>
        tpu.enqueue_dma source(%dma_start3A_134 : memref<128xi32, #tpu.memory_space<hbm>>) target(%arg11 : memref<128xi32, #tpu.memory_space<vmem>>) target_semaphore(%arg15 : memref<!tpu.dma_semaphore, #tpu.memory_space<semaphore_mem>>)
      } else {
      }
      %dma_wait3A_84 = arith.constant 0 : i32
      %dma_wait3A_85 = arith.constant 0 : i32
      %dma_wait3A_86 = tpu.memref_slice %arg8[%dma_wait3A_84, %dma_wait3A_85] : memref<120x128xi32, #tpu.memory_space<vmem>> -> memref<1x128xi32, #tpu.memory_space<vmem>>
      %dma_wait3A_87 = tpu.memref_squeeze %dma_wait3A_86 : memref<1x128xi32, #tpu.memory_space<vmem>> -> memref<128xi32, #tpu.memory_space<vmem>>
      %dma_wait3A_88 = arith.constant 0 : i32
      %dma_wait3A_89 = arith.constant 0 : i32
      %dma_wait3A_90 = tpu.memref_slice %arg2[%dma_wait3A_88, %dma_wait3A_89] : memref<10240x128xf32, #tpu.memory_space<hbm>> -> memref<10240x128xf32, #tpu.memory_space<hbm>>
      tpu.wait_indirect_dma semaphore(%arg14 : memref<!tpu.dma_semaphore, #tpu.memory_space<semaphore_mem>>) src(%dma_wait3A_90 : memref<10240x128xf32, #tpu.memory_space<hbm>>) dst(%arg10 : memref<128x128xf32, #tpu.memory_space<vmem>>)
      %dma_wait3A_91 = arith.constant 0 : i32
      %dma_wait3A_92 = arith.constant 0 : i32
      %dma_wait3A_93 = tpu.memref_slice %arg4[%arg1, %dma_wait3A_91, %dma_wait3A_92] : memref<16x160x128xi32, #tpu.memory_space<hbm>> -> memref<1x1x128xi32, #tpu.memory_space<hbm>>
      %dma_wait3A_94 = tpu.memref_squeeze %dma_wait3A_93 : memref<1x1x128xi32, #tpu.memory_space<hbm>> -> memref<128xi32, #tpu.memory_space<hbm>>
      %dma_wait3A_95 = arith.constant 0 : i32
      %dma_wait3A_96 = tpu.memref_slice %arg4[%arg1, %dma_wait3A_91, %dma_wait3A_95] : memref<16x160x128xi32, #tpu.memory_space<hbm>> -> memref<1x1x128xi32, #tpu.memory_space<hbm>>
      %dma_wait3A_97 = tpu.memref_squeeze %dma_wait3A_96 : memref<1x1x128xi32, #tpu.memory_space<hbm>> -> memref<128xi32, #tpu.memory_space<hbm>>
      tpu.wait_dma2 semaphore(%arg16 : memref<!tpu.dma_semaphore, #tpu.memory_space<semaphore_mem>>) src(%dma_wait3A_97 : memref<128xi32, #tpu.memory_space<hbm>>) dst(%arg12 : memref<128xi32, #tpu.memory_space<vmem>>)
      %dma_start3A_98 = arith.constant 0 : i32
      %dma_start3A_99 = arith.constant 0 : i32
      %dma_start3A_100 = tpu.memref_slice %arg7[%dma_start3A_98, %dma_start3A_99] : memref<10240x128xf32, #tpu.memory_space<vmem_shared>> -> memref<10240x128xf32, #tpu.memory_space<vmem_shared>>
      tpu.enqueue_indirect_dma source(%arg10 : memref<128x128xf32, #tpu.memory_space<vmem>>) target(%dma_start3A_100 : memref<10240x128xf32, #tpu.memory_space<vmem_shared>>) offsets(%arg12 : memref<128xi32, #tpu.memory_space<vmem>>) semaphore(%arg18 : memref<!tpu.dma_semaphore, #tpu.memory_space<semaphore_mem>>) {add = true}
      %dma_wait3A_101 = arith.constant 0 : i32
      %dma_wait3A_102 = arith.constant 0 : i32
      %dma_wait3A_103 = tpu.memref_slice %arg7[%dma_wait3A_101, %dma_wait3A_102] : memref<10240x128xf32, #tpu.memory_space<vmem_shared>> -> memref<10240x128xf32, #tpu.memory_space<vmem_shared>>
      tpu.wait_indirect_dma semaphore(%arg18 : memref<!tpu.dma_semaphore, #tpu.memory_space<semaphore_mem>>) src(%arg10 : memref<128x128xf32, #tpu.memory_space<vmem>>) dst(%dma_wait3A_103 : memref<10240x128xf32, #tpu.memory_space<vmem_shared>>)
      %sub3A_104 = arith.constant 1 : i32
      %sub3A_105 = arith.subi %select_n3A, %sub3A_104 : i32
      %lt3A_106 = arith.cmpi slt, %scan3A_60, %sub3A_105 : i32
      %convert_element_type3A_107 = arith.extui %lt3A_106 : i1 to i32
      %cond3A_108 = arith.constant 0 : i32
      %cond3A_109 = arith.cmpi ne, %convert_element_type3A_107, %cond3A_108 : i32
      scf.if %cond3A_109 {
        %mul3A_110 = arith.constant 2 : i32
        %mul3A_111 = arith.muli %mul3A_110, %scan3A_60 : i32
        %add3A_112 = arith.constant 2 : i32
        %add3A_113 = arith.addi %mul3A_111, %add3A_112 : i32
        %add3A_114 = arith.constant 1 : i32
        %add3A_115 = arith.addi %add3A_113, %add3A_114 : i32
        %dma_start3A_116 = arith.constant 0 : i32
        %dma_start3A_117 = tpu.memref_slice %arg8[%add3A_115, %dma_start3A_116] : memref<120x128xi32, #tpu.memory_space<vmem>> -> memref<1x128xi32, #tpu.memory_space<vmem>>
        %dma_start3A_118 = tpu.memref_squeeze %dma_start3A_117 : memref<1x128xi32, #tpu.memory_space<vmem>> -> memref<128xi32, #tpu.memory_space<vmem>>
        %dma_start3A_119 = arith.constant 0 : i32
        %dma_start3A_120 = arith.constant 0 : i32
        %dma_start3A_121 = tpu.memref_slice %arg2[%dma_start3A_119, %dma_start3A_120] : memref<10240x128xf32, #tpu.memory_space<hbm>> -> memref<10240x128xf32, #tpu.memory_space<hbm>>
        tpu.enqueue_indirect_dma source(%dma_start3A_121 : memref<10240x128xf32, #tpu.memory_space<hbm>>) target(%arg10 : memref<128x128xf32, #tpu.memory_space<vmem>>) offsets(%dma_start3A_118 : memref<128xi32, #tpu.memory_space<vmem>>) semaphore(%arg14 : memref<!tpu.dma_semaphore, #tpu.memory_space<semaphore_mem>>)
        %mul3A_122 = arith.constant 2 : i32
        %mul3A_123 = arith.muli %mul3A_122, %scan3A_60 : i32
        %add3A_124 = arith.addi %mul3A_2, %mul3A_123 : i32
        %add3A_125 = arith.constant 2 : i32
        %add3A_126 = arith.addi %add3A_124, %add3A_125 : i32
        %add3A_127 = arith.constant 1 : i32
        %add3A_128 = arith.addi %add3A_126, %add3A_127 : i32
        %dma_start3A_129 = arith.constant 0 : i32
        %dma_start3A_130 = tpu.memref_slice %arg4[%arg1, %add3A_128, %dma_start3A_129] : memref<16x160x128xi32, #tpu.memory_space<hbm>> -> memref<1x1x128xi32, #tpu.memory_space<hbm>>
        %dma_start3A_131 = tpu.memref_squeeze %dma_start3A_130 : memref<1x1x128xi32, #tpu.memory_space<hbm>> -> memref<128xi32, #tpu.memory_space<hbm>>
        %dma_start3A_132 = arith.constant 0 : i32
        %dma_start3A_133 = tpu.memref_slice %arg4[%arg1, %add3A_128, %dma_start3A_132] : memref<16x160x128xi32, #tpu.memory_space<hbm>> -> memref<1x1x128xi32, #tpu.memory_space<hbm>>
        %dma_start3A_134 = tpu.memref_squeeze %dma_start3A_133 : memref<1x1x128xi32, #tpu.memory_space<hbm>> -> memref<128xi32, #tpu.memory_space<hbm>>
        tpu.enqueue_dma source(%dma_start3A_134 : memref<128xi32, #tpu.memory_space<hbm>>) target(%arg12 : memref<128xi32, #tpu.memory_space<vmem>>) target_semaphore(%arg16 : memref<!tpu.dma_semaphore, #tpu.memory_space<semaphore_mem>>)
      } else {
      }
    }
    %scan3A_45 = arith.constant 20 : i32
    %eq3A_46 = arith.constant 0 : i32
    %eq3A_47 = arith.cmpi eq, %arg0, %eq3A_46 : i32
    %convert_element_type3A = arith.extui %eq3A_47 : i1 to i32
    %cond3A = arith.constant 0 : i32
    %cond3A_48 = arith.cmpi ne, %convert_element_type3A, %cond3A : i32
    scf.if %cond3A_48 {
      %scan3A_60 = arith.constant 0 : i32
      %scan3A_61 = arith.constant 20 : i32
      %scan3A_62 = arith.constant 40 : i32
      %scan3A_63 = arith.addi %scan3A_61, %scan3A_62 : i32
      %scan3A_64 = arith.constant 1 : i32
      scf.for %scan3A_66 = %scan3A_61 to %scan3A_63 step %scan3A_64  : i32 {
        %dma_wait3A = arith.constant 0 : i32
        %dma_wait3A_67 = arith.constant 0 : i32
        %dma_wait3A_68 = tpu.memref_slice %arg8[%dma_wait3A, %dma_wait3A_67] : memref<120x128xi32, #tpu.memory_space<vmem>> -> memref<1x128xi32, #tpu.memory_space<vmem>>
        %dma_wait3A_69 = tpu.memref_squeeze %dma_wait3A_68 : memref<1x128xi32, #tpu.memory_space<vmem>> -> memref<128xi32, #tpu.memory_space<vmem>>
        %dma_wait3A_70 = arith.constant 0 : i32
        %dma_wait3A_71 = arith.constant 0 : i32
        %dma_wait3A_72 = tpu.memref_slice %arg2[%dma_wait3A_70, %dma_wait3A_71] : memref<10240x128xf32, #tpu.memory_space<hbm>> -> memref<10240x128xf32, #tpu.memory_space<hbm>>
        tpu.wait_indirect_dma semaphore(%arg13 : memref<!tpu.dma_semaphore, #tpu.memory_space<semaphore_mem>>) src(%dma_wait3A_72 : memref<10240x128xf32, #tpu.memory_space<hbm>>) dst(%arg9 : memref<128x128xf32, #tpu.memory_space<vmem>>)
        %dma_wait3A_73 = arith.constant 0 : i32
        %dma_wait3A_74 = arith.constant 0 : i32
        %dma_wait3A_75 = tpu.memref_slice %arg4[%arg1, %dma_wait3A_73, %dma_wait3A_74] : memref<16x160x128xi32, #tpu.memory_space<hbm>> -> memref<1x1x128xi32, #tpu.memory_space<hbm>>
        %dma_wait3A_76 = tpu.memref_squeeze %dma_wait3A_75 : memref<1x1x128xi32, #tpu.memory_space<hbm>> -> memref<128xi32, #tpu.memory_space<hbm>>
        %dma_wait3A_77 = arith.constant 0 : i32
        %dma_wait3A_78 = tpu.memref_slice %arg4[%arg1, %dma_wait3A_73, %dma_wait3A_77] : memref<16x160x128xi32, #tpu.memory_space<hbm>> -> memref<1x1x128xi32, #tpu.memory_space<hbm>>
        %dma_wait3A_79 = tpu.memref_squeeze %dma_wait3A_78 : memref<1x1x128xi32, #tpu.memory_space<hbm>> -> memref<128xi32, #tpu.memory_space<hbm>>
        tpu.wait_dma2 semaphore(%arg15 : memref<!tpu.dma_semaphore, #tpu.memory_space<semaphore_mem>>) src(%dma_wait3A_79 : memref<128xi32, #tpu.memory_space<hbm>>) dst(%arg11 : memref<128xi32, #tpu.memory_space<vmem>>)
        %dma_start3A_80 = arith.constant 0 : i32
        %dma_start3A_81 = arith.constant 0 : i32
        %dma_start3A_82 = tpu.memref_slice %arg7[%dma_start3A_80, %dma_start3A_81] : memref<10240x128xf32, #tpu.memory_space<vmem_shared>> -> memref<10240x128xf32, #tpu.memory_space<vmem_shared>>
        tpu.enqueue_indirect_dma source(%arg9 : memref<128x128xf32, #tpu.memory_space<vmem>>) target(%dma_start3A_82 : memref<10240x128xf32, #tpu.memory_space<vmem_shared>>) offsets(%arg11 : memref<128xi32, #tpu.memory_space<vmem>>) semaphore(%arg17 : memref<!tpu.dma_semaphore, #tpu.memory_space<semaphore_mem>>) {add = true}
        %dma_wait3A_83 = arith.constant 0 : i32
        %dma_wait3A_84 = arith.constant 0 : i32
        %dma_wait3A_85 = tpu.memref_slice %arg7[%dma_wait3A_83, %dma_wait3A_84] : memref<10240x128xf32, #tpu.memory_space<vmem_shared>> -> memref<10240x128xf32, #tpu.memory_space<vmem_shared>>
        tpu.wait_indirect_dma semaphore(%arg17 : memref<!tpu.dma_semaphore, #tpu.memory_space<semaphore_mem>>) src(%arg9 : memref<128x128xf32, #tpu.memory_space<vmem>>) dst(%dma_wait3A_85 : memref<10240x128xf32, #tpu.memory_space<vmem_shared>>)
        %sub3A = arith.constant 1 : i32
        %sub3A_86 = arith.subi %select_n3A, %sub3A : i32
        %lt3A = arith.cmpi slt, %scan3A_66, %sub3A_86 : i32
        %convert_element_type3A_87 = arith.extui %lt3A : i1 to i32
        %cond3A_88 = arith.constant 0 : i32
        %cond3A_89 = arith.cmpi ne, %convert_element_type3A_87, %cond3A_88 : i32
        scf.if %cond3A_89 {
          %mul3A_116 = arith.constant 2 : i32
          %mul3A_117 = arith.muli %mul3A_116, %scan3A_66 : i32
          %add3A_118 = arith.constant 2 : i32
          %add3A_119 = arith.addi %mul3A_117, %add3A_118 : i32
          %add3A_120 = arith.constant 0 : i32
          %add3A_121 = arith.addi %add3A_119, %add3A_120 : i32
          %dma_start3A_122 = arith.constant 0 : i32
          %dma_start3A_123 = tpu.memref_slice %arg8[%add3A_121, %dma_start3A_122] : memref<120x128xi32, #tpu.memory_space<vmem>> -> memref<1x128xi32, #tpu.memory_space<vmem>>
          %dma_start3A_124 = tpu.memref_squeeze %dma_start3A_123 : memref<1x128xi32, #tpu.memory_space<vmem>> -> memref<128xi32, #tpu.memory_space<vmem>>
          %dma_start3A_125 = arith.constant 0 : i32
          %dma_start3A_126 = arith.constant 0 : i32
          %dma_start3A_127 = tpu.memref_slice %arg2[%dma_start3A_125, %dma_start3A_126] : memref<10240x128xf32, #tpu.memory_space<hbm>> -> memref<10240x128xf32, #tpu.memory_space<hbm>>
          tpu.enqueue_indirect_dma source(%dma_start3A_127 : memref<10240x128xf32, #tpu.memory_space<hbm>>) target(%arg9 : memref<128x128xf32, #tpu.memory_space<vmem>>) offsets(%dma_start3A_124 : memref<128xi32, #tpu.memory_space<vmem>>) semaphore(%arg13 : memref<!tpu.dma_semaphore, #tpu.memory_space<semaphore_mem>>)
          %mul3A_128 = arith.constant 2 : i32
          %mul3A_129 = arith.muli %mul3A_128, %scan3A_66 : i32
          %add3A_130 = arith.addi %mul3A_2, %mul3A_129 : i32
          %add3A_131 = arith.constant 2 : i32
          %add3A_132 = arith.addi %add3A_130, %add3A_131 : i32
          %add3A_133 = arith.constant 0 : i32
          %add3A_134 = arith.addi %add3A_132, %add3A_133 : i32
          %dma_start3A_135 = arith.constant 0 : i32
          %dma_start3A_136 = tpu.memref_slice %arg4[%arg1, %add3A_134, %dma_start3A_135] : memref<16x160x128xi32, #tpu.memory_space<hbm>> -> memref<1x1x128xi32, #tpu.memory_space<hbm>>
          %dma_start3A_137 = tpu.memref_squeeze %dma_start3A_136 : memref<1x1x128xi32, #tpu.memory_space<hbm>> -> memref<128xi32, #tpu.memory_space<hbm>>
          %dma_start3A_138 = arith.constant 0 : i32
          %dma_start3A_139 = tpu.memref_slice %arg4[%arg1, %add3A_134, %dma_start3A_138] : memref<16x160x128xi32, #tpu.memory_space<hbm>> -> memref<1x1x128xi32, #tpu.memory_space<hbm>>
          %dma_start3A_140 = tpu.memref_squeeze %dma_start3A_139 : memref<1x1x128xi32, #tpu.memory_space<hbm>> -> memref<128xi32, #tpu.memory_space<hbm>>
          tpu.enqueue_dma source(%dma_start3A_140 : memref<128xi32, #tpu.memory_space<hbm>>) target(%arg11 : memref<128xi32, #tpu.memory_space<vmem>>) target_semaphore(%arg15 : memref<!tpu.dma_semaphore, #tpu.memory_space<semaphore_mem>>)
        } else {
        }
        %dma_wait3A_90 = arith.constant 0 : i32
        %dma_wait3A_91 = arith.constant 0 : i32
        %dma_wait3A_92 = tpu.memref_slice %arg8[%dma_wait3A_90, %dma_wait3A_91] : memref<120x128xi32, #tpu.memory_space<vmem>> -> memref<1x128xi32, #tpu.memory_space<vmem>>
        %dma_wait3A_93 = tpu.memref_squeeze %dma_wait3A_92 : memref<1x128xi32, #tpu.memory_space<vmem>> -> memref<128xi32, #tpu.memory_space<vmem>>
        %dma_wait3A_94 = arith.constant 0 : i32
        %dma_wait3A_95 = arith.constant 0 : i32
        %dma_wait3A_96 = tpu.memref_slice %arg2[%dma_wait3A_94, %dma_wait3A_95] : memref<10240x128xf32, #tpu.memory_space<hbm>> -> memref<10240x128xf32, #tpu.memory_space<hbm>>
        tpu.wait_indirect_dma semaphore(%arg14 : memref<!tpu.dma_semaphore, #tpu.memory_space<semaphore_mem>>) src(%dma_wait3A_96 : memref<10240x128xf32, #tpu.memory_space<hbm>>) dst(%arg10 : memref<128x128xf32, #tpu.memory_space<vmem>>)
        %dma_wait3A_97 = arith.constant 0 : i32
        %dma_wait3A_98 = arith.constant 0 : i32
        %dma_wait3A_99 = tpu.memref_slice %arg4[%arg1, %dma_wait3A_97, %dma_wait3A_98] : memref<16x160x128xi32, #tpu.memory_space<hbm>> -> memref<1x1x128xi32, #tpu.memory_space<hbm>>
        %dma_wait3A_100 = tpu.memref_squeeze %dma_wait3A_99 : memref<1x1x128xi32, #tpu.memory_space<hbm>> -> memref<128xi32, #tpu.memory_space<hbm>>
        %dma_wait3A_101 = arith.constant 0 : i32
        %dma_wait3A_102 = tpu.memref_slice %arg4[%arg1, %dma_wait3A_97, %dma_wait3A_101] : memref<16x160x128xi32, #tpu.memory_space<hbm>> -> memref<1x1x128xi32, #tpu.memory_space<hbm>>
        %dma_wait3A_103 = tpu.memref_squeeze %dma_wait3A_102 : memref<1x1x128xi32, #tpu.memory_space<hbm>> -> memref<128xi32, #tpu.memory_space<hbm>>
        tpu.wait_dma2 semaphore(%arg16 : memref<!tpu.dma_semaphore, #tpu.memory_space<semaphore_mem>>) src(%dma_wait3A_103 : memref<128xi32, #tpu.memory_space<hbm>>) dst(%arg12 : memref<128xi32, #tpu.memory_space<vmem>>)
        %dma_start3A_104 = arith.constant 0 : i32
        %dma_start3A_105 = arith.constant 0 : i32
        %dma_start3A_106 = tpu.memref_slice %arg7[%dma_start3A_104, %dma_start3A_105] : memref<10240x128xf32, #tpu.memory_space<vmem_shared>> -> memref<10240x128xf32, #tpu.memory_space<vmem_shared>>
        tpu.enqueue_indirect_dma source(%arg10 : memref<128x128xf32, #tpu.memory_space<vmem>>) target(%dma_start3A_106 : memref<10240x128xf32, #tpu.memory_space<vmem_shared>>) offsets(%arg12 : memref<128xi32, #tpu.memory_space<vmem>>) semaphore(%arg18 : memref<!tpu.dma_semaphore, #tpu.memory_space<semaphore_mem>>) {add = true}
        %dma_wait3A_107 = arith.constant 0 : i32
        %dma_wait3A_108 = arith.constant 0 : i32
        %dma_wait3A_109 = tpu.memref_slice %arg7[%dma_wait3A_107, %dma_wait3A_108] : memref<10240x128xf32, #tpu.memory_space<vmem_shared>> -> memref<10240x128xf32, #tpu.memory_space<vmem_shared>>
        tpu.wait_indirect_dma semaphore(%arg18 : memref<!tpu.dma_semaphore, #tpu.memory_space<semaphore_mem>>) src(%arg10 : memref<128x128xf32, #tpu.memory_space<vmem>>) dst(%dma_wait3A_109 : memref<10240x128xf32, #tpu.memory_space<vmem_shared>>)
        %sub3A_110 = arith.constant 1 : i32
        %sub3A_111 = arith.subi %select_n3A, %sub3A_110 : i32
        %lt3A_112 = arith.cmpi slt, %scan3A_66, %sub3A_111 : i32
        %convert_element_type3A_113 = arith.extui %lt3A_112 : i1 to i32
        %cond3A_114 = arith.constant 0 : i32
        %cond3A_115 = arith.cmpi ne, %convert_element_type3A_113, %cond3A_114 : i32
        scf.if %cond3A_115 {
          %mul3A_116 = arith.constant 2 : i32
          %mul3A_117 = arith.muli %mul3A_116, %scan3A_66 : i32
          %add3A_118 = arith.constant 2 : i32
          %add3A_119 = arith.addi %mul3A_117, %add3A_118 : i32
          %add3A_120 = arith.constant 1 : i32
          %add3A_121 = arith.addi %add3A_119, %add3A_120 : i32
          %dma_start3A_122 = arith.constant 0 : i32
          %dma_start3A_123 = tpu.memref_slice %arg8[%add3A_121, %dma_start3A_122] : memref<120x128xi32, #tpu.memory_space<vmem>> -> memref<1x128xi32, #tpu.memory_space<vmem>>
          %dma_start3A_124 = tpu.memref_squeeze %dma_start3A_123 : memref<1x128xi32, #tpu.memory_space<vmem>> -> memref<128xi32, #tpu.memory_space<vmem>>
          %dma_start3A_125 = arith.constant 0 : i32
          %dma_start3A_126 = arith.constant 0 : i32
          %dma_start3A_127 = tpu.memref_slice %arg2[%dma_start3A_125, %dma_start3A_126] : memref<10240x128xf32, #tpu.memory_space<hbm>> -> memref<10240x128xf32, #tpu.memory_space<hbm>>
          tpu.enqueue_indirect_dma source(%dma_start3A_127 : memref<10240x128xf32, #tpu.memory_space<hbm>>) target(%arg10 : memref<128x128xf32, #tpu.memory_space<vmem>>) offsets(%dma_start3A_124 : memref<128xi32, #tpu.memory_space<vmem>>) semaphore(%arg14 : memref<!tpu.dma_semaphore, #tpu.memory_space<semaphore_mem>>)
          %mul3A_128 = arith.constant 2 : i32
          %mul3A_129 = arith.muli %mul3A_128, %scan3A_66 : i32
          %add3A_130 = arith.addi %mul3A_2, %mul3A_129 : i32
          %add3A_131 = arith.constant 2 : i32
          %add3A_132 = arith.addi %add3A_130, %add3A_131 : i32
          %add3A_133 = arith.constant 1 : i32
          %add3A_134 = arith.addi %add3A_132, %add3A_133 : i32
          %dma_start3A_135 = arith.constant 0 : i32
          %dma_start3A_136 = tpu.memref_slice %arg4[%arg1, %add3A_134, %dma_start3A_135] : memref<16x160x128xi32, #tpu.memory_space<hbm>> -> memref<1x1x128xi32, #tpu.memory_space<hbm>>
          %dma_start3A_137 = tpu.memref_squeeze %dma_start3A_136 : memref<1x1x128xi32, #tpu.memory_space<hbm>> -> memref<128xi32, #tpu.memory_space<hbm>>
          %dma_start3A_138 = arith.constant 0 : i32
          %dma_start3A_139 = tpu.memref_slice %arg4[%arg1, %add3A_134, %dma_start3A_138] : memref<16x160x128xi32, #tpu.memory_space<hbm>> -> memref<1x1x128xi32, #tpu.memory_space<hbm>>
          %dma_start3A_140 = tpu.memref_squeeze %dma_start3A_139 : memref<1x1x128xi32, #tpu.memory_space<hbm>> -> memref<128xi32, #tpu.memory_space<hbm>>
          tpu.enqueue_dma source(%dma_start3A_140 : memref<128xi32, #tpu.memory_space<hbm>>) target(%arg12 : memref<128xi32, #tpu.memory_space<vmem>>) target_semaphore(%arg16 : memref<!tpu.dma_semaphore, #tpu.memory_space<semaphore_mem>>)
        } else {
        }
      }
      %scan3A_65 = arith.constant 40 : i32
    } else {
    }
    %barrier3A_49 = arith.constant 0 : index
    tpu.barrier barrier_id(%barrier3A_49)
    %eq3A_50 = arith.constant 0 : i32
    %eq3A_51 = arith.cmpi eq, %arg0, %eq3A_50 : i32
    %convert_element_type3A_52 = arith.extui %eq3A_51 : i1 to i32
    %cond3A_53 = arith.constant 0 : i32
    %cond3A_54 = arith.cmpi ne, %convert_element_type3A_52, %cond3A_53 : i32
    scf.if %cond3A_54 {
      %mul3A_60 = arith.constant 640 : i32
      %mul3A_61 = arith.muli %arg1, %mul3A_60 : i32
      %mul3A_62 = arith.constant 640 : i32
      %mul3A_63 = arith.muli %arg1, %mul3A_62 : i32
      "tpu.region"() ({
        %run_scoped3A = tpu.sem_alloc : memref<!tpu.dma_semaphore, #tpu.memory_space<semaphore_mem>>
        %dma_start3A_64 = arith.constant 0 : i32
        %dma_start3A_65 = tpu.memref_slice %arg5[%mul3A_63, %dma_start3A_64] : memref<10240x128xf32, #tpu.memory_space<hbm>> -> memref<640x128xf32, #tpu.memory_space<hbm>>
        %dma_start3A_66 = arith.constant 0 : i32
        %dma_start3A_67 = tpu.memref_slice %arg7[%mul3A_61, %dma_start3A_66] : memref<10240x128xf32, #tpu.memory_space<vmem_shared>> -> memref<640x128xf32, #tpu.memory_space<vmem_shared>>
        tpu.enqueue_dma source(%dma_start3A_67 : memref<640x128xf32, #tpu.memory_space<vmem_shared>>) target(%dma_start3A_65 : memref<640x128xf32, #tpu.memory_space<hbm>>) target_semaphore(%run_scoped3A : memref<!tpu.dma_semaphore, #tpu.memory_space<semaphore_mem>>)
        %dma_wait3A = arith.constant 0 : i32
        %dma_wait3A_68 = tpu.memref_slice %arg5[%mul3A_63, %dma_wait3A] : memref<10240x128xf32, #tpu.memory_space<hbm>> -> memref<640x128xf32, #tpu.memory_space<hbm>>
        %dma_wait3A_69 = arith.constant 0 : i32
        %dma_wait3A_70 = tpu.memref_slice %arg7[%mul3A_61, %dma_wait3A_69] : memref<10240x128xf32, #tpu.memory_space<vmem_shared>> -> memref<640x128xf32, #tpu.memory_space<vmem_shared>>
        tpu.wait_dma2 semaphore(%run_scoped3A : memref<!tpu.dma_semaphore, #tpu.memory_space<semaphore_mem>>) src(%dma_wait3A_70 : memref<640x128xf32, #tpu.memory_space<vmem_shared>>) dst(%dma_wait3A_68 : memref<640x128xf32, #tpu.memory_space<hbm>>)
        tpu.yield
      }) : () -> ()
    } else {
    }
    %eq3A_55 = arith.constant 1 : i32
    %eq3A_56 = arith.cmpi eq, %arg0, %eq3A_55 : i32
    %convert_element_type3A_57 = arith.extui %eq3A_56 : i1 to i32
    %cond3A_58 = arith.constant 0 : i32
    %cond3A_59 = arith.cmpi ne, %convert_element_type3A_57, %cond3A_58 : i32
    scf.if %cond3A_59 {
      %mul3A_60 = arith.constant 640 : i32
      %mul3A_61 = arith.muli %arg1, %mul3A_60 : i32
      %mul3A_62 = arith.constant 640 : i32
      %mul3A_63 = arith.muli %arg1, %mul3A_62 : i32
      "tpu.region"() ({
        %run_scoped3A = tpu.sem_alloc : memref<!tpu.dma_semaphore, #tpu.memory_space<semaphore_mem>>
        %dma_start3A_64 = arith.constant 0 : i32
        %dma_start3A_65 = tpu.memref_slice %arg6[%mul3A_63, %dma_start3A_64] : memref<10240x128xf32, #tpu.memory_space<hbm>> -> memref<640x128xf32, #tpu.memory_space<hbm>>
        %dma_start3A_66 = arith.constant 0 : i32
        %dma_start3A_67 = tpu.memref_slice %arg7[%mul3A_61, %dma_start3A_66] : memref<10240x128xf32, #tpu.memory_space<vmem_shared>> -> memref<640x128xf32, #tpu.memory_space<vmem_shared>>
        tpu.enqueue_dma source(%dma_start3A_67 : memref<640x128xf32, #tpu.memory_space<vmem_shared>>) target(%dma_start3A_65 : memref<640x128xf32, #tpu.memory_space<hbm>>) target_semaphore(%run_scoped3A : memref<!tpu.dma_semaphore, #tpu.memory_space<semaphore_mem>>)
        %dma_wait3A = arith.constant 0 : i32
        %dma_wait3A_68 = tpu.memref_slice %arg6[%mul3A_63, %dma_wait3A] : memref<10240x128xf32, #tpu.memory_space<hbm>> -> memref<640x128xf32, #tpu.memory_space<hbm>>
        %dma_wait3A_69 = arith.constant 0 : i32
        %dma_wait3A_70 = tpu.memref_slice %arg7[%mul3A_61, %dma_wait3A_69] : memref<10240x128xf32, #tpu.memory_space<vmem_shared>> -> memref<640x128xf32, #tpu.memory_space<vmem_shared>>
        tpu.wait_dma2 semaphore(%run_scoped3A : memref<!tpu.dma_semaphore, #tpu.memory_space<semaphore_mem>>) src(%dma_wait3A_70 : memref<640x128xf32, #tpu.memory_space<vmem_shared>>) dst(%dma_wait3A_68 : memref<640x128xf32, #tpu.memory_space<hbm>>)
        tpu.yield
      }) : () -> ()
    } else {
    }
    return
  }
}

module attributes {stable_mosaic.version = 14 : i64} {
  func.func @_tc3_body(%arg0: i32, %arg1: memref<640x128xf32, #tpu.memory_space<vmem>>, %arg2: memref<640x128xf32, #tpu.memory_space<vmem>>, %arg3: memref<640x128xf32, #tpu.memory_space<vmem>>, %arg4: memref<640x16xf32, #tpu.memory_space<vmem>>, %arg5: memref<1x128xf32, #tpu.memory_space<vmem>>, %arg6: memref<128x128xf32, #tpu.memory_space<vmem>>, %arg7: memref<1x128xf32, #tpu.memory_space<vmem>>, %arg8: memref<128x128xf32, #tpu.memory_space<vmem>>, %arg9: memref<1x128xf32, #tpu.memory_space<vmem>>, %arg10: memref<640x128xf32, #tpu.memory_space<vmem>>) attributes {dimension_semantics = [#tpu.dimension_semantics<arbitrary>], iteration_bounds = array<i64: 16>, scalar_prefetch = 0 : i64, scratch_operands = 0 : i64, tpu.core_type = #tpu.core_type<tc>, window_params = [{transform_indices = @transform_0, window_bounds = array<i64: 640, 128>}, {transform_indices = @transform_1, window_bounds = array<i64: 640, 128>}, {transform_indices = @transform_2, window_bounds = array<i64: 640, 128>}, {transform_indices = @transform_3, window_bounds = array<i64: 640, 16>}, {pipeline_mode = #tpu.pipeline_mode<synchronous>, transform_indices = @transform_4, window_bounds = array<i64: 1, 128>}, {pipeline_mode = #tpu.pipeline_mode<synchronous>, transform_indices = @transform_5, window_bounds = array<i64: 128, 128>}, {pipeline_mode = #tpu.pipeline_mode<synchronous>, transform_indices = @transform_6, window_bounds = array<i64: 1, 128>}, {pipeline_mode = #tpu.pipeline_mode<synchronous>, transform_indices = @transform_7, window_bounds = array<i64: 128, 128>}, {pipeline_mode = #tpu.pipeline_mode<synchronous>, transform_indices = @transform_8, window_bounds = array<i64: 1, 128>}, {transform_indices = @transform_9, window_bounds = array<i64: 640, 128>}]} {
    %get3A = arith.constant 0 : index
    %get3A_0 = arith.constant 0 : index
    %get3A_1 = vector.load %arg4[%get3A, %get3A_0] : memref<640x16xf32, #tpu.memory_space<vmem>>, vector<640x1xf32>
    %get3A_2 = arith.constant 0 : index
    %get3A_3 = arith.constant 0 : index
    %get3A_4 = vector.load %arg1[%get3A_2, %get3A_3] : memref<640x128xf32, #tpu.memory_space<vmem>>, vector<640x128xf32>
    %get3A_5 = arith.constant 0 : index
    %get3A_6 = arith.constant 0 : index
    %get3A_7 = vector.load %arg2[%get3A_5, %get3A_6] : memref<640x128xf32, #tpu.memory_space<vmem>>, vector<640x128xf32>
    %add3A = arith.addf %get3A_4, %get3A_7 : vector<640x128xf32>
    %get3A_8 = arith.constant 0 : index
    %get3A_9 = arith.constant 0 : index
    %get3A_10 = vector.load %arg3[%get3A_8, %get3A_9] : memref<640x128xf32, #tpu.memory_space<vmem>>, vector<640x128xf32>
    %sub3A = arith.subf %add3A, %get3A_10 : vector<640x128xf32>
    %mul3A = vector.broadcast %get3A_1 : vector<640x1xf32> to vector<640x128xf32>
    %mul3A_11 = arith.mulf %mul3A, %sub3A : vector<640x128xf32>
    %get3A_12 = arith.constant 0 : index
    %get3A_13 = arith.constant 0 : index
    %get3A_14 = vector.load %arg5[%get3A_12, %get3A_13] : memref<1x128xf32, #tpu.memory_space<vmem>>, vector<1x128xf32>
    %add3A_15 = vector.broadcast %get3A_14 : vector<1x128xf32> to vector<640x128xf32>
    %add3A_16 = arith.addf %mul3A_11, %add3A_15 : vector<640x128xf32>
    %max3A = arith.constant 0.000000e+00 : f32
    %max3A_17 = vector.broadcast %max3A : f32 to vector<640x128xf32>
    %max3A_18 = arith.maximumf %add3A_16, %max3A_17 : vector<640x128xf32>
    %get3A_19 = arith.constant 0 : index
    %get3A_20 = arith.constant 0 : index
    %get3A_21 = vector.load %arg6[%get3A_19, %get3A_20] : memref<128x128xf32, #tpu.memory_space<vmem>>, vector<128x128xf32>
    %dot_general3A = arith.constant dense<0.000000e+00> : vector<640x128xf32>
    %dot_general3A_22 = tpu.matmul %max3A_18, %get3A_21, %dot_general3A {dimension_numbers = #tpu.dot_dimension_numbers<[1], [0], [0], [1], [0, 0, 1, 1], [], []>, transpose_lhs_hint = false} : vector<640x128xf32>, vector<128x128xf32>, vector<640x128xf32> -> vector<640x128xf32>
    %get3A_23 = arith.constant 0 : index
    %get3A_24 = arith.constant 0 : index
    %get3A_25 = vector.load %arg7[%get3A_23, %get3A_24] : memref<1x128xf32, #tpu.memory_space<vmem>>, vector<1x128xf32>
    %add3A_26 = vector.broadcast %get3A_25 : vector<1x128xf32> to vector<640x128xf32>
    %add3A_27 = arith.addf %dot_general3A_22, %add3A_26 : vector<640x128xf32>
    %max3A_28 = arith.constant 0.000000e+00 : f32
    %max3A_29 = vector.broadcast %max3A_28 : f32 to vector<640x128xf32>
    %max3A_30 = arith.maximumf %add3A_27, %max3A_29 : vector<640x128xf32>
    %get3A_31 = arith.constant 0 : index
    %get3A_32 = arith.constant 0 : index
    %get3A_33 = vector.load %arg8[%get3A_31, %get3A_32] : memref<128x128xf32, #tpu.memory_space<vmem>>, vector<128x128xf32>
    %dot_general3A_34 = arith.constant dense<0.000000e+00> : vector<640x128xf32>
    %dot_general3A_35 = tpu.matmul %max3A_30, %get3A_33, %dot_general3A_34 {dimension_numbers = #tpu.dot_dimension_numbers<[1], [0], [0], [1], [0, 0, 1, 1], [], []>, transpose_lhs_hint = false} : vector<640x128xf32>, vector<128x128xf32>, vector<640x128xf32> -> vector<640x128xf32>
    %get3A_36 = arith.constant 0 : index
    %get3A_37 = arith.constant 0 : index
    %get3A_38 = vector.load %arg9[%get3A_36, %get3A_37] : memref<1x128xf32, #tpu.memory_space<vmem>>, vector<1x128xf32>
    %add3A_39 = vector.broadcast %get3A_38 : vector<1x128xf32> to vector<640x128xf32>
    %add3A_40 = arith.addf %dot_general3A_35, %add3A_39 : vector<640x128xf32>
    %reduce_max3A = arith.constant dense<0xFF800000> : vector<640xf32>
    %reduce_max3A_41 = vector.multi_reduction <maximumf>, %add3A_40, %reduce_max3A [1] : vector<640x128xf32> to vector<640xf32>
    %broadcast_in_dim3A = vector.shape_cast %reduce_max3A_41 : vector<640xf32> to vector<640x1xf32>
    %sub3A_42 = vector.broadcast %broadcast_in_dim3A : vector<640x1xf32> to vector<640x128xf32>
    %sub3A_43 = arith.subf %add3A_40, %sub3A_42 : vector<640x128xf32>
    %exp3A = math.exp %sub3A_43 : vector<640x128xf32>
    %reduce_sum3A = arith.constant dense<0.000000e+00> : vector<640xf32>
    %reduce_sum3A_44 = vector.multi_reduction <add>, %exp3A, %reduce_sum3A [1] : vector<640x128xf32> to vector<640xf32>
    %broadcast_in_dim3A_45 = vector.shape_cast %reduce_sum3A_44 : vector<640xf32> to vector<640x1xf32>
    %div3A = vector.broadcast %broadcast_in_dim3A_45 : vector<640x1xf32> to vector<640x128xf32>
    %div3A_46 = arith.divf %exp3A, %div3A : vector<640x128xf32>
    %swap3A = arith.constant 0 : index
    %swap3A_47 = arith.constant 0 : index
    %swap3A_48 = vector.load %arg10[%swap3A, %swap3A_47] : memref<640x128xf32, #tpu.memory_space<vmem>>, vector<640x128xf32>
    tpu.vector_store %arg10[%swap3A, %swap3A_47], %div3A_46 {strides = array<i32>} : memref<640x128xf32, #tpu.memory_space<vmem>>, vector<640x128xf32>,
    return
  }
  func.func @transform_0(%arg0: i32) -> (i32, i32) {
    %c0_i32 = arith.constant 0 : i32
    %c0_i32_0 = arith.constant 0 : i32
    return %arg0, %c0_i32 : i32, i32
  }
  func.func @transform_1(%arg0: i32) -> (i32, i32) {
    %c0_i32 = arith.constant 0 : i32
    %c0_i32_0 = arith.constant 0 : i32
    return %arg0, %c0_i32 : i32, i32
  }
  func.func @transform_2(%arg0: i32) -> (i32, i32) {
    %c0_i32 = arith.constant 0 : i32
    %c0_i32_0 = arith.constant 0 : i32
    return %arg0, %c0_i32 : i32, i32
  }
  func.func @transform_3(%arg0: i32) -> (i32, i32) {
    %c0_i32 = arith.constant 0 : i32
    %c0_i32_0 = arith.constant 0 : i32
    return %arg0, %c0_i32 : i32, i32
  }
  func.func @transform_4(%arg0: i32) -> (i32, i32) {
    %c0_i32 = arith.constant 0 : i32
    %c0_i32_0 = arith.constant 0 : i32
    %c0_i32_1 = arith.constant 0 : i32
    return %c0_i32, %c0_i32_0 : i32, i32
  }
  func.func @transform_5(%arg0: i32) -> (i32, i32) {
    %c0_i32 = arith.constant 0 : i32
    %c0_i32_0 = arith.constant 0 : i32
    %c0_i32_1 = arith.constant 0 : i32
    return %c0_i32, %c0_i32_0 : i32, i32
  }
  func.func @transform_6(%arg0: i32) -> (i32, i32) {
    %c0_i32 = arith.constant 0 : i32
    %c0_i32_0 = arith.constant 0 : i32
    %c0_i32_1 = arith.constant 0 : i32
    return %c0_i32, %c0_i32_0 : i32, i32
  }
  func.func @transform_7(%arg0: i32) -> (i32, i32) {
    %c0_i32 = arith.constant 0 : i32
    %c0_i32_0 = arith.constant 0 : i32
    %c0_i32_1 = arith.constant 0 : i32
    return %c0_i32, %c0_i32_0 : i32, i32
  }
  func.func @transform_8(%arg0: i32) -> (i32, i32) {
    %c0_i32 = arith.constant 0 : i32
    %c0_i32_0 = arith.constant 0 : i32
    %c0_i32_1 = arith.constant 0 : i32
    return %c0_i32, %c0_i32_0 : i32, i32
  }
  func.func @transform_9(%arg0: i32) -> (i32, i32) {
    %c0_i32 = arith.constant 0 : i32
    %c0_i32_0 = arith.constant 0 : i32
    return %arg0, %c0_i32 : i32, i32
  }
}

module attributes {stable_mosaic.version = 14 : i64} {
  func.func @_tc2_body(%arg0: i32, %arg1: memref<640x128xf32, #tpu.memory_space<vmem>>, %arg2: memref<640x128xf32, #tpu.memory_space<vmem>>, %arg3: memref<640x128xf32, #tpu.memory_space<vmem>>, %arg4: memref<640x16xf32, #tpu.memory_space<vmem>>, %arg5: memref<128x128xf32, #tpu.memory_space<vmem>>, %arg6: memref<1x128xf32, #tpu.memory_space<vmem>>, %arg7: memref<640x128xf32, #tpu.memory_space<vmem>>) attributes {dimension_semantics = [#tpu.dimension_semantics<arbitrary>], iteration_bounds = array<i64: 16>, scalar_prefetch = 0 : i64, scratch_operands = 0 : i64, tpu.core_type = #tpu.core_type<tc>, window_params = [{transform_indices = @transform_0, window_bounds = array<i64: 640, 128>}, {transform_indices = @transform_1, window_bounds = array<i64: 640, 128>}, {transform_indices = @transform_2, window_bounds = array<i64: 640, 128>}, {transform_indices = @transform_3, window_bounds = array<i64: 640, 16>}, {pipeline_mode = #tpu.pipeline_mode<synchronous>, transform_indices = @transform_4, window_bounds = array<i64: 128, 128>}, {pipeline_mode = #tpu.pipeline_mode<synchronous>, transform_indices = @transform_5, window_bounds = array<i64: 1, 128>}, {transform_indices = @transform_6, window_bounds = array<i64: 640, 128>}]} {
    %get3A = arith.constant 0 : index
    %get3A_0 = arith.constant 0 : index
    %get3A_1 = vector.load %arg4[%get3A, %get3A_0] : memref<640x16xf32, #tpu.memory_space<vmem>>, vector<640x1xf32>
    %get3A_2 = arith.constant 0 : index
    %get3A_3 = arith.constant 0 : index
    %get3A_4 = vector.load %arg1[%get3A_2, %get3A_3] : memref<640x128xf32, #tpu.memory_space<vmem>>, vector<640x128xf32>
    %get3A_5 = arith.constant 0 : index
    %get3A_6 = arith.constant 0 : index
    %get3A_7 = vector.load %arg2[%get3A_5, %get3A_6] : memref<640x128xf32, #tpu.memory_space<vmem>>, vector<640x128xf32>
    %add3A = arith.addf %get3A_4, %get3A_7 : vector<640x128xf32>
    %get3A_8 = arith.constant 0 : index
    %get3A_9 = arith.constant 0 : index
    %get3A_10 = vector.load %arg3[%get3A_8, %get3A_9] : memref<640x128xf32, #tpu.memory_space<vmem>>, vector<640x128xf32>
    %sub3A = arith.subf %add3A, %get3A_10 : vector<640x128xf32>
    %mul3A = vector.broadcast %get3A_1 : vector<640x1xf32> to vector<640x128xf32>
    %mul3A_11 = arith.mulf %mul3A, %sub3A : vector<640x128xf32>
    %get3A_12 = arith.constant 0 : index
    %get3A_13 = arith.constant 0 : index
    %get3A_14 = vector.load %arg6[%get3A_12, %get3A_13] : memref<1x128xf32, #tpu.memory_space<vmem>>, vector<1x128xf32>
    %add3A_15 = vector.broadcast %get3A_14 : vector<1x128xf32> to vector<640x128xf32>
    %add3A_16 = arith.addf %mul3A_11, %add3A_15 : vector<640x128xf32>
    %max3A = arith.constant 0.000000e+00 : f32
    %max3A_17 = vector.broadcast %max3A : f32 to vector<640x128xf32>
    %max3A_18 = arith.maximumf %add3A_16, %max3A_17 : vector<640x128xf32>
    %get3A_19 = arith.constant 0 : index
    %get3A_20 = arith.constant 0 : index
    %get3A_21 = vector.load %arg5[%get3A_19, %get3A_20] : memref<128x128xf32, #tpu.memory_space<vmem>>, vector<128x128xf32>
    %dot_general3A = arith.constant dense<0.000000e+00> : vector<640x128xf32>
    %dot_general3A_22 = tpu.matmul %max3A_18, %get3A_21, %dot_general3A {dimension_numbers = #tpu.dot_dimension_numbers<[1], [0], [0], [1], [0, 0, 1, 1], [], []>, transpose_lhs_hint = false} : vector<640x128xf32>, vector<128x128xf32>, vector<640x128xf32> -> vector<640x128xf32>
    %mul3A_23 = vector.broadcast %get3A_1 : vector<640x1xf32> to vector<640x128xf32>
    %mul3A_24 = arith.mulf %mul3A_23, %dot_general3A_22 : vector<640x128xf32>
    %swap3A = arith.constant 0 : index
    %swap3A_25 = arith.constant 0 : index
    %swap3A_26 = vector.load %arg7[%swap3A, %swap3A_25] : memref<640x128xf32, #tpu.memory_space<vmem>>, vector<640x128xf32>
    tpu.vector_store %arg7[%swap3A, %swap3A_25], %mul3A_24 {strides = array<i32>} : memref<640x128xf32, #tpu.memory_space<vmem>>, vector<640x128xf32>,
    return
  }
  func.func @transform_0(%arg0: i32) -> (i32, i32) {
    %c0_i32 = arith.constant 0 : i32
    %c0_i32_0 = arith.constant 0 : i32
    return %arg0, %c0_i32 : i32, i32
  }
  func.func @transform_1(%arg0: i32) -> (i32, i32) {
    %c0_i32 = arith.constant 0 : i32
    %c0_i32_0 = arith.constant 0 : i32
    return %arg0, %c0_i32 : i32, i32
  }
  func.func @transform_2(%arg0: i32) -> (i32, i32) {
    %c0_i32 = arith.constant 0 : i32
    %c0_i32_0 = arith.constant 0 : i32
    return %arg0, %c0_i32 : i32, i32
  }
  func.func @transform_3(%arg0: i32) -> (i32, i32) {
    %c0_i32 = arith.constant 0 : i32
    %c0_i32_0 = arith.constant 0 : i32
    return %arg0, %c0_i32 : i32, i32
  }
  func.func @transform_4(%arg0: i32) -> (i32, i32) {
    %c0_i32 = arith.constant 0 : i32
    %c0_i32_0 = arith.constant 0 : i32
    %c0_i32_1 = arith.constant 0 : i32
    return %c0_i32, %c0_i32_0 : i32, i32
  }
  func.func @transform_5(%arg0: i32) -> (i32, i32) {
    %c0_i32 = arith.constant 0 : i32
    %c0_i32_0 = arith.constant 0 : i32
    %c0_i32_1 = arith.constant 0 : i32
    return %c0_i32, %c0_i32_0 : i32, i32
  }
  func.func @transform_6(%arg0: i32) -> (i32, i32) {
    %c0_i32 = arith.constant 0 : i32
    %c0_i32_0 = arith.constant 0 : i32
    return %arg0, %c0_i32 : i32, i32
  }
}

module attributes {stable_mosaic.version = 14 : i64} {
  func.func @_tc1_body(%arg0: i32, %arg1: memref<640x128xf32, #tpu.memory_space<vmem>>, %arg2: memref<128x128xf32, #tpu.memory_space<vmem>>, %arg3: memref<640x16xf32, #tpu.memory_space<vmem>>, %arg4: memref<640x16xf32, #tpu.memory_space<vmem>>, %arg5: memref<640x128xf32, #tpu.memory_space<vmem>>, %arg6: memref<640x16xf32, #tpu.memory_space<vmem>>) attributes {dimension_semantics = [#tpu.dimension_semantics<arbitrary>], iteration_bounds = array<i64: 16>, scalar_prefetch = 0 : i64, scratch_operands = 0 : i64, tpu.core_type = #tpu.core_type<tc>, window_params = [{transform_indices = @transform_0, window_bounds = array<i64: 640, 128>}, {pipeline_mode = #tpu.pipeline_mode<synchronous>, transform_indices = @transform_1, window_bounds = array<i64: 128, 128>}, {transform_indices = @transform_2, window_bounds = array<i64: 640, 16>}, {transform_indices = @transform_3, window_bounds = array<i64: 640, 16>}, {transform_indices = @transform_4, window_bounds = array<i64: 640, 128>}, {transform_indices = @transform_5, window_bounds = array<i64: 640, 16>}]} {
    %get3A = arith.constant 0 : index
    %get3A_0 = arith.constant 0 : index
    %get3A_1 = vector.load %arg3[%get3A, %get3A_0] : memref<640x16xf32, #tpu.memory_space<vmem>>, vector<640x1xf32>
    %get3A_2 = arith.constant 0 : index
    %get3A_3 = arith.constant 0 : index
    %get3A_4 = vector.load %arg4[%get3A_2, %get3A_3] : memref<640x16xf32, #tpu.memory_space<vmem>>, vector<640x1xf32>
    %add3A = arith.addf %get3A_1, %get3A_4 : vector<640x1xf32>
    %add3A_5 = arith.constant 1.000000e+00 : f32
    %add3A_6 = vector.broadcast %add3A_5 : f32 to vector<640x1xf32>
    %add3A_7 = arith.addf %add3A, %add3A_6 : vector<640x1xf32>
    %rsqrt3A = math.rsqrt %add3A_7 : vector<640x1xf32>
    %get3A_8 = arith.constant 0 : index
    %get3A_9 = arith.constant 0 : index
    %get3A_10 = vector.load %arg1[%get3A_8, %get3A_9] : memref<640x128xf32, #tpu.memory_space<vmem>>, vector<640x128xf32>
    %get3A_11 = arith.constant 0 : index
    %get3A_12 = arith.constant 0 : index
    %get3A_13 = vector.load %arg2[%get3A_11, %get3A_12] : memref<128x128xf32, #tpu.memory_space<vmem>>, vector<128x128xf32>
    %dot_general3A = arith.constant dense<0.000000e+00> : vector<640x128xf32>
    %dot_general3A_14 = tpu.matmul %get3A_10, %get3A_13, %dot_general3A {dimension_numbers = #tpu.dot_dimension_numbers<[1], [0], [0], [1], [0, 0, 1, 1], [], []>, transpose_lhs_hint = false} : vector<640x128xf32>, vector<128x128xf32>, vector<640x128xf32> -> vector<640x128xf32>
    %mul3A = vector.broadcast %rsqrt3A : vector<640x1xf32> to vector<640x128xf32>
    %mul3A_15 = arith.mulf %mul3A, %dot_general3A_14 : vector<640x128xf32>
    %swap3A = arith.constant 0 : index
    %swap3A_16 = arith.constant 0 : index
    %swap3A_17 = vector.load %arg5[%swap3A, %swap3A_16] : memref<640x128xf32, #tpu.memory_space<vmem>>, vector<640x128xf32>
    tpu.vector_store %arg5[%swap3A, %swap3A_16], %mul3A_15 {strides = array<i32>} : memref<640x128xf32, #tpu.memory_space<vmem>>, vector<640x128xf32>,
    %broadcast_in_dim3A = vector.shape_cast %rsqrt3A : vector<640x1xf32> to vector<640x1xf32>
    %broadcast_in_dim3A_18 = vector.broadcast %broadcast_in_dim3A : vector<640x1xf32> to vector<640x16xf32>
    %swap3A_19 = arith.constant 0 : index
    %swap3A_20 = arith.constant 0 : index
    %swap3A_21 = vector.load %arg6[%swap3A_19, %swap3A_20] : memref<640x16xf32, #tpu.memory_space<vmem>>, vector<640x16xf32>
    tpu.vector_store %arg6[%swap3A_19, %swap3A_20], %broadcast_in_dim3A_18 {strides = array<i32>} : memref<640x16xf32, #tpu.memory_space<vmem>>, vector<640x16xf32>,
    return
  }
  func.func @transform_0(%arg0: i32) -> (i32, i32) {
    %c0_i32 = arith.constant 0 : i32
    %c0_i32_0 = arith.constant 0 : i32
    return %arg0, %c0_i32 : i32, i32
  }
  func.func @transform_1(%arg0: i32) -> (i32, i32) {
    %c0_i32 = arith.constant 0 : i32
    %c0_i32_0 = arith.constant 0 : i32
    %c0_i32_1 = arith.constant 0 : i32
    return %c0_i32, %c0_i32_0 : i32, i32
  }
  func.func @transform_2(%arg0: i32) -> (i32, i32) {
    %c0_i32 = arith.constant 0 : i32
    %c0_i32_0 = arith.constant 0 : i32
    return %arg0, %c0_i32 : i32, i32
  }
  func.func @transform_3(%arg0: i32) -> (i32, i32) {
    %c0_i32 = arith.constant 0 : i32
    %c0_i32_0 = arith.constant 0 : i32
    return %arg0, %c0_i32 : i32, i32
  }
  func.func @transform_4(%arg0: i32) -> (i32, i32) {
    %c0_i32 = arith.constant 0 : i32
    %c0_i32_0 = arith.constant 0 : i32
    return %arg0, %c0_i32 : i32, i32
  }
  func.func @transform_5(%arg0: i32) -> (i32, i32) {
    %c0_i32 = arith.constant 0 : i32
    %c0_i32_0 = arith.constant 0 : i32
    return %arg0, %c0_i32 : i32, i32
  }
}

</mosaic_0001>

<sc_bundles>
// kernel: kernel.11.cloned.1.call-start
scs
__scs_entry_jumppad:
0x0: {  	(pc) =	sbr.rel $0x88, $3  }
0x1: {  	(tag) =	ssettag $0x0;
	lr =	simm.s32 $0x1  }
0x2: {  	[smem:$0x3F97] =	sst lr;
	_ =	strace $0xD0000000  }
0x3: {  	_ = 	snop  }
0x4: {  	_ = 	snop  }
0x5: {  	_ = 	snop  }
0x6: {  	_ = 	snop  }
0x7: {  	_ = 	snop  }
__scs_overlays_trampoline_lowered:
0x8: {  	[smem:$0x3FA6] =	sst s0  }
0x9: {  	[smem:$0x3FA7] =	sst s1  }
0xa: {  	[smem:$0x3FA8] =	sst s2  }
0xb: {  	[smem:$0x3FA9] =	sst s3  }
0xc: {  	[smem:$0x3FAA] =	sst s4  }
0xd: {  	[smem:$0x3FAB] =	sst s5  }
0xe: {  	[smem:$0x3FAC] =	sst s6  }
0xf: {  	[smem:$0x3FAD] =	sst s7  }
0x10: {  	[smem:$0x3FAE] =	sst s8  }
0x11: {  	[smem:$0x3FAF] =	sst s9;
	s0 =	simm.s32 @!p0 $0x0  }
0x12: {  	s1 =	sld [smem:$0x3F95];
	s0 =	simm.s32 @p0 $0x1  }
0x13: {  	[smem:$0x3FB0] =	sst s0;
	s0 =	simm.s32 @!p1 $0x0  }
0x14: {  	s2 =	sld [smem:$0x3F94];
	s0 =	simm.s32 @p1 $0x1  }
0x15: {  	[smem:$0x3FB1] =	sst s0;
	s0 =	simm.s32 @!p2 $0x0  }
0x16: {  	s3 =	sld [smem:$0x3FDB];
	s0 =	simm.s32 @p2 $0x1  }
0x17: {  	s4 =	simm.s32 $0x1BF5;
	[smem:$0x3FB3] =	sst s0  }
0x18: {  	s0 =	sld [smem:$0x3F96];
	_ =	swait.ge [sflag:s4], $0x0  }
0x19: {  	s7 =	sld [smem:$0x3F97]  }
0x1a: {  	s8 =	sadd.s32 $0xFFFFE003, lr  }
0x1b: {  	s9 =	sadd.s32 $0xFFFFFEF7, lr;
	s5 =	simm.s32 $0xFFFFFFFF;
	p2 =	slt.u32 s8, $0xFFFFF086  }
0x1c: {  	p1 =	slt.u32 s9, $0xF7A;
	s5 =	simm.s32 @!p2 $0x0  }
0x1d: {  	s5 =	simm.s32 @p1 $0x1;
	p0 =	seq.s32 s7, s2  }
0x1e: {  	s7 =	smul.u32 @!p0 $0xF7A, s2;
	p2 =	seq.s32 @!p0 s5, $0x0  }
0x1f: {  	s9 =	smul.u32 $0xF7A, s1;
	s8 =	simm.s32 @!p0 $0x1BF5;
	p2 =	por !p2, p0  }
0x20: {  	[sflag:s8] =	ssyncset.s32 @!p0 $0xFFFFF086;
	s6 =	sadd.s32 @!p0 s3, s7;
	s7 =	simm.s32 @!p0 $0x108  }
0x21: {  	s3 =	sadd.s32 s3, s9;
	s6 =	sadd.s32 @!p0 $0x88, s6;
	s7 =	simm.s32 @p2 $0x1082  }
0x22: {  	[simem:s7], [sflag:s8] =	dma.local @!p0 [hbm:s6], $0xF7A  }
0x23: {  	s9 =	sor.u32 $0xD0000000, s2;
	s6 =	simm.s32 $0x108;
	_ =	swait.ge @!p0 [sflag:s8], $0x0  }
0x24: {  	s3 =	sadd.s32 $0x88, s3;
	s6 =	simm.s32 @!p1 $0x1082;
	[sflag:s4] =	ssyncset.s32 $0xFFFFF086  }
0x25: {  	[simem:s6], [sflag:s4] =	dma.local [hbm:s3], $0xF7A  }
0x26: {  	[smem:$0x3F97] =	sst s1;
	(tag) =	ssettag s2;
	_ =	strace s9  }
0x27: {  	s1 =	sld [smem:$0x3FA7]  }
0x28: {  	s2 =	sld [smem:$0x3FA8]  }
0x29: {  	s4 =	sld [smem:$0x3FAA]  }
0x2a: {  	p0 =	seq.s32 s5, $0x0;
	s5 =	sld [smem:$0x3FAB]  }
0x2b: {  	s6 =	sld [smem:$0x3FAC]  }
0x2c: {  	s7 =	sld [smem:$0x3FAD]  }
0x2d: {  	s3 =	simm.s32 $0x108;
	s8 =	sld [smem:$0x3FAE]  }
0x2e: {  	s3 =	simm.s32 @!p0 $0x1082;
	s9 =	sld [smem:$0x3FAF]  }
0x2f: {  	lr =	sadd.s32 s0, s3;
	s0 =	sld [smem:$0x3FA6]  }
0x30: {  	s3 =	sld [smem:$0x3FA9]  }
0x31: {  	[smem:$0x3FB2] =	sst s10  }
0x32: {  	s10 =	sld [smem:$0x3FB0];
	_ =	sdelay $0x3  }
0x33: {  	p0 =	seq.s32 s10, $0x1;
	s10 =	sld [smem:$0x3FB2];
	_ =	sdelay $0x3  }
0x34: {  	[smem:$0x3FB2] =	sst s10  }
0x35: {  	s10 =	sld [smem:$0x3FB1];
	_ =	sdelay $0x3  }
0x36: {  	p1 =	seq.s32 s10, $0x1;
	s10 =	sld [smem:$0x3FB2];
	_ =	sdelay $0x3  }
0x37: {  	[smem:$0x3FB2] =	sst s10  }
0x38: {  	s10 =	sld [smem:$0x3FB3]  }
0x39: {  	_ = 	snop;
	(pc) =	sbr.ind lr, $3  }
0x3a: {  	_ = 	snop  }
0x3b: {  	_ = 	snop  }
0x3c: {  	p2 =	seq.s32 s10, $0x1;
	s10 =	sld [smem:$0x3FB2]  }
0x3d: {  	_ =	shalt  }
0x3e: {  	_ =	shalt  }
0x3f: {  	_ =	shalt  }
0x40: {  	_ =	shalt  }
0x41: {  	_ =	shalt  }
0x42: {  	_ =	shalt  }
0x43: {  	_ =	shalt  }
0x44: {  	_ =	shalt  }
0x45: {  	_ =	shalt  }
0x46: {  	_ =	shalt  }
0x47: {  	_ =	shalt  }
0x48: {  	_ =	shalt  }
0x49: {  	_ =	shalt  }
0x4a: {  	_ =	shalt  }
0x4b: {  	_ =	shalt  }
0x4c: {  	_ =	shalt  }
0x4d: {  	_ =	shalt  }
0x4e: {  	_ =	shalt  }
0x4f: {  	_ =	shalt  }
0x50: {  	_ =	shalt  }
0x51: {  	_ =	shalt  }
0x52: {  	_ =	shalt  }
0x53: {  	_ =	shalt  }
0x54: {  	_ =	shalt  }
0x55: {  	_ =	shalt  }
0x56: {  	_ =	shalt  }
0x57: {  	_ =	shalt  }
0x58: {  	_ =	shalt  }
0x59: {  	_ =	shalt  }
0x5a: {  	_ =	shalt  }
0x5b: {  	_ =	shalt  }
0x5c: {  	_ =	shalt  }
0x5d: {  	_ =	shalt  }
0x5e: {  	_ =	shalt  }
0x5f: {  	_ =	shalt  }
0x60: {  	_ =	shalt  }
0x61: {  	_ =	shalt  }
0x62: {  	_ =	shalt  }
0x63: {  	_ =	shalt  }
0x64: {  	_ =	shalt  }
0x65: {  	_ =	shalt  }
0x66: {  	_ =	shalt  }
0x67: {  	_ =	shalt  }
0x68: {  	_ =	shalt  }
0x69: {  	_ =	shalt  }
0x6a: {  	_ =	shalt  }
0x6b: {  	_ =	shalt  }
0x6c: {  	_ =	shalt  }
0x6d: {  	_ =	shalt  }
0x6e: {  	_ =	shalt  }
0x6f: {  	_ =	shalt  }
0x70: {  	_ =	shalt  }
0x71: {  	_ =	shalt  }
0x72: {  	_ =	shalt  }
0x73: {  	_ =	shalt  }
0x74: {  	_ =	shalt  }
0x75: {  	_ =	shalt  }
0x76: {  	_ =	shalt  }
0x77: {  	_ =	shalt  }
0x78: {  	_ =	shalt  }
0x79: {  	_ =	shalt  }
0x7a: {  	_ =	shalt  }
0x7b: {  	_ =	shalt  }
0x7c: {  	_ =	shalt  }
0x7d: {  	_ =	shalt  }
0x7e: {  	_ =	shalt  }
0x7f: {  	_ =	shalt  }
0x80: {  	_ =	shalt  }
0x81: {  	_ =	shalt  }
0x82: {  	_ =	shalt  }
0x83: {  	_ =	shalt  }
0x84: {  	_ =	shalt  }
0x85: {  	_ =	shalt  }
0x86: {  	_ =	shalt  }
0x87: {  	_ =	shalt  }
.Lfunc_end0:
.L_simem_size_0:
called_computation.1_lowered:
.L_overlay_start_0:
0x88: {  	s2 =	sld [smem:$0x3FD9]  }
0x89: {  	s3 =	sld [smem:$0x3FFE];
	_ =	sdelay $0x1  }
0x8a: {  	s1 =	srdreg.scid  }
0x8b: {  	s0 =	sand.u32 $0x1, s1  }
0x8c: {  	s17 =	sshll.u32 s0, $0xA;
	s2 =	sadd.s32 s3, s2  }
0x8d: {  	s2 =	sadd.s32 s2, s17  }
0x8e: {  	[smem:$0x3FBE] =	sst s2  }
0x8f: {  	_ = 	snop  }
0x90: {  	s2 =	sld [smem:$0x3FD0];
	(tm) =	ssettm $0x1  }
0x91: {  	s18 =	sld [smem:$0x3FFB];
	_ =	sdelay $0x3  }
0x92: {  	_ =	strace s18  }
0x93: {  	s3 =	sld [smem:$0x3FFC];
	_ =	sdelay $0x3  }
0x94: {  	_ =	strace s3  }
0x95: {  	s3 =	sld [smem:$0x3FFD];
	_ =	sdelay $0x3  }
0x96: {  	_ =	strace s3  }
0x97: {  	_ =	strace $0x8FFFFFFF  }
0x98: {  	s19 =	sld [smem:$0x3FDB];
	_ =	sdelay $0x1  }
0x99: {  	s4 =	simm.s32 $_scs_section_size  }
0x9a: {  	s5 =	simm.s32 $_size__tile_overlayer_lowered;
	s6 =	simm.s32 $_tile_overlayer_lowered  }
0x9b: {  	s22 =	simm.s32 $0x1BFF;
	s21 =	sshll.u32 s6, $0x1;
	s3 =	sadd.s32 s4, s19  }
0x9c: {  	s7 =	simm.s32 $0x0;
	s20 =	sshll.u32 s5, $0x1;
	s5 =	sadd.s32 s21, s3  }
0x9d: {  	[timem:s7], [sflag:s22] =	dma.local [hbm:s5], s20  }
0x9e: {  	_ =	swait.ge [sflag:s22], s20  }
0x9f: {  	s4 =	ssub.s32 $0x0, s20;
	[sflag:s22] =	ssyncset.done $0x0  }
0xa0: {  	[sflag:s22] =	ssyncadd.s32 s4;
	_ =	sdelay $0x1  }
0xa1: {  	s23 =	simm.s32 $0x1B8B  }
0xa2: {  	_ =	swait.ge [sflag:s23], $0x1  }
0xa3: {  	[sflag:s23] =	ssyncset.done $0x0  }
0xa4: {  	s25 =	simm.s32 $0x1B8E;
	s24 =	sld [smem:$0x3FFE];
	[sflag:s23] =	ssyncadd.s32 $0xFFFFFFFF  }
0xa5: {  	s26 =	simm.s32 $execute0_lowered;
	[smem:$0x3FD2] =	sst s25  }
0xa6: {  	s5 =	sshll.u32 s26, $0x1;
	_ =	strace $0x80000049;
	[dreg:$0x1] =	wrdreg $0xFFFFFFFF  }
0xa7: {  	s28 =	simm.s32 $_size_execute0_lowered;
	s3 =	sadd.s32 s3, s5;
	[dreg:$0x0] =	wrdreg $0x0  }
0xa8: {  	s5 =	sshll.u32 s28, $0x1;
	[dreg:$0x2] =	wrdreg s3  }
0xa9: {  	[dreg:$0x3] =	wrdreg s5  }
0xaa: {  	[dreg:$0x4] =	wrdreg $0xC0  }
0xab: {  	_ =	task [dreg:s7], $0x5FFFF  }
0xac: {  	[dreg:$0x1] =	wrdreg $0xFFFFFFFF  }
0xad: {  	[dreg:$0x0] =	wrdreg $0x60  }
0xae: {  	[dreg:$0x2] =	wrdreg s24  }
0xaf: {  	[dreg:$0x3] =	wrdreg s2  }
0xb0: {  	[dreg:$0x4] =	wrdreg $0x0  }
0xb1: {  	[dreg:$0x5] =	wrdreg $0x9  }
0xb2: {  	_ =	task.clear_ibuf [dreg:s7], $0x6FFFF;
	_ =	strace $0x90000049  }
0xb3: {  	s29 =	simm.s32 $0x9;
	_ =	strace $0x8000004B  }
0xb4: {  	_ =	swait.ge [sflag:s29], $0x1  }
0xb5: {  	[sflag:s29] =	ssyncadd.s32 $0xFFFFFFFF  }
0xb6: {  	_ =	strace $0x9000004B  }
0xb7: {  	_ =	sfence  }
0xb8: {  	s30 =	sld [smem:$0x0];
	_ =	sdelay $0x2  }
0xb9: {  	s31 =	sshll.u32 s1, $0xD;
	s1 =	sshrl.u32 s1, $0x2  }
0xba: {  	s3 =	sand.u32 $0x4000, s31;
	s1 =	sadd.s32 s1, s30  }
0xbb: {  	s0 =	sor.u32 s3, s0;
	s1 =	sshll.u32 s1, $0x11  }
0xbc: {  	s0 =	sor.u32 s1, s0  }
0xbd: {  	s0 =	sadd.s32 $0x8F2B, s0  }
0xbe: {  	[sflag:s0] =	ssyncadd.remote.s32 $0x1  }
0xbf: {  	_ =	sfence.sel $0xFFFF  }
0xc0: {  	[dreg:$0x0] =	wrdreg $0xFFFFFFFF;
	(pc) =	sbr.abs _section_cstart, $3  }
0xc1: {  	[dreg:$0x1] =	wrdreg $0xFFFFFFFF  }
0xc2: {  	_ =	task.clear_ibuf [dreg:s7], $0x2FFFF;
	_ =	strace $0x9FFFFFFF  }
0xc3: {  	(tm) =	ssettm $0x7FFFFFFF  }
tec
execute0_lowered:
.L_overlay_start_1:
0x0: {  	(tag) =	ssettag $0x1  }
0x1: {  	s0 =	rddreg [dreg:$0x0]  }
0x2: {  	s1 =	rddreg [dreg:$0x1]  }
0x3: {  	s2 =	rddreg [dreg:$0x2];
	s4 =	srdreg.scid  }
0x4: {  	s8 =	stileid.u32;
	s3 =	simm.s32 $0x0;
	s12 =	simm.s32 $0x3B  }
0x5: {  	s18 =	simm.s32 $0x7;
	s28 =	simm.s32 $0x1;
	s29 =	simm.s32 $0x3  }
0x6: {  	s30 =	simm.s32 $0x5;
	s31 =	simm.s32 $0x0;
	s7 =	sand.u32 $0x1, s4  }
0x7: {  	s20 =	sshll.u32 s8, $0x1;
	[smem:$0x7FF] =	sst s3;
	s4 =	sadd.s32 $0xEE00, s0  }
0x8: {  	s6 =	smul.u32 $0x5000, s8;
	s11 =	sadd.s32 $0x5EE00, s0;
	s14 =	sadd.s32 $0x86E00, s0  }
0x9: {  	s23 =	smul.u32 $0x50000, s8;
	s26 =	sshll.u32 s8, $0x6;
	s5 =	sor.u32 s7, s20  }
0xa: {  	_ =	strace $0x8000004A;
	s10 =	ssub.s32 $0x2, s7;
	s16 =	smul.u32 $0x3C00, s7  }
0xb: {  	[dreg:$0x4] =	wrdreg s11;
	p0 =	seq.s32 s7, $0x0;
	s9 =	smul.u32 $0x780, s5  }
0xc: {  	s5 =	sadd.s32 $0x4E00, s0;
	s21 =	sshrl.u32 s10, $0x1;
	s25 =	sshrl.u32 s23, $0x2  }
0xd: {  	s12 =	simm.s32 @!p0 $0x13;
	s23 =	simm.s32 $0x1FC00;
	p0 =	sne.s32 s7, $0x0  }
0xe: {  	s22 =	ssub.s32 s10, s21;
	s24 =	sadd.s32 s16, s6;
	s10 =	smul.u32 $0x2800, s8  }
0xf: {  	s20 =	sadd.s32 s25, s2;
	s15 =	sadd.s32 s1, s9;
	s1 =	sshrl.u32 s24, $0x3  }
.Ltmp0:
0x10: {  	s0 =	smax.u32 s22, $0x1;
	s11 =	sadd.s32 s5, s1;
	(pc) =	sbr.rel .LBB2_1-.Ltmp0, $4  }
0x11: {  	[dreg:$0x6] =	wrdreg s0;
	s0 =	sor.u32 $0x1C07, s26;
	s1 =	sadd.s32 $0x10, s11  }
0x12: {  	[dreg:$0x5] =	wrdreg s1;
	s1 =	sshrl.u32 s20, $0x3;
	s20 =	smov.u32 s0  }
0x13: {  	s16 =	sor.u32 $0x100, s16;
	s21 =	simm.s32 $0x80;
	[dreg:$0x7] =	wrdreg s20  }
0x14: {  	s22 =	simm.s32 $0x17C00;
	s19 =	sadd.s32 s4, s10;
	[dreg:$0x8] =	wrdreg s1  }
.LBB2_6:
0x15: {  	[tilespmem:s25], [sflag:$0x4] =	stream.linear.gather @!p1 [hbm4b:s26+s24], $0x80, $0x38;
	[tilespmem:$0x1FD00] =	vst v63  }
0x16: {  	s0 =	rddreg [dreg:$0x4];
	s14 =	smov.u32 s10  }
0x17: {  	s15 =	smov.u32 s11;
	s10 =	smov.u32 s3;
	s3 =	simm.s32 $0x0  }
0x18: {  	s11 =	smov.u32 s19;
	s19 =	smov.u32 s20;
	s20 =	rddreg [dreg:$0x7]  }
.LBB2_7:
0x19: {  	[bflag:$0x0] =	sbarrier.arrive $0xFFFF  }
0x1a: {  	s0 =	sadd.s32 s0, s10;
	s1 =	rddreg [dreg:$0x8]  }
0x1b: {  	[hbm:s0], [sflag:s20] =	dma.local [spmem:s1], $0x2800  }
0x1c: {  	_ =	swait.ge [sflag:s18], $0x2800  }
0x1d: {  	s31 =	sadd.s32 $0x1, s31;
	s26 =	rddreg [dreg:$0x6]  }
0x1e: {  	p1 =	sne.s32 s31, s26  }
.Ltmp1:
0x1f: {  	_ = 	snop;
	(pc) =	sbr.rel @!p1 .LBB2_8-.Ltmp1, $3  }
0x20: {  	_ =	sdelay $0x1  }
0x21: {  	[sflag:s18] =	ssyncset.done $0x0  }
0x22: {  	[sflag:s18] =	ssyncadd.s32 $0xFFFFD800  }
.LBB2_1:
0x23: {  	s0 =	simm.s32 $0x14000  }
0x24: {  	[tilespmem:s0], [sflag:$0x7] =	stream.linear.gather [hbm4b:s15+s3], $0x3C00, $0x38;
	[tilespmem:$0x1FD00] =	vst v63  }
0x25: {  	_ =	swait.ge [sflag:s18], $0x3C00  }
0x26: {  	[sflag:s18] =	ssyncset.done $0x0  }
0x27: {  	[sflag:s18] =	ssyncadd.s32 $0xFFFFC400  }
0x28: {  	[spmem:s1], [sflag:s20] =	dma.local [hbm:s19], $0x2800  }
0x29: {  	_ =	swait.ge [sflag:s18], $0x2800  }
0x2a: {  	[sflag:s18] =	ssyncset.done $0x0  }
0x2b: {  	[sflag:s18] =	ssyncadd.s32 $0xFFFFD800  }
0x2c: {  	[bflag:$0x0] =	sbarrier.arrive $0xFFFF  }
0x2d: {  	[tilespmem:s22], [sflag:$0x1] =	stream.indirect.gather [hbm4b:s4+s21], $0x80, s0, s21, $0xb8;
	[tilespmem:$0x1FD00] =	vst v63  }
0x2e: {  	_ = 	snop  }
0x2f: {  	[tilespmem:s23], [sflag:$0x3] =	stream.linear.gather [hbm4b:s11+s3], $0x80, $0x38;
	[tilespmem:$0x1FD00] =	vst v63  }
0x30: {  	s17 =	simm.s32 $0x14080;
	s24 =	simm.s32 $0x1BC00  }
0x31: {  	[tilespmem:s24], [sflag:$0x2] =	stream.indirect.gather [hbm4b:s4+s21], $0x80, s17, s21, $0xb8;
	[tilespmem:$0x1FD00] =	vst v63  }
0x32: {  	s26 =	simm.s32 $0x1FC80;
	s25 =	rddreg [dreg:$0x5]  }
0x33: {  	[tilespmem:s26], [sflag:$0x4] =	stream.linear.gather [hbm4b:s25+s3], $0x80, $0x38;
	[tilespmem:$0x1FD00] =	vst v63  }
0x34: {  	_ =	swait.ge [sflag:s28], $0x4000  }
0x35: {  	[sflag:s28] =	ssyncset.done $0x0  }
0x36: {  	[sflag:s28] =	ssyncadd.s32 $0xFFFFC000  }
0x37: {  	_ =	swait.ge [sflag:s29], $0x80  }
0x38: {  	[sflag:s29] =	ssyncset.done $0x0  }
0x39: {  	[sflag:s29] =	ssyncadd.s32 $0xFFFFFF80  }
0x3a: {  	[spmem:s2] =	stream.indirect.scatter.add.f32 [tilespmem:s22], [sflag:$0x5], $0x80, s23, s21, $0xb8;
	[tilespmem:$0x1FD00] =	vst v63  }
0x3b: {  	_ =	swait.ge [sflag:s30], $0x4000  }
0x3c: {  	p1 =	sle.u32 s12, $0x0;
	[sflag:s30] =	ssyncset.done $0x0  }
0x3d: {  	s0 =	simm.s32 @p1 $0x2;
	[sflag:s30] =	ssyncadd.s32 $0xFFFFC000  }
0x3e: {  	_ =	swait.ge @p1 [sflag:s0], $0x4000  }
0x3f: {  	s7 =	sand.u32 @!p1 $0x300, s16;
	s1 =	sand.u32 @!p1 $0xFC00, s16;
	[sflag:s0] =	ssyncset.done @p1 $0x0  }
0x40: {  	s1 =	sadd.s32 @!p1 s6, s1;
	[sflag:s0] =	ssyncadd.s32 @p1 $0xFFFFC000;
	s0 =	simm.s32 @p1 $0x4  }
0x41: {  	s1 =	sor.u32 @!p1 s7, s1;
	_ =	swait.ge @p1 [sflag:s0], $0x80  }
0x42: {  	s7 =	simm.s32 @p1 $0x1BC00;
	s24 =	simm.s32 @p1 $0x6;
	[sflag:s0] =	ssyncset.done @p1 $0x0  }
0x43: {  	s25 =	simm.s32 @p1 $0x1FC80;
	[sflag:s0] =	ssyncadd.s32 @p1 $0xFFFFFF80;
	s0 =	simm.s32 @p1 $0x80  }
0x44: {  	[spmem:s2] =	stream.indirect.scatter.add.f32 @p1 [tilespmem:s7], [sflag:$0x6], $0x80, s25, s0, $0xb8;
	[tilespmem:$0x1FD00] =	vst v63  }
0x45: {  	s26 =	simm.s32 @!p1 $0x80;
	_ =	swait.ge @p1 [sflag:s24], $0x4000  }
0x46: {  	s0 =	sshrl.u32 @!p1 s1, $0x3;
	s1 =	simm.s32 @!p1 $0x17C00;
	[sflag:s24] =	ssyncset.done @p1 $0x0  }
0x47: {  	s7 =	simm.s32 @!p1 $0x14100;
	s0 =	sadd.s32 @!p1 s5, s0;
	[sflag:s24] =	ssyncadd.s32 @p1 $0xFFFFC000  }
0x48: {  	[tilespmem:s1], [sflag:$0x1] =	stream.indirect.gather @!p1 [hbm4b:s4+s26], $0x80, s7, s26, $0xb8;
	[tilespmem:$0x1FD00] =	vst v63  }
0x49: {  	s24 =	simm.s32 @!p1 $0x0;
	s1 =	simm.s32 @!p1 $0x1FC00;
	s7 =	simm.s32 @!p1 $0x2  }
0x4a: {  	[tilespmem:s1], [sflag:$0x3] =	stream.linear.gather @!p1 [hbm4b:s0+s24], $0x80, $0x38;
	[tilespmem:$0x1FD00] =	vst v63  }
0x4b: {  	_ =	swait.ge @!p1 [sflag:s7], $0x4000  }
0x4c: {  	[sflag:s7] =	ssyncset.done @!p1 $0x0  }
0x4d: {  	s0 =	simm.s32 @!p1 $0x4;
	[sflag:s7] =	ssyncadd.s32 @!p1 $0xFFFFC000  }
0x4e: {  	_ =	swait.ge @!p1 [sflag:s0], $0x80  }
0x4f: {  	s25 =	simm.s32 @!p1 $0x1FC80;
	s1 =	sadd.s32 @!p1 $0x80, s16;
	[sflag:s0] =	ssyncset.done @!p1 $0x0  }
0x50: {  	s7 =	simm.s32 @!p1 $0x6;
	[sflag:s0] =	ssyncadd.s32 @!p1 $0xFFFFFF80;
	s0 =	simm.s32 @!p1 $0x1BC00  }
0x51: {  	[spmem:s2] =	stream.indirect.scatter.add.f32 @!p1 [tilespmem:s0], [sflag:$0x6], $0x80, s25, s26, $0xb8;
	[tilespmem:$0x1FD00] =	vst v63  }
0x52: {  	s9 =	sand.u32 @!p1 $0xFC00, s1;
	_ =	swait.ge @!p1 [sflag:s7], $0x4000  }
0x53: {  	s1 =	sand.u32 @!p1 $0x380, s1;
	s9 =	sadd.s32 @!p1 s6, s9;
	[sflag:s7] =	ssyncset.done @!p1 $0x0  }
0x54: {  	s1 =	sor.u32 @!p1 s1, s9;
	[sflag:s7] =	ssyncadd.s32 @!p1 $0xFFFFC000;
	s7 =	simm.s32 $0x14180  }
0x55: {  	[tilespmem:s0], [sflag:$0x2] =	stream.indirect.gather @!p1 [hbm4b:s4+s26], $0x80, s7, s26, $0xb8;
	[tilespmem:$0x1FD00] =	vst v63  }
0x56: {  	s1 =	sshrl.u32 @!p1 s1, $0x3;
	s0 =	simm.s32 $0x1  }
0x57: {  	s26 =	sadd.s32 @!p1 s5, s1;
	s1 =	sadd.s32 $0x100, s16;
	s7 =	simm.s32 $0x14280  }
.LBB2_2:
0x58: {  	[tilespmem:s25], [sflag:$0x4] =	stream.linear.gather @!p1 [hbm4b:s26+s24], $0x80, $0x38;
	[tilespmem:$0x1FD00] =	vst v63  }
0x59: {  	s9 =	smov.u32 s0;
	s0 =	sadd.s32 $0x1, s0;
	_ =	swait.ge [sflag:s28], $0x4000  }
0x5a: {  	p2 =	sne.s32 s0, $0x14;
	[sflag:s28] =	ssyncset.done $0x0  }
0x5b: {  	[sflag:s28] =	ssyncadd.s32 $0xFFFFC000  }
0x5c: {  	_ =	swait.ge [sflag:s29], $0x80  }
0x5d: {  	[sflag:s29] =	ssyncset.done $0x0  }
0x5e: {  	[sflag:s29] =	ssyncadd.s32 $0xFFFFFF80  }
0x5f: {  	[spmem:s2] =	stream.indirect.scatter.add.f32 [tilespmem:s22], [sflag:$0x5], $0x80, s23, s21, $0xb8;
	[tilespmem:$0x1FD00] =	vst v63  }
0x60: {  	_ =	swait.ge [sflag:s30], $0x4000  }
0x61: {  	p1 =	sge.u32 s9, s12;
	[sflag:s30] =	ssyncset.done $0x0  }
0x62: {  	s9 =	simm.s32 @p1 $0x2;
	s24 =	sand.u32 @!p1 $0xFC00, s1;
	[sflag:s30] =	ssyncadd.s32 $0xFFFFC000  }
0x63: {  	s25 =	sand.u32 @!p1 $0x300, s1;
	s24 =	sadd.s32 @!p1 s6, s24;
	_ =	swait.ge @p1 [sflag:s9], $0x4000  }
0x64: {  	s24 =	sor.u32 @!p1 s25, s24;
	s25 =	sadd.s32 @!p1 $0x80, s1;
	[sflag:s9] =	ssyncset.done @p1 $0x0  }
0x65: {  	s24 =	sshrl.u32 @!p1 s24, $0x3;
	[sflag:s9] =	ssyncadd.s32 @p1 $0xFFFFC000;
	s9 =	simm.s32 @p1 $0x4  }
0x66: {  	s26 =	sadd.s32 @!p1 s5, s24;
	s24 =	sand.u32 @!p1 $0xFC00, s25;
	_ =	swait.ge @p1 [sflag:s9], $0x80  }
0x67: {  	s8 =	simm.s32 @p1 $0x1BC00;
	s17 =	simm.s32 @p1 $0x6;
	[sflag:s9] =	ssyncset.done @p1 $0x0  }
0x68: {  	s13 =	simm.s32 @p1 $0x1FC80;
	[sflag:s9] =	ssyncadd.s32 @p1 $0xFFFFFF80;
	s9 =	simm.s32 @p1 $0x80  }
0x69: {  	[spmem:s2] =	stream.indirect.scatter.add.f32 @p1 [tilespmem:s8], [sflag:$0x6], $0x80, s13, s9, $0xb8;
	[tilespmem:$0x1FD00] =	vst v63  }
0x6a: {  	s8 =	sadd.s32 @!p1 s6, s24;
	s9 =	sand.u32 @!p1 $0x380, s25;
	_ =	swait.ge @p1 [sflag:s17], $0x4000  }
0x6b: {  	s13 =	simm.s32 @!p1 $0x17C00;
	s8 =	sor.u32 @!p1 s9, s8;
	[sflag:s17] =	ssyncset.done @p1 $0x0  }
0x6c: {  	s9 =	sadd.s32 @!p1 $0xFFFFFF80, s7;
	[sflag:s17] =	ssyncadd.s32 @p1 $0xFFFFC000;
	s17 =	simm.s32 @!p1 $0x80  }
0x6d: {  	[tilespmem:s13], [sflag:$0x1] =	stream.indirect.gather @!p1 [hbm4b:s4+s17], $0x80, s9, s17, $0xb8;
	[tilespmem:$0x1FD00] =	vst v63  }
0x6e: {  	s24 =	simm.s32 @!p1 $0x0;
	s9 =	simm.s32 @!p1 $0x1FC00;
	s13 =	simm.s32 @!p1 $0x2  }
0x6f: {  	[tilespmem:s9], [sflag:$0x3] =	stream.linear.gather @!p1 [hbm4b:s26+s24], $0x80, $0x38;
	[tilespmem:$0x1FD00] =	vst v63  }
0x70: {  	s8 =	sshrl.u32 @!p1 s8, $0x3;
	_ =	swait.ge @!p1 [sflag:s13], $0x4000  }
0x71: {  	s26 =	sadd.s32 @!p1 s5, s8;
	[sflag:s13] =	ssyncset.done @!p1 $0x0  }
0x72: {  	s8 =	simm.s32 @!p1 $0x4;
	[sflag:s13] =	ssyncadd.s32 @!p1 $0xFFFFC000  }
0x73: {  	_ =	swait.ge @!p1 [sflag:s8], $0x80  }
0x74: {  	s9 =	simm.s32 @!p1 $0x6;
	[sflag:s8] =	ssyncset.done @!p1 $0x0  }
0x75: {  	s25 =	simm.s32 @!p1 $0x1FC80;
	[sflag:s8] =	ssyncadd.s32 @!p1 $0xFFFFFF80;
	s8 =	simm.s32 @!p1 $0x1BC00  }
0x76: {  	[spmem:s2] =	stream.indirect.scatter.add.f32 @!p1 [tilespmem:s8], [sflag:$0x6], $0x80, s25, s17, $0xb8;
	[tilespmem:$0x1FD00] =	vst v63  }
.Ltmp2:
0x77: {  	_ =	swait.ge @!p1 [sflag:s9], $0x4000;
	(pc) =	sbr.rel @p2 .LBB2_2-.Ltmp2, $4  }
0x78: {  	[sflag:s9] =	ssyncset.done @!p1 $0x0  }
0x79: {  	[sflag:s9] =	ssyncadd.s32 @!p1 $0xFFFFC000  }
0x7a: {  	[tilespmem:s8], [sflag:$0x2] =	stream.indirect.gather @!p1 [hbm4b:s4+s17], $0x80, s7, s17, $0xb8;
	[tilespmem:$0x1FD00] =	vst v63  }
0x7b: {  	s1 =	sadd.s32 $0x100, s1;
	s7 =	sadd.s32 $0x100, s7  }
.Ltmp3:
0x7c: {  	(pc) =	sbr.rel @p0 .LBB2_7-.Ltmp3, $3  }
0x7d: {  	_ =	sdelay $0x1  }
0x7e: {  	[tilespmem:s25], [sflag:$0x4] =	stream.linear.gather @!p1 [hbm4b:s26+s24], $0x80, $0x38;
	[tilespmem:$0x1FD00] =	vst v63  }
0x7f: {  	s0 =	smov.u32 s14  }
0x80: {  	_ =	swait.ge [sflag:s28], $0x4000  }
0x81: {  	[sflag:s28] =	ssyncset.done $0x0  }
0x82: {  	[sflag:s28] =	ssyncadd.s32 $0xFFFFC000  }
0x83: {  	_ =	swait.ge [sflag:s29], $0x80  }
0x84: {  	[sflag:s29] =	ssyncset.done $0x0  }
0x85: {  	[sflag:s29] =	ssyncadd.s32 $0xFFFFFF80  }
0x86: {  	[spmem:s2] =	stream.indirect.scatter.add.f32 [tilespmem:s22], [sflag:$0x5], $0x80, s23, s21, $0xb8;
	[tilespmem:$0x1FD00] =	vst v63  }
0x87: {  	_ =	swait.ge [sflag:s30], $0x4000  }
0x88: {  	p1 =	sle.u32 s12, $0x14;
	[sflag:s30] =	ssyncset.done $0x0  }
0x89: {  	s0 =	simm.s32 @p1 $0x2;
	[sflag:s30] =	ssyncadd.s32 $0xFFFFC000  }
0x8a: {  	_ =	swait.ge @p1 [sflag:s0], $0x4000  }
0x8b: {  	s1 =	simm.s32 @!p1 $0x1500;
	[sflag:s0] =	ssyncset.done @p1 $0x0  }
0x8c: {  	s8 =	simm.s32 @p1 $0x1BC00;
	[sflag:s0] =	ssyncadd.s32 @p1 $0xFFFFC000;
	s0 =	simm.s32 @p1 $0x4  }
0x8d: {  	s9 =	simm.s32 @p1 $0x6;
	s13 =	simm.s32 @p1 $0x1FC80;
	_ =	swait.ge @p1 [sflag:s0], $0x80  }
0x8e: {  	s7 =	sand.u32 @!p1 $0x7C00, s1;
	s1 =	sand.u32 @!p1 $0x300, s1;
	[sflag:s0] =	ssyncset.done @p1 $0x0  }
0x8f: {  	s7 =	sadd.s32 @!p1 s6, s7;
	[sflag:s0] =	ssyncadd.s32 @p1 $0xFFFFFF80;
	s0 =	simm.s32 @p1 $0x80  }
0x90: {  	[spmem:s2] =	stream.indirect.scatter.add.f32 @p1 [tilespmem:s8], [sflag:$0x6], $0x80, s13, s0, $0xb8;
	[tilespmem:$0x1FD00] =	vst v63  }
0x91: {  	s24 =	simm.s32 @!p1 $0x0;
	s1 =	sor.u32 @!p1 s1, s7;
	_ =	swait.ge @p1 [sflag:s9], $0x4000  }
0x92: {  	s7 =	simm.s32 @!p1 $0x17C00;
	s1 =	sshrl.u32 @!p1 s1, $0x3;
	[sflag:s9] =	ssyncset.done @p1 $0x0  }
0x93: {  	s8 =	simm.s32 @!p1 $0x15500;
	[sflag:s9] =	ssyncadd.s32 @p1 $0xFFFFC000;
	s9 =	simm.s32 @!p1 $0x80  }
0x94: {  	[tilespmem:s7], [sflag:$0x1] =	stream.indirect.gather @!p1 [hbm4b:s4+s9], $0x80, s8, s9, $0xb8;
	[tilespmem:$0x1FD00] =	vst v63  }
0x95: {  	s1 =	sadd.s32 @!p1 s5, s1;
	s0 =	simm.s32 @!p1 $0x2;
	s7 =	simm.s32 @!p1 $0x1FC00  }
0x96: {  	[tilespmem:s7], [sflag:$0x3] =	stream.linear.gather @!p1 [hbm4b:s1+s24], $0x80, $0x38;
	[tilespmem:$0x1FD00] =	vst v63  }
0x97: {  	s20 =	smov.u32 s19;
	_ =	swait.ge @!p1 [sflag:s0], $0x4000  }
0x98: {  	s19 =	smov.u32 s11;
	s3 =	smov.u32 s10;
	[sflag:s0] =	ssyncset.done @!p1 $0x0  }
0x99: {  	s25 =	simm.s32 @!p1 $0x1FC80;
	[sflag:s0] =	ssyncadd.s32 @!p1 $0xFFFFC000;
	s0 =	simm.s32 @!p1 $0x4  }
0x9a: {  	s1 =	simm.s32 $0x1580;
	s7 =	simm.s32 @!p1 $0x6;
	_ =	swait.ge @!p1 [sflag:s0], $0x80  }
0x9b: {  	s8 =	sand.u32 @!p1 $0x7C00, s1;
	s1 =	sand.u32 @!p1 $0x380, s1;
	[sflag:s0] =	ssyncset.done @!p1 $0x0  }
0x9c: {  	s8 =	sadd.s32 @!p1 s6, s8;
	[sflag:s0] =	ssyncadd.s32 @!p1 $0xFFFFFF80;
	s0 =	simm.s32 @!p1 $0x1BC00  }
0x9d: {  	[spmem:s2] =	stream.indirect.scatter.add.f32 @!p1 [tilespmem:s0], [sflag:$0x6], $0x80, s25, s9, $0xb8;
	[tilespmem:$0x1FD00] =	vst v63  }
0x9e: {  	s11 =	smov.u32 s15;
	s1 =	sor.u32 @!p1 s1, s8;
	_ =	swait.ge @!p1 [sflag:s7], $0x4000  }
0x9f: {  	s10 =	smov.u32 s14;
	s1 =	sshrl.u32 @!p1 s1, $0x3;
	[sflag:s7] =	ssyncset.done @!p1 $0x0  }
0xa0: {  	s13 =	simm.s32 $0x15580;
	s26 =	sadd.s32 @!p1 s5, s1;
	[sflag:s7] =	ssyncadd.s32 @!p1 $0xFFFFC000  }
0xa1: {  	[tilespmem:s0], [sflag:$0x2] =	stream.indirect.gather @!p1 [hbm4b:s4+s9], $0x80, s13, s9, $0xb8;
	[tilespmem:$0x1FD00] =	vst v63  }
0xa2: {  	s1 =	simm.s32 $0x15;
	s7 =	simm.s32 $0x15680;
	s0 =	simm.s32 $0x1680  }
.LBB2_5:
0xa3: {  	[tilespmem:s25], [sflag:$0x4] =	stream.linear.gather @!p1 [hbm4b:s26+s24], $0x80, $0x38;
	[tilespmem:$0x1FD00] =	vst v63  }
0xa4: {  	s8 =	smov.u32 s0;
	s0 =	sadd.s32 $0x100, s0;
	_ =	swait.ge [sflag:s28], $0x4000  }
0xa5: {  	p2 =	sne.s32 s0, $0x3D80;
	[sflag:s28] =	ssyncset.done $0x0  }
0xa6: {  	[sflag:s28] =	ssyncadd.s32 $0xFFFFC000  }
0xa7: {  	_ =	swait.ge [sflag:s29], $0x80  }
0xa8: {  	[sflag:s29] =	ssyncset.done $0x0  }
0xa9: {  	[sflag:s29] =	ssyncadd.s32 $0xFFFFFF80  }
0xaa: {  	[spmem:s2] =	stream.indirect.scatter.add.f32 [tilespmem:s22], [sflag:$0x5], $0x80, s23, s21, $0xb8;
	[tilespmem:$0x1FD00] =	vst v63  }
0xab: {  	_ =	swait.ge [sflag:s30], $0x4000  }
0xac: {  	p1 =	sge.u32 s1, s12;
	[sflag:s30] =	ssyncset.done $0x0  }
0xad: {  	s9 =	simm.s32 @p1 $0x2;
	s13 =	sand.u32 @!p1 $0x7C00, s8;
	[sflag:s30] =	ssyncadd.s32 $0xFFFFC000  }
0xae: {  	s17 =	sadd.s32 @!p1 $0xFFFFFF80, s8;
	s25 =	simm.s32 @!p1 $0x2;
	_ =	swait.ge @p1 [sflag:s9], $0x4000  }
0xaf: {  	s8 =	sand.u32 @!p1 $0x380, s8;
	s24 =	sand.u32 @!p1 $0x7C00, s17;
	[sflag:s9] =	ssyncset.done @p1 $0x0  }
0xb0: {  	s24 =	sadd.s32 @!p1 s6, s24;
	[sflag:s9] =	ssyncadd.s32 @p1 $0xFFFFC000;
	s9 =	simm.s32 @p1 $0x4  }
0xb1: {  	s17 =	sand.u32 @!p1 $0x300, s17;
	s13 =	sadd.s32 @!p1 s6, s13;
	_ =	swait.ge @p1 [sflag:s9], $0x80  }
0xb2: {  	s26 =	simm.s32 @p1 $0x1BC00;
	s14 =	simm.s32 @p1 $0x6;
	[sflag:s9] =	ssyncset.done @p1 $0x0  }
0xb3: {  	s15 =	simm.s32 @p1 $0x1FC80;
	[sflag:s9] =	ssyncadd.s32 @p1 $0xFFFFFF80;
	s9 =	simm.s32 @p1 $0x80  }
0xb4: {  	[spmem:s2] =	stream.indirect.scatter.add.f32 @p1 [tilespmem:s26], [sflag:$0x6], $0x80, s15, s9, $0xb8;
	[tilespmem:$0x1FD00] =	vst v63  }
0xb5: {  	s8 =	sor.u32 @!p1 s8, s13;
	s9 =	sor.u32 @!p1 s17, s24;
	_ =	swait.ge @p1 [sflag:s14], $0x4000  }
0xb6: {  	s13 =	simm.s32 @!p1 $0x17C00;
	s9 =	sshrl.u32 @!p1 s9, $0x3;
	[sflag:s14] =	ssyncset.done @p1 $0x0  }
0xb7: {  	s15 =	simm.s32 @!p1 $0x80;
	[sflag:s14] =	ssyncadd.s32 @p1 $0xFFFFC000;
	s14 =	sadd.s32 @!p1 $0xFFFFFF80, s7  }
0xb8: {  	[tilespmem:s13], [sflag:$0x1] =	stream.indirect.gather @!p1 [hbm4b:s4+s15], $0x80, s14, s15, $0xb8;
	[tilespmem:$0x1FD00] =	vst v63  }
0xb9: {  	s24 =	simm.s32 @!p1 $0x0;
	s9 =	sadd.s32 @!p1 s5, s9;
	s13 =	simm.s32 @!p1 $0x1FC00  }
0xba: {  	[tilespmem:s13], [sflag:$0x3] =	stream.linear.gather @!p1 [hbm4b:s9+s24], $0x80, $0x38;
	[tilespmem:$0x1FD00] =	vst v63  }
0xbb: {  	s8 =	sshrl.u32 @!p1 s8, $0x3;
	_ =	swait.ge @!p1 [sflag:s25], $0x4000  }
0xbc: {  	s26 =	sadd.s32 @!p1 s5, s8;
	[sflag:s25] =	ssyncset.done @!p1 $0x0  }
0xbd: {  	s8 =	simm.s32 @!p1 $0x4;
	[sflag:s25] =	ssyncadd.s32 @!p1 $0xFFFFC000  }
0xbe: {  	_ =	swait.ge @!p1 [sflag:s8], $0x80  }
0xbf: {  	s9 =	simm.s32 @!p1 $0x6;
	[sflag:s8] =	ssyncset.done @!p1 $0x0  }
0xc0: {  	s25 =	simm.s32 @!p1 $0x1FC80;
	[sflag:s8] =	ssyncadd.s32 @!p1 $0xFFFFFF80;
	s8 =	simm.s32 @!p1 $0x1BC00  }
0xc1: {  	[spmem:s2] =	stream.indirect.scatter.add.f32 @!p1 [tilespmem:s8], [sflag:$0x6], $0x80, s25, s15, $0xb8;
	[tilespmem:$0x1FD00] =	vst v63  }
.Ltmp4:
0xc2: {  	_ =	swait.ge @!p1 [sflag:s9], $0x4000;
	(pc) =	sbr.rel @p2 .LBB2_5-.Ltmp4, $4  }
0xc3: {  	[sflag:s9] =	ssyncset.done @!p1 $0x0  }
0xc4: {  	[sflag:s9] =	ssyncadd.s32 @!p1 $0xFFFFC000  }
0xc5: {  	[tilespmem:s8], [sflag:$0x2] =	stream.indirect.gather @!p1 [hbm4b:s4+s15], $0x80, s7, s15, $0xb8;
	[tilespmem:$0x1FD00] =	vst v63  }
0xc6: {  	s1 =	sadd.s32 $0x1, s1;
	s7 =	sadd.s32 $0x100, s7  }
.Ltmp5:
0xc7: {  	_ = 	snop;
	(pc) =	sbr.rel .LBB2_6-.Ltmp5, $1  }
0xc8: {  	_ =	sdelay $0x3  }
.LBB2_8:
0xc9: {  	_ =	sfence.sel $0x180000  }
0xca: {  	[bflag:$0x0] =	sbarrier.arrive $0xFFFF  }
0xcb: {  	_ =	strace $0x9000004A  }
0xcc: {  	s0 =	stileid.u32;
	[bflag:$0x2] =	sbarrier.arrive $0xFFFF  }
0xcd: {  	p0 =	sne.s32 s0, $0x0;
	s0 =	rddreg [dreg:$0x3]  }
0xce: {  	s0 =	sadd.s32 @!p0 $0x100000, s0  }
0xcf: {  	[sflag:s0] =	ssyncadd.tile.s32 @!p0 $0x1;
	_ =	shalt  }
.Lfunc_end2:
_tile_overlayer_lowered:
.L_overlay_start_2:
0xd0: {  	(tag) =	ssettag $0x2  }
0xd1: {  	s0 =	rddreg [dreg:$0x0];
	s2 =	stileid.u32  }
0xd2: {  	s1 =	rddreg [dreg:$0x1];
	p0 =	sne.s32 s2, $0x0  }
0xd3: {  	s3 =	rddreg [dreg:$0x2];
	[bflag:$0x3] =	sbarrier.arrive $0xFFFF;
	s2 =	simm.s32 @!p0 $0x1C07  }
0xd4: {  	[timem:s3], [sflag:s2] =	dma.local @!p0 [hbm:s0], s1  }
0xd5: {  	s0 =	simm.s32 @!p0 $0x7  }
0xd6: {  	_ =	swait.ge @!p0 [sflag:s0], s1  }
0xd7: {  	s1 =	ssub.s32 @!p0 $0x0, s1;
	[sflag:s0] =	ssyncset.done @!p0 $0x0  }
0xd8: {  	[sflag:s0] =	ssyncadd.s32 @!p0 s1  }
0xd9: {  	[bflag:$0x3] =	sbarrier.arrive $0xFFFF  }
0xda: {  	_ =	shalt  }

// kernel: kernel.14.cloned.1.call-start
scs
__scs_entry_jumppad:
0x0: {  	(pc) =	sbr.rel $0x88, $3  }
0x1: {  	(tag) =	ssettag $0x0;
	lr =	simm.s32 $0x1  }
0x2: {  	[smem:$0x3F97] =	sst lr;
	_ =	strace $0xD0000000  }
0x3: {  	_ = 	snop  }
0x4: {  	_ = 	snop  }
0x5: {  	_ = 	snop  }
0x6: {  	_ = 	snop  }
0x7: {  	_ = 	snop  }
__scs_overlays_trampoline_lowered:
0x8: {  	[smem:$0x3FA6] =	sst s0  }
0x9: {  	[smem:$0x3FA7] =	sst s1  }
0xa: {  	[smem:$0x3FA8] =	sst s2  }
0xb: {  	[smem:$0x3FA9] =	sst s3  }
0xc: {  	[smem:$0x3FAA] =	sst s4  }
0xd: {  	[smem:$0x3FAB] =	sst s5  }
0xe: {  	[smem:$0x3FAC] =	sst s6  }
0xf: {  	[smem:$0x3FAD] =	sst s7  }
0x10: {  	[smem:$0x3FAE] =	sst s8  }
0x11: {  	[smem:$0x3FAF] =	sst s9;
	s0 =	simm.s32 @!p0 $0x0  }
0x12: {  	s1 =	sld [smem:$0x3F95];
	s0 =	simm.s32 @p0 $0x1  }
0x13: {  	[smem:$0x3FB0] =	sst s0;
	s0 =	simm.s32 @!p1 $0x0  }
0x14: {  	s2 =	sld [smem:$0x3F94];
	s0 =	simm.s32 @p1 $0x1  }
0x15: {  	[smem:$0x3FB1] =	sst s0;
	s0 =	simm.s32 @!p2 $0x0  }
0x16: {  	s3 =	sld [smem:$0x3FDB];
	s0 =	simm.s32 @p2 $0x1  }
0x17: {  	s4 =	simm.s32 $0x1BF5;
	[smem:$0x3FB3] =	sst s0  }
0x18: {  	s0 =	sld [smem:$0x3F96];
	_ =	swait.ge [sflag:s4], $0x0  }
0x19: {  	s7 =	sld [smem:$0x3F97]  }
0x1a: {  	s8 =	sadd.s32 $0xFFFFE003, lr  }
0x1b: {  	s9 =	sadd.s32 $0xFFFFFEF7, lr;
	s5 =	simm.s32 $0xFFFFFFFF;
	p2 =	slt.u32 s8, $0xFFFFF086  }
0x1c: {  	p1 =	slt.u32 s9, $0xF7A;
	s5 =	simm.s32 @!p2 $0x0  }
0x1d: {  	s5 =	simm.s32 @p1 $0x1;
	p0 =	seq.s32 s7, s2  }
0x1e: {  	s7 =	smul.u32 @!p0 $0xF7A, s2;
	p2 =	seq.s32 @!p0 s5, $0x0  }
0x1f: {  	s9 =	smul.u32 $0xF7A, s1;
	s8 =	simm.s32 @!p0 $0x1BF5;
	p2 =	por !p2, p0  }
0x20: {  	[sflag:s8] =	ssyncset.s32 @!p0 $0xFFFFF086;
	s6 =	sadd.s32 @!p0 s3, s7;
	s7 =	simm.s32 @!p0 $0x108  }
0x21: {  	s3 =	sadd.s32 s3, s9;
	s6 =	sadd.s32 @!p0 $0x88, s6;
	s7 =	simm.s32 @p2 $0x1082  }
0x22: {  	[simem:s7], [sflag:s8] =	dma.local @!p0 [hbm:s6], $0xF7A  }
0x23: {  	s9 =	sor.u32 $0xD0000000, s2;
	s6 =	simm.s32 $0x108;
	_ =	swait.ge @!p0 [sflag:s8], $0x0  }
0x24: {  	s3 =	sadd.s32 $0x88, s3;
	s6 =	simm.s32 @!p1 $0x1082;
	[sflag:s4] =	ssyncset.s32 $0xFFFFF086  }
0x25: {  	[simem:s6], [sflag:s4] =	dma.local [hbm:s3], $0xF7A  }
0x26: {  	[smem:$0x3F97] =	sst s1;
	(tag) =	ssettag s2;
	_ =	strace s9  }
0x27: {  	s1 =	sld [smem:$0x3FA7]  }
0x28: {  	s2 =	sld [smem:$0x3FA8]  }
0x29: {  	s4 =	sld [smem:$0x3FAA]  }
0x2a: {  	p0 =	seq.s32 s5, $0x0;
	s5 =	sld [smem:$0x3FAB]  }
0x2b: {  	s6 =	sld [smem:$0x3FAC]  }
0x2c: {  	s7 =	sld [smem:$0x3FAD]  }
0x2d: {  	s3 =	simm.s32 $0x108;
	s8 =	sld [smem:$0x3FAE]  }
0x2e: {  	s3 =	simm.s32 @!p0 $0x1082;
	s9 =	sld [smem:$0x3FAF]  }
0x2f: {  	lr =	sadd.s32 s0, s3;
	s0 =	sld [smem:$0x3FA6]  }
0x30: {  	s3 =	sld [smem:$0x3FA9]  }
0x31: {  	[smem:$0x3FB2] =	sst s10  }
0x32: {  	s10 =	sld [smem:$0x3FB0];
	_ =	sdelay $0x3  }
0x33: {  	p0 =	seq.s32 s10, $0x1;
	s10 =	sld [smem:$0x3FB2];
	_ =	sdelay $0x3  }
0x34: {  	[smem:$0x3FB2] =	sst s10  }
0x35: {  	s10 =	sld [smem:$0x3FB1];
	_ =	sdelay $0x3  }
0x36: {  	p1 =	seq.s32 s10, $0x1;
	s10 =	sld [smem:$0x3FB2];
	_ =	sdelay $0x3  }
0x37: {  	[smem:$0x3FB2] =	sst s10  }
0x38: {  	s10 =	sld [smem:$0x3FB3]  }
0x39: {  	_ = 	snop;
	(pc) =	sbr.ind lr, $3  }
0x3a: {  	_ = 	snop  }
0x3b: {  	_ = 	snop  }
0x3c: {  	p2 =	seq.s32 s10, $0x1;
	s10 =	sld [smem:$0x3FB2]  }
0x3d: {  	_ =	shalt  }
0x3e: {  	_ =	shalt  }
0x3f: {  	_ =	shalt  }
0x40: {  	_ =	shalt  }
0x41: {  	_ =	shalt  }
0x42: {  	_ =	shalt  }
0x43: {  	_ =	shalt  }
0x44: {  	_ =	shalt  }
0x45: {  	_ =	shalt  }
0x46: {  	_ =	shalt  }
0x47: {  	_ =	shalt  }
0x48: {  	_ =	shalt  }
0x49: {  	_ =	shalt  }
0x4a: {  	_ =	shalt  }
0x4b: {  	_ =	shalt  }
0x4c: {  	_ =	shalt  }
0x4d: {  	_ =	shalt  }
0x4e: {  	_ =	shalt  }
0x4f: {  	_ =	shalt  }
0x50: {  	_ =	shalt  }
0x51: {  	_ =	shalt  }
0x52: {  	_ =	shalt  }
0x53: {  	_ =	shalt  }
0x54: {  	_ =	shalt  }
0x55: {  	_ =	shalt  }
0x56: {  	_ =	shalt  }
0x57: {  	_ =	shalt  }
0x58: {  	_ =	shalt  }
0x59: {  	_ =	shalt  }
0x5a: {  	_ =	shalt  }
0x5b: {  	_ =	shalt  }
0x5c: {  	_ =	shalt  }
0x5d: {  	_ =	shalt  }
0x5e: {  	_ =	shalt  }
0x5f: {  	_ =	shalt  }
0x60: {  	_ =	shalt  }
0x61: {  	_ =	shalt  }
0x62: {  	_ =	shalt  }
0x63: {  	_ =	shalt  }
0x64: {  	_ =	shalt  }
0x65: {  	_ =	shalt  }
0x66: {  	_ =	shalt  }
0x67: {  	_ =	shalt  }
0x68: {  	_ =	shalt  }
0x69: {  	_ =	shalt  }
0x6a: {  	_ =	shalt  }
0x6b: {  	_ =	shalt  }
0x6c: {  	_ =	shalt  }
0x6d: {  	_ =	shalt  }
0x6e: {  	_ =	shalt  }
0x6f: {  	_ =	shalt  }
0x70: {  	_ =	shalt  }
0x71: {  	_ =	shalt  }
0x72: {  	_ =	shalt  }
0x73: {  	_ =	shalt  }
0x74: {  	_ =	shalt  }
0x75: {  	_ =	shalt  }
0x76: {  	_ =	shalt  }
0x77: {  	_ =	shalt  }
0x78: {  	_ =	shalt  }
0x79: {  	_ =	shalt  }
0x7a: {  	_ =	shalt  }
0x7b: {  	_ =	shalt  }
0x7c: {  	_ =	shalt  }
0x7d: {  	_ =	shalt  }
0x7e: {  	_ =	shalt  }
0x7f: {  	_ =	shalt  }
0x80: {  	_ =	shalt  }
0x81: {  	_ =	shalt  }
0x82: {  	_ =	shalt  }
0x83: {  	_ =	shalt  }
0x84: {  	_ =	shalt  }
0x85: {  	_ =	shalt  }
0x86: {  	_ =	shalt  }
0x87: {  	_ =	shalt  }
.Lfunc_end0:
.L_simem_size_0:
called_computation.2_lowered:
.L_overlay_start_0:
0x88: {  	s2 =	sld [smem:$0x3FD9]  }
0x89: {  	s3 =	sld [smem:$0x3FFE];
	_ =	sdelay $0x1  }
0x8a: {  	s1 =	srdreg.scid  }
0x8b: {  	s0 =	sand.u32 $0x1, s1  }
0x8c: {  	s17 =	sshll.u32 s0, $0xA;
	s2 =	sadd.s32 s3, s2  }
0x8d: {  	s2 =	sadd.s32 s2, s17  }
0x8e: {  	[smem:$0x3FBE] =	sst s2  }
0x8f: {  	_ = 	snop  }
0x90: {  	s2 =	sld [smem:$0x3FD0];
	(tm) =	ssettm $0x1  }
0x91: {  	s18 =	sld [smem:$0x3FFB];
	_ =	sdelay $0x3  }
0x92: {  	_ =	strace s18  }
0x93: {  	s3 =	sld [smem:$0x3FFC];
	_ =	sdelay $0x3  }
0x94: {  	_ =	strace s3  }
0x95: {  	s3 =	sld [smem:$0x3FFD];
	_ =	sdelay $0x3  }
0x96: {  	_ =	strace s3  }
0x97: {  	_ =	strace $0x8FFFFFFF  }
0x98: {  	s19 =	sld [smem:$0x3FDB];
	_ =	sdelay $0x1  }
0x99: {  	s4 =	simm.s32 $_scs_section_size  }
0x9a: {  	s5 =	simm.s32 $_size__tile_overlayer_lowered;
	s6 =	simm.s32 $_tile_overlayer_lowered  }
0x9b: {  	s22 =	simm.s32 $0x1BFF;
	s21 =	sshll.u32 s6, $0x1;
	s3 =	sadd.s32 s4, s19  }
0x9c: {  	s7 =	simm.s32 $0x0;
	s20 =	sshll.u32 s5, $0x1;
	s5 =	sadd.s32 s21, s3  }
0x9d: {  	[timem:s7], [sflag:s22] =	dma.local [hbm:s5], s20  }
0x9e: {  	_ =	swait.ge [sflag:s22], s20  }
0x9f: {  	s4 =	ssub.s32 $0x0, s20;
	[sflag:s22] =	ssyncset.done $0x0  }
0xa0: {  	[sflag:s22] =	ssyncadd.s32 s4;
	_ =	sdelay $0x1  }
0xa1: {  	s23 =	simm.s32 $0x1B8B  }
0xa2: {  	_ =	swait.ge [sflag:s23], $0x1  }
0xa3: {  	[sflag:s23] =	ssyncset.done $0x0  }
0xa4: {  	s25 =	simm.s32 $0x1B8E;
	s24 =	sld [smem:$0x3FFE];
	[sflag:s23] =	ssyncadd.s32 $0xFFFFFFFF  }
0xa5: {  	s26 =	simm.s32 $execute0_lowered;
	[smem:$0x3FD2] =	sst s25  }
0xa6: {  	s5 =	sshll.u32 s26, $0x1;
	_ =	strace $0x8000004C;
	[dreg:$0x1] =	wrdreg $0xFFFFFFFF  }
0xa7: {  	s28 =	simm.s32 $_size_execute0_lowered;
	s3 =	sadd.s32 s3, s5;
	[dreg:$0x0] =	wrdreg $0x0  }
0xa8: {  	s5 =	sshll.u32 s28, $0x1;
	[dreg:$0x2] =	wrdreg s3  }
0xa9: {  	[dreg:$0x3] =	wrdreg s5  }
0xaa: {  	[dreg:$0x4] =	wrdreg $0xC0  }
0xab: {  	_ =	task [dreg:s7], $0x5FFFF  }
0xac: {  	[dreg:$0x1] =	wrdreg $0xFFFFFFFF  }
0xad: {  	[dreg:$0x0] =	wrdreg $0x60  }
0xae: {  	[dreg:$0x2] =	wrdreg s24  }
0xaf: {  	[dreg:$0x3] =	wrdreg s2  }
0xb0: {  	[dreg:$0x4] =	wrdreg $0x0  }
0xb1: {  	[dreg:$0x5] =	wrdreg $0x9  }
0xb2: {  	_ =	task.clear_ibuf [dreg:s7], $0x6FFFF;
	_ =	strace $0x9000004C  }
0xb3: {  	s29 =	simm.s32 $0x9;
	_ =	strace $0x8000004E  }
0xb4: {  	_ =	swait.ge [sflag:s29], $0x1  }
0xb5: {  	[sflag:s29] =	ssyncadd.s32 $0xFFFFFFFF  }
0xb6: {  	_ =	strace $0x9000004E  }
0xb7: {  	_ =	sfence  }
0xb8: {  	s30 =	sld [smem:$0x0];
	_ =	sdelay $0x2  }
0xb9: {  	s31 =	sshll.u32 s1, $0xD;
	s1 =	sshrl.u32 s1, $0x2  }
0xba: {  	s3 =	sand.u32 $0x4000, s31;
	s1 =	sadd.s32 s1, s30  }
0xbb: {  	s0 =	sor.u32 s3, s0;
	s1 =	sshll.u32 s1, $0x11  }
0xbc: {  	s0 =	sor.u32 s1, s0  }
0xbd: {  	s0 =	sadd.s32 $0x8F2B, s0  }
0xbe: {  	[sflag:s0] =	ssyncadd.remote.s32 $0x1  }
0xbf: {  	_ =	sfence.sel $0xFFFF  }
0xc0: {  	[dreg:$0x0] =	wrdreg $0xFFFFFFFF;
	(pc) =	sbr.abs _section_cstart, $3  }
0xc1: {  	[dreg:$0x1] =	wrdreg $0xFFFFFFFF  }
0xc2: {  	_ =	task.clear_ibuf [dreg:s7], $0x2FFFF;
	_ =	strace $0x9FFFFFFF  }
0xc3: {  	(tm) =	ssettm $0x7FFFFFFF  }
tec
execute0_lowered:
.L_overlay_start_1:
0x0: {  	(tag) =	ssettag $0x1  }
0x1: {  	s0 =	rddreg [dreg:$0x0]  }
0x2: {  	s1 =	rddreg [dreg:$0x1]  }
0x3: {  	s2 =	rddreg [dreg:$0x2];
	s4 =	srdreg.scid  }
0x4: {  	s8 =	stileid.u32;
	s3 =	simm.s32 $0x0;
	s12 =	simm.s32 $0x3B  }
0x5: {  	s18 =	simm.s32 $0x7;
	s28 =	simm.s32 $0x1;
	s29 =	simm.s32 $0x3  }
0x6: {  	s30 =	simm.s32 $0x5;
	s31 =	simm.s32 $0x0;
	s7 =	sand.u32 $0x1, s4  }
0x7: {  	s20 =	sshll.u32 s8, $0x1;
	[smem:$0x7FF] =	sst s3;
	s4 =	sadd.s32 $0xEE00, s0  }
0x8: {  	s6 =	smul.u32 $0x5000, s8;
	s11 =	sadd.s32 $0x5EE00, s0;
	s14 =	sadd.s32 $0x86E00, s0  }
0x9: {  	s23 =	smul.u32 $0x50000, s8;
	s26 =	sshll.u32 s8, $0x6;
	s5 =	sor.u32 s7, s20  }
0xa: {  	_ =	strace $0x8000004D;
	s10 =	ssub.s32 $0x2, s7;
	s16 =	smul.u32 $0x3C00, s7  }
0xb: {  	[dreg:$0x4] =	wrdreg s11;
	p0 =	seq.s32 s7, $0x0;
	s9 =	smul.u32 $0x780, s5  }
0xc: {  	s5 =	sadd.s32 $0x4E00, s0;
	s21 =	sshrl.u32 s10, $0x1;
	s25 =	sshrl.u32 s23, $0x2  }
0xd: {  	s12 =	simm.s32 @!p0 $0x13;
	s23 =	simm.s32 $0x1FC00;
	p0 =	sne.s32 s7, $0x0  }
0xe: {  	s22 =	ssub.s32 s10, s21;
	s24 =	sadd.s32 s16, s6;
	s10 =	smul.u32 $0x2800, s8  }
0xf: {  	s20 =	sadd.s32 s25, s2;
	s15 =	sadd.s32 s1, s9;
	s1 =	sshrl.u32 s24, $0x3  }
.Ltmp0:
0x10: {  	s0 =	smax.u32 s22, $0x1;
	s11 =	sadd.s32 s5, s1;
	(pc) =	sbr.rel .LBB2_1-.Ltmp0, $4  }
0x11: {  	[dreg:$0x6] =	wrdreg s0;
	s0 =	sor.u32 $0x1C07, s26;
	s1 =	sadd.s32 $0x10, s11  }
0x12: {  	[dreg:$0x5] =	wrdreg s1;
	s1 =	sshrl.u32 s20, $0x3;
	s20 =	smov.u32 s0  }
0x13: {  	s16 =	sor.u32 $0x100, s16;
	s21 =	simm.s32 $0x80;
	[dreg:$0x7] =	wrdreg s20  }
0x14: {  	s22 =	simm.s32 $0x17C00;
	s19 =	sadd.s32 s4, s10;
	[dreg:$0x8] =	wrdreg s1  }
.LBB2_6:
0x15: {  	[tilespmem:s25], [sflag:$0x4] =	stream.linear.gather @!p1 [hbm4b:s26+s24], $0x80, $0x38;
	[tilespmem:$0x1FD00] =	vst v63  }
0x16: {  	s0 =	rddreg [dreg:$0x4];
	s14 =	smov.u32 s10  }
0x17: {  	s15 =	smov.u32 s11;
	s10 =	smov.u32 s3;
	s3 =	simm.s32 $0x0  }
0x18: {  	s11 =	smov.u32 s19;
	s19 =	smov.u32 s20;
	s20 =	rddreg [dreg:$0x7]  }
.LBB2_7:
0x19: {  	[bflag:$0x0] =	sbarrier.arrive $0xFFFF  }
0x1a: {  	s0 =	sadd.s32 s0, s10;
	s1 =	rddreg [dreg:$0x8]  }
0x1b: {  	[hbm:s0], [sflag:s20] =	dma.local [spmem:s1], $0x2800  }
0x1c: {  	_ =	swait.ge [sflag:s18], $0x2800  }
0x1d: {  	s31 =	sadd.s32 $0x1, s31;
	s26 =	rddreg [dreg:$0x6]  }
0x1e: {  	p1 =	sne.s32 s31, s26  }
.Ltmp1:
0x1f: {  	_ = 	snop;
	(pc) =	sbr.rel @!p1 .LBB2_8-.Ltmp1, $3  }
0x20: {  	_ =	sdelay $0x1  }
0x21: {  	[sflag:s18] =	ssyncset.done $0x0  }
0x22: {  	[sflag:s18] =	ssyncadd.s32 $0xFFFFD800  }
.LBB2_1:
0x23: {  	s0 =	simm.s32 $0x14000  }
0x24: {  	[tilespmem:s0], [sflag:$0x7] =	stream.linear.gather [hbm4b:s15+s3], $0x3C00, $0x38;
	[tilespmem:$0x1FD00] =	vst v63  }
0x25: {  	_ =	swait.ge [sflag:s18], $0x3C00  }
0x26: {  	[sflag:s18] =	ssyncset.done $0x0  }
0x27: {  	[sflag:s18] =	ssyncadd.s32 $0xFFFFC400  }
0x28: {  	[spmem:s1], [sflag:s20] =	dma.local [hbm:s19], $0x2800  }
0x29: {  	_ =	swait.ge [sflag:s18], $0x2800  }
0x2a: {  	[sflag:s18] =	ssyncset.done $0x0  }
0x2b: {  	[sflag:s18] =	ssyncadd.s32 $0xFFFFD800  }
0x2c: {  	[bflag:$0x0] =	sbarrier.arrive $0xFFFF  }
0x2d: {  	[tilespmem:s22], [sflag:$0x1] =	stream.indirect.gather [hbm4b:s4+s21], $0x80, s0, s21, $0xb8;
	[tilespmem:$0x1FD00] =	vst v63  }
0x2e: {  	_ = 	snop  }
0x2f: {  	[tilespmem:s23], [sflag:$0x3] =	stream.linear.gather [hbm4b:s11+s3], $0x80, $0x38;
	[tilespmem:$0x1FD00] =	vst v63  }
0x30: {  	s17 =	simm.s32 $0x14080;
	s24 =	simm.s32 $0x1BC00  }
0x31: {  	[tilespmem:s24], [sflag:$0x2] =	stream.indirect.gather [hbm4b:s4+s21], $0x80, s17, s21, $0xb8;
	[tilespmem:$0x1FD00] =	vst v63  }
0x32: {  	s26 =	simm.s32 $0x1FC80;
	s25 =	rddreg [dreg:$0x5]  }
0x33: {  	[tilespmem:s26], [sflag:$0x4] =	stream.linear.gather [hbm4b:s25+s3], $0x80, $0x38;
	[tilespmem:$0x1FD00] =	vst v63  }
0x34: {  	_ =	swait.ge [sflag:s28], $0x4000  }
0x35: {  	[sflag:s28] =	ssyncset.done $0x0  }
0x36: {  	[sflag:s28] =	ssyncadd.s32 $0xFFFFC000  }
0x37: {  	_ =	swait.ge [sflag:s29], $0x80  }
0x38: {  	[sflag:s29] =	ssyncset.done $0x0  }
0x39: {  	[sflag:s29] =	ssyncadd.s32 $0xFFFFFF80  }
0x3a: {  	[spmem:s2] =	stream.indirect.scatter.add.f32 [tilespmem:s22], [sflag:$0x5], $0x80, s23, s21, $0xb8;
	[tilespmem:$0x1FD00] =	vst v63  }
0x3b: {  	_ =	swait.ge [sflag:s30], $0x4000  }
0x3c: {  	p1 =	sle.u32 s12, $0x0;
	[sflag:s30] =	ssyncset.done $0x0  }
0x3d: {  	s0 =	simm.s32 @p1 $0x2;
	[sflag:s30] =	ssyncadd.s32 $0xFFFFC000  }
0x3e: {  	_ =	swait.ge @p1 [sflag:s0], $0x4000  }
0x3f: {  	s7 =	sand.u32 @!p1 $0x300, s16;
	s1 =	sand.u32 @!p1 $0xFC00, s16;
	[sflag:s0] =	ssyncset.done @p1 $0x0  }
0x40: {  	s1 =	sadd.s32 @!p1 s6, s1;
	[sflag:s0] =	ssyncadd.s32 @p1 $0xFFFFC000;
	s0 =	simm.s32 @p1 $0x4  }
0x41: {  	s1 =	sor.u32 @!p1 s7, s1;
	_ =	swait.ge @p1 [sflag:s0], $0x80  }
0x42: {  	s7 =	simm.s32 @p1 $0x1BC00;
	s24 =	simm.s32 @p1 $0x6;
	[sflag:s0] =	ssyncset.done @p1 $0x0  }
0x43: {  	s25 =	simm.s32 @p1 $0x1FC80;
	[sflag:s0] =	ssyncadd.s32 @p1 $0xFFFFFF80;
	s0 =	simm.s32 @p1 $0x80  }
0x44: {  	[spmem:s2] =	stream.indirect.scatter.add.f32 @p1 [tilespmem:s7], [sflag:$0x6], $0x80, s25, s0, $0xb8;
	[tilespmem:$0x1FD00] =	vst v63  }
0x45: {  	s26 =	simm.s32 @!p1 $0x80;
	_ =	swait.ge @p1 [sflag:s24], $0x4000  }
0x46: {  	s0 =	sshrl.u32 @!p1 s1, $0x3;
	s1 =	simm.s32 @!p1 $0x17C00;
	[sflag:s24] =	ssyncset.done @p1 $0x0  }
0x47: {  	s7 =	simm.s32 @!p1 $0x14100;
	s0 =	sadd.s32 @!p1 s5, s0;
	[sflag:s24] =	ssyncadd.s32 @p1 $0xFFFFC000  }
0x48: {  	[tilespmem:s1], [sflag:$0x1] =	stream.indirect.gather @!p1 [hbm4b:s4+s26], $0x80, s7, s26, $0xb8;
	[tilespmem:$0x1FD00] =	vst v63  }
0x49: {  	s24 =	simm.s32 @!p1 $0x0;
	s1 =	simm.s32 @!p1 $0x1FC00;
	s7 =	simm.s32 @!p1 $0x2  }
0x4a: {  	[tilespmem:s1], [sflag:$0x3] =	stream.linear.gather @!p1 [hbm4b:s0+s24], $0x80, $0x38;
	[tilespmem:$0x1FD00] =	vst v63  }
0x4b: {  	_ =	swait.ge @!p1 [sflag:s7], $0x4000  }
0x4c: {  	[sflag:s7] =	ssyncset.done @!p1 $0x0  }
0x4d: {  	s0 =	simm.s32 @!p1 $0x4;
	[sflag:s7] =	ssyncadd.s32 @!p1 $0xFFFFC000  }
0x4e: {  	_ =	swait.ge @!p1 [sflag:s0], $0x80  }
0x4f: {  	s25 =	simm.s32 @!p1 $0x1FC80;
	s1 =	sadd.s32 @!p1 $0x80, s16;
	[sflag:s0] =	ssyncset.done @!p1 $0x0  }
0x50: {  	s7 =	simm.s32 @!p1 $0x6;
	[sflag:s0] =	ssyncadd.s32 @!p1 $0xFFFFFF80;
	s0 =	simm.s32 @!p1 $0x1BC00  }
0x51: {  	[spmem:s2] =	stream.indirect.scatter.add.f32 @!p1 [tilespmem:s0], [sflag:$0x6], $0x80, s25, s26, $0xb8;
	[tilespmem:$0x1FD00] =	vst v63  }
0x52: {  	s9 =	sand.u32 @!p1 $0xFC00, s1;
	_ =	swait.ge @!p1 [sflag:s7], $0x4000  }
0x53: {  	s1 =	sand.u32 @!p1 $0x380, s1;
	s9 =	sadd.s32 @!p1 s6, s9;
	[sflag:s7] =	ssyncset.done @!p1 $0x0  }
0x54: {  	s1 =	sor.u32 @!p1 s1, s9;
	[sflag:s7] =	ssyncadd.s32 @!p1 $0xFFFFC000;
	s7 =	simm.s32 $0x14180  }
0x55: {  	[tilespmem:s0], [sflag:$0x2] =	stream.indirect.gather @!p1 [hbm4b:s4+s26], $0x80, s7, s26, $0xb8;
	[tilespmem:$0x1FD00] =	vst v63  }
0x56: {  	s1 =	sshrl.u32 @!p1 s1, $0x3;
	s0 =	simm.s32 $0x1  }
0x57: {  	s26 =	sadd.s32 @!p1 s5, s1;
	s1 =	sadd.s32 $0x100, s16;
	s7 =	simm.s32 $0x14280  }
.LBB2_2:
0x58: {  	[tilespmem:s25], [sflag:$0x4] =	stream.linear.gather @!p1 [hbm4b:s26+s24], $0x80, $0x38;
	[tilespmem:$0x1FD00] =	vst v63  }
0x59: {  	s9 =	smov.u32 s0;
	s0 =	sadd.s32 $0x1, s0;
	_ =	swait.ge [sflag:s28], $0x4000  }
0x5a: {  	p2 =	sne.s32 s0, $0x14;
	[sflag:s28] =	ssyncset.done $0x0  }
0x5b: {  	[sflag:s28] =	ssyncadd.s32 $0xFFFFC000  }
0x5c: {  	_ =	swait.ge [sflag:s29], $0x80  }
0x5d: {  	[sflag:s29] =	ssyncset.done $0x0  }
0x5e: {  	[sflag:s29] =	ssyncadd.s32 $0xFFFFFF80  }
0x5f: {  	[spmem:s2] =	stream.indirect.scatter.add.f32 [tilespmem:s22], [sflag:$0x5], $0x80, s23, s21, $0xb8;
	[tilespmem:$0x1FD00] =	vst v63  }
0x60: {  	_ =	swait.ge [sflag:s30], $0x4000  }
0x61: {  	p1 =	sge.u32 s9, s12;
	[sflag:s30] =	ssyncset.done $0x0  }
0x62: {  	s9 =	simm.s32 @p1 $0x2;
	s24 =	sand.u32 @!p1 $0xFC00, s1;
	[sflag:s30] =	ssyncadd.s32 $0xFFFFC000  }
0x63: {  	s25 =	sand.u32 @!p1 $0x300, s1;
	s24 =	sadd.s32 @!p1 s6, s24;
	_ =	swait.ge @p1 [sflag:s9], $0x4000  }
0x64: {  	s24 =	sor.u32 @!p1 s25, s24;
	s25 =	sadd.s32 @!p1 $0x80, s1;
	[sflag:s9] =	ssyncset.done @p1 $0x0  }
0x65: {  	s24 =	sshrl.u32 @!p1 s24, $0x3;
	[sflag:s9] =	ssyncadd.s32 @p1 $0xFFFFC000;
	s9 =	simm.s32 @p1 $0x4  }
0x66: {  	s26 =	sadd.s32 @!p1 s5, s24;
	s24 =	sand.u32 @!p1 $0xFC00, s25;
	_ =	swait.ge @p1 [sflag:s9], $0x80  }
0x67: {  	s8 =	simm.s32 @p1 $0x1BC00;
	s17 =	simm.s32 @p1 $0x6;
	[sflag:s9] =	ssyncset.done @p1 $0x0  }
0x68: {  	s13 =	simm.s32 @p1 $0x1FC80;
	[sflag:s9] =	ssyncadd.s32 @p1 $0xFFFFFF80;
	s9 =	simm.s32 @p1 $0x80  }
0x69: {  	[spmem:s2] =	stream.indirect.scatter.add.f32 @p1 [tilespmem:s8], [sflag:$0x6], $0x80, s13, s9, $0xb8;
	[tilespmem:$0x1FD00] =	vst v63  }
0x6a: {  	s8 =	sadd.s32 @!p1 s6, s24;
	s9 =	sand.u32 @!p1 $0x380, s25;
	_ =	swait.ge @p1 [sflag:s17], $0x4000  }
0x6b: {  	s13 =	simm.s32 @!p1 $0x17C00;
	s8 =	sor.u32 @!p1 s9, s8;
	[sflag:s17] =	ssyncset.done @p1 $0x0  }
0x6c: {  	s9 =	sadd.s32 @!p1 $0xFFFFFF80, s7;
	[sflag:s17] =	ssyncadd.s32 @p1 $0xFFFFC000;
	s17 =	simm.s32 @!p1 $0x80  }
0x6d: {  	[tilespmem:s13], [sflag:$0x1] =	stream.indirect.gather @!p1 [hbm4b:s4+s17], $0x80, s9, s17, $0xb8;
	[tilespmem:$0x1FD00] =	vst v63  }
0x6e: {  	s24 =	simm.s32 @!p1 $0x0;
	s9 =	simm.s32 @!p1 $0x1FC00;
	s13 =	simm.s32 @!p1 $0x2  }
0x6f: {  	[tilespmem:s9], [sflag:$0x3] =	stream.linear.gather @!p1 [hbm4b:s26+s24], $0x80, $0x38;
	[tilespmem:$0x1FD00] =	vst v63  }
0x70: {  	s8 =	sshrl.u32 @!p1 s8, $0x3;
	_ =	swait.ge @!p1 [sflag:s13], $0x4000  }
0x71: {  	s26 =	sadd.s32 @!p1 s5, s8;
	[sflag:s13] =	ssyncset.done @!p1 $0x0  }
0x72: {  	s8 =	simm.s32 @!p1 $0x4;
	[sflag:s13] =	ssyncadd.s32 @!p1 $0xFFFFC000  }
0x73: {  	_ =	swait.ge @!p1 [sflag:s8], $0x80  }
0x74: {  	s9 =	simm.s32 @!p1 $0x6;
	[sflag:s8] =	ssyncset.done @!p1 $0x0  }
0x75: {  	s25 =	simm.s32 @!p1 $0x1FC80;
	[sflag:s8] =	ssyncadd.s32 @!p1 $0xFFFFFF80;
	s8 =	simm.s32 @!p1 $0x1BC00  }
0x76: {  	[spmem:s2] =	stream.indirect.scatter.add.f32 @!p1 [tilespmem:s8], [sflag:$0x6], $0x80, s25, s17, $0xb8;
	[tilespmem:$0x1FD00] =	vst v63  }
.Ltmp2:
0x77: {  	_ =	swait.ge @!p1 [sflag:s9], $0x4000;
	(pc) =	sbr.rel @p2 .LBB2_2-.Ltmp2, $4  }
0x78: {  	[sflag:s9] =	ssyncset.done @!p1 $0x0  }
0x79: {  	[sflag:s9] =	ssyncadd.s32 @!p1 $0xFFFFC000  }
0x7a: {  	[tilespmem:s8], [sflag:$0x2] =	stream.indirect.gather @!p1 [hbm4b:s4+s17], $0x80, s7, s17, $0xb8;
	[tilespmem:$0x1FD00] =	vst v63  }
0x7b: {  	s1 =	sadd.s32 $0x100, s1;
	s7 =	sadd.s32 $0x100, s7  }
.Ltmp3:
0x7c: {  	(pc) =	sbr.rel @p0 .LBB2_7-.Ltmp3, $3  }
0x7d: {  	_ =	sdelay $0x1  }
0x7e: {  	[tilespmem:s25], [sflag:$0x4] =	stream.linear.gather @!p1 [hbm4b:s26+s24], $0x80, $0x38;
	[tilespmem:$0x1FD00] =	vst v63  }
0x7f: {  	s0 =	smov.u32 s14  }
0x80: {  	_ =	swait.ge [sflag:s28], $0x4000  }
0x81: {  	[sflag:s28] =	ssyncset.done $0x0  }
0x82: {  	[sflag:s28] =	ssyncadd.s32 $0xFFFFC000  }
0x83: {  	_ =	swait.ge [sflag:s29], $0x80  }
0x84: {  	[sflag:s29] =	ssyncset.done $0x0  }
0x85: {  	[sflag:s29] =	ssyncadd.s32 $0xFFFFFF80  }
0x86: {  	[spmem:s2] =	stream.indirect.scatter.add.f32 [tilespmem:s22], [sflag:$0x5], $0x80, s23, s21, $0xb8;
	[tilespmem:$0x1FD00] =	vst v63  }
0x87: {  	_ =	swait.ge [sflag:s30], $0x4000  }
0x88: {  	p1 =	sle.u32 s12, $0x14;
	[sflag:s30] =	ssyncset.done $0x0  }
0x89: {  	s0 =	simm.s32 @p1 $0x2;
	[sflag:s30] =	ssyncadd.s32 $0xFFFFC000  }
0x8a: {  	_ =	swait.ge @p1 [sflag:s0], $0x4000  }
0x8b: {  	s1 =	simm.s32 @!p1 $0x1500;
	[sflag:s0] =	ssyncset.done @p1 $0x0  }
0x8c: {  	s8 =	simm.s32 @p1 $0x1BC00;
	[sflag:s0] =	ssyncadd.s32 @p1 $0xFFFFC000;
	s0 =	simm.s32 @p1 $0x4  }
0x8d: {  	s9 =	simm.s32 @p1 $0x6;
	s13 =	simm.s32 @p1 $0x1FC80;
	_ =	swait.ge @p1 [sflag:s0], $0x80  }
0x8e: {  	s7 =	sand.u32 @!p1 $0x7C00, s1;
	s1 =	sand.u32 @!p1 $0x300, s1;
	[sflag:s0] =	ssyncset.done @p1 $0x0  }
0x8f: {  	s7 =	sadd.s32 @!p1 s6, s7;
	[sflag:s0] =	ssyncadd.s32 @p1 $0xFFFFFF80;
	s0 =	simm.s32 @p1 $0x80  }
0x90: {  	[spmem:s2] =	stream.indirect.scatter.add.f32 @p1 [tilespmem:s8], [sflag:$0x6], $0x80, s13, s0, $0xb8;
	[tilespmem:$0x1FD00] =	vst v63  }
0x91: {  	s24 =	simm.s32 @!p1 $0x0;
	s1 =	sor.u32 @!p1 s1, s7;
	_ =	swait.ge @p1 [sflag:s9], $0x4000  }
0x92: {  	s7 =	simm.s32 @!p1 $0x17C00;
	s1 =	sshrl.u32 @!p1 s1, $0x3;
	[sflag:s9] =	ssyncset.done @p1 $0x0  }
0x93: {  	s8 =	simm.s32 @!p1 $0x15500;
	[sflag:s9] =	ssyncadd.s32 @p1 $0xFFFFC000;
	s9 =	simm.s32 @!p1 $0x80  }
0x94: {  	[tilespmem:s7], [sflag:$0x1] =	stream.indirect.gather @!p1 [hbm4b:s4+s9], $0x80, s8, s9, $0xb8;
	[tilespmem:$0x1FD00] =	vst v63  }
0x95: {  	s1 =	sadd.s32 @!p1 s5, s1;
	s0 =	simm.s32 @!p1 $0x2;
	s7 =	simm.s32 @!p1 $0x1FC00  }
0x96: {  	[tilespmem:s7], [sflag:$0x3] =	stream.linear.gather @!p1 [hbm4b:s1+s24], $0x80, $0x38;
	[tilespmem:$0x1FD00] =	vst v63  }
0x97: {  	s20 =	smov.u32 s19;
	_ =	swait.ge @!p1 [sflag:s0], $0x4000  }
0x98: {  	s19 =	smov.u32 s11;
	s3 =	smov.u32 s10;
	[sflag:s0] =	ssyncset.done @!p1 $0x0  }
0x99: {  	s25 =	simm.s32 @!p1 $0x1FC80;
	[sflag:s0] =	ssyncadd.s32 @!p1 $0xFFFFC000;
	s0 =	simm.s32 @!p1 $0x4  }
0x9a: {  	s1 =	simm.s32 $0x1580;
	s7 =	simm.s32 @!p1 $0x6;
	_ =	swait.ge @!p1 [sflag:s0], $0x80  }
0x9b: {  	s8 =	sand.u32 @!p1 $0x7C00, s1;
	s1 =	sand.u32 @!p1 $0x380, s1;
	[sflag:s0] =	ssyncset.done @!p1 $0x0  }
0x9c: {  	s8 =	sadd.s32 @!p1 s6, s8;
	[sflag:s0] =	ssyncadd.s32 @!p1 $0xFFFFFF80;
	s0 =	simm.s32 @!p1 $0x1BC00  }
0x9d: {  	[spmem:s2] =	stream.indirect.scatter.add.f32 @!p1 [tilespmem:s0], [sflag:$0x6], $0x80, s25, s9, $0xb8;
	[tilespmem:$0x1FD00] =	vst v63  }
0x9e: {  	s11 =	smov.u32 s15;
	s1 =	sor.u32 @!p1 s1, s8;
	_ =	swait.ge @!p1 [sflag:s7], $0x4000  }
0x9f: {  	s10 =	smov.u32 s14;
	s1 =	sshrl.u32 @!p1 s1, $0x3;
	[sflag:s7] =	ssyncset.done @!p1 $0x0  }
0xa0: {  	s13 =	simm.s32 $0x15580;
	s26 =	sadd.s32 @!p1 s5, s1;
	[sflag:s7] =	ssyncadd.s32 @!p1 $0xFFFFC000  }
0xa1: {  	[tilespmem:s0], [sflag:$0x2] =	stream.indirect.gather @!p1 [hbm4b:s4+s9], $0x80, s13, s9, $0xb8;
	[tilespmem:$0x1FD00] =	vst v63  }
0xa2: {  	s1 =	simm.s32 $0x15;
	s7 =	simm.s32 $0x15680;
	s0 =	simm.s32 $0x1680  }
.LBB2_5:
0xa3: {  	[tilespmem:s25], [sflag:$0x4] =	stream.linear.gather @!p1 [hbm4b:s26+s24], $0x80, $0x38;
	[tilespmem:$0x1FD00] =	vst v63  }
0xa4: {  	s8 =	smov.u32 s0;
	s0 =	sadd.s32 $0x100, s0;
	_ =	swait.ge [sflag:s28], $0x4000  }
0xa5: {  	p2 =	sne.s32 s0, $0x3D80;
	[sflag:s28] =	ssyncset.done $0x0  }
0xa6: {  	[sflag:s28] =	ssyncadd.s32 $0xFFFFC000  }
0xa7: {  	_ =	swait.ge [sflag:s29], $0x80  }
0xa8: {  	[sflag:s29] =	ssyncset.done $0x0  }
0xa9: {  	[sflag:s29] =	ssyncadd.s32 $0xFFFFFF80  }
0xaa: {  	[spmem:s2] =	stream.indirect.scatter.add.f32 [tilespmem:s22], [sflag:$0x5], $0x80, s23, s21, $0xb8;
	[tilespmem:$0x1FD00] =	vst v63  }
0xab: {  	_ =	swait.ge [sflag:s30], $0x4000  }
0xac: {  	p1 =	sge.u32 s1, s12;
	[sflag:s30] =	ssyncset.done $0x0  }
0xad: {  	s9 =	simm.s32 @p1 $0x2;
	s13 =	sand.u32 @!p1 $0x7C00, s8;
	[sflag:s30] =	ssyncadd.s32 $0xFFFFC000  }
0xae: {  	s17 =	sadd.s32 @!p1 $0xFFFFFF80, s8;
	s25 =	simm.s32 @!p1 $0x2;
	_ =	swait.ge @p1 [sflag:s9], $0x4000  }
0xaf: {  	s8 =	sand.u32 @!p1 $0x380, s8;
	s24 =	sand.u32 @!p1 $0x7C00, s17;
	[sflag:s9] =	ssyncset.done @p1 $0x0  }
0xb0: {  	s24 =	sadd.s32 @!p1 s6, s24;
	[sflag:s9] =	ssyncadd.s32 @p1 $0xFFFFC000;
	s9 =	simm.s32 @p1 $0x4  }
0xb1: {  	s17 =	sand.u32 @!p1 $0x300, s17;
	s13 =	sadd.s32 @!p1 s6, s13;
	_ =	swait.ge @p1 [sflag:s9], $0x80  }
0xb2: {  	s26 =	simm.s32 @p1 $0x1BC00;
	s14 =	simm.s32 @p1 $0x6;
	[sflag:s9] =	ssyncset.done @p1 $0x0  }
0xb3: {  	s15 =	simm.s32 @p1 $0x1FC80;
	[sflag:s9] =	ssyncadd.s32 @p1 $0xFFFFFF80;
	s9 =	simm.s32 @p1 $0x80  }
0xb4: {  	[spmem:s2] =	stream.indirect.scatter.add.f32 @p1 [tilespmem:s26], [sflag:$0x6], $0x80, s15, s9, $0xb8;
	[tilespmem:$0x1FD00] =	vst v63  }
0xb5: {  	s8 =	sor.u32 @!p1 s8, s13;
	s9 =	sor.u32 @!p1 s17, s24;
	_ =	swait.ge @p1 [sflag:s14], $0x4000  }
0xb6: {  	s13 =	simm.s32 @!p1 $0x17C00;
	s9 =	sshrl.u32 @!p1 s9, $0x3;
	[sflag:s14] =	ssyncset.done @p1 $0x0  }
0xb7: {  	s15 =	simm.s32 @!p1 $0x80;
	[sflag:s14] =	ssyncadd.s32 @p1 $0xFFFFC000;
	s14 =	sadd.s32 @!p1 $0xFFFFFF80, s7  }
0xb8: {  	[tilespmem:s13], [sflag:$0x1] =	stream.indirect.gather @!p1 [hbm4b:s4+s15], $0x80, s14, s15, $0xb8;
	[tilespmem:$0x1FD00] =	vst v63  }
0xb9: {  	s24 =	simm.s32 @!p1 $0x0;
	s9 =	sadd.s32 @!p1 s5, s9;
	s13 =	simm.s32 @!p1 $0x1FC00  }
0xba: {  	[tilespmem:s13], [sflag:$0x3] =	stream.linear.gather @!p1 [hbm4b:s9+s24], $0x80, $0x38;
	[tilespmem:$0x1FD00] =	vst v63  }
0xbb: {  	s8 =	sshrl.u32 @!p1 s8, $0x3;
	_ =	swait.ge @!p1 [sflag:s25], $0x4000  }
0xbc: {  	s26 =	sadd.s32 @!p1 s5, s8;
	[sflag:s25] =	ssyncset.done @!p1 $0x0  }
0xbd: {  	s8 =	simm.s32 @!p1 $0x4;
	[sflag:s25] =	ssyncadd.s32 @!p1 $0xFFFFC000  }
0xbe: {  	_ =	swait.ge @!p1 [sflag:s8], $0x80  }
0xbf: {  	s9 =	simm.s32 @!p1 $0x6;
	[sflag:s8] =	ssyncset.done @!p1 $0x0  }
0xc0: {  	s25 =	simm.s32 @!p1 $0x1FC80;
	[sflag:s8] =	ssyncadd.s32 @!p1 $0xFFFFFF80;
	s8 =	simm.s32 @!p1 $0x1BC00  }
0xc1: {  	[spmem:s2] =	stream.indirect.scatter.add.f32 @!p1 [tilespmem:s8], [sflag:$0x6], $0x80, s25, s15, $0xb8;
	[tilespmem:$0x1FD00] =	vst v63  }
.Ltmp4:
0xc2: {  	_ =	swait.ge @!p1 [sflag:s9], $0x4000;
	(pc) =	sbr.rel @p2 .LBB2_5-.Ltmp4, $4  }
0xc3: {  	[sflag:s9] =	ssyncset.done @!p1 $0x0  }
0xc4: {  	[sflag:s9] =	ssyncadd.s32 @!p1 $0xFFFFC000  }
0xc5: {  	[tilespmem:s8], [sflag:$0x2] =	stream.indirect.gather @!p1 [hbm4b:s4+s15], $0x80, s7, s15, $0xb8;
	[tilespmem:$0x1FD00] =	vst v63  }
0xc6: {  	s1 =	sadd.s32 $0x1, s1;
	s7 =	sadd.s32 $0x100, s7  }
.Ltmp5:
0xc7: {  	_ = 	snop;
	(pc) =	sbr.rel .LBB2_6-.Ltmp5, $1  }
0xc8: {  	_ =	sdelay $0x3  }
.LBB2_8:
0xc9: {  	_ =	sfence.sel $0x180000  }
0xca: {  	[bflag:$0x0] =	sbarrier.arrive $0xFFFF  }
0xcb: {  	_ =	strace $0x9000004D  }
0xcc: {  	s0 =	stileid.u32;
	[bflag:$0x2] =	sbarrier.arrive $0xFFFF  }
0xcd: {  	p0 =	sne.s32 s0, $0x0;
	s0 =	rddreg [dreg:$0x3]  }
0xce: {  	s0 =	sadd.s32 @!p0 $0x100000, s0  }
0xcf: {  	[sflag:s0] =	ssyncadd.tile.s32 @!p0 $0x1;
	_ =	shalt  }
.Lfunc_end2:
_tile_overlayer_lowered:
.L_overlay_start_2:
0xd0: {  	(tag) =	ssettag $0x2  }
0xd1: {  	s0 =	rddreg [dreg:$0x0];
	s2 =	stileid.u32  }
0xd2: {  	s1 =	rddreg [dreg:$0x1];
	p0 =	sne.s32 s2, $0x0  }
0xd3: {  	s3 =	rddreg [dreg:$0x2];
	[bflag:$0x3] =	sbarrier.arrive $0xFFFF;
	s2 =	simm.s32 @!p0 $0x1C07  }
0xd4: {  	[timem:s3], [sflag:s2] =	dma.local @!p0 [hbm:s0], s1  }
0xd5: {  	s0 =	simm.s32 @!p0 $0x7  }
0xd6: {  	_ =	swait.ge @!p0 [sflag:s0], s1  }
0xd7: {  	s1 =	ssub.s32 @!p0 $0x0, s1;
	[sflag:s0] =	ssyncset.done @!p0 $0x0  }
0xd8: {  	[sflag:s0] =	ssyncadd.s32 @!p0 s1  }
0xd9: {  	[bflag:$0x3] =	sbarrier.arrive $0xFFFF  }
0xda: {  	_ =	shalt  }

// kernel: kernel.8.cloned.1.call-start
scs
__scs_entry_jumppad:
0x0: {  	(pc) =	sbr.rel $0x88, $3  }
0x1: {  	(tag) =	ssettag $0x0;
	lr =	simm.s32 $0x1  }
0x2: {  	[smem:$0x3F97] =	sst lr;
	_ =	strace $0xD0000000  }
0x3: {  	_ = 	snop  }
0x4: {  	_ = 	snop  }
0x5: {  	_ = 	snop  }
0x6: {  	_ = 	snop  }
0x7: {  	_ = 	snop  }
__scs_overlays_trampoline_lowered:
0x8: {  	[smem:$0x3FA6] =	sst s0  }
0x9: {  	[smem:$0x3FA7] =	sst s1  }
0xa: {  	[smem:$0x3FA8] =	sst s2  }
0xb: {  	[smem:$0x3FA9] =	sst s3  }
0xc: {  	[smem:$0x3FAA] =	sst s4  }
0xd: {  	[smem:$0x3FAB] =	sst s5  }
0xe: {  	[smem:$0x3FAC] =	sst s6  }
0xf: {  	[smem:$0x3FAD] =	sst s7  }
0x10: {  	[smem:$0x3FAE] =	sst s8  }
0x11: {  	[smem:$0x3FAF] =	sst s9;
	s0 =	simm.s32 @!p0 $0x0  }
0x12: {  	s1 =	sld [smem:$0x3F95];
	s0 =	simm.s32 @p0 $0x1  }
0x13: {  	[smem:$0x3FB0] =	sst s0;
	s0 =	simm.s32 @!p1 $0x0  }
0x14: {  	s2 =	sld [smem:$0x3F94];
	s0 =	simm.s32 @p1 $0x1  }
0x15: {  	[smem:$0x3FB1] =	sst s0;
	s0 =	simm.s32 @!p2 $0x0  }
0x16: {  	s3 =	sld [smem:$0x3FDB];
	s0 =	simm.s32 @p2 $0x1  }
0x17: {  	s4 =	simm.s32 $0x1BF5;
	[smem:$0x3FB3] =	sst s0  }
0x18: {  	s0 =	sld [smem:$0x3F96];
	_ =	swait.ge [sflag:s4], $0x0  }
0x19: {  	s7 =	sld [smem:$0x3F97]  }
0x1a: {  	s8 =	sadd.s32 $0xFFFFE003, lr  }
0x1b: {  	s9 =	sadd.s32 $0xFFFFFEF7, lr;
	s5 =	simm.s32 $0xFFFFFFFF;
	p2 =	slt.u32 s8, $0xFFFFF086  }
0x1c: {  	p1 =	slt.u32 s9, $0xF7A;
	s5 =	simm.s32 @!p2 $0x0  }
0x1d: {  	s5 =	simm.s32 @p1 $0x1;
	p0 =	seq.s32 s7, s2  }
0x1e: {  	s7 =	smul.u32 @!p0 $0xF7A, s2;
	p2 =	seq.s32 @!p0 s5, $0x0  }
0x1f: {  	s9 =	smul.u32 $0xF7A, s1;
	s8 =	simm.s32 @!p0 $0x1BF5;
	p2 =	por !p2, p0  }
0x20: {  	[sflag:s8] =	ssyncset.s32 @!p0 $0xFFFFF086;
	s6 =	sadd.s32 @!p0 s3, s7;
	s7 =	simm.s32 @!p0 $0x108  }
0x21: {  	s3 =	sadd.s32 s3, s9;
	s6 =	sadd.s32 @!p0 $0x88, s6;
	s7 =	simm.s32 @p2 $0x1082  }
0x22: {  	[simem:s7], [sflag:s8] =	dma.local @!p0 [hbm:s6], $0xF7A  }
0x23: {  	s9 =	sor.u32 $0xD0000000, s2;
	s6 =	simm.s32 $0x108;
	_ =	swait.ge @!p0 [sflag:s8], $0x0  }
0x24: {  	s3 =	sadd.s32 $0x88, s3;
	s6 =	simm.s32 @!p1 $0x1082;
	[sflag:s4] =	ssyncset.s32 $0xFFFFF086  }
0x25: {  	[simem:s6], [sflag:s4] =	dma.local [hbm:s3], $0xF7A  }
0x26: {  	[smem:$0x3F97] =	sst s1;
	(tag) =	ssettag s2;
	_ =	strace s9  }
0x27: {  	s1 =	sld [smem:$0x3FA7]  }
0x28: {  	s2 =	sld [smem:$0x3FA8]  }
0x29: {  	s4 =	sld [smem:$0x3FAA]  }
0x2a: {  	p0 =	seq.s32 s5, $0x0;
	s5 =	sld [smem:$0x3FAB]  }
0x2b: {  	s6 =	sld [smem:$0x3FAC]  }
0x2c: {  	s7 =	sld [smem:$0x3FAD]  }
0x2d: {  	s3 =	simm.s32 $0x108;
	s8 =	sld [smem:$0x3FAE]  }
0x2e: {  	s3 =	simm.s32 @!p0 $0x1082;
	s9 =	sld [smem:$0x3FAF]  }
0x2f: {  	lr =	sadd.s32 s0, s3;
	s0 =	sld [smem:$0x3FA6]  }
0x30: {  	s3 =	sld [smem:$0x3FA9]  }
0x31: {  	[smem:$0x3FB2] =	sst s10  }
0x32: {  	s10 =	sld [smem:$0x3FB0];
	_ =	sdelay $0x3  }
0x33: {  	p0 =	seq.s32 s10, $0x1;
	s10 =	sld [smem:$0x3FB2];
	_ =	sdelay $0x3  }
0x34: {  	[smem:$0x3FB2] =	sst s10  }
0x35: {  	s10 =	sld [smem:$0x3FB1];
	_ =	sdelay $0x3  }
0x36: {  	p1 =	seq.s32 s10, $0x1;
	s10 =	sld [smem:$0x3FB2];
	_ =	sdelay $0x3  }
0x37: {  	[smem:$0x3FB2] =	sst s10  }
0x38: {  	s10 =	sld [smem:$0x3FB3]  }
0x39: {  	_ = 	snop;
	(pc) =	sbr.ind lr, $3  }
0x3a: {  	_ = 	snop  }
0x3b: {  	_ = 	snop  }
0x3c: {  	p2 =	seq.s32 s10, $0x1;
	s10 =	sld [smem:$0x3FB2]  }
0x3d: {  	_ =	shalt  }
0x3e: {  	_ =	shalt  }
0x3f: {  	_ =	shalt  }
0x40: {  	_ =	shalt  }
0x41: {  	_ =	shalt  }
0x42: {  	_ =	shalt  }
0x43: {  	_ =	shalt  }
0x44: {  	_ =	shalt  }
0x45: {  	_ =	shalt  }
0x46: {  	_ =	shalt  }
0x47: {  	_ =	shalt  }
0x48: {  	_ =	shalt  }
0x49: {  	_ =	shalt  }
0x4a: {  	_ =	shalt  }
0x4b: {  	_ =	shalt  }
0x4c: {  	_ =	shalt  }
0x4d: {  	_ =	shalt  }
0x4e: {  	_ =	shalt  }
0x4f: {  	_ =	shalt  }
0x50: {  	_ =	shalt  }
0x51: {  	_ =	shalt  }
0x52: {  	_ =	shalt  }
0x53: {  	_ =	shalt  }
0x54: {  	_ =	shalt  }
0x55: {  	_ =	shalt  }
0x56: {  	_ =	shalt  }
0x57: {  	_ =	shalt  }
0x58: {  	_ =	shalt  }
0x59: {  	_ =	shalt  }
0x5a: {  	_ =	shalt  }
0x5b: {  	_ =	shalt  }
0x5c: {  	_ =	shalt  }
0x5d: {  	_ =	shalt  }
0x5e: {  	_ =	shalt  }
0x5f: {  	_ =	shalt  }
0x60: {  	_ =	shalt  }
0x61: {  	_ =	shalt  }
0x62: {  	_ =	shalt  }
0x63: {  	_ =	shalt  }
0x64: {  	_ =	shalt  }
0x65: {  	_ =	shalt  }
0x66: {  	_ =	shalt  }
0x67: {  	_ =	shalt  }
0x68: {  	_ =	shalt  }
0x69: {  	_ =	shalt  }
0x6a: {  	_ =	shalt  }
0x6b: {  	_ =	shalt  }
0x6c: {  	_ =	shalt  }
0x6d: {  	_ =	shalt  }
0x6e: {  	_ =	shalt  }
0x6f: {  	_ =	shalt  }
0x70: {  	_ =	shalt  }
0x71: {  	_ =	shalt  }
0x72: {  	_ =	shalt  }
0x73: {  	_ =	shalt  }
0x74: {  	_ =	shalt  }
0x75: {  	_ =	shalt  }
0x76: {  	_ =	shalt  }
0x77: {  	_ =	shalt  }
0x78: {  	_ =	shalt  }
0x79: {  	_ =	shalt  }
0x7a: {  	_ =	shalt  }
0x7b: {  	_ =	shalt  }
0x7c: {  	_ =	shalt  }
0x7d: {  	_ =	shalt  }
0x7e: {  	_ =	shalt  }
0x7f: {  	_ =	shalt  }
0x80: {  	_ =	shalt  }
0x81: {  	_ =	shalt  }
0x82: {  	_ =	shalt  }
0x83: {  	_ =	shalt  }
0x84: {  	_ =	shalt  }
0x85: {  	_ =	shalt  }
0x86: {  	_ =	shalt  }
0x87: {  	_ =	shalt  }
.Lfunc_end0:
.L_simem_size_0:
called_computation_lowered:
.L_overlay_start_0:
0x88: {  	s2 =	sld [smem:$0x3FD9]  }
0x89: {  	s3 =	sld [smem:$0x3FFE];
	_ =	sdelay $0x1  }
0x8a: {  	s1 =	srdreg.scid  }
0x8b: {  	s0 =	sand.u32 $0x1, s1  }
0x8c: {  	s16 =	sshll.u32 s0, $0xA;
	s2 =	sadd.s32 s3, s2  }
0x8d: {  	s2 =	sadd.s32 s2, s16  }
0x8e: {  	[smem:$0x3FBE] =	sst s2  }
0x8f: {  	_ = 	snop  }
0x90: {  	(tm) =	ssettm $0x1  }
0x91: {  	s17 =	sld [smem:$0x3FFB];
	_ =	sdelay $0x3  }
0x92: {  	_ =	strace s17  }
0x93: {  	s2 =	sld [smem:$0x3FFC];
	_ =	sdelay $0x3  }
0x94: {  	_ =	strace s2  }
0x95: {  	s2 =	sld [smem:$0x3FFD];
	_ =	sdelay $0x3  }
0x96: {  	_ =	strace s2  }
0x97: {  	_ =	strace $0x8FFFFFFF  }
0x98: {  	s18 =	sld [smem:$0x3FDB];
	_ =	sdelay $0x1  }
0x99: {  	s19 =	simm.s32 $_scs_section_size  }
0x9a: {  	s4 =	simm.s32 $_size__tile_overlayer_lowered;
	s5 =	simm.s32 $_tile_overlayer_lowered  }
0x9b: {  	s22 =	simm.s32 $0x1BFF;
	s21 =	sshll.u32 s5, $0x1;
	s2 =	sadd.s32 s19, s18  }
0x9c: {  	s6 =	simm.s32 $0x0;
	s20 =	sshll.u32 s4, $0x1;
	s4 =	sadd.s32 s21, s2  }
0x9d: {  	[timem:s6], [sflag:s22] =	dma.local [hbm:s4], s20  }
0x9e: {  	_ =	swait.ge [sflag:s22], s20  }
0x9f: {  	s3 =	ssub.s32 $0x0, s20;
	[sflag:s22] =	ssyncset.done $0x0  }
0xa0: {  	[sflag:s22] =	ssyncadd.s32 s3;
	_ =	sdelay $0x1  }
0xa1: {  	s23 =	simm.s32 $0x1B8B  }
0xa2: {  	_ =	swait.ge [sflag:s23], $0x1  }
0xa3: {  	[sflag:s23] =	ssyncset.done $0x0  }
0xa4: {  	s25 =	simm.s32 $0x1B8E;
	s24 =	sld [smem:$0x3FFE];
	[sflag:s23] =	ssyncadd.s32 $0xFFFFFFFF  }
0xa5: {  	s26 =	simm.s32 $execute0_lowered;
	[smem:$0x3FD2] =	sst s25  }
0xa6: {  	s4 =	sshll.u32 s26, $0x1;
	_ =	strace $0x80000046;
	[dreg:$0x1] =	wrdreg $0xFFFFFFFF  }
0xa7: {  	s28 =	simm.s32 $_size_execute0_lowered;
	s2 =	sadd.s32 s2, s4;
	[dreg:$0x0] =	wrdreg $0x0  }
0xa8: {  	s4 =	sshll.u32 s28, $0x1;
	[dreg:$0x2] =	wrdreg s2  }
0xa9: {  	[dreg:$0x3] =	wrdreg s4  }
0xaa: {  	[dreg:$0x4] =	wrdreg $0xC0  }
0xab: {  	_ =	task [dreg:s6], $0x5FFFF  }
0xac: {  	[dreg:$0x1] =	wrdreg $0xFFFFFFFF  }
0xad: {  	[dreg:$0x0] =	wrdreg $0x60  }
0xae: {  	[dreg:$0x2] =	wrdreg s24  }
0xaf: {  	[dreg:$0x3] =	wrdreg $0x0  }
0xb0: {  	[dreg:$0x4] =	wrdreg $0x9  }
0xb1: {  	_ =	task.clear_ibuf [dreg:s6], $0x5FFFF;
	_ =	strace $0x90000046  }
0xb2: {  	s29 =	simm.s32 $0x9;
	_ =	strace $0x80000048  }
0xb3: {  	_ =	swait.ge [sflag:s29], $0x1  }
0xb4: {  	[sflag:s29] =	ssyncadd.s32 $0xFFFFFFFF  }
0xb5: {  	_ =	strace $0x90000048  }
0xb6: {  	_ =	sfence  }
0xb7: {  	s30 =	sld [smem:$0x0];
	_ =	sdelay $0x2  }
0xb8: {  	s31 =	sshll.u32 s1, $0xD;
	s1 =	sshrl.u32 s1, $0x2  }
0xb9: {  	s3 =	sand.u32 $0x4000, s31;
	s1 =	sadd.s32 s1, s30  }
0xba: {  	s0 =	sor.u32 s3, s0;
	s1 =	sshll.u32 s1, $0x11  }
0xbb: {  	s0 =	sor.u32 s1, s0  }
0xbc: {  	s0 =	sadd.s32 $0x8F2B, s0  }
0xbd: {  	[sflag:s0] =	ssyncadd.remote.s32 $0x1  }
0xbe: {  	_ =	sfence.sel $0xFFFF  }
0xbf: {  	[dreg:$0x0] =	wrdreg $0xFFFFFFFF;
	(pc) =	sbr.abs _section_cstart, $3  }
0xc0: {  	[dreg:$0x1] =	wrdreg $0xFFFFFFFF  }
0xc1: {  	_ =	task.clear_ibuf [dreg:s6], $0x2FFFF;
	_ =	strace $0x9FFFFFFF  }
0xc2: {  	(tm) =	ssettm $0x7FFFFFFF  }
0xc3: {  	_ =	shalt  }
tec
execute0_lowered:
.L_overlay_start_1:
0x0: {  	(tag) =	ssettag $0x1  }
0x1: {  	s0 =	rddreg [dreg:$0x0]  }
0x2: {  	s2 =	rddreg [dreg:$0x1];
	s3 =	simm.s32 $0x0  }
0x3: {  	s17 =	stileid.u32;
	s1 =	srdreg.scid;
	s20 =	simm.s32 $0x6900  }
0x4: {  	s21 =	simm.s32 $0x5;
	s22 =	simm.s32 $0x2800;
	s23 =	simm.s32 $0x2880  }
0x5: {  	s28 =	simm.s32 $0x2;
	s29 =	simm.s32 $0x3;
	s30 =	simm.s32 $0x4  }
0x6: {  	s31 =	simm.s32 $0x0;
	[smem:$0x7FF] =	sst s3;
	s5 =	smul.u32 $0x50000, s17  }
0x7: {  	s1 =	sand.u32 $0x1, s1;
	s4 =	sadd.s32 $0x4E00, s0;
	s8 =	sshll.u32 s17, $0x1  }
0x8: {  	s19 =	smul.u32 $0x2800, s17;
	_ =	strace $0x80000047;
	s6 =	ssub.s32 $0x2, s1  }
0x9: {  	s12 =	sor.u32 s1, s8;
	p0 =	seq.s32 s1, $0x1;
	s1 =	simm.s32 $0x36E00  }
0xa: {  	s5 =	sshrl.u32 s5, $0x2;
	s7 =	sshrl.u32 s6, $0x1;
	s12 =	smul.u32 $0x2800, s12  }
0xb: {  	s1 =	simm.s32 @!p0 $0xEE00;
	s5 =	sadd.s32 s5, s2;
	s18 =	ssub.s32 s6, s7  }
0xc: {  	s0 =	sadd.s32 s1, s0;
	s24 =	sadd.s32 $0x2000, s5;
	s25 =	sadd.s32 $0x4000, s5  }
0xd: {  	s26 =	sadd.s32 $0x6000, s5;
	s9 =	sadd.s32 $0x8000, s5;
	s10 =	sadd.s32 $0xA000, s5  }
0xe: {  	s11 =	sadd.s32 $0xC000, s5;
	s13 =	sadd.s32 $0xE000, s5;
	s14 =	sadd.s32 $0x10000, s5  }
0xf: {  	s15 =	sadd.s32 $0x12000, s5;
	s16 =	sshrl.u32 s12, $0x3;
	[dreg:$0x3] =	wrdreg s24  }
0x10: {  	s18 =	smax.u32 s18, $0x1;
	s19 =	sadd.s32 s0, s19;
	[dreg:$0x4] =	wrdreg s25  }
0x11: {  	[dreg:$0x5] =	wrdreg s26;
	s16 =	sadd.s32 s4, s16;
	s24 =	simm.s32 $0x1  }
0x12: {  	v0 =	vimm.f32 $1.000000000e+00;
	v1 =	vimm.f32 $0.0e+00;
	s25 =	simm.s32 $0x80;
	s26 =	simm.s32 $0x2900;
	s17 =	sadd.s32 $0x10, s16  }
.LBB2_1:
0x13: {  	[tilespmem:$0x2900] =	vst v0  }
0x14: {  	[tilespmem:$0x2980] =	vst v0  }
0x15: {  	[tilespmem:$0x2A00] =	vst v0  }
0x16: {  	[tilespmem:$0x2A80] =	vst v0  }
0x17: {  	[tilespmem:$0x2B00] =	vst v0  }
0x18: {  	[tilespmem:$0x2B80] =	vst v0  }
0x19: {  	[tilespmem:$0x2C00] =	vst v0  }
0x1a: {  	[tilespmem:$0x2C80] =	vst v0  }
0x1b: {  	[tilespmem:$0x2D00] =	vst v0  }
0x1c: {  	[tilespmem:$0x2D80] =	vst v0  }
0x1d: {  	[tilespmem:$0x2E00] =	vst v0  }
0x1e: {  	[tilespmem:$0x2E80] =	vst v0  }
0x1f: {  	[tilespmem:$0x2F00] =	vst v0  }
0x20: {  	[tilespmem:$0x2F80] =	vst v0  }
0x21: {  	[tilespmem:$0x3000] =	vst v0  }
0x22: {  	[tilespmem:$0x3080] =	vst v0  }
0x23: {  	[tilespmem:$0x3100] =	vst v0  }
0x24: {  	[tilespmem:$0x3180] =	vst v0  }
0x25: {  	[tilespmem:$0x3200] =	vst v0  }
0x26: {  	[tilespmem:$0x3280] =	vst v0  }
0x27: {  	[tilespmem:$0x3300] =	vst v0  }
0x28: {  	[tilespmem:$0x3380] =	vst v0  }
0x29: {  	[tilespmem:$0x3400] =	vst v0  }
0x2a: {  	[tilespmem:$0x3480] =	vst v0  }
0x2b: {  	[tilespmem:$0x3500] =	vst v0  }
0x2c: {  	[tilespmem:$0x3580] =	vst v0  }
0x2d: {  	[tilespmem:$0x3600] =	vst v0  }
0x2e: {  	[tilespmem:$0x3680] =	vst v0  }
0x2f: {  	[tilespmem:$0x3700] =	vst v0  }
0x30: {  	[tilespmem:$0x3780] =	vst v0  }
0x31: {  	[tilespmem:$0x3800] =	vst v0  }
0x32: {  	[tilespmem:$0x3880] =	vst v0  }
0x33: {  	[tilespmem:$0x3900] =	vst v0  }
0x34: {  	[tilespmem:$0x3980] =	vst v0  }
0x35: {  	[tilespmem:$0x3A00] =	vst v0  }
0x36: {  	[tilespmem:$0x3A80] =	vst v0  }
0x37: {  	[tilespmem:$0x3B00] =	vst v0  }
0x38: {  	[tilespmem:$0x3B80] =	vst v0  }
0x39: {  	[tilespmem:$0x3C00] =	vst v0  }
0x3a: {  	[tilespmem:$0x3C80] =	vst v0  }
0x3b: {  	[tilespmem:$0x3D00] =	vst v0  }
0x3c: {  	[tilespmem:$0x3D80] =	vst v0  }
0x3d: {  	[tilespmem:$0x3E00] =	vst v0  }
0x3e: {  	[tilespmem:$0x3E80] =	vst v0  }
0x3f: {  	[tilespmem:$0x3F00] =	vst v0  }
0x40: {  	[tilespmem:$0x3F80] =	vst v0  }
0x41: {  	[tilespmem:$0x4000] =	vst v0  }
0x42: {  	[tilespmem:$0x4080] =	vst v0  }
0x43: {  	[tilespmem:$0x4100] =	vst v0  }
0x44: {  	[tilespmem:$0x4180] =	vst v0  }
0x45: {  	[tilespmem:$0x4200] =	vst v0  }
0x46: {  	[tilespmem:$0x4280] =	vst v0  }
0x47: {  	[tilespmem:$0x4300] =	vst v0  }
0x48: {  	[tilespmem:$0x4380] =	vst v0  }
0x49: {  	[tilespmem:$0x4400] =	vst v0  }
0x4a: {  	[tilespmem:$0x4480] =	vst v0  }
0x4b: {  	[tilespmem:$0x4500] =	vst v0  }
0x4c: {  	[tilespmem:$0x4580] =	vst v0  }
0x4d: {  	[tilespmem:$0x4600] =	vst v0  }
0x4e: {  	[tilespmem:$0x4680] =	vst v0  }
0x4f: {  	[tilespmem:$0x4700] =	vst v0  }
0x50: {  	[tilespmem:$0x4780] =	vst v0  }
0x51: {  	[tilespmem:$0x4800] =	vst v0  }
0x52: {  	[tilespmem:$0x4880] =	vst v0  }
0x53: {  	[tilespmem:$0x4900] =	vst v0  }
0x54: {  	[tilespmem:$0x4980] =	vst v0  }
0x55: {  	[tilespmem:$0x4A00] =	vst v0  }
0x56: {  	[tilespmem:$0x4A80] =	vst v0  }
0x57: {  	[tilespmem:$0x4B00] =	vst v0  }
0x58: {  	[tilespmem:$0x4B80] =	vst v0  }
0x59: {  	[tilespmem:$0x4C00] =	vst v0  }
0x5a: {  	[tilespmem:$0x4C80] =	vst v0  }
0x5b: {  	[tilespmem:$0x4D00] =	vst v0  }
0x5c: {  	[tilespmem:$0x4D80] =	vst v0  }
0x5d: {  	[tilespmem:$0x4E00] =	vst v0  }
0x5e: {  	[tilespmem:$0x4E80] =	vst v0  }
0x5f: {  	[tilespmem:$0x4F00] =	vst v0  }
0x60: {  	[tilespmem:$0x4F80] =	vst v0  }
0x61: {  	[tilespmem:$0x5000] =	vst v0  }
0x62: {  	[tilespmem:$0x5080] =	vst v0  }
0x63: {  	[tilespmem:$0x5100] =	vst v0  }
0x64: {  	[tilespmem:$0x5180] =	vst v0  }
0x65: {  	[tilespmem:$0x5200] =	vst v0  }
0x66: {  	[tilespmem:$0x5280] =	vst v0  }
0x67: {  	[tilespmem:$0x5300] =	vst v0  }
0x68: {  	[tilespmem:$0x5380] =	vst v0  }
0x69: {  	[tilespmem:$0x5400] =	vst v0  }
0x6a: {  	[tilespmem:$0x5480] =	vst v0  }
0x6b: {  	[tilespmem:$0x5500] =	vst v0  }
0x6c: {  	[tilespmem:$0x5580] =	vst v0  }
0x6d: {  	[tilespmem:$0x5600] =	vst v0  }
0x6e: {  	[tilespmem:$0x5680] =	vst v0  }
0x6f: {  	[tilespmem:$0x5700] =	vst v0  }
0x70: {  	[tilespmem:$0x5780] =	vst v0  }
0x71: {  	[tilespmem:$0x5800] =	vst v0  }
0x72: {  	[tilespmem:$0x5880] =	vst v0  }
0x73: {  	[tilespmem:$0x5900] =	vst v0  }
0x74: {  	[tilespmem:$0x5980] =	vst v0  }
0x75: {  	[tilespmem:$0x5A00] =	vst v0  }
0x76: {  	[tilespmem:$0x5A80] =	vst v0  }
0x77: {  	[tilespmem:$0x5B00] =	vst v0  }
0x78: {  	[tilespmem:$0x5B80] =	vst v0  }
0x79: {  	[tilespmem:$0x5C00] =	vst v0  }
0x7a: {  	[tilespmem:$0x5C80] =	vst v0  }
0x7b: {  	[tilespmem:$0x5D00] =	vst v0  }
0x7c: {  	[tilespmem:$0x5D80] =	vst v0  }
0x7d: {  	[tilespmem:$0x5E00] =	vst v0  }
0x7e: {  	[tilespmem:$0x5E80] =	vst v0  }
0x7f: {  	[tilespmem:$0x5F00] =	vst v0  }
0x80: {  	[tilespmem:$0x5F80] =	vst v0  }
0x81: {  	[tilespmem:$0x6000] =	vst v0  }
0x82: {  	[tilespmem:$0x6080] =	vst v0  }
0x83: {  	[tilespmem:$0x6100] =	vst v0  }
0x84: {  	[tilespmem:$0x6180] =	vst v0  }
0x85: {  	[tilespmem:$0x6200] =	vst v0  }
0x86: {  	[tilespmem:$0x6280] =	vst v0  }
0x87: {  	[tilespmem:$0x6300] =	vst v0  }
0x88: {  	[tilespmem:$0x6380] =	vst v0  }
0x89: {  	[tilespmem:$0x6400] =	vst v0  }
0x8a: {  	[tilespmem:$0x6480] =	vst v0  }
0x8b: {  	[tilespmem:$0x6500] =	vst v0  }
0x8c: {  	[tilespmem:$0x6580] =	vst v0  }
0x8d: {  	[tilespmem:$0x6600] =	vst v0  }
0x8e: {  	[tilespmem:$0x6680] =	vst v0  }
0x8f: {  	[tilespmem:$0x6700] =	vst v0  }
0x90: {  	[tilespmem:$0x6780] =	vst v0  }
0x91: {  	[tilespmem:$0x6800] =	vst v0  }
0x92: {  	[tilespmem:$0x6880] =	vst v0  }
0x93: {  	[tilespmem:$0x6900] =	vst v1  }
0x94: {  	[tilespmem:$0x6980] =	vst v1  }
0x95: {  	[tilespmem:$0x6A00] =	vst v1  }
0x96: {  	[tilespmem:$0x6A80] =	vst v1  }
0x97: {  	[tilespmem:$0x6B00] =	vst v1  }
0x98: {  	[tilespmem:$0x6B80] =	vst v1  }
0x99: {  	[tilespmem:$0x6C00] =	vst v1  }
0x9a: {  	[tilespmem:$0x6C80] =	vst v1  }
0x9b: {  	[tilespmem:$0x6D00] =	vst v1  }
0x9c: {  	[tilespmem:$0x6D80] =	vst v1  }
0x9d: {  	[tilespmem:$0x6E00] =	vst v1  }
0x9e: {  	[tilespmem:$0x6E80] =	vst v1  }
0x9f: {  	[tilespmem:$0x6F00] =	vst v1  }
0xa0: {  	[tilespmem:$0x6F80] =	vst v1  }
0xa1: {  	[tilespmem:$0x7000] =	vst v1  }
0xa2: {  	[tilespmem:$0x7080] =	vst v1  }
0xa3: {  	[tilespmem:$0x7100] =	vst v1  }
0xa4: {  	[tilespmem:$0x7180] =	vst v1  }
0xa5: {  	[tilespmem:$0x7200] =	vst v1  }
0xa6: {  	[tilespmem:$0x7280] =	vst v1  }
0xa7: {  	[tilespmem:$0x7300] =	vst v1  }
0xa8: {  	[tilespmem:$0x7380] =	vst v1  }
0xa9: {  	[tilespmem:$0x7400] =	vst v1  }
0xaa: {  	[tilespmem:$0x7480] =	vst v1  }
0xab: {  	[tilespmem:$0x7500] =	vst v1  }
0xac: {  	[tilespmem:$0x7580] =	vst v1  }
0xad: {  	[tilespmem:$0x7600] =	vst v1  }
0xae: {  	[tilespmem:$0x7680] =	vst v1  }
0xaf: {  	[tilespmem:$0x7700] =	vst v1  }
0xb0: {  	[tilespmem:$0x7780] =	vst v1  }
0xb1: {  	[tilespmem:$0x7800] =	vst v1  }
0xb2: {  	[tilespmem:$0x7880] =	vst v1  }
0xb3: {  	[tilespmem:$0x7900] =	vst v1  }
0xb4: {  	[tilespmem:$0x7980] =	vst v1  }
0xb5: {  	[tilespmem:$0x7A00] =	vst v1  }
0xb6: {  	[tilespmem:$0x7A80] =	vst v1  }
0xb7: {  	[tilespmem:$0x7B00] =	vst v1  }
0xb8: {  	[tilespmem:$0x7B80] =	vst v1  }
0xb9: {  	[tilespmem:$0x7C00] =	vst v1  }
0xba: {  	[tilespmem:$0x7C80] =	vst v1  }
0xbb: {  	[tilespmem:$0x7D00] =	vst v1  }
0xbc: {  	[tilespmem:$0x7D80] =	vst v1  }
0xbd: {  	[tilespmem:$0x7E00] =	vst v1  }
0xbe: {  	[tilespmem:$0x7E80] =	vst v1  }
0xbf: {  	[tilespmem:$0x7F00] =	vst v1  }
0xc0: {  	[tilespmem:$0x7F80] =	vst v1  }
0xc1: {  	[tilespmem:$0x8000] =	vst v1  }
0xc2: {  	[tilespmem:$0x8080] =	vst v1  }
0xc3: {  	[tilespmem:$0x8100] =	vst v1  }
0xc4: {  	[tilespmem:$0x8180] =	vst v1  }
0xc5: {  	[tilespmem:$0x8200] =	vst v1  }
0xc6: {  	[tilespmem:$0x8280] =	vst v1  }
0xc7: {  	[tilespmem:$0x8300] =	vst v1  }
0xc8: {  	[tilespmem:$0x8380] =	vst v1  }
0xc9: {  	[tilespmem:$0x8400] =	vst v1  }
0xca: {  	[tilespmem:$0x8480] =	vst v1  }
0xcb: {  	[tilespmem:$0x8500] =	vst v1  }
0xcc: {  	[tilespmem:$0x8580] =	vst v1  }
0xcd: {  	[tilespmem:$0x8600] =	vst v1  }
0xce: {  	[tilespmem:$0x8680] =	vst v1  }
0xcf: {  	[tilespmem:$0x8700] =	vst v1  }
0xd0: {  	[tilespmem:$0x8780] =	vst v1  }
0xd1: {  	[tilespmem:$0x8800] =	vst v1  }
0xd2: {  	[tilespmem:$0x8880] =	vst v1  }
0xd3: {  	[spmem:s5] =	stream.linear.scatter [tilespmem:s20], [sflag:$0x5], $0x2000, $0x38;
	[tilespmem:$0x8900] =	vst v63  }
0xd4: {  	_ =	swait.ge [sflag:s21], $0x2000  }
0xd5: {  	[sflag:s21] =	ssyncset.done $0x0  }
0xd6: {  	s0 =	rddreg [dreg:$0x3];
	[sflag:s21] =	ssyncadd.s32 $0xFFFFE000  }
0xd7: {  	[spmem:s0] =	stream.linear.scatter [tilespmem:s20], [sflag:$0x5], $0x2000, $0x38;
	[tilespmem:$0x8900] =	vst v63  }
0xd8: {  	_ =	swait.ge [sflag:s21], $0x2000  }
0xd9: {  	[sflag:s21] =	ssyncset.done $0x0  }
0xda: {  	s8 =	rddreg [dreg:$0x4];
	[sflag:s21] =	ssyncadd.s32 $0xFFFFE000  }
0xdb: {  	[spmem:s8] =	stream.linear.scatter [tilespmem:s20], [sflag:$0x5], $0x2000, $0x38;
	[tilespmem:$0x8900] =	vst v63  }
0xdc: {  	_ =	swait.ge [sflag:s21], $0x2000  }
0xdd: {  	[sflag:s21] =	ssyncset.done $0x0  }
0xde: {  	s1 =	rddreg [dreg:$0x5];
	[sflag:s21] =	ssyncadd.s32 $0xFFFFE000  }
0xdf: {  	[spmem:s1] =	stream.linear.scatter [tilespmem:s20], [sflag:$0x5], $0x2000, $0x38;
	[tilespmem:$0x8900] =	vst v63  }
0xe0: {  	_ =	swait.ge [sflag:s21], $0x2000  }
0xe1: {  	[sflag:s21] =	ssyncset.done $0x0  }
0xe2: {  	[sflag:s21] =	ssyncadd.s32 $0xFFFFE000  }
0xe3: {  	[spmem:s9] =	stream.linear.scatter [tilespmem:s20], [sflag:$0x5], $0x2000, $0x38;
	[tilespmem:$0x8900] =	vst v63  }
0xe4: {  	_ =	swait.ge [sflag:s21], $0x2000  }
0xe5: {  	[sflag:s21] =	ssyncset.done $0x0  }
0xe6: {  	[sflag:s21] =	ssyncadd.s32 $0xFFFFE000  }
0xe7: {  	[spmem:s10] =	stream.linear.scatter [tilespmem:s20], [sflag:$0x5], $0x2000, $0x38;
	[tilespmem:$0x8900] =	vst v63  }
0xe8: {  	_ =	swait.ge [sflag:s21], $0x2000  }
0xe9: {  	[sflag:s21] =	ssyncset.done $0x0  }
0xea: {  	[sflag:s21] =	ssyncadd.s32 $0xFFFFE000  }
0xeb: {  	[spmem:s11] =	stream.linear.scatter [tilespmem:s20], [sflag:$0x5], $0x2000, $0x38;
	[tilespmem:$0x8900] =	vst v63  }
0xec: {  	_ =	swait.ge [sflag:s21], $0x2000  }
0xed: {  	[sflag:s21] =	ssyncset.done $0x0  }
0xee: {  	[sflag:s21] =	ssyncadd.s32 $0xFFFFE000  }
0xef: {  	[spmem:s13] =	stream.linear.scatter [tilespmem:s20], [sflag:$0x5], $0x2000, $0x38;
	[tilespmem:$0x8900] =	vst v63  }
0xf0: {  	_ =	swait.ge [sflag:s21], $0x2000  }
0xf1: {  	[sflag:s21] =	ssyncset.done $0x0  }
0xf2: {  	[sflag:s21] =	ssyncadd.s32 $0xFFFFE000  }
0xf3: {  	[spmem:s14] =	stream.linear.scatter [tilespmem:s20], [sflag:$0x5], $0x2000, $0x38;
	[tilespmem:$0x8900] =	vst v63  }
0xf4: {  	_ =	swait.ge [sflag:s21], $0x2000  }
0xf5: {  	[sflag:s21] =	ssyncset.done $0x0  }
0xf6: {  	[sflag:s21] =	ssyncadd.s32 $0xFFFFE000  }
0xf7: {  	[spmem:s15] =	stream.linear.scatter [tilespmem:s20], [sflag:$0x5], $0x2000, $0x38;
	[tilespmem:$0x8900] =	vst v63  }
0xf8: {  	_ =	swait.ge [sflag:s21], $0x2000  }
0xf9: {  	[sflag:s21] =	ssyncset.done $0x0  }
0xfa: {  	[sflag:s21] =	ssyncadd.s32 $0xFFFFE000  }
0xfb: {  	[bflag:$0x0] =	sbarrier.arrive $0xFFFF  }
0xfc: {  	[tilespmem:s22], [sflag:$0x1] =	stream.linear.gather [hbm4b:s16+s3], $0x80, $0x38;
	[tilespmem:$0x8900] =	vst v63  }
0xfd: {  	_ = 	snop  }
0xfe: {  	[tilespmem:s23], [sflag:$0x2] =	stream.linear.gather [hbm4b:s17+s3], $0x80, $0x38;
	[tilespmem:$0x8900] =	vst v63  }
0xff: {  	_ =	swait.ge [sflag:s24], $0x80  }
0x100: {  	[sflag:s24] =	ssyncset.done $0x0  }
0x101: {  	[sflag:s24] =	ssyncadd.s32 $0xFFFFFF80  }
0x102: {  	[spmem:s2] =	stream.indirect.scatter.add.f32 [tilespmem:s26], [sflag:$0x3], $0x10, s22, s25, $0xb8;
	[tilespmem:$0x8900] =	vst v63  }
0x103: {  	s6 =	simm.s32 $0x100;
	_ =	swait.ge [sflag:s28], $0x80  }
0x104: {  	s1 =	sand.u32 $0x7C00, s6;
	[sflag:s28] =	ssyncset.done $0x0  }
0x105: {  	s0 =	sand.u32 $0x300, s6;
	s1 =	sadd.s32 s12, s1;
	[sflag:s28] =	ssyncadd.s32 $0xFFFFFF80  }
0x106: {  	[spmem:s2] =	stream.indirect.scatter.add.f32 [tilespmem:s26], [sflag:$0x4], $0x10, s23, s25, $0xb8;
	[tilespmem:$0x8900] =	vst v63  }
0x107: {  	s0 =	sor.u32 s0, s1;
	_ =	swait.ge [sflag:s29], $0x800  }
0x108: {  	s7 =	simm.s32 $0x180;
	s0 =	sshrl.u32 s0, $0x3;
	[sflag:s29] =	ssyncset.done $0x0  }
0x109: {  	s8 =	sand.u32 $0x7C00, s7;
	s0 =	sadd.s32 s4, s0;
	[sflag:s29] =	ssyncadd.s32 $0xFFFFF800  }
0x10a: {  	[tilespmem:s22], [sflag:$0x1] =	stream.linear.gather [hbm4b:s0+s3], $0x80, $0x38;
	[tilespmem:$0x8900] =	vst v63  }
0x10b: {  	s1 =	sand.u32 $0x380, s7;
	s0 =	sadd.s32 s12, s8  }
0x10c: {  	_ =	swait.ge [sflag:s30], $0x800;
	s1 =	sor.u32 s1, s0  }
0x10d: {  	s0 =	simm.s32 $0x280;
	[sflag:s30] =	ssyncset.done $0x0;
	s1 =	sshrl.u32 s1, $0x3  }
.LBB2_2:
0x10e: {  	p0 =	sne.s32 s0, $0x2780;
	[sflag:s30] =	ssyncadd.s32 $0xFFFFF800;
	s1 =	sadd.s32 s4, s1  }
0x10f: {  	[tilespmem:s23], [sflag:$0x2] =	stream.linear.gather [hbm4b:s1+s3], $0x80, $0x38;
	[tilespmem:$0x8900] =	vst v63  }
0x110: {  	s1 =	smov.u32 s0;
	s0 =	sadd.s32 $0x100, s0;
	_ =	swait.ge [sflag:s24], $0x80  }
0x111: {  	[sflag:s24] =	ssyncset.done $0x0  }
0x112: {  	[sflag:s24] =	ssyncadd.s32 $0xFFFFFF80  }
0x113: {  	[spmem:s2] =	stream.indirect.scatter.add.f32 [tilespmem:s26], [sflag:$0x3], $0x10, s22, s25, $0xb8;
	[tilespmem:$0x8900] =	vst v63  }
0x114: {  	s6 =	sadd.s32 $0xFFFFFF80, s1;
	_ =	swait.ge [sflag:s28], $0x80  }
0x115: {  	s7 =	sand.u32 $0x7C00, s6;
	s6 =	sand.u32 $0x300, s6;
	[sflag:s28] =	ssyncset.done $0x0  }
0x116: {  	s8 =	sand.u32 $0x380, s1;
	s7 =	sadd.s32 s12, s7;
	[sflag:s28] =	ssyncadd.s32 $0xFFFFFF80  }
0x117: {  	[spmem:s2] =	stream.indirect.scatter.add.f32 [tilespmem:s26], [sflag:$0x4], $0x10, s23, s25, $0xb8;
	[tilespmem:$0x8900] =	vst v63  }
0x118: {  	s1 =	sand.u32 $0x7C00, s1;
	s6 =	sor.u32 s6, s7;
	_ =	swait.ge [sflag:s29], $0x800  }
.Ltmp0:
0x119: {  	s6 =	sshrl.u32 s6, $0x3;
	[sflag:s29] =	ssyncset.done $0x0;
	(pc) =	sbr.rel @p0 .LBB2_2-.Ltmp0, $4  }
0x11a: {  	s1 =	sadd.s32 s12, s1;
	s6 =	sadd.s32 s4, s6;
	[sflag:s29] =	ssyncadd.s32 $0xFFFFF800  }
0x11b: {  	[tilespmem:s22], [sflag:$0x1] =	stream.linear.gather [hbm4b:s6+s3], $0x80, $0x38;
	[tilespmem:$0x8900] =	vst v63  }
0x11c: {  	s1 =	sor.u32 s8, s1;
	_ =	swait.ge [sflag:s30], $0x800  }
0x11d: {  	s1 =	sshrl.u32 s1, $0x3;
	[sflag:s30] =	ssyncset.done $0x0  }
0x11e: {  	[sflag:s30] =	ssyncadd.s32 $0xFFFFF800;
	s0 =	sadd.s32 s4, s1  }
0x11f: {  	[tilespmem:s23], [sflag:$0x2] =	stream.linear.gather [hbm4b:s0+s3], $0x80, $0x38;
	[tilespmem:$0x8900] =	vst v63  }
0x120: {  	_ =	swait.ge [sflag:s24], $0x80  }
0x121: {  	[sflag:s24] =	ssyncset.done $0x0  }
0x122: {  	[sflag:s24] =	ssyncadd.s32 $0xFFFFFF80  }
0x123: {  	[spmem:s2] =	stream.indirect.scatter.add.f32 [tilespmem:s26], [sflag:$0x3], $0x10, s22, s25, $0xb8;
	[tilespmem:$0x8900] =	vst v63  }
0x124: {  	_ =	swait.ge [sflag:s28], $0x80  }
0x125: {  	[sflag:s28] =	ssyncset.done $0x0  }
0x126: {  	[sflag:s28] =	ssyncadd.s32 $0xFFFFFF80  }
0x127: {  	[spmem:s2] =	stream.indirect.scatter.add.f32 [tilespmem:s26], [sflag:$0x4], $0x10, s23, s25, $0xb8;
	[tilespmem:$0x8900] =	vst v63  }
0x128: {  	_ =	swait.ge [sflag:s29], $0x800  }
0x129: {  	[sflag:s29] =	ssyncset.done $0x0  }
0x12a: {  	[sflag:s29] =	ssyncadd.s32 $0xFFFFF800  }
0x12b: {  	s7 =	stileid.u32;
	_ =	swait.ge [sflag:s30], $0x800  }
0x12c: {  	s8 =	sshrl.u32 s5, $0x3;
	s31 =	sadd.s32 $0x1, s31;
	[sflag:s30] =	ssyncset.done $0x0  }
0x12d: {  	s0 =	sshll.u32 s7, $0x6;
	p0 =	sne.s32 s31, s18;
	[sflag:s30] =	ssyncadd.s32 $0xFFFFF800  }
.Ltmp1:
0x12e: {  	s0 =	sor.u32 $0x1C05, s0;
	[bflag:$0x0] =	sbarrier.arrive $0xFFFF;
	(pc) =	sbr.rel @p0 .LBB2_1-.Ltmp1, $4  }
0x12f: {  	[hbm:s19], [sflag:s0] =	dma.local [spmem:s8], $0x2800  }
0x130: {  	_ =	swait.ge [sflag:s21], $0x2800  }
0x131: {  	[sflag:s21] =	ssyncset.done $0x0  }
0x132: {  	[sflag:s21] =	ssyncadd.s32 $0xFFFFD800  }
0x133: {  	_ =	sfence.sel $0x180000  }
0x134: {  	[bflag:$0x0] =	sbarrier.arrive $0xFFFF  }
0x135: {  	_ =	strace $0x90000047  }
0x136: {  	s0 =	stileid.u32;
	[bflag:$0x2] =	sbarrier.arrive $0xFFFF  }
0x137: {  	p0 =	sne.s32 s0, $0x0;
	s0 =	rddreg [dreg:$0x2]  }
0x138: {  	s0 =	sadd.s32 @!p0 $0x100000, s0  }
0x139: {  	[sflag:s0] =	ssyncadd.tile.s32 @!p0 $0x1;
	_ =	shalt  }
.Lfunc_end2:
_tile_overlayer_lowered:
.L_overlay_start_2:
0x13a: {  	(tag) =	ssettag $0x2  }
0x13b: {  	s0 =	rddreg [dreg:$0x0];
	s2 =	stileid.u32  }
0x13c: {  	s1 =	rddreg [dreg:$0x1];
	p0 =	sne.s32 s2, $0x0  }
0x13d: {  	s3 =	rddreg [dreg:$0x2];
	[bflag:$0x3] =	sbarrier.arrive $0xFFFF;
	s2 =	simm.s32 @!p0 $0x1C05  }
0x13e: {  	[timem:s3], [sflag:s2] =	dma.local @!p0 [hbm:s0], s1  }
0x13f: {  	s0 =	simm.s32 @!p0 $0x5  }
0x140: {  	_ =	swait.ge @!p0 [sflag:s0], s1  }
0x141: {  	s1 =	ssub.s32 @!p0 $0x0, s1;
	[sflag:s0] =	ssyncset.done @!p0 $0x0  }
0x142: {  	[sflag:s0] =	ssyncadd.s32 @!p0 s1  }
0x143: {  	[bflag:$0x3] =	sbarrier.arrive $0xFFFF  }
0x144: {  	_ =	shalt  }

</sc_bundles>
